<compile_context>
chip_gen: v7x
topology: tpu7x:2x2x1
jax: 0.10.2.dev20260603
libtpu: 0.0.44.dev20260713+nightly
codegen_flags: <defaults>
</compile_context>

<pallas_src>
import functools

import jax
import jax.numpy as jnp
from jax import lax
from jax.experimental import pallas as pl
from jax.experimental.pallas import tpu as pltpu
from jax.experimental.pallas import tpu_sc as plsc

BATCH = 16384
NROWS = 1000001
DIM = 32
ROWPAD = 1000064

NCOLS = 7813
MAIN_COLS = 7808
CHUNK = 4
LAST_W = NROWS - (NCOLS - 1) * 128


@functools.lru_cache(maxsize=None)
def _build():
    info = plsc.get_sparse_core_info()
    nw = info.num_cores * info.num_subcores
    bpw = BATCH // nw
    cpw = MAIN_COLS // nw
    nchunks = cpw // CHUNK
    mesh = plsc.VectorSubcoreMesh(core_axis_name="c", subcore_axis_name="s")

    @functools.partial(
        pl.kernel,
        mesh=mesh,
        out_type=jax.ShapeDtypeStruct((DIM * ROWPAD,), jnp.float32),
        scratch_types=[
            pltpu.VMEM((3, DIM, CHUNK * 128), jnp.float32),
            pltpu.SemaphoreType.DMA,
            pltpu.SemaphoreType.DMA,
        ],
    )
    def _detile(wt_hbm, wtail_hbm, lin_hbm, buf, sem_r, sem_w):
        wid = lax.axis_index("s") * info.num_cores + lax.axis_index("c")
        col0 = wid * cpw

        def chunk_src(k):
            return wt_hbm.at[:, pl.ds((col0 + k * CHUNK) * 128, CHUNK * 128)]

        pltpu.async_copy(chunk_src(0), buf.at[0], sem_r)
        pltpu.async_copy(chunk_src(1), buf.at[1], sem_r)
        pltpu.async_copy(chunk_src(2), buf.at[2], sem_r)

        def body(k, carry):
            s = lax.rem(k, 3)
            pltpu.make_async_copy(chunk_src(0), buf.at[s], sem_r).wait()
            base = (col0 + k * CHUNK) * 128
            for j in range(DIM):
                pltpu.async_copy(
                    buf.at[s, j],
                    lin_hbm.at[pl.ds(j * ROWPAD + base, CHUNK * 128)],
                    sem_w,
                )

            @pl.when(k + 3 < nchunks)
            def _refill():
                pltpu.make_async_copy(chunk_src(0), buf.at[s], sem_w).wait()
                pltpu.async_copy(chunk_src(k + 3), buf.at[s], sem_r)

            return carry

        lax.fori_loop(0, nchunks, body, 0)
        pltpu.make_async_copy(chunk_src(0), buf.at[0], sem_w).wait()
        pltpu.make_async_copy(chunk_src(0), buf.at[1], sem_w).wait()
        pltpu.make_async_copy(chunk_src(0), buf.at[2], sem_w).wait()

        @pl.when(wid < 4)
        def _():
            t = MAIN_COLS + wid
            pltpu.sync_copy(
                wt_hbm.at[:, pl.ds(t * 128, 128)], buf.at[0, :, pl.ds(0, 128)]
            )
            for j in range(DIM):
                pltpu.async_copy(
                    buf.at[0, j, pl.ds(0, 128)],
                    lin_hbm.at[pl.ds(j * ROWPAD + t * 128, 128)],
                    sem_w,
                )
            pltpu.make_async_copy(
                wt_hbm.at[:, pl.ds(0, 128)], buf.at[0, :, pl.ds(0, 128)], sem_w
            ).wait()

        @pl.when(wid == 4)
        def _():
            t = NCOLS - 1
            pltpu.sync_copy(wtail_hbm, buf.at[0, :, pl.ds(0, 128)])
            for j in range(DIM):
                pltpu.async_copy(
                    buf.at[0, j, pl.ds(0, 128)],
                    lin_hbm.at[pl.ds(j * ROWPAD + t * 128, 128)],
                    sem_w,
                )
            pltpu.make_async_copy(
                wt_hbm.at[:, pl.ds(0, 128)], buf.at[0, :, pl.ds(0, 128)], sem_w
            ).wait()

    @functools.partial(
        pl.kernel,
        mesh=mesh,
        out_type=jax.ShapeDtypeStruct((DIM, BATCH), jnp.float32),
        scratch_types=[
            pltpu.VMEM((bpw,), jnp.int32),
            pltpu.VMEM((DIM, bpw), jnp.int32),
            pltpu.VMEM((DIM, bpw), jnp.float32),
            pltpu.SemaphoreType.DMA,
        ],
        compiler_params=pltpu.CompilerParams(use_tc_tiling_on_sc=False),
    )
    def _gather(idx_hbm, lin_hbm, out_hbm, idx_v, off_v, block_v, sem):
        wid = lax.axis_index("s") * info.num_cores + lax.axis_index("c")
        base = wid * bpw
        pltpu.sync_copy(idx_hbm.at[pl.ds(base, bpw)], idx_v)

        def body(j, _):
            for v in range(bpw // 16):
                sl = pl.ds(v * 16, 16)
                off_v[j, sl] = idx_v[sl] + j * ROWPAD
            pltpu.async_copy(lin_hbm.at[off_v.at[j]], block_v.at[j], sem)
            return _

        lax.fori_loop(0, DIM, body, 0)

        def drain(j, _):
            pltpu.make_async_copy(
                lin_hbm.at[off_v.at[j]], block_v.at[j], sem
            ).wait()
            return _

        lax.fori_loop(0, DIM, drain, 0)
        pltpu.sync_copy(block_v, out_hbm.at[:, pl.ds(base, bpw)])

    return _detile, _gather


def kernel(indices, emb_weight):
    detile, gather = _build()
    wtail = jnp.pad(emb_weight[(NCOLS - 1) * 128 :].T, ((0, 0), (0, 128 - LAST_W)))
    lin = detile(emb_weight.T, wtail)
    out_t = gather(indices.astype(jnp.int32), lin)
    return out_t.T

# --- scband reference (transcript-rebuilt; emitter-appended) ---
"""Pipeline reference for scband-dummy-item-tower-32083405701509 (READ-ONLY COPY).

The authoritative reference and input builder live on the scoring server;
editing this copy changes nothing except your own understanding.
"""

import jax, jax.numpy as jnp
import numpy as np

NUM_ITEMS = 1000000
DIM = 32
BATCH = 16384

def setup_inputs(seed: int = 0) -> dict:
    key = jax.random.key(seed)
    k_idx, k_emb = jax.random.split(key)
    indices = jax.random.randint(k_idx, (BATCH,), 0, NUM_ITEMS, dtype=jnp.int64 if jax.config.read('jax_enable_x64') else jnp.int32)
    emb_weight = jax.random.normal(k_emb, (NUM_ITEMS + 1, DIM), dtype=jnp.float32)
    return {"indices": indices, "emb_weight": emb_weight}

def reference(indices, emb_weight):
    # DummyItemTower embedding lookup: emb(indices)
    return jnp.take(emb_weight, indices, axis=0)

if __name__ == "__main__":
    import jax
    _d = setup_inputs()
    print(jax.jit(kernel)(*tuple(_d.values())))

</pallas_src>

<mosaic_0001>
#map = affine_map<(d0, d1) -> (0, 0)>
#map1 = affine_map<(d0, d1) -> (0)>
module attributes {stable_mosaic.version = 14 : i64} {
  func.func @_detile(%arg0: i32, %arg1: i32, %arg2: memref<32x1000001xf32, #tpu.memory_space<hbm>>, %arg3: memref<32x128xf32, #tpu.memory_space<hbm>>, %arg4: memref<32002048xf32, #tpu.memory_space<hbm>>, %arg5: memref<3x32x512xf32, #tpu.memory_space<vmem>>, %arg6: memref<!tpu.dma_semaphore, #tpu.memory_space<semaphore_mem>>, %arg7: memref<!tpu.dma_semaphore, #tpu.memory_space<semaphore_mem>>) attributes {dimension_semantics = [#tpu.dimension_semantics<core_parallel>, #tpu.dimension_semantics<subcore_parallel>], iteration_bounds = array<i64: 2, 16>, scalar_prefetch = 0 : i64, scratch_operands = 3 : i64, tpu.core_type = #tpu.core_type<sc_vector_subcore>, window_params = [{transform_indices = #map}, {transform_indices = #map}, {transform_indices = #map1}]} {
    %mul3A = arith.constant 2 : i32
    %mul3A_0 = arith.muli %arg1, %mul3A : i32
    %add3A = arith.addi %mul3A_0, %arg0 : i32
    %mul3A_1 = arith.constant 244 : i32
    %mul3A_2 = arith.muli %add3A, %mul3A_1 : i32
    %add3A_3 = arith.constant 0 : i32
    %add3A_4 = arith.addi %mul3A_2, %add3A_3 : i32
    %mul3A_5 = arith.constant 128 : i32
    %mul3A_6 = arith.muli %add3A_4, %mul3A_5 : i32
    %dma_start3A = arith.constant 0 : i32
    %dma_start3A_7 = arith.constant 0 : i32
    %dma_start3A_8 = arith.constant 0 : i32
    %dma_start3A_9 = tpu.memref_slice %arg5[%dma_start3A, %dma_start3A_7, %dma_start3A_8] : memref<3x32x512xf32, #tpu.memory_space<vmem>> -> memref<1x32x512xf32, #tpu.memory_space<vmem>>
    %dma_start3A_10 = tpu.memref_squeeze %dma_start3A_9 : memref<1x32x512xf32, #tpu.memory_space<vmem>> -> memref<32x512xf32, #tpu.memory_space<vmem>>
    %dma_start3A_11 = arith.constant 0 : i32
    %dma_start3A_12 = tpu.memref_slice %arg2[%dma_start3A_11, %mul3A_6] : memref<32x1000001xf32, #tpu.memory_space<hbm>> -> memref<32x512xf32, #tpu.memory_space<hbm>>
    %dma_start3A_13 = arith.constant 0 : i32
    %dma_start3A_14 = arith.constant 0 : i32
    %dma_start3A_15 = tpu.memref_slice %arg5[%dma_start3A, %dma_start3A_13, %dma_start3A_14] : memref<3x32x512xf32, #tpu.memory_space<vmem>> -> memref<1x32x512xf32, #tpu.memory_space<vmem>>
    %dma_start3A_16 = tpu.memref_squeeze %dma_start3A_15 : memref<1x32x512xf32, #tpu.memory_space<vmem>> -> memref<32x512xf32, #tpu.memory_space<vmem>>
    %dma_start3A_17 = arith.constant 0 : i32
    %dma_start3A_18 = tpu.memref_slice %arg2[%dma_start3A_17, %mul3A_6] : memref<32x1000001xf32, #tpu.memory_space<hbm>> -> memref<32x512xf32, #tpu.memory_space<hbm>>
    tpu.enqueue_dma source(%dma_start3A_18 : memref<32x512xf32, #tpu.memory_space<hbm>>) target(%dma_start3A_16 : memref<32x512xf32, #tpu.memory_space<vmem>>) target_semaphore(%arg6 : memref<!tpu.dma_semaphore, #tpu.memory_space<semaphore_mem>>)
    %add3A_19 = arith.constant 4 : i32
    %add3A_20 = arith.addi %mul3A_2, %add3A_19 : i32
    %mul3A_21 = arith.constant 128 : i32
    %mul3A_22 = arith.muli %add3A_20, %mul3A_21 : i32
    %dma_start3A_23 = arith.constant 1 : i32
    %dma_start3A_24 = arith.constant 0 : i32
    %dma_start3A_25 = arith.constant 0 : i32
    %dma_start3A_26 = tpu.memref_slice %arg5[%dma_start3A_23, %dma_start3A_24, %dma_start3A_25] : memref<3x32x512xf32, #tpu.memory_space<vmem>> -> memref<1x32x512xf32, #tpu.memory_space<vmem>>
    %dma_start3A_27 = tpu.memref_squeeze %dma_start3A_26 : memref<1x32x512xf32, #tpu.memory_space<vmem>> -> memref<32x512xf32, #tpu.memory_space<vmem>>
    %dma_start3A_28 = arith.constant 0 : i32
    %dma_start3A_29 = tpu.memref_slice %arg2[%dma_start3A_28, %mul3A_22] : memref<32x1000001xf32, #tpu.memory_space<hbm>> -> memref<32x512xf32, #tpu.memory_space<hbm>>
    %dma_start3A_30 = arith.constant 0 : i32
    %dma_start3A_31 = arith.constant 0 : i32
    %dma_start3A_32 = tpu.memref_slice %arg5[%dma_start3A_23, %dma_start3A_30, %dma_start3A_31] : memref<3x32x512xf32, #tpu.memory_space<vmem>> -> memref<1x32x512xf32, #tpu.memory_space<vmem>>
    %dma_start3A_33 = tpu.memref_squeeze %dma_start3A_32 : memref<1x32x512xf32, #tpu.memory_space<vmem>> -> memref<32x512xf32, #tpu.memory_space<vmem>>
    %dma_start3A_34 = arith.constant 0 : i32
    %dma_start3A_35 = tpu.memref_slice %arg2[%dma_start3A_34, %mul3A_22] : memref<32x1000001xf32, #tpu.memory_space<hbm>> -> memref<32x512xf32, #tpu.memory_space<hbm>>
    tpu.enqueue_dma source(%dma_start3A_35 : memref<32x512xf32, #tpu.memory_space<hbm>>) target(%dma_start3A_33 : memref<32x512xf32, #tpu.memory_space<vmem>>) target_semaphore(%arg6 : memref<!tpu.dma_semaphore, #tpu.memory_space<semaphore_mem>>)
    %add3A_36 = arith.constant 8 : i32
    %add3A_37 = arith.addi %mul3A_2, %add3A_36 : i32
    %mul3A_38 = arith.constant 128 : i32
    %mul3A_39 = arith.muli %add3A_37, %mul3A_38 : i32
    %dma_start3A_40 = arith.constant 2 : i32
    %dma_start3A_41 = arith.constant 0 : i32
    %dma_start3A_42 = arith.constant 0 : i32
    %dma_start3A_43 = tpu.memref_slice %arg5[%dma_start3A_40, %dma_start3A_41, %dma_start3A_42] : memref<3x32x512xf32, #tpu.memory_space<vmem>> -> memref<1x32x512xf32, #tpu.memory_space<vmem>>
    %dma_start3A_44 = tpu.memref_squeeze %dma_start3A_43 : memref<1x32x512xf32, #tpu.memory_space<vmem>> -> memref<32x512xf32, #tpu.memory_space<vmem>>
    %dma_start3A_45 = arith.constant 0 : i32
    %dma_start3A_46 = tpu.memref_slice %arg2[%dma_start3A_45, %mul3A_39] : memref<32x1000001xf32, #tpu.memory_space<hbm>> -> memref<32x512xf32, #tpu.memory_space<hbm>>
    %dma_start3A_47 = arith.constant 0 : i32
    %dma_start3A_48 = arith.constant 0 : i32
    %dma_start3A_49 = tpu.memref_slice %arg5[%dma_start3A_40, %dma_start3A_47, %dma_start3A_48] : memref<3x32x512xf32, #tpu.memory_space<vmem>> -> memref<1x32x512xf32, #tpu.memory_space<vmem>>
    %dma_start3A_50 = tpu.memref_squeeze %dma_start3A_49 : memref<1x32x512xf32, #tpu.memory_space<vmem>> -> memref<32x512xf32, #tpu.memory_space<vmem>>
    %dma_start3A_51 = arith.constant 0 : i32
    %dma_start3A_52 = tpu.memref_slice %arg2[%dma_start3A_51, %mul3A_39] : memref<32x1000001xf32, #tpu.memory_space<hbm>> -> memref<32x512xf32, #tpu.memory_space<hbm>>
    tpu.enqueue_dma source(%dma_start3A_52 : memref<32x512xf32, #tpu.memory_space<hbm>>) target(%dma_start3A_50 : memref<32x512xf32, #tpu.memory_space<vmem>>) target_semaphore(%arg6 : memref<!tpu.dma_semaphore, #tpu.memory_space<semaphore_mem>>)
    %scan3A = arith.constant 0 : i32
    %scan3A_53 = arith.constant 0 : i32
    %scan3A_54 = arith.constant 61 : i32
    %scan3A_55 = arith.addi %scan3A_53, %scan3A_54 : i32
    %scan3A_56 = arith.constant 1 : i32
    scf.for %scan3A_114 = %scan3A_53 to %scan3A_55 step %scan3A_56  : i32 {
      %rem3A = arith.constant 3 : i32
      %rem3A_115 = arith.remsi %scan3A_114, %rem3A : i32
      %add3A_116 = arith.constant 0 : i32
      %add3A_117 = arith.addi %mul3A_2, %add3A_116 : i32
      %mul3A_118 = arith.constant 128 : i32
      %mul3A_119 = arith.muli %add3A_117, %mul3A_118 : i32
      %dma_wait3A_120 = arith.constant 0 : i32
      %dma_wait3A_121 = arith.constant 0 : i32
      %dma_wait3A_122 = tpu.memref_slice %arg5[%rem3A_115, %dma_wait3A_120, %dma_wait3A_121] : memref<3x32x512xf32, #tpu.memory_space<vmem>> -> memref<1x32x512xf32, #tpu.memory_space<vmem>>
      %dma_wait3A_123 = tpu.memref_squeeze %dma_wait3A_122 : memref<1x32x512xf32, #tpu.memory_space<vmem>> -> memref<32x512xf32, #tpu.memory_space<vmem>>
      %dma_wait3A_124 = arith.constant 0 : i32
      %dma_wait3A_125 = tpu.memref_slice %arg2[%dma_wait3A_124, %mul3A_119] : memref<32x1000001xf32, #tpu.memory_space<hbm>> -> memref<32x512xf32, #tpu.memory_space<hbm>>
      %dma_wait3A_126 = arith.constant 0 : i32
      %dma_wait3A_127 = arith.constant 0 : i32
      %dma_wait3A_128 = tpu.memref_slice %arg5[%rem3A_115, %dma_wait3A_126, %dma_wait3A_127] : memref<3x32x512xf32, #tpu.memory_space<vmem>> -> memref<1x32x512xf32, #tpu.memory_space<vmem>>
      %dma_wait3A_129 = tpu.memref_squeeze %dma_wait3A_128 : memref<1x32x512xf32, #tpu.memory_space<vmem>> -> memref<32x512xf32, #tpu.memory_space<vmem>>
      %dma_wait3A_130 = arith.constant 0 : i32
      %dma_wait3A_131 = tpu.memref_slice %arg2[%dma_wait3A_130, %mul3A_119] : memref<32x1000001xf32, #tpu.memory_space<hbm>> -> memref<32x512xf32, #tpu.memory_space<hbm>>
      tpu.wait_dma2 semaphore(%arg6 : memref<!tpu.dma_semaphore, #tpu.memory_space<semaphore_mem>>) src(%dma_wait3A_131 : memref<32x512xf32, #tpu.memory_space<hbm>>) dst(%dma_wait3A_129 : memref<32x512xf32, #tpu.memory_space<vmem>>)
      %mul3A_132 = arith.constant 4 : i32
      %mul3A_133 = arith.muli %scan3A_114, %mul3A_132 : i32
      %add3A_134 = arith.addi %mul3A_2, %mul3A_133 : i32
      %mul3A_135 = arith.constant 128 : i32
      %mul3A_136 = arith.muli %add3A_134, %mul3A_135 : i32
      %add3A_137 = arith.constant 0 : i32
      %add3A_138 = arith.addi %add3A_137, %mul3A_136 : i32
      %dma_start3A_139 = arith.constant 0 : i32
      %dma_start3A_140 = arith.constant 0 : i32
      %dma_start3A_141 = tpu.memref_slice %arg5[%rem3A_115, %dma_start3A_139, %dma_start3A_140] : memref<3x32x512xf32, #tpu.memory_space<vmem>> -> memref<1x1x512xf32, #tpu.memory_space<vmem>>
      %dma_start3A_142 = tpu.memref_squeeze %dma_start3A_141 : memref<1x1x512xf32, #tpu.memory_space<vmem>> -> memref<512xf32, #tpu.memory_space<vmem>>
      %dma_start3A_143 = tpu.memref_slice %arg4[%add3A_138] : memref<32002048xf32, #tpu.memory_space<hbm>> -> memref<512xf32, #tpu.memory_space<hbm>>
      %dma_start3A_144 = tpu.memref_slice %arg4[%add3A_138] : memref<32002048xf32, #tpu.memory_space<hbm>> -> memref<512xf32, #tpu.memory_space<hbm>>
      %dma_start3A_145 = arith.constant 0 : i32
      %dma_start3A_146 = tpu.memref_slice %arg5[%rem3A_115, %dma_start3A_139, %dma_start3A_145] : memref<3x32x512xf32, #tpu.memory_space<vmem>> -> memref<1x1x512xf32, #tpu.memory_space<vmem>>
      %dma_start3A_147 = tpu.memref_squeeze %dma_start3A_146 : memref<1x1x512xf32, #tpu.memory_space<vmem>> -> memref<512xf32, #tpu.memory_space<vmem>>
      tpu.enqueue_dma source(%dma_start3A_147 : memref<512xf32, #tpu.memory_space<vmem>>) target(%dma_start3A_144 : memref<512xf32, #tpu.memory_space<hbm>>) target_semaphore(%arg7 : memref<!tpu.dma_semaphore, #tpu.memory_space<semaphore_mem>>)
      %add3A_148 = arith.constant 1000064 : i32
      %add3A_149 = arith.addi %add3A_148, %mul3A_136 : i32
      %dma_start3A_150 = arith.constant 1 : i32
      %dma_start3A_151 = arith.constant 0 : i32
      %dma_start3A_152 = tpu.memref_slice %arg5[%rem3A_115, %dma_start3A_150, %dma_start3A_151] : memref<3x32x512xf32, #tpu.memory_space<vmem>> -> memref<1x1x512xf32, #tpu.memory_space<vmem>>
      %dma_start3A_153 = tpu.memref_squeeze %dma_start3A_152 : memref<1x1x512xf32, #tpu.memory_space<vmem>> -> memref<512xf32, #tpu.memory_space<vmem>>
      %dma_start3A_154 = tpu.memref_slice %arg4[%add3A_149] : memref<32002048xf32, #tpu.memory_space<hbm>> -> memref<512xf32, #tpu.memory_space<hbm>>
      %dma_start3A_155 = tpu.memref_slice %arg4[%add3A_149] : memref<32002048xf32, #tpu.memory_space<hbm>> -> memref<512xf32, #tpu.memory_space<hbm>>
      %dma_start3A_156 = arith.constant 0 : i32
      %dma_start3A_157 = tpu.memref_slice %arg5[%rem3A_115, %dma_start3A_150, %dma_start3A_156] : memref<3x32x512xf32, #tpu.memory_space<vmem>> -> memref<1x1x512xf32, #tpu.memory_space<vmem>>
      %dma_start3A_158 = tpu.memref_squeeze %dma_start3A_157 : memref<1x1x512xf32, #tpu.memory_space<vmem>> -> memref<512xf32, #tpu.memory_space<vmem>>
      tpu.enqueue_dma source(%dma_start3A_158 : memref<512xf32, #tpu.memory_space<vmem>>) target(%dma_start3A_155 : memref<512xf32, #tpu.memory_space<hbm>>) target_semaphore(%arg7 : memref<!tpu.dma_semaphore, #tpu.memory_space<semaphore_mem>>)
      %add3A_159 = arith.constant 2000128 : i32
      %add3A_160 = arith.addi %add3A_159, %mul3A_136 : i32
      %dma_start3A_161 = arith.constant 2 : i32
      %dma_start3A_162 = arith.constant 0 : i32
      %dma_start3A_163 = tpu.memref_slice %arg5[%rem3A_115, %dma_start3A_161, %dma_start3A_162] : memref<3x32x512xf32, #tpu.memory_space<vmem>> -> memref<1x1x512xf32, #tpu.memory_space<vmem>>
      %dma_start3A_164 = tpu.memref_squeeze %dma_start3A_163 : memref<1x1x512xf32, #tpu.memory_space<vmem>> -> memref<512xf32, #tpu.memory_space<vmem>>
      %dma_start3A_165 = tpu.memref_slice %arg4[%add3A_160] : memref<32002048xf32, #tpu.memory_space<hbm>> -> memref<512xf32, #tpu.memory_space<hbm>>
      %dma_start3A_166 = tpu.memref_slice %arg4[%add3A_160] : memref<32002048xf32, #tpu.memory_space<hbm>> -> memref<512xf32, #tpu.memory_space<hbm>>
      %dma_start3A_167 = arith.constant 0 : i32
      %dma_start3A_168 = tpu.memref_slice %arg5[%rem3A_115, %dma_start3A_161, %dma_start3A_167] : memref<3x32x512xf32, #tpu.memory_space<vmem>> -> memref<1x1x512xf32, #tpu.memory_space<vmem>>
      %dma_start3A_169 = tpu.memref_squeeze %dma_start3A_168 : memref<1x1x512xf32, #tpu.memory_space<vmem>> -> memref<512xf32, #tpu.memory_space<vmem>>
      tpu.enqueue_dma source(%dma_start3A_169 : memref<512xf32, #tpu.memory_space<vmem>>) target(%dma_start3A_166 : memref<512xf32, #tpu.memory_space<hbm>>) target_semaphore(%arg7 : memref<!tpu.dma_semaphore, #tpu.memory_space<semaphore_mem>>)
      %add3A_170 = arith.constant 3000192 : i32
      %add3A_171 = arith.addi %add3A_170, %mul3A_136 : i32
      %dma_start3A_172 = arith.constant 3 : i32
      %dma_start3A_173 = arith.constant 0 : i32
      %dma_start3A_174 = tpu.memref_slice %arg5[%rem3A_115, %dma_start3A_172, %dma_start3A_173] : memref<3x32x512xf32, #tpu.memory_space<vmem>> -> memref<1x1x512xf32, #tpu.memory_space<vmem>>
      %dma_start3A_175 = tpu.memref_squeeze %dma_start3A_174 : memref<1x1x512xf32, #tpu.memory_space<vmem>> -> memref<512xf32, #tpu.memory_space<vmem>>
      %dma_start3A_176 = tpu.memref_slice %arg4[%add3A_171] : memref<32002048xf32, #tpu.memory_space<hbm>> -> memref<512xf32, #tpu.memory_space<hbm>>
      %dma_start3A_177 = tpu.memref_slice %arg4[%add3A_171] : memref<32002048xf32, #tpu.memory_space<hbm>> -> memref<512xf32, #tpu.memory_space<hbm>>
      %dma_start3A_178 = arith.constant 0 : i32
      %dma_start3A_179 = tpu.memref_slice %arg5[%rem3A_115, %dma_start3A_172, %dma_start3A_178] : memref<3x32x512xf32, #tpu.memory_space<vmem>> -> memref<1x1x512xf32, #tpu.memory_space<vmem>>
      %dma_start3A_180 = tpu.memref_squeeze %dma_start3A_179 : memref<1x1x512xf32, #tpu.memory_space<vmem>> -> memref<512xf32, #tpu.memory_space<vmem>>
      tpu.enqueue_dma source(%dma_start3A_180 : memref<512xf32, #tpu.memory_space<vmem>>) target(%dma_start3A_177 : memref<512xf32, #tpu.memory_space<hbm>>) target_semaphore(%arg7 : memref<!tpu.dma_semaphore, #tpu.memory_space<semaphore_mem>>)
      %add3A_181 = arith.constant 4000256 : i32
      %add3A_182 = arith.addi %add3A_181, %mul3A_136 : i32
      %dma_start3A_183 = arith.constant 4 : i32
      %dma_start3A_184 = arith.constant 0 : i32
      %dma_start3A_185 = tpu.memref_slice %arg5[%rem3A_115, %dma_start3A_183, %dma_start3A_184] : memref<3x32x512xf32, #tpu.memory_space<vmem>> -> memref<1x1x512xf32, #tpu.memory_space<vmem>>
      %dma_start3A_186 = tpu.memref_squeeze %dma_start3A_185 : memref<1x1x512xf32, #tpu.memory_space<vmem>> -> memref<512xf32, #tpu.memory_space<vmem>>
      %dma_start3A_187 = tpu.memref_slice %arg4[%add3A_182] : memref<32002048xf32, #tpu.memory_space<hbm>> -> memref<512xf32, #tpu.memory_space<hbm>>
      %dma_start3A_188 = tpu.memref_slice %arg4[%add3A_182] : memref<32002048xf32, #tpu.memory_space<hbm>> -> memref<512xf32, #tpu.memory_space<hbm>>
      %dma_start3A_189 = arith.constant 0 : i32
      %dma_start3A_190 = tpu.memref_slice %arg5[%rem3A_115, %dma_start3A_183, %dma_start3A_189] : memref<3x32x512xf32, #tpu.memory_space<vmem>> -> memref<1x1x512xf32, #tpu.memory_space<vmem>>
      %dma_start3A_191 = tpu.memref_squeeze %dma_start3A_190 : memref<1x1x512xf32, #tpu.memory_space<vmem>> -> memref<512xf32, #tpu.memory_space<vmem>>
      tpu.enqueue_dma source(%dma_start3A_191 : memref<512xf32, #tpu.memory_space<vmem>>) target(%dma_start3A_188 : memref<512xf32, #tpu.memory_space<hbm>>) target_semaphore(%arg7 : memref<!tpu.dma_semaphore, #tpu.memory_space<semaphore_mem>>)
      %add3A_192 = arith.constant 5000320 : i32
      %add3A_193 = arith.addi %add3A_192, %mul3A_136 : i32
      %dma_start3A_194 = arith.constant 5 : i32
      %dma_start3A_195 = arith.constant 0 : i32
      %dma_start3A_196 = tpu.memref_slice %arg5[%rem3A_115, %dma_start3A_194, %dma_start3A_195] : memref<3x32x512xf32, #tpu.memory_space<vmem>> -> memref<1x1x512xf32, #tpu.memory_space<vmem>>
      %dma_start3A_197 = tpu.memref_squeeze %dma_start3A_196 : memref<1x1x512xf32, #tpu.memory_space<vmem>> -> memref<512xf32, #tpu.memory_space<vmem>>
      %dma_start3A_198 = tpu.memref_slice %arg4[%add3A_193] : memref<32002048xf32, #tpu.memory_space<hbm>> -> memref<512xf32, #tpu.memory_space<hbm>>
      %dma_start3A_199 = tpu.memref_slice %arg4[%add3A_193] : memref<32002048xf32, #tpu.memory_space<hbm>> -> memref<512xf32, #tpu.memory_space<hbm>>
      %dma_start3A_200 = arith.constant 0 : i32
      %dma_start3A_201 = tpu.memref_slice %arg5[%rem3A_115, %dma_start3A_194, %dma_start3A_200] : memref<3x32x512xf32, #tpu.memory_space<vmem>> -> memref<1x1x512xf32, #tpu.memory_space<vmem>>
      %dma_start3A_202 = tpu.memref_squeeze %dma_start3A_201 : memref<1x1x512xf32, #tpu.memory_space<vmem>> -> memref<512xf32, #tpu.memory_space<vmem>>
      tpu.enqueue_dma source(%dma_start3A_202 : memref<512xf32, #tpu.memory_space<vmem>>) target(%dma_start3A_199 : memref<512xf32, #tpu.memory_space<hbm>>) target_semaphore(%arg7 : memref<!tpu.dma_semaphore, #tpu.memory_space<semaphore_mem>>)
      %add3A_203 = arith.constant 6000384 : i32
      %add3A_204 = arith.addi %add3A_203, %mul3A_136 : i32
      %dma_start3A_205 = arith.constant 6 : i32
      %dma_start3A_206 = arith.constant 0 : i32
      %dma_start3A_207 = tpu.memref_slice %arg5[%rem3A_115, %dma_start3A_205, %dma_start3A_206] : memref<3x32x512xf32, #tpu.memory_space<vmem>> -> memref<1x1x512xf32, #tpu.memory_space<vmem>>
      %dma_start3A_208 = tpu.memref_squeeze %dma_start3A_207 : memref<1x1x512xf32, #tpu.memory_space<vmem>> -> memref<512xf32, #tpu.memory_space<vmem>>
      %dma_start3A_209 = tpu.memref_slice %arg4[%add3A_204] : memref<32002048xf32, #tpu.memory_space<hbm>> -> memref<512xf32, #tpu.memory_space<hbm>>
      %dma_start3A_210 = tpu.memref_slice %arg4[%add3A_204] : memref<32002048xf32, #tpu.memory_space<hbm>> -> memref<512xf32, #tpu.memory_space<hbm>>
      %dma_start3A_211 = arith.constant 0 : i32
      %dma_start3A_212 = tpu.memref_slice %arg5[%rem3A_115, %dma_start3A_205, %dma_start3A_211] : memref<3x32x512xf32, #tpu.memory_space<vmem>> -> memref<1x1x512xf32, #tpu.memory_space<vmem>>
      %dma_start3A_213 = tpu.memref_squeeze %dma_start3A_212 : memref<1x1x512xf32, #tpu.memory_space<vmem>> -> memref<512xf32, #tpu.memory_space<vmem>>
      tpu.enqueue_dma source(%dma_start3A_213 : memref<512xf32, #tpu.memory_space<vmem>>) target(%dma_start3A_210 : memref<512xf32, #tpu.memory_space<hbm>>) target_semaphore(%arg7 : memref<!tpu.dma_semaphore, #tpu.memory_space<semaphore_mem>>)
      %add3A_214 = arith.constant 7000448 : i32
      %add3A_215 = arith.addi %add3A_214, %mul3A_136 : i32
      %dma_start3A_216 = arith.constant 7 : i32
      %dma_start3A_217 = arith.constant 0 : i32
      %dma_start3A_218 = tpu.memref_slice %arg5[%rem3A_115, %dma_start3A_216, %dma_start3A_217] : memref<3x32x512xf32, #tpu.memory_space<vmem>> -> memref<1x1x512xf32, #tpu.memory_space<vmem>>
      %dma_start3A_219 = tpu.memref_squeeze %dma_start3A_218 : memref<1x1x512xf32, #tpu.memory_space<vmem>> -> memref<512xf32, #tpu.memory_space<vmem>>
      %dma_start3A_220 = tpu.memref_slice %arg4[%add3A_215] : memref<32002048xf32, #tpu.memory_space<hbm>> -> memref<512xf32, #tpu.memory_space<hbm>>
      %dma_start3A_221 = tpu.memref_slice %arg4[%add3A_215] : memref<32002048xf32, #tpu.memory_space<hbm>> -> memref<512xf32, #tpu.memory_space<hbm>>
      %dma_start3A_222 = arith.constant 0 : i32
      %dma_start3A_223 = tpu.memref_slice %arg5[%rem3A_115, %dma_start3A_216, %dma_start3A_222] : memref<3x32x512xf32, #tpu.memory_space<vmem>> -> memref<1x1x512xf32, #tpu.memory_space<vmem>>
      %dma_start3A_224 = tpu.memref_squeeze %dma_start3A_223 : memref<1x1x512xf32, #tpu.memory_space<vmem>> -> memref<512xf32, #tpu.memory_space<vmem>>
      tpu.enqueue_dma source(%dma_start3A_224 : memref<512xf32, #tpu.memory_space<vmem>>) target(%dma_start3A_221 : memref<512xf32, #tpu.memory_space<hbm>>) target_semaphore(%arg7 : memref<!tpu.dma_semaphore, #tpu.memory_space<semaphore_mem>>)
      %add3A_225 = arith.constant 8000512 : i32
      %add3A_226 = arith.addi %add3A_225, %mul3A_136 : i32
      %dma_start3A_227 = arith.constant 8 : i32
      %dma_start3A_228 = arith.constant 0 : i32
      %dma_start3A_229 = tpu.memref_slice %arg5[%rem3A_115, %dma_start3A_227, %dma_start3A_228] : memref<3x32x512xf32, #tpu.memory_space<vmem>> -> memref<1x1x512xf32, #tpu.memory_space<vmem>>
      %dma_start3A_230 = tpu.memref_squeeze %dma_start3A_229 : memref<1x1x512xf32, #tpu.memory_space<vmem>> -> memref<512xf32, #tpu.memory_space<vmem>>
      %dma_start3A_231 = tpu.memref_slice %arg4[%add3A_226] : memref<32002048xf32, #tpu.memory_space<hbm>> -> memref<512xf32, #tpu.memory_space<hbm>>
      %dma_start3A_232 = tpu.memref_slice %arg4[%add3A_226] : memref<32002048xf32, #tpu.memory_space<hbm>> -> memref<512xf32, #tpu.memory_space<hbm>>
      %dma_start3A_233 = arith.constant 0 : i32
      %dma_start3A_234 = tpu.memref_slice %arg5[%rem3A_115, %dma_start3A_227, %dma_start3A_233] : memref<3x32x512xf32, #tpu.memory_space<vmem>> -> memref<1x1x512xf32, #tpu.memory_space<vmem>>
      %dma_start3A_235 = tpu.memref_squeeze %dma_start3A_234 : memref<1x1x512xf32, #tpu.memory_space<vmem>> -> memref<512xf32, #tpu.memory_space<vmem>>
      tpu.enqueue_dma source(%dma_start3A_235 : memref<512xf32, #tpu.memory_space<vmem>>) target(%dma_start3A_232 : memref<512xf32, #tpu.memory_space<hbm>>) target_semaphore(%arg7 : memref<!tpu.dma_semaphore, #tpu.memory_space<semaphore_mem>>)
      %add3A_236 = arith.constant 9000576 : i32
      %add3A_237 = arith.addi %add3A_236, %mul3A_136 : i32
      %dma_start3A_238 = arith.constant 9 : i32
      %dma_start3A_239 = arith.constant 0 : i32
      %dma_start3A_240 = tpu.memref_slice %arg5[%rem3A_115, %dma_start3A_238, %dma_start3A_239] : memref<3x32x512xf32, #tpu.memory_space<vmem>> -> memref<1x1x512xf32, #tpu.memory_space<vmem>>
      %dma_start3A_241 = tpu.memref_squeeze %dma_start3A_240 : memref<1x1x512xf32, #tpu.memory_space<vmem>> -> memref<512xf32, #tpu.memory_space<vmem>>
      %dma_start3A_242 = tpu.memref_slice %arg4[%add3A_237] : memref<32002048xf32, #tpu.memory_space<hbm>> -> memref<512xf32, #tpu.memory_space<hbm>>
      %dma_start3A_243 = tpu.memref_slice %arg4[%add3A_237] : memref<32002048xf32, #tpu.memory_space<hbm>> -> memref<512xf32, #tpu.memory_space<hbm>>
      %dma_start3A_244 = arith.constant 0 : i32
      %dma_start3A_245 = tpu.memref_slice %arg5[%rem3A_115, %dma_start3A_238, %dma_start3A_244] : memref<3x32x512xf32, #tpu.memory_space<vmem>> -> memref<1x1x512xf32, #tpu.memory_space<vmem>>
      %dma_start3A_246 = tpu.memref_squeeze %dma_start3A_245 : memref<1x1x512xf32, #tpu.memory_space<vmem>> -> memref<512xf32, #tpu.memory_space<vmem>>
      tpu.enqueue_dma source(%dma_start3A_246 : memref<512xf32, #tpu.memory_space<vmem>>) target(%dma_start3A_243 : memref<512xf32, #tpu.memory_space<hbm>>) target_semaphore(%arg7 : memref<!tpu.dma_semaphore, #tpu.memory_space<semaphore_mem>>)
      %add3A_247 = arith.constant 10000640 : i32
      %add3A_248 = arith.addi %add3A_247, %mul3A_136 : i32
      %dma_start3A_249 = arith.constant 10 : i32
      %dma_start3A_250 = arith.constant 0 : i32
      %dma_start3A_251 = tpu.memref_slice %arg5[%rem3A_115, %dma_start3A_249, %dma_start3A_250] : memref<3x32x512xf32, #tpu.memory_space<vmem>> -> memref<1x1x512xf32, #tpu.memory_space<vmem>>
      %dma_start3A_252 = tpu.memref_squeeze %dma_start3A_251 : memref<1x1x512xf32, #tpu.memory_space<vmem>> -> memref<512xf32, #tpu.memory_space<vmem>>
      %dma_start3A_253 = tpu.memref_slice %arg4[%add3A_248] : memref<32002048xf32, #tpu.memory_space<hbm>> -> memref<512xf32, #tpu.memory_space<hbm>>
      %dma_start3A_254 = tpu.memref_slice %arg4[%add3A_248] : memref<32002048xf32, #tpu.memory_space<hbm>> -> memref<512xf32, #tpu.memory_space<hbm>>
      %dma_start3A_255 = arith.constant 0 : i32
      %dma_start3A_256 = tpu.memref_slice %arg5[%rem3A_115, %dma_start3A_249, %dma_start3A_255] : memref<3x32x512xf32, #tpu.memory_space<vmem>> -> memref<1x1x512xf32, #tpu.memory_space<vmem>>
      %dma_start3A_257 = tpu.memref_squeeze %dma_start3A_256 : memref<1x1x512xf32, #tpu.memory_space<vmem>> -> memref<512xf32, #tpu.memory_space<vmem>>
      tpu.enqueue_dma source(%dma_start3A_257 : memref<512xf32, #tpu.memory_space<vmem>>) target(%dma_start3A_254 : memref<512xf32, #tpu.memory_space<hbm>>) target_semaphore(%arg7 : memref<!tpu.dma_semaphore, #tpu.memory_space<semaphore_mem>>)
      %add3A_258 = arith.constant 11000704 : i32
      %add3A_259 = arith.addi %add3A_258, %mul3A_136 : i32
      %dma_start3A_260 = arith.constant 11 : i32
      %dma_start3A_261 = arith.constant 0 : i32
      %dma_start3A_262 = tpu.memref_slice %arg5[%rem3A_115, %dma_start3A_260, %dma_start3A_261] : memref<3x32x512xf32, #tpu.memory_space<vmem>> -> memref<1x1x512xf32, #tpu.memory_space<vmem>>
      %dma_start3A_263 = tpu.memref_squeeze %dma_start3A_262 : memref<1x1x512xf32, #tpu.memory_space<vmem>> -> memref<512xf32, #tpu.memory_space<vmem>>
      %dma_start3A_264 = tpu.memref_slice %arg4[%add3A_259] : memref<32002048xf32, #tpu.memory_space<hbm>> -> memref<512xf32, #tpu.memory_space<hbm>>
      %dma_start3A_265 = tpu.memref_slice %arg4[%add3A_259] : memref<32002048xf32, #tpu.memory_space<hbm>> -> memref<512xf32, #tpu.memory_space<hbm>>
      %dma_start3A_266 = arith.constant 0 : i32
      %dma_start3A_267 = tpu.memref_slice %arg5[%rem3A_115, %dma_start3A_260, %dma_start3A_266] : memref<3x32x512xf32, #tpu.memory_space<vmem>> -> memref<1x1x512xf32, #tpu.memory_space<vmem>>
      %dma_start3A_268 = tpu.memref_squeeze %dma_start3A_267 : memref<1x1x512xf32, #tpu.memory_space<vmem>> -> memref<512xf32, #tpu.memory_space<vmem>>
      tpu.enqueue_dma source(%dma_start3A_268 : memref<512xf32, #tpu.memory_space<vmem>>) target(%dma_start3A_265 : memref<512xf32, #tpu.memory_space<hbm>>) target_semaphore(%arg7 : memref<!tpu.dma_semaphore, #tpu.memory_space<semaphore_mem>>)
      %add3A_269 = arith.constant 12000768 : i32
      %add3A_270 = arith.addi %add3A_269, %mul3A_136 : i32
      %dma_start3A_271 = arith.constant 12 : i32
      %dma_start3A_272 = arith.constant 0 : i32
      %dma_start3A_273 = tpu.memref_slice %arg5[%rem3A_115, %dma_start3A_271, %dma_start3A_272] : memref<3x32x512xf32, #tpu.memory_space<vmem>> -> memref<1x1x512xf32, #tpu.memory_space<vmem>>
      %dma_start3A_274 = tpu.memref_squeeze %dma_start3A_273 : memref<1x1x512xf32, #tpu.memory_space<vmem>> -> memref<512xf32, #tpu.memory_space<vmem>>
      %dma_start3A_275 = tpu.memref_slice %arg4[%add3A_270] : memref<32002048xf32, #tpu.memory_space<hbm>> -> memref<512xf32, #tpu.memory_space<hbm>>
      %dma_start3A_276 = tpu.memref_slice %arg4[%add3A_270] : memref<32002048xf32, #tpu.memory_space<hbm>> -> memref<512xf32, #tpu.memory_space<hbm>>
      %dma_start3A_277 = arith.constant 0 : i32
      %dma_start3A_278 = tpu.memref_slice %arg5[%rem3A_115, %dma_start3A_271, %dma_start3A_277] : memref<3x32x512xf32, #tpu.memory_space<vmem>> -> memref<1x1x512xf32, #tpu.memory_space<vmem>>
      %dma_start3A_279 = tpu.memref_squeeze %dma_start3A_278 : memref<1x1x512xf32, #tpu.memory_space<vmem>> -> memref<512xf32, #tpu.memory_space<vmem>>
      tpu.enqueue_dma source(%dma_start3A_279 : memref<512xf32, #tpu.memory_space<vmem>>) target(%dma_start3A_276 : memref<512xf32, #tpu.memory_space<hbm>>) target_semaphore(%arg7 : memref<!tpu.dma_semaphore, #tpu.memory_space<semaphore_mem>>)
      %add3A_280 = arith.constant 13000832 : i32
      %add3A_281 = arith.addi %add3A_280, %mul3A_136 : i32
      %dma_start3A_282 = arith.constant 13 : i32
      %dma_start3A_283 = arith.constant 0 : i32
      %dma_start3A_284 = tpu.memref_slice %arg5[%rem3A_115, %dma_start3A_282, %dma_start3A_283] : memref<3x32x512xf32, #tpu.memory_space<vmem>> -> memref<1x1x512xf32, #tpu.memory_space<vmem>>
      %dma_start3A_285 = tpu.memref_squeeze %dma_start3A_284 : memref<1x1x512xf32, #tpu.memory_space<vmem>> -> memref<512xf32, #tpu.memory_space<vmem>>
      %dma_start3A_286 = tpu.memref_slice %arg4[%add3A_281] : memref<32002048xf32, #tpu.memory_space<hbm>> -> memref<512xf32, #tpu.memory_space<hbm>>
      %dma_start3A_287 = tpu.memref_slice %arg4[%add3A_281] : memref<32002048xf32, #tpu.memory_space<hbm>> -> memref<512xf32, #tpu.memory_space<hbm>>
      %dma_start3A_288 = arith.constant 0 : i32
      %dma_start3A_289 = tpu.memref_slice %arg5[%rem3A_115, %dma_start3A_282, %dma_start3A_288] : memref<3x32x512xf32, #tpu.memory_space<vmem>> -> memref<1x1x512xf32, #tpu.memory_space<vmem>>
      %dma_start3A_290 = tpu.memref_squeeze %dma_start3A_289 : memref<1x1x512xf32, #tpu.memory_space<vmem>> -> memref<512xf32, #tpu.memory_space<vmem>>
      tpu.enqueue_dma source(%dma_start3A_290 : memref<512xf32, #tpu.memory_space<vmem>>) target(%dma_start3A_287 : memref<512xf32, #tpu.memory_space<hbm>>) target_semaphore(%arg7 : memref<!tpu.dma_semaphore, #tpu.memory_space<semaphore_mem>>)
      %add3A_291 = arith.constant 14000896 : i32
      %add3A_292 = arith.addi %add3A_291, %mul3A_136 : i32
      %dma_start3A_293 = arith.constant 14 : i32
      %dma_start3A_294 = arith.constant 0 : i32
      %dma_start3A_295 = tpu.memref_slice %arg5[%rem3A_115, %dma_start3A_293, %dma_start3A_294] : memref<3x32x512xf32, #tpu.memory_space<vmem>> -> memref<1x1x512xf32, #tpu.memory_space<vmem>>
      %dma_start3A_296 = tpu.memref_squeeze %dma_start3A_295 : memref<1x1x512xf32, #tpu.memory_space<vmem>> -> memref<512xf32, #tpu.memory_space<vmem>>
      %dma_start3A_297 = tpu.memref_slice %arg4[%add3A_292] : memref<32002048xf32, #tpu.memory_space<hbm>> -> memref<512xf32, #tpu.memory_space<hbm>>
      %dma_start3A_298 = tpu.memref_slice %arg4[%add3A_292] : memref<32002048xf32, #tpu.memory_space<hbm>> -> memref<512xf32, #tpu.memory_space<hbm>>
      %dma_start3A_299 = arith.constant 0 : i32
      %dma_start3A_300 = tpu.memref_slice %arg5[%rem3A_115, %dma_start3A_293, %dma_start3A_299] : memref<3x32x512xf32, #tpu.memory_space<vmem>> -> memref<1x1x512xf32, #tpu.memory_space<vmem>>
      %dma_start3A_301 = tpu.memref_squeeze %dma_start3A_300 : memref<1x1x512xf32, #tpu.memory_space<vmem>> -> memref<512xf32, #tpu.memory_space<vmem>>
      tpu.enqueue_dma source(%dma_start3A_301 : memref<512xf32, #tpu.memory_space<vmem>>) target(%dma_start3A_298 : memref<512xf32, #tpu.memory_space<hbm>>) target_semaphore(%arg7 : memref<!tpu.dma_semaphore, #tpu.memory_space<semaphore_mem>>)
      %add3A_302 = arith.constant 15000960 : i32
      %add3A_303 = arith.addi %add3A_302, %mul3A_136 : i32
      %dma_start3A_304 = arith.constant 15 : i32
      %dma_start3A_305 = arith.constant 0 : i32
      %dma_start3A_306 = tpu.memref_slice %arg5[%rem3A_115, %dma_start3A_304, %dma_start3A_305] : memref<3x32x512xf32, #tpu.memory_space<vmem>> -> memref<1x1x512xf32, #tpu.memory_space<vmem>>
      %dma_start3A_307 = tpu.memref_squeeze %dma_start3A_306 : memref<1x1x512xf32, #tpu.memory_space<vmem>> -> memref<512xf32, #tpu.memory_space<vmem>>
      %dma_start3A_308 = tpu.memref_slice %arg4[%add3A_303] : memref<32002048xf32, #tpu.memory_space<hbm>> -> memref<512xf32, #tpu.memory_space<hbm>>
      %dma_start3A_309 = tpu.memref_slice %arg4[%add3A_303] : memref<32002048xf32, #tpu.memory_space<hbm>> -> memref<512xf32, #tpu.memory_space<hbm>>
      %dma_start3A_310 = arith.constant 0 : i32
      %dma_start3A_311 = tpu.memref_slice %arg5[%rem3A_115, %dma_start3A_304, %dma_start3A_310] : memref<3x32x512xf32, #tpu.memory_space<vmem>> -> memref<1x1x512xf32, #tpu.memory_space<vmem>>
      %dma_start3A_312 = tpu.memref_squeeze %dma_start3A_311 : memref<1x1x512xf32, #tpu.memory_space<vmem>> -> memref<512xf32, #tpu.memory_space<vmem>>
      tpu.enqueue_dma source(%dma_start3A_312 : memref<512xf32, #tpu.memory_space<vmem>>) target(%dma_start3A_309 : memref<512xf32, #tpu.memory_space<hbm>>) target_semaphore(%arg7 : memref<!tpu.dma_semaphore, #tpu.memory_space<semaphore_mem>>)
      %add3A_313 = arith.constant 16001024 : i32
      %add3A_314 = arith.addi %add3A_313, %mul3A_136 : i32
      %dma_start3A_315 = arith.constant 16 : i32
      %dma_start3A_316 = arith.constant 0 : i32
      %dma_start3A_317 = tpu.memref_slice %arg5[%rem3A_115, %dma_start3A_315, %dma_start3A_316] : memref<3x32x512xf32, #tpu.memory_space<vmem>> -> memref<1x1x512xf32, #tpu.memory_space<vmem>>
      %dma_start3A_318 = tpu.memref_squeeze %dma_start3A_317 : memref<1x1x512xf32, #tpu.memory_space<vmem>> -> memref<512xf32, #tpu.memory_space<vmem>>
      %dma_start3A_319 = tpu.memref_slice %arg4[%add3A_314] : memref<32002048xf32, #tpu.memory_space<hbm>> -> memref<512xf32, #tpu.memory_space<hbm>>
      %dma_start3A_320 = tpu.memref_slice %arg4[%add3A_314] : memref<32002048xf32, #tpu.memory_space<hbm>> -> memref<512xf32, #tpu.memory_space<hbm>>
      %dma_start3A_321 = arith.constant 0 : i32
      %dma_start3A_322 = tpu.memref_slice %arg5[%rem3A_115, %dma_start3A_315, %dma_start3A_321] : memref<3x32x512xf32, #tpu.memory_space<vmem>> -> memref<1x1x512xf32, #tpu.memory_space<vmem>>
      %dma_start3A_323 = tpu.memref_squeeze %dma_start3A_322 : memref<1x1x512xf32, #tpu.memory_space<vmem>> -> memref<512xf32, #tpu.memory_space<vmem>>
      tpu.enqueue_dma source(%dma_start3A_323 : memref<512xf32, #tpu.memory_space<vmem>>) target(%dma_start3A_320 : memref<512xf32, #tpu.memory_space<hbm>>) target_semaphore(%arg7 : memref<!tpu.dma_semaphore, #tpu.memory_space<semaphore_mem>>)
      %add3A_324 = arith.constant 17001088 : i32
      %add3A_325 = arith.addi %add3A_324, %mul3A_136 : i32
      %dma_start3A_326 = arith.constant 17 : i32
      %dma_start3A_327 = arith.constant 0 : i32
      %dma_start3A_328 = tpu.memref_slice %arg5[%rem3A_115, %dma_start3A_326, %dma_start3A_327] : memref<3x32x512xf32, #tpu.memory_space<vmem>> -> memref<1x1x512xf32, #tpu.memory_space<vmem>>
      %dma_start3A_329 = tpu.memref_squeeze %dma_start3A_328 : memref<1x1x512xf32, #tpu.memory_space<vmem>> -> memref<512xf32, #tpu.memory_space<vmem>>
      %dma_start3A_330 = tpu.memref_slice %arg4[%add3A_325] : memref<32002048xf32, #tpu.memory_space<hbm>> -> memref<512xf32, #tpu.memory_space<hbm>>
      %dma_start3A_331 = tpu.memref_slice %arg4[%add3A_325] : memref<32002048xf32, #tpu.memory_space<hbm>> -> memref<512xf32, #tpu.memory_space<hbm>>
      %dma_start3A_332 = arith.constant 0 : i32
      %dma_start3A_333 = tpu.memref_slice %arg5[%rem3A_115, %dma_start3A_326, %dma_start3A_332] : memref<3x32x512xf32, #tpu.memory_space<vmem>> -> memref<1x1x512xf32, #tpu.memory_space<vmem>>
      %dma_start3A_334 = tpu.memref_squeeze %dma_start3A_333 : memref<1x1x512xf32, #tpu.memory_space<vmem>> -> memref<512xf32, #tpu.memory_space<vmem>>
      tpu.enqueue_dma source(%dma_start3A_334 : memref<512xf32, #tpu.memory_space<vmem>>) target(%dma_start3A_331 : memref<512xf32, #tpu.memory_space<hbm>>) target_semaphore(%arg7 : memref<!tpu.dma_semaphore, #tpu.memory_space<semaphore_mem>>)
      %add3A_335 = arith.constant 18001152 : i32
      %add3A_336 = arith.addi %add3A_335, %mul3A_136 : i32
      %dma_start3A_337 = arith.constant 18 : i32
      %dma_start3A_338 = arith.constant 0 : i32
      %dma_start3A_339 = tpu.memref_slice %arg5[%rem3A_115, %dma_start3A_337, %dma_start3A_338] : memref<3x32x512xf32, #tpu.memory_space<vmem>> -> memref<1x1x512xf32, #tpu.memory_space<vmem>>
      %dma_start3A_340 = tpu.memref_squeeze %dma_start3A_339 : memref<1x1x512xf32, #tpu.memory_space<vmem>> -> memref<512xf32, #tpu.memory_space<vmem>>
      %dma_start3A_341 = tpu.memref_slice %arg4[%add3A_336] : memref<32002048xf32, #tpu.memory_space<hbm>> -> memref<512xf32, #tpu.memory_space<hbm>>
      %dma_start3A_342 = tpu.memref_slice %arg4[%add3A_336] : memref<32002048xf32, #tpu.memory_space<hbm>> -> memref<512xf32, #tpu.memory_space<hbm>>
      %dma_start3A_343 = arith.constant 0 : i32
      %dma_start3A_344 = tpu.memref_slice %arg5[%rem3A_115, %dma_start3A_337, %dma_start3A_343] : memref<3x32x512xf32, #tpu.memory_space<vmem>> -> memref<1x1x512xf32, #tpu.memory_space<vmem>>
      %dma_start3A_345 = tpu.memref_squeeze %dma_start3A_344 : memref<1x1x512xf32, #tpu.memory_space<vmem>> -> memref<512xf32, #tpu.memory_space<vmem>>
      tpu.enqueue_dma source(%dma_start3A_345 : memref<512xf32, #tpu.memory_space<vmem>>) target(%dma_start3A_342 : memref<512xf32, #tpu.memory_space<hbm>>) target_semaphore(%arg7 : memref<!tpu.dma_semaphore, #tpu.memory_space<semaphore_mem>>)
      %add3A_346 = arith.constant 19001216 : i32
      %add3A_347 = arith.addi %add3A_346, %mul3A_136 : i32
      %dma_start3A_348 = arith.constant 19 : i32
      %dma_start3A_349 = arith.constant 0 : i32
      %dma_start3A_350 = tpu.memref_slice %arg5[%rem3A_115, %dma_start3A_348, %dma_start3A_349] : memref<3x32x512xf32, #tpu.memory_space<vmem>> -> memref<1x1x512xf32, #tpu.memory_space<vmem>>
      %dma_start3A_351 = tpu.memref_squeeze %dma_start3A_350 : memref<1x1x512xf32, #tpu.memory_space<vmem>> -> memref<512xf32, #tpu.memory_space<vmem>>
      %dma_start3A_352 = tpu.memref_slice %arg4[%add3A_347] : memref<32002048xf32, #tpu.memory_space<hbm>> -> memref<512xf32, #tpu.memory_space<hbm>>
      %dma_start3A_353 = tpu.memref_slice %arg4[%add3A_347] : memref<32002048xf32, #tpu.memory_space<hbm>> -> memref<512xf32, #tpu.memory_space<hbm>>
      %dma_start3A_354 = arith.constant 0 : i32
      %dma_start3A_355 = tpu.memref_slice %arg5[%rem3A_115, %dma_start3A_348, %dma_start3A_354] : memref<3x32x512xf32, #tpu.memory_space<vmem>> -> memref<1x1x512xf32, #tpu.memory_space<vmem>>
      %dma_start3A_356 = tpu.memref_squeeze %dma_start3A_355 : memref<1x1x512xf32, #tpu.memory_space<vmem>> -> memref<512xf32, #tpu.memory_space<vmem>>
      tpu.enqueue_dma source(%dma_start3A_356 : memref<512xf32, #tpu.memory_space<vmem>>) target(%dma_start3A_353 : memref<512xf32, #tpu.memory_space<hbm>>) target_semaphore(%arg7 : memref<!tpu.dma_semaphore, #tpu.memory_space<semaphore_mem>>)
      %add3A_357 = arith.constant 20001280 : i32
      %add3A_358 = arith.addi %add3A_357, %mul3A_136 : i32
      %dma_start3A_359 = arith.constant 20 : i32
      %dma_start3A_360 = arith.constant 0 : i32
      %dma_start3A_361 = tpu.memref_slice %arg5[%rem3A_115, %dma_start3A_359, %dma_start3A_360] : memref<3x32x512xf32, #tpu.memory_space<vmem>> -> memref<1x1x512xf32, #tpu.memory_space<vmem>>
      %dma_start3A_362 = tpu.memref_squeeze %dma_start3A_361 : memref<1x1x512xf32, #tpu.memory_space<vmem>> -> memref<512xf32, #tpu.memory_space<vmem>>
      %dma_start3A_363 = tpu.memref_slice %arg4[%add3A_358] : memref<32002048xf32, #tpu.memory_space<hbm>> -> memref<512xf32, #tpu.memory_space<hbm>>
      %dma_start3A_364 = tpu.memref_slice %arg4[%add3A_358] : memref<32002048xf32, #tpu.memory_space<hbm>> -> memref<512xf32, #tpu.memory_space<hbm>>
      %dma_start3A_365 = arith.constant 0 : i32
      %dma_start3A_366 = tpu.memref_slice %arg5[%rem3A_115, %dma_start3A_359, %dma_start3A_365] : memref<3x32x512xf32, #tpu.memory_space<vmem>> -> memref<1x1x512xf32, #tpu.memory_space<vmem>>
      %dma_start3A_367 = tpu.memref_squeeze %dma_start3A_366 : memref<1x1x512xf32, #tpu.memory_space<vmem>> -> memref<512xf32, #tpu.memory_space<vmem>>
      tpu.enqueue_dma source(%dma_start3A_367 : memref<512xf32, #tpu.memory_space<vmem>>) target(%dma_start3A_364 : memref<512xf32, #tpu.memory_space<hbm>>) target_semaphore(%arg7 : memref<!tpu.dma_semaphore, #tpu.memory_space<semaphore_mem>>)
      %add3A_368 = arith.constant 21001344 : i32
      %add3A_369 = arith.addi %add3A_368, %mul3A_136 : i32
      %dma_start3A_370 = arith.constant 21 : i32
      %dma_start3A_371 = arith.constant 0 : i32
      %dma_start3A_372 = tpu.memref_slice %arg5[%rem3A_115, %dma_start3A_370, %dma_start3A_371] : memref<3x32x512xf32, #tpu.memory_space<vmem>> -> memref<1x1x512xf32, #tpu.memory_space<vmem>>
      %dma_start3A_373 = tpu.memref_squeeze %dma_start3A_372 : memref<1x1x512xf32, #tpu.memory_space<vmem>> -> memref<512xf32, #tpu.memory_space<vmem>>
      %dma_start3A_374 = tpu.memref_slice %arg4[%add3A_369] : memref<32002048xf32, #tpu.memory_space<hbm>> -> memref<512xf32, #tpu.memory_space<hbm>>
      %dma_start3A_375 = tpu.memref_slice %arg4[%add3A_369] : memref<32002048xf32, #tpu.memory_space<hbm>> -> memref<512xf32, #tpu.memory_space<hbm>>
      %dma_start3A_376 = arith.constant 0 : i32
      %dma_start3A_377 = tpu.memref_slice %arg5[%rem3A_115, %dma_start3A_370, %dma_start3A_376] : memref<3x32x512xf32, #tpu.memory_space<vmem>> -> memref<1x1x512xf32, #tpu.memory_space<vmem>>
      %dma_start3A_378 = tpu.memref_squeeze %dma_start3A_377 : memref<1x1x512xf32, #tpu.memory_space<vmem>> -> memref<512xf32, #tpu.memory_space<vmem>>
      tpu.enqueue_dma source(%dma_start3A_378 : memref<512xf32, #tpu.memory_space<vmem>>) target(%dma_start3A_375 : memref<512xf32, #tpu.memory_space<hbm>>) target_semaphore(%arg7 : memref<!tpu.dma_semaphore, #tpu.memory_space<semaphore_mem>>)
      %add3A_379 = arith.constant 22001408 : i32
      %add3A_380 = arith.addi %add3A_379, %mul3A_136 : i32
      %dma_start3A_381 = arith.constant 22 : i32
      %dma_start3A_382 = arith.constant 0 : i32
      %dma_start3A_383 = tpu.memref_slice %arg5[%rem3A_115, %dma_start3A_381, %dma_start3A_382] : memref<3x32x512xf32, #tpu.memory_space<vmem>> -> memref<1x1x512xf32, #tpu.memory_space<vmem>>
      %dma_start3A_384 = tpu.memref_squeeze %dma_start3A_383 : memref<1x1x512xf32, #tpu.memory_space<vmem>> -> memref<512xf32, #tpu.memory_space<vmem>>
      %dma_start3A_385 = tpu.memref_slice %arg4[%add3A_380] : memref<32002048xf32, #tpu.memory_space<hbm>> -> memref<512xf32, #tpu.memory_space<hbm>>
      %dma_start3A_386 = tpu.memref_slice %arg4[%add3A_380] : memref<32002048xf32, #tpu.memory_space<hbm>> -> memref<512xf32, #tpu.memory_space<hbm>>
      %dma_start3A_387 = arith.constant 0 : i32
      %dma_start3A_388 = tpu.memref_slice %arg5[%rem3A_115, %dma_start3A_381, %dma_start3A_387] : memref<3x32x512xf32, #tpu.memory_space<vmem>> -> memref<1x1x512xf32, #tpu.memory_space<vmem>>
      %dma_start3A_389 = tpu.memref_squeeze %dma_start3A_388 : memref<1x1x512xf32, #tpu.memory_space<vmem>> -> memref<512xf32, #tpu.memory_space<vmem>>
      tpu.enqueue_dma source(%dma_start3A_389 : memref<512xf32, #tpu.memory_space<vmem>>) target(%dma_start3A_386 : memref<512xf32, #tpu.memory_space<hbm>>) target_semaphore(%arg7 : memref<!tpu.dma_semaphore, #tpu.memory_space<semaphore_mem>>)
      %add3A_390 = arith.constant 23001472 : i32
      %add3A_391 = arith.addi %add3A_390, %mul3A_136 : i32
      %dma_start3A_392 = arith.constant 23 : i32
      %dma_start3A_393 = arith.constant 0 : i32
      %dma_start3A_394 = tpu.memref_slice %arg5[%rem3A_115, %dma_start3A_392, %dma_start3A_393] : memref<3x32x512xf32, #tpu.memory_space<vmem>> -> memref<1x1x512xf32, #tpu.memory_space<vmem>>
      %dma_start3A_395 = tpu.memref_squeeze %dma_start3A_394 : memref<1x1x512xf32, #tpu.memory_space<vmem>> -> memref<512xf32, #tpu.memory_space<vmem>>
      %dma_start3A_396 = tpu.memref_slice %arg4[%add3A_391] : memref<32002048xf32, #tpu.memory_space<hbm>> -> memref<512xf32, #tpu.memory_space<hbm>>
      %dma_start3A_397 = tpu.memref_slice %arg4[%add3A_391] : memref<32002048xf32, #tpu.memory_space<hbm>> -> memref<512xf32, #tpu.memory_space<hbm>>
      %dma_start3A_398 = arith.constant 0 : i32
      %dma_start3A_399 = tpu.memref_slice %arg5[%rem3A_115, %dma_start3A_392, %dma_start3A_398] : memref<3x32x512xf32, #tpu.memory_space<vmem>> -> memref<1x1x512xf32, #tpu.memory_space<vmem>>
      %dma_start3A_400 = tpu.memref_squeeze %dma_start3A_399 : memref<1x1x512xf32, #tpu.memory_space<vmem>> -> memref<512xf32, #tpu.memory_space<vmem>>
      tpu.enqueue_dma source(%dma_start3A_400 : memref<512xf32, #tpu.memory_space<vmem>>) target(%dma_start3A_397 : memref<512xf32, #tpu.memory_space<hbm>>) target_semaphore(%arg7 : memref<!tpu.dma_semaphore, #tpu.memory_space<semaphore_mem>>)
      %add3A_401 = arith.constant 24001536 : i32
      %add3A_402 = arith.addi %add3A_401, %mul3A_136 : i32
      %dma_start3A_403 = arith.constant 24 : i32
      %dma_start3A_404 = arith.constant 0 : i32
      %dma_start3A_405 = tpu.memref_slice %arg5[%rem3A_115, %dma_start3A_403, %dma_start3A_404] : memref<3x32x512xf32, #tpu.memory_space<vmem>> -> memref<1x1x512xf32, #tpu.memory_space<vmem>>
      %dma_start3A_406 = tpu.memref_squeeze %dma_start3A_405 : memref<1x1x512xf32, #tpu.memory_space<vmem>> -> memref<512xf32, #tpu.memory_space<vmem>>
      %dma_start3A_407 = tpu.memref_slice %arg4[%add3A_402] : memref<32002048xf32, #tpu.memory_space<hbm>> -> memref<512xf32, #tpu.memory_space<hbm>>
      %dma_start3A_408 = tpu.memref_slice %arg4[%add3A_402] : memref<32002048xf32, #tpu.memory_space<hbm>> -> memref<512xf32, #tpu.memory_space<hbm>>
      %dma_start3A_409 = arith.constant 0 : i32
      %dma_start3A_410 = tpu.memref_slice %arg5[%rem3A_115, %dma_start3A_403, %dma_start3A_409] : memref<3x32x512xf32, #tpu.memory_space<vmem>> -> memref<1x1x512xf32, #tpu.memory_space<vmem>>
      %dma_start3A_411 = tpu.memref_squeeze %dma_start3A_410 : memref<1x1x512xf32, #tpu.memory_space<vmem>> -> memref<512xf32, #tpu.memory_space<vmem>>
      tpu.enqueue_dma source(%dma_start3A_411 : memref<512xf32, #tpu.memory_space<vmem>>) target(%dma_start3A_408 : memref<512xf32, #tpu.memory_space<hbm>>) target_semaphore(%arg7 : memref<!tpu.dma_semaphore, #tpu.memory_space<semaphore_mem>>)
      %add3A_412 = arith.constant 25001600 : i32
      %add3A_413 = arith.addi %add3A_412, %mul3A_136 : i32
      %dma_start3A_414 = arith.constant 25 : i32
      %dma_start3A_415 = arith.constant 0 : i32
      %dma_start3A_416 = tpu.memref_slice %arg5[%rem3A_115, %dma_start3A_414, %dma_start3A_415] : memref<3x32x512xf32, #tpu.memory_space<vmem>> -> memref<1x1x512xf32, #tpu.memory_space<vmem>>
      %dma_start3A_417 = tpu.memref_squeeze %dma_start3A_416 : memref<1x1x512xf32, #tpu.memory_space<vmem>> -> memref<512xf32, #tpu.memory_space<vmem>>
      %dma_start3A_418 = tpu.memref_slice %arg4[%add3A_413] : memref<32002048xf32, #tpu.memory_space<hbm>> -> memref<512xf32, #tpu.memory_space<hbm>>
      %dma_start3A_419 = tpu.memref_slice %arg4[%add3A_413] : memref<32002048xf32, #tpu.memory_space<hbm>> -> memref<512xf32, #tpu.memory_space<hbm>>
      %dma_start3A_420 = arith.constant 0 : i32
      %dma_start3A_421 = tpu.memref_slice %arg5[%rem3A_115, %dma_start3A_414, %dma_start3A_420] : memref<3x32x512xf32, #tpu.memory_space<vmem>> -> memref<1x1x512xf32, #tpu.memory_space<vmem>>
      %dma_start3A_422 = tpu.memref_squeeze %dma_start3A_421 : memref<1x1x512xf32, #tpu.memory_space<vmem>> -> memref<512xf32, #tpu.memory_space<vmem>>
      tpu.enqueue_dma source(%dma_start3A_422 : memref<512xf32, #tpu.memory_space<vmem>>) target(%dma_start3A_419 : memref<512xf32, #tpu.memory_space<hbm>>) target_semaphore(%arg7 : memref<!tpu.dma_semaphore, #tpu.memory_space<semaphore_mem>>)
      %add3A_423 = arith.constant 26001664 : i32
      %add3A_424 = arith.addi %add3A_423, %mul3A_136 : i32
      %dma_start3A_425 = arith.constant 26 : i32
      %dma_start3A_426 = arith.constant 0 : i32
      %dma_start3A_427 = tpu.memref_slice %arg5[%rem3A_115, %dma_start3A_425, %dma_start3A_426] : memref<3x32x512xf32, #tpu.memory_space<vmem>> -> memref<1x1x512xf32, #tpu.memory_space<vmem>>
      %dma_start3A_428 = tpu.memref_squeeze %dma_start3A_427 : memref<1x1x512xf32, #tpu.memory_space<vmem>> -> memref<512xf32, #tpu.memory_space<vmem>>
      %dma_start3A_429 = tpu.memref_slice %arg4[%add3A_424] : memref<32002048xf32, #tpu.memory_space<hbm>> -> memref<512xf32, #tpu.memory_space<hbm>>
      %dma_start3A_430 = tpu.memref_slice %arg4[%add3A_424] : memref<32002048xf32, #tpu.memory_space<hbm>> -> memref<512xf32, #tpu.memory_space<hbm>>
      %dma_start3A_431 = arith.constant 0 : i32
      %dma_start3A_432 = tpu.memref_slice %arg5[%rem3A_115, %dma_start3A_425, %dma_start3A_431] : memref<3x32x512xf32, #tpu.memory_space<vmem>> -> memref<1x1x512xf32, #tpu.memory_space<vmem>>
      %dma_start3A_433 = tpu.memref_squeeze %dma_start3A_432 : memref<1x1x512xf32, #tpu.memory_space<vmem>> -> memref<512xf32, #tpu.memory_space<vmem>>
      tpu.enqueue_dma source(%dma_start3A_433 : memref<512xf32, #tpu.memory_space<vmem>>) target(%dma_start3A_430 : memref<512xf32, #tpu.memory_space<hbm>>) target_semaphore(%arg7 : memref<!tpu.dma_semaphore, #tpu.memory_space<semaphore_mem>>)
      %add3A_434 = arith.constant 27001728 : i32
      %add3A_435 = arith.addi %add3A_434, %mul3A_136 : i32
      %dma_start3A_436 = arith.constant 27 : i32
      %dma_start3A_437 = arith.constant 0 : i32
      %dma_start3A_438 = tpu.memref_slice %arg5[%rem3A_115, %dma_start3A_436, %dma_start3A_437] : memref<3x32x512xf32, #tpu.memory_space<vmem>> -> memref<1x1x512xf32, #tpu.memory_space<vmem>>
      %dma_start3A_439 = tpu.memref_squeeze %dma_start3A_438 : memref<1x1x512xf32, #tpu.memory_space<vmem>> -> memref<512xf32, #tpu.memory_space<vmem>>
      %dma_start3A_440 = tpu.memref_slice %arg4[%add3A_435] : memref<32002048xf32, #tpu.memory_space<hbm>> -> memref<512xf32, #tpu.memory_space<hbm>>
      %dma_start3A_441 = tpu.memref_slice %arg4[%add3A_435] : memref<32002048xf32, #tpu.memory_space<hbm>> -> memref<512xf32, #tpu.memory_space<hbm>>
      %dma_start3A_442 = arith.constant 0 : i32
      %dma_start3A_443 = tpu.memref_slice %arg5[%rem3A_115, %dma_start3A_436, %dma_start3A_442] : memref<3x32x512xf32, #tpu.memory_space<vmem>> -> memref<1x1x512xf32, #tpu.memory_space<vmem>>
      %dma_start3A_444 = tpu.memref_squeeze %dma_start3A_443 : memref<1x1x512xf32, #tpu.memory_space<vmem>> -> memref<512xf32, #tpu.memory_space<vmem>>
      tpu.enqueue_dma source(%dma_start3A_444 : memref<512xf32, #tpu.memory_space<vmem>>) target(%dma_start3A_441 : memref<512xf32, #tpu.memory_space<hbm>>) target_semaphore(%arg7 : memref<!tpu.dma_semaphore, #tpu.memory_space<semaphore_mem>>)
      %add3A_445 = arith.constant 28001792 : i32
      %add3A_446 = arith.addi %add3A_445, %mul3A_136 : i32
      %dma_start3A_447 = arith.constant 28 : i32
      %dma_start3A_448 = arith.constant 0 : i32
      %dma_start3A_449 = tpu.memref_slice %arg5[%rem3A_115, %dma_start3A_447, %dma_start3A_448] : memref<3x32x512xf32, #tpu.memory_space<vmem>> -> memref<1x1x512xf32, #tpu.memory_space<vmem>>
      %dma_start3A_450 = tpu.memref_squeeze %dma_start3A_449 : memref<1x1x512xf32, #tpu.memory_space<vmem>> -> memref<512xf32, #tpu.memory_space<vmem>>
      %dma_start3A_451 = tpu.memref_slice %arg4[%add3A_446] : memref<32002048xf32, #tpu.memory_space<hbm>> -> memref<512xf32, #tpu.memory_space<hbm>>
      %dma_start3A_452 = tpu.memref_slice %arg4[%add3A_446] : memref<32002048xf32, #tpu.memory_space<hbm>> -> memref<512xf32, #tpu.memory_space<hbm>>
      %dma_start3A_453 = arith.constant 0 : i32
      %dma_start3A_454 = tpu.memref_slice %arg5[%rem3A_115, %dma_start3A_447, %dma_start3A_453] : memref<3x32x512xf32, #tpu.memory_space<vmem>> -> memref<1x1x512xf32, #tpu.memory_space<vmem>>
      %dma_start3A_455 = tpu.memref_squeeze %dma_start3A_454 : memref<1x1x512xf32, #tpu.memory_space<vmem>> -> memref<512xf32, #tpu.memory_space<vmem>>
      tpu.enqueue_dma source(%dma_start3A_455 : memref<512xf32, #tpu.memory_space<vmem>>) target(%dma_start3A_452 : memref<512xf32, #tpu.memory_space<hbm>>) target_semaphore(%arg7 : memref<!tpu.dma_semaphore, #tpu.memory_space<semaphore_mem>>)
      %add3A_456 = arith.constant 29001856 : i32
      %add3A_457 = arith.addi %add3A_456, %mul3A_136 : i32
      %dma_start3A_458 = arith.constant 29 : i32
      %dma_start3A_459 = arith.constant 0 : i32
      %dma_start3A_460 = tpu.memref_slice %arg5[%rem3A_115, %dma_start3A_458, %dma_start3A_459] : memref<3x32x512xf32, #tpu.memory_space<vmem>> -> memref<1x1x512xf32, #tpu.memory_space<vmem>>
      %dma_start3A_461 = tpu.memref_squeeze %dma_start3A_460 : memref<1x1x512xf32, #tpu.memory_space<vmem>> -> memref<512xf32, #tpu.memory_space<vmem>>
      %dma_start3A_462 = tpu.memref_slice %arg4[%add3A_457] : memref<32002048xf32, #tpu.memory_space<hbm>> -> memref<512xf32, #tpu.memory_space<hbm>>
      %dma_start3A_463 = tpu.memref_slice %arg4[%add3A_457] : memref<32002048xf32, #tpu.memory_space<hbm>> -> memref<512xf32, #tpu.memory_space<hbm>>
      %dma_start3A_464 = arith.constant 0 : i32
      %dma_start3A_465 = tpu.memref_slice %arg5[%rem3A_115, %dma_start3A_458, %dma_start3A_464] : memref<3x32x512xf32, #tpu.memory_space<vmem>> -> memref<1x1x512xf32, #tpu.memory_space<vmem>>
      %dma_start3A_466 = tpu.memref_squeeze %dma_start3A_465 : memref<1x1x512xf32, #tpu.memory_space<vmem>> -> memref<512xf32, #tpu.memory_space<vmem>>
      tpu.enqueue_dma source(%dma_start3A_466 : memref<512xf32, #tpu.memory_space<vmem>>) target(%dma_start3A_463 : memref<512xf32, #tpu.memory_space<hbm>>) target_semaphore(%arg7 : memref<!tpu.dma_semaphore, #tpu.memory_space<semaphore_mem>>)
      %add3A_467 = arith.constant 30001920 : i32
      %add3A_468 = arith.addi %add3A_467, %mul3A_136 : i32
      %dma_start3A_469 = arith.constant 30 : i32
      %dma_start3A_470 = arith.constant 0 : i32
      %dma_start3A_471 = tpu.memref_slice %arg5[%rem3A_115, %dma_start3A_469, %dma_start3A_470] : memref<3x32x512xf32, #tpu.memory_space<vmem>> -> memref<1x1x512xf32, #tpu.memory_space<vmem>>
      %dma_start3A_472 = tpu.memref_squeeze %dma_start3A_471 : memref<1x1x512xf32, #tpu.memory_space<vmem>> -> memref<512xf32, #tpu.memory_space<vmem>>
      %dma_start3A_473 = tpu.memref_slice %arg4[%add3A_468] : memref<32002048xf32, #tpu.memory_space<hbm>> -> memref<512xf32, #tpu.memory_space<hbm>>
      %dma_start3A_474 = tpu.memref_slice %arg4[%add3A_468] : memref<32002048xf32, #tpu.memory_space<hbm>> -> memref<512xf32, #tpu.memory_space<hbm>>
      %dma_start3A_475 = arith.constant 0 : i32
      %dma_start3A_476 = tpu.memref_slice %arg5[%rem3A_115, %dma_start3A_469, %dma_start3A_475] : memref<3x32x512xf32, #tpu.memory_space<vmem>> -> memref<1x1x512xf32, #tpu.memory_space<vmem>>
      %dma_start3A_477 = tpu.memref_squeeze %dma_start3A_476 : memref<1x1x512xf32, #tpu.memory_space<vmem>> -> memref<512xf32, #tpu.memory_space<vmem>>
      tpu.enqueue_dma source(%dma_start3A_477 : memref<512xf32, #tpu.memory_space<vmem>>) target(%dma_start3A_474 : memref<512xf32, #tpu.memory_space<hbm>>) target_semaphore(%arg7 : memref<!tpu.dma_semaphore, #tpu.memory_space<semaphore_mem>>)
      %add3A_478 = arith.constant 31001984 : i32
      %add3A_479 = arith.addi %add3A_478, %mul3A_136 : i32
      %dma_start3A_480 = arith.constant 31 : i32
      %dma_start3A_481 = arith.constant 0 : i32
      %dma_start3A_482 = tpu.memref_slice %arg5[%rem3A_115, %dma_start3A_480, %dma_start3A_481] : memref<3x32x512xf32, #tpu.memory_space<vmem>> -> memref<1x1x512xf32, #tpu.memory_space<vmem>>
      %dma_start3A_483 = tpu.memref_squeeze %dma_start3A_482 : memref<1x1x512xf32, #tpu.memory_space<vmem>> -> memref<512xf32, #tpu.memory_space<vmem>>
      %dma_start3A_484 = tpu.memref_slice %arg4[%add3A_479] : memref<32002048xf32, #tpu.memory_space<hbm>> -> memref<512xf32, #tpu.memory_space<hbm>>
      %dma_start3A_485 = tpu.memref_slice %arg4[%add3A_479] : memref<32002048xf32, #tpu.memory_space<hbm>> -> memref<512xf32, #tpu.memory_space<hbm>>
      %dma_start3A_486 = arith.constant 0 : i32
      %dma_start3A_487 = tpu.memref_slice %arg5[%rem3A_115, %dma_start3A_480, %dma_start3A_486] : memref<3x32x512xf32, #tpu.memory_space<vmem>> -> memref<1x1x512xf32, #tpu.memory_space<vmem>>
      %dma_start3A_488 = tpu.memref_squeeze %dma_start3A_487 : memref<1x1x512xf32, #tpu.memory_space<vmem>> -> memref<512xf32, #tpu.memory_space<vmem>>
      tpu.enqueue_dma source(%dma_start3A_488 : memref<512xf32, #tpu.memory_space<vmem>>) target(%dma_start3A_485 : memref<512xf32, #tpu.memory_space<hbm>>) target_semaphore(%arg7 : memref<!tpu.dma_semaphore, #tpu.memory_space<semaphore_mem>>)
      %add3A_489 = arith.constant 3 : i32
      %add3A_490 = arith.addi %scan3A_114, %add3A_489 : i32
      %lt3A_491 = arith.constant 61 : i32
      %lt3A_492 = arith.cmpi slt, %add3A_490, %lt3A_491 : i32
      %convert_element_type3A_493 = arith.extui %lt3A_492 : i1 to i32
      %cond3A_494 = arith.constant 0 : i32
      %cond3A_495 = arith.cmpi ne, %convert_element_type3A_493, %cond3A_494 : i32
      scf.if %cond3A_495 {
        %add3A_496 = arith.constant 0 : i32
        %add3A_497 = arith.addi %mul3A_2, %add3A_496 : i32
        %mul3A_498 = arith.constant 128 : i32
        %mul3A_499 = arith.muli %add3A_497, %mul3A_498 : i32
        %dma_wait3A_500 = arith.constant 0 : i32
        %dma_wait3A_501 = arith.constant 0 : i32
        %dma_wait3A_502 = tpu.memref_slice %arg5[%rem3A_115, %dma_wait3A_500, %dma_wait3A_501] : memref<3x32x512xf32, #tpu.memory_space<vmem>> -> memref<1x32x512xf32, #tpu.memory_space<vmem>>
        %dma_wait3A_503 = tpu.memref_squeeze %dma_wait3A_502 : memref<1x32x512xf32, #tpu.memory_space<vmem>> -> memref<32x512xf32, #tpu.memory_space<vmem>>
        %dma_wait3A_504 = arith.constant 0 : i32
        %dma_wait3A_505 = tpu.memref_slice %arg2[%dma_wait3A_504, %mul3A_499] : memref<32x1000001xf32, #tpu.memory_space<hbm>> -> memref<32x512xf32, #tpu.memory_space<hbm>>
        %dma_wait3A_506 = arith.constant 0 : i32
        %dma_wait3A_507 = arith.constant 0 : i32
        %dma_wait3A_508 = tpu.memref_slice %arg5[%rem3A_115, %dma_wait3A_506, %dma_wait3A_507] : memref<3x32x512xf32, #tpu.memory_space<vmem>> -> memref<1x32x512xf32, #tpu.memory_space<vmem>>
        %dma_wait3A_509 = tpu.memref_squeeze %dma_wait3A_508 : memref<1x32x512xf32, #tpu.memory_space<vmem>> -> memref<32x512xf32, #tpu.memory_space<vmem>>
        %dma_wait3A_510 = arith.constant 0 : i32
        %dma_wait3A_511 = tpu.memref_slice %arg2[%dma_wait3A_510, %mul3A_499] : memref<32x1000001xf32, #tpu.memory_space<hbm>> -> memref<32x512xf32, #tpu.memory_space<hbm>>
        tpu.wait_dma2 semaphore(%arg7 : memref<!tpu.dma_semaphore, #tpu.memory_space<semaphore_mem>>) src(%dma_wait3A_511 : memref<32x512xf32, #tpu.memory_space<hbm>>) dst(%dma_wait3A_509 : memref<32x512xf32, #tpu.memory_space<vmem>>)
        %add3A_512 = arith.constant 3 : i32
        %add3A_513 = arith.addi %scan3A_114, %add3A_512 : i32
        %mul3A_514 = arith.constant 4 : i32
        %mul3A_515 = arith.muli %add3A_513, %mul3A_514 : i32
        %add3A_516 = arith.addi %mul3A_2, %mul3A_515 : i32
        %mul3A_517 = arith.constant 128 : i32
        %mul3A_518 = arith.muli %add3A_516, %mul3A_517 : i32
        %dma_start3A_519 = arith.constant 0 : i32
        %dma_start3A_520 = arith.constant 0 : i32
        %dma_start3A_521 = tpu.memref_slice %arg5[%rem3A_115, %dma_start3A_519, %dma_start3A_520] : memref<3x32x512xf32, #tpu.memory_space<vmem>> -> memref<1x32x512xf32, #tpu.memory_space<vmem>>
        %dma_start3A_522 = tpu.memref_squeeze %dma_start3A_521 : memref<1x32x512xf32, #tpu.memory_space<vmem>> -> memref<32x512xf32, #tpu.memory_space<vmem>>
        %dma_start3A_523 = arith.constant 0 : i32
        %dma_start3A_524 = tpu.memref_slice %arg2[%dma_start3A_523, %mul3A_518] : memref<32x1000001xf32, #tpu.memory_space<hbm>> -> memref<32x512xf32, #tpu.memory_space<hbm>>
        %dma_start3A_525 = arith.constant 0 : i32
        %dma_start3A_526 = arith.constant 0 : i32
        %dma_start3A_527 = tpu.memref_slice %arg5[%rem3A_115, %dma_start3A_525, %dma_start3A_526] : memref<3x32x512xf32, #tpu.memory_space<vmem>> -> memref<1x32x512xf32, #tpu.memory_space<vmem>>
        %dma_start3A_528 = tpu.memref_squeeze %dma_start3A_527 : memref<1x32x512xf32, #tpu.memory_space<vmem>> -> memref<32x512xf32, #tpu.memory_space<vmem>>
        %dma_start3A_529 = arith.constant 0 : i32
        %dma_start3A_530 = tpu.memref_slice %arg2[%dma_start3A_529, %mul3A_518] : memref<32x1000001xf32, #tpu.memory_space<hbm>> -> memref<32x512xf32, #tpu.memory_space<hbm>>
        tpu.enqueue_dma source(%dma_start3A_530 : memref<32x512xf32, #tpu.memory_space<hbm>>) target(%dma_start3A_528 : memref<32x512xf32, #tpu.memory_space<vmem>>) target_semaphore(%arg6 : memref<!tpu.dma_semaphore, #tpu.memory_space<semaphore_mem>>)
      } else {
      }
    }
    %scan3A_57 = arith.constant 61 : i32
    %add3A_58 = arith.constant 0 : i32
    %add3A_59 = arith.addi %mul3A_2, %add3A_58 : i32
    %mul3A_60 = arith.constant 128 : i32
    %mul3A_61 = arith.muli %add3A_59, %mul3A_60 : i32
    %dma_wait3A = arith.constant 0 : i32
    %dma_wait3A_62 = arith.constant 0 : i32
    %dma_wait3A_63 = arith.constant 0 : i32
    %dma_wait3A_64 = tpu.memref_slice %arg5[%dma_wait3A, %dma_wait3A_62, %dma_wait3A_63] : memref<3x32x512xf32, #tpu.memory_space<vmem>> -> memref<1x32x512xf32, #tpu.memory_space<vmem>>
    %dma_wait3A_65 = tpu.memref_squeeze %dma_wait3A_64 : memref<1x32x512xf32, #tpu.memory_space<vmem>> -> memref<32x512xf32, #tpu.memory_space<vmem>>
    %dma_wait3A_66 = arith.constant 0 : i32
    %dma_wait3A_67 = tpu.memref_slice %arg2[%dma_wait3A_66, %mul3A_61] : memref<32x1000001xf32, #tpu.memory_space<hbm>> -> memref<32x512xf32, #tpu.memory_space<hbm>>
    %dma_wait3A_68 = arith.constant 0 : i32
    %dma_wait3A_69 = arith.constant 0 : i32
    %dma_wait3A_70 = tpu.memref_slice %arg5[%dma_wait3A, %dma_wait3A_68, %dma_wait3A_69] : memref<3x32x512xf32, #tpu.memory_space<vmem>> -> memref<1x32x512xf32, #tpu.memory_space<vmem>>
    %dma_wait3A_71 = tpu.memref_squeeze %dma_wait3A_70 : memref<1x32x512xf32, #tpu.memory_space<vmem>> -> memref<32x512xf32, #tpu.memory_space<vmem>>
    %dma_wait3A_72 = arith.constant 0 : i32
    %dma_wait3A_73 = tpu.memref_slice %arg2[%dma_wait3A_72, %mul3A_61] : memref<32x1000001xf32, #tpu.memory_space<hbm>> -> memref<32x512xf32, #tpu.memory_space<hbm>>
    tpu.wait_dma2 semaphore(%arg7 : memref<!tpu.dma_semaphore, #tpu.memory_space<semaphore_mem>>) src(%dma_wait3A_73 : memref<32x512xf32, #tpu.memory_space<hbm>>) dst(%dma_wait3A_71 : memref<32x512xf32, #tpu.memory_space<vmem>>)
    %add3A_74 = arith.constant 0 : i32
    %add3A_75 = arith.addi %mul3A_2, %add3A_74 : i32
    %mul3A_76 = arith.constant 128 : i32
    %mul3A_77 = arith.muli %add3A_75, %mul3A_76 : i32
    %dma_wait3A_78 = arith.constant 1 : i32
    %dma_wait3A_79 = arith.constant 0 : i32
    %dma_wait3A_80 = arith.constant 0 : i32
    %dma_wait3A_81 = tpu.memref_slice %arg5[%dma_wait3A_78, %dma_wait3A_79, %dma_wait3A_80] : memref<3x32x512xf32, #tpu.memory_space<vmem>> -> memref<1x32x512xf32, #tpu.memory_space<vmem>>
    %dma_wait3A_82 = tpu.memref_squeeze %dma_wait3A_81 : memref<1x32x512xf32, #tpu.memory_space<vmem>> -> memref<32x512xf32, #tpu.memory_space<vmem>>
    %dma_wait3A_83 = arith.constant 0 : i32
    %dma_wait3A_84 = tpu.memref_slice %arg2[%dma_wait3A_83, %mul3A_77] : memref<32x1000001xf32, #tpu.memory_space<hbm>> -> memref<32x512xf32, #tpu.memory_space<hbm>>
    %dma_wait3A_85 = arith.constant 0 : i32
    %dma_wait3A_86 = arith.constant 0 : i32
    %dma_wait3A_87 = tpu.memref_slice %arg5[%dma_wait3A_78, %dma_wait3A_85, %dma_wait3A_86] : memref<3x32x512xf32, #tpu.memory_space<vmem>> -> memref<1x32x512xf32, #tpu.memory_space<vmem>>
    %dma_wait3A_88 = tpu.memref_squeeze %dma_wait3A_87 : memref<1x32x512xf32, #tpu.memory_space<vmem>> -> memref<32x512xf32, #tpu.memory_space<vmem>>
    %dma_wait3A_89 = arith.constant 0 : i32
    %dma_wait3A_90 = tpu.memref_slice %arg2[%dma_wait3A_89, %mul3A_77] : memref<32x1000001xf32, #tpu.memory_space<hbm>> -> memref<32x512xf32, #tpu.memory_space<hbm>>
    tpu.wait_dma2 semaphore(%arg7 : memref<!tpu.dma_semaphore, #tpu.memory_space<semaphore_mem>>) src(%dma_wait3A_90 : memref<32x512xf32, #tpu.memory_space<hbm>>) dst(%dma_wait3A_88 : memref<32x512xf32, #tpu.memory_space<vmem>>)
    %add3A_91 = arith.constant 0 : i32
    %add3A_92 = arith.addi %mul3A_2, %add3A_91 : i32
    %mul3A_93 = arith.constant 128 : i32
    %mul3A_94 = arith.muli %add3A_92, %mul3A_93 : i32
    %dma_wait3A_95 = arith.constant 2 : i32
    %dma_wait3A_96 = arith.constant 0 : i32
    %dma_wait3A_97 = arith.constant 0 : i32
    %dma_wait3A_98 = tpu.memref_slice %arg5[%dma_wait3A_95, %dma_wait3A_96, %dma_wait3A_97] : memref<3x32x512xf32, #tpu.memory_space<vmem>> -> memref<1x32x512xf32, #tpu.memory_space<vmem>>
    %dma_wait3A_99 = tpu.memref_squeeze %dma_wait3A_98 : memref<1x32x512xf32, #tpu.memory_space<vmem>> -> memref<32x512xf32, #tpu.memory_space<vmem>>
    %dma_wait3A_100 = arith.constant 0 : i32
    %dma_wait3A_101 = tpu.memref_slice %arg2[%dma_wait3A_100, %mul3A_94] : memref<32x1000001xf32, #tpu.memory_space<hbm>> -> memref<32x512xf32, #tpu.memory_space<hbm>>
    %dma_wait3A_102 = arith.constant 0 : i32
    %dma_wait3A_103 = arith.constant 0 : i32
    %dma_wait3A_104 = tpu.memref_slice %arg5[%dma_wait3A_95, %dma_wait3A_102, %dma_wait3A_103] : memref<3x32x512xf32, #tpu.memory_space<vmem>> -> memref<1x32x512xf32, #tpu.memory_space<vmem>>
    %dma_wait3A_105 = tpu.memref_squeeze %dma_wait3A_104 : memref<1x32x512xf32, #tpu.memory_space<vmem>> -> memref<32x512xf32, #tpu.memory_space<vmem>>
    %dma_wait3A_106 = arith.constant 0 : i32
    %dma_wait3A_107 = tpu.memref_slice %arg2[%dma_wait3A_106, %mul3A_94] : memref<32x1000001xf32, #tpu.memory_space<hbm>> -> memref<32x512xf32, #tpu.memory_space<hbm>>
    tpu.wait_dma2 semaphore(%arg7 : memref<!tpu.dma_semaphore, #tpu.memory_space<semaphore_mem>>) src(%dma_wait3A_107 : memref<32x512xf32, #tpu.memory_space<hbm>>) dst(%dma_wait3A_105 : memref<32x512xf32, #tpu.memory_space<vmem>>)
    %lt3A = arith.constant 4 : i32
    %lt3A_108 = arith.cmpi slt, %add3A, %lt3A : i32
    %convert_element_type3A = arith.extui %lt3A_108 : i1 to i32
    %cond3A = arith.constant 0 : i32
    %cond3A_109 = arith.cmpi ne, %convert_element_type3A, %cond3A : i32
    scf.if %cond3A_109 {
      %add3A_114 = arith.constant 7808 : i32
      %add3A_115 = arith.addi %add3A_114, %add3A : i32
      %mul3A_116 = arith.constant 128 : i32
      %mul3A_117 = arith.muli %add3A_115, %mul3A_116 : i32
      %run_scoped3A = arith.constant 0 : i32
      "tpu.region"() ({
        %run_scoped3A_581 = tpu.sem_alloc : memref<!tpu.dma_semaphore, #tpu.memory_space<semaphore_mem>>
        %dma_start3A_582 = arith.constant 0 : i32
        %dma_start3A_583 = arith.constant 0 : i32
        %dma_start3A_584 = tpu.memref_slice %arg5[%run_scoped3A, %dma_start3A_582, %dma_start3A_583] : memref<3x32x512xf32, #tpu.memory_space<vmem>> -> memref<1x32x128xf32, #tpu.memory_space<vmem>>
        %dma_start3A_585 = tpu.memref_squeeze %dma_start3A_584 : memref<1x32x128xf32, #tpu.memory_space<vmem>> -> memref<32x128xf32, #tpu.memory_space<vmem>>
        %dma_start3A_586 = arith.constant 0 : i32
        %dma_start3A_587 = tpu.memref_slice %arg2[%dma_start3A_586, %mul3A_117] : memref<32x1000001xf32, #tpu.memory_space<hbm>> -> memref<32x128xf32, #tpu.memory_space<hbm>>
        %dma_start3A_588 = arith.constant 0 : i32
        %dma_start3A_589 = arith.constant 0 : i32
        %dma_start3A_590 = tpu.memref_slice %arg5[%run_scoped3A, %dma_start3A_588, %dma_start3A_589] : memref<3x32x512xf32, #tpu.memory_space<vmem>> -> memref<1x32x128xf32, #tpu.memory_space<vmem>>
        %dma_start3A_591 = tpu.memref_squeeze %dma_start3A_590 : memref<1x32x128xf32, #tpu.memory_space<vmem>> -> memref<32x128xf32, #tpu.memory_space<vmem>>
        %dma_start3A_592 = arith.constant 0 : i32
        %dma_start3A_593 = tpu.memref_slice %arg2[%dma_start3A_592, %mul3A_117] : memref<32x1000001xf32, #tpu.memory_space<hbm>> -> memref<32x128xf32, #tpu.memory_space<hbm>>
        tpu.enqueue_dma source(%dma_start3A_593 : memref<32x128xf32, #tpu.memory_space<hbm>>) target(%dma_start3A_591 : memref<32x128xf32, #tpu.memory_space<vmem>>) target_semaphore(%run_scoped3A_581 : memref<!tpu.dma_semaphore, #tpu.memory_space<semaphore_mem>>)
        %dma_wait3A_594 = arith.constant 0 : i32
        %dma_wait3A_595 = arith.constant 0 : i32
        %dma_wait3A_596 = tpu.memref_slice %arg5[%run_scoped3A, %dma_wait3A_594, %dma_wait3A_595] : memref<3x32x512xf32, #tpu.memory_space<vmem>> -> memref<1x32x128xf32, #tpu.memory_space<vmem>>
        %dma_wait3A_597 = tpu.memref_squeeze %dma_wait3A_596 : memref<1x32x128xf32, #tpu.memory_space<vmem>> -> memref<32x128xf32, #tpu.memory_space<vmem>>
        %dma_wait3A_598 = arith.constant 0 : i32
        %dma_wait3A_599 = tpu.memref_slice %arg2[%dma_wait3A_598, %mul3A_117] : memref<32x1000001xf32, #tpu.memory_space<hbm>> -> memref<32x128xf32, #tpu.memory_space<hbm>>
        %dma_wait3A_600 = arith.constant 0 : i32
        %dma_wait3A_601 = arith.constant 0 : i32
        %dma_wait3A_602 = tpu.memref_slice %arg5[%run_scoped3A, %dma_wait3A_600, %dma_wait3A_601] : memref<3x32x512xf32, #tpu.memory_space<vmem>> -> memref<1x32x128xf32, #tpu.memory_space<vmem>>
        %dma_wait3A_603 = tpu.memref_squeeze %dma_wait3A_602 : memref<1x32x128xf32, #tpu.memory_space<vmem>> -> memref<32x128xf32, #tpu.memory_space<vmem>>
        %dma_wait3A_604 = arith.constant 0 : i32
        %dma_wait3A_605 = tpu.memref_slice %arg2[%dma_wait3A_604, %mul3A_117] : memref<32x1000001xf32, #tpu.memory_space<hbm>> -> memref<32x128xf32, #tpu.memory_space<hbm>>
        tpu.wait_dma2 semaphore(%run_scoped3A_581 : memref<!tpu.dma_semaphore, #tpu.memory_space<semaphore_mem>>) src(%dma_wait3A_605 : memref<32x128xf32, #tpu.memory_space<hbm>>) dst(%dma_wait3A_603 : memref<32x128xf32, #tpu.memory_space<vmem>>)
        tpu.yield
      }) : () -> ()
      %mul3A_118 = arith.constant 128 : i32
      %mul3A_119 = arith.muli %add3A_115, %mul3A_118 : i32
      %add3A_120 = arith.constant 0 : i32
      %add3A_121 = arith.addi %add3A_120, %mul3A_119 : i32
      %dma_start3A_122 = arith.constant 0 : i32
      %dma_start3A_123 = arith.constant 0 : i32
      %dma_start3A_124 = arith.constant 0 : i32
      %dma_start3A_125 = tpu.memref_slice %arg5[%dma_start3A_122, %dma_start3A_123, %dma_start3A_124] : memref<3x32x512xf32, #tpu.memory_space<vmem>> -> memref<1x1x128xf32, #tpu.memory_space<vmem>>
      %dma_start3A_126 = tpu.memref_squeeze %dma_start3A_125 : memref<1x1x128xf32, #tpu.memory_space<vmem>> -> memref<128xf32, #tpu.memory_space<vmem>>
      %dma_start3A_127 = tpu.memref_slice %arg4[%add3A_121] : memref<32002048xf32, #tpu.memory_space<hbm>> -> memref<128xf32, #tpu.memory_space<hbm>>
      %dma_start3A_128 = tpu.memref_slice %arg4[%add3A_121] : memref<32002048xf32, #tpu.memory_space<hbm>> -> memref<128xf32, #tpu.memory_space<hbm>>
      %dma_start3A_129 = arith.constant 0 : i32
      %dma_start3A_130 = tpu.memref_slice %arg5[%dma_start3A_122, %dma_start3A_123, %dma_start3A_129] : memref<3x32x512xf32, #tpu.memory_space<vmem>> -> memref<1x1x128xf32, #tpu.memory_space<vmem>>
      %dma_start3A_131 = tpu.memref_squeeze %dma_start3A_130 : memref<1x1x128xf32, #tpu.memory_space<vmem>> -> memref<128xf32, #tpu.memory_space<vmem>>
      tpu.enqueue_dma source(%dma_start3A_131 : memref<128xf32, #tpu.memory_space<vmem>>) target(%dma_start3A_128 : memref<128xf32, #tpu.memory_space<hbm>>) target_semaphore(%arg7 : memref<!tpu.dma_semaphore, #tpu.memory_space<semaphore_mem>>)
      %mul3A_132 = arith.constant 128 : i32
      %mul3A_133 = arith.muli %add3A_115, %mul3A_132 : i32
      %add3A_134 = arith.constant 1000064 : i32
      %add3A_135 = arith.addi %add3A_134, %mul3A_133 : i32
      %dma_start3A_136 = arith.constant 0 : i32
      %dma_start3A_137 = arith.constant 1 : i32
      %dma_start3A_138 = arith.constant 0 : i32
      %dma_start3A_139 = tpu.memref_slice %arg5[%dma_start3A_136, %dma_start3A_137, %dma_start3A_138] : memref<3x32x512xf32, #tpu.memory_space<vmem>> -> memref<1x1x128xf32, #tpu.memory_space<vmem>>
      %dma_start3A_140 = tpu.memref_squeeze %dma_start3A_139 : memref<1x1x128xf32, #tpu.memory_space<vmem>> -> memref<128xf32, #tpu.memory_space<vmem>>
      %dma_start3A_141 = tpu.memref_slice %arg4[%add3A_135] : memref<32002048xf32, #tpu.memory_space<hbm>> -> memref<128xf32, #tpu.memory_space<hbm>>
      %dma_start3A_142 = tpu.memref_slice %arg4[%add3A_135] : memref<32002048xf32, #tpu.memory_space<hbm>> -> memref<128xf32, #tpu.memory_space<hbm>>
      %dma_start3A_143 = arith.constant 0 : i32
      %dma_start3A_144 = tpu.memref_slice %arg5[%dma_start3A_136, %dma_start3A_137, %dma_start3A_143] : memref<3x32x512xf32, #tpu.memory_space<vmem>> -> memref<1x1x128xf32, #tpu.memory_space<vmem>>
      %dma_start3A_145 = tpu.memref_squeeze %dma_start3A_144 : memref<1x1x128xf32, #tpu.memory_space<vmem>> -> memref<128xf32, #tpu.memory_space<vmem>>
      tpu.enqueue_dma source(%dma_start3A_145 : memref<128xf32, #tpu.memory_space<vmem>>) target(%dma_start3A_142 : memref<128xf32, #tpu.memory_space<hbm>>) target_semaphore(%arg7 : memref<!tpu.dma_semaphore, #tpu.memory_space<semaphore_mem>>)
      %mul3A_146 = arith.constant 128 : i32
      %mul3A_147 = arith.muli %add3A_115, %mul3A_146 : i32
      %add3A_148 = arith.constant 2000128 : i32
      %add3A_149 = arith.addi %add3A_148, %mul3A_147 : i32
      %dma_start3A_150 = arith.constant 0 : i32
      %dma_start3A_151 = arith.constant 2 : i32
      %dma_start3A_152 = arith.constant 0 : i32
      %dma_start3A_153 = tpu.memref_slice %arg5[%dma_start3A_150, %dma_start3A_151, %dma_start3A_152] : memref<3x32x512xf32, #tpu.memory_space<vmem>> -> memref<1x1x128xf32, #tpu.memory_space<vmem>>
      %dma_start3A_154 = tpu.memref_squeeze %dma_start3A_153 : memref<1x1x128xf32, #tpu.memory_space<vmem>> -> memref<128xf32, #tpu.memory_space<vmem>>
      %dma_start3A_155 = tpu.memref_slice %arg4[%add3A_149] : memref<32002048xf32, #tpu.memory_space<hbm>> -> memref<128xf32, #tpu.memory_space<hbm>>
      %dma_start3A_156 = tpu.memref_slice %arg4[%add3A_149] : memref<32002048xf32, #tpu.memory_space<hbm>> -> memref<128xf32, #tpu.memory_space<hbm>>
      %dma_start3A_157 = arith.constant 0 : i32
      %dma_start3A_158 = tpu.memref_slice %arg5[%dma_start3A_150, %dma_start3A_151, %dma_start3A_157] : memref<3x32x512xf32, #tpu.memory_space<vmem>> -> memref<1x1x128xf32, #tpu.memory_space<vmem>>
      %dma_start3A_159 = tpu.memref_squeeze %dma_start3A_158 : memref<1x1x128xf32, #tpu.memory_space<vmem>> -> memref<128xf32, #tpu.memory_space<vmem>>
      tpu.enqueue_dma source(%dma_start3A_159 : memref<128xf32, #tpu.memory_space<vmem>>) target(%dma_start3A_156 : memref<128xf32, #tpu.memory_space<hbm>>) target_semaphore(%arg7 : memref<!tpu.dma_semaphore, #tpu.memory_space<semaphore_mem>>)
      %mul3A_160 = arith.constant 128 : i32
      %mul3A_161 = arith.muli %add3A_115, %mul3A_160 : i32
      %add3A_162 = arith.constant 3000192 : i32
      %add3A_163 = arith.addi %add3A_162, %mul3A_161 : i32
      %dma_start3A_164 = arith.constant 0 : i32
      %dma_start3A_165 = arith.constant 3 : i32
      %dma_start3A_166 = arith.constant 0 : i32
      %dma_start3A_167 = tpu.memref_slice %arg5[%dma_start3A_164, %dma_start3A_165, %dma_start3A_166] : memref<3x32x512xf32, #tpu.memory_space<vmem>> -> memref<1x1x128xf32, #tpu.memory_space<vmem>>
      %dma_start3A_168 = tpu.memref_squeeze %dma_start3A_167 : memref<1x1x128xf32, #tpu.memory_space<vmem>> -> memref<128xf32, #tpu.memory_space<vmem>>
      %dma_start3A_169 = tpu.memref_slice %arg4[%add3A_163] : memref<32002048xf32, #tpu.memory_space<hbm>> -> memref<128xf32, #tpu.memory_space<hbm>>
      %dma_start3A_170 = tpu.memref_slice %arg4[%add3A_163] : memref<32002048xf32, #tpu.memory_space<hbm>> -> memref<128xf32, #tpu.memory_space<hbm>>
      %dma_start3A_171 = arith.constant 0 : i32
      %dma_start3A_172 = tpu.memref_slice %arg5[%dma_start3A_164, %dma_start3A_165, %dma_start3A_171] : memref<3x32x512xf32, #tpu.memory_space<vmem>> -> memref<1x1x128xf32, #tpu.memory_space<vmem>>
      %dma_start3A_173 = tpu.memref_squeeze %dma_start3A_172 : memref<1x1x128xf32, #tpu.memory_space<vmem>> -> memref<128xf32, #tpu.memory_space<vmem>>
      tpu.enqueue_dma source(%dma_start3A_173 : memref<128xf32, #tpu.memory_space<vmem>>) target(%dma_start3A_170 : memref<128xf32, #tpu.memory_space<hbm>>) target_semaphore(%arg7 : memref<!tpu.dma_semaphore, #tpu.memory_space<semaphore_mem>>)
      %mul3A_174 = arith.constant 128 : i32
      %mul3A_175 = arith.muli %add3A_115, %mul3A_174 : i32
      %add3A_176 = arith.constant 4000256 : i32
      %add3A_177 = arith.addi %add3A_176, %mul3A_175 : i32
      %dma_start3A_178 = arith.constant 0 : i32
      %dma_start3A_179 = arith.constant 4 : i32
      %dma_start3A_180 = arith.constant 0 : i32
      %dma_start3A_181 = tpu.memref_slice %arg5[%dma_start3A_178, %dma_start3A_179, %dma_start3A_180] : memref<3x32x512xf32, #tpu.memory_space<vmem>> -> memref<1x1x128xf32, #tpu.memory_space<vmem>>
      %dma_start3A_182 = tpu.memref_squeeze %dma_start3A_181 : memref<1x1x128xf32, #tpu.memory_space<vmem>> -> memref<128xf32, #tpu.memory_space<vmem>>
      %dma_start3A_183 = tpu.memref_slice %arg4[%add3A_177] : memref<32002048xf32, #tpu.memory_space<hbm>> -> memref<128xf32, #tpu.memory_space<hbm>>
      %dma_start3A_184 = tpu.memref_slice %arg4[%add3A_177] : memref<32002048xf32, #tpu.memory_space<hbm>> -> memref<128xf32, #tpu.memory_space<hbm>>
      %dma_start3A_185 = arith.constant 0 : i32
      %dma_start3A_186 = tpu.memref_slice %arg5[%dma_start3A_178, %dma_start3A_179, %dma_start3A_185] : memref<3x32x512xf32, #tpu.memory_space<vmem>> -> memref<1x1x128xf32, #tpu.memory_space<vmem>>
      %dma_start3A_187 = tpu.memref_squeeze %dma_start3A_186 : memref<1x1x128xf32, #tpu.memory_space<vmem>> -> memref<128xf32, #tpu.memory_space<vmem>>
      tpu.enqueue_dma source(%dma_start3A_187 : memref<128xf32, #tpu.memory_space<vmem>>) target(%dma_start3A_184 : memref<128xf32, #tpu.memory_space<hbm>>) target_semaphore(%arg7 : memref<!tpu.dma_semaphore, #tpu.memory_space<semaphore_mem>>)
      %mul3A_188 = arith.constant 128 : i32
      %mul3A_189 = arith.muli %add3A_115, %mul3A_188 : i32
      %add3A_190 = arith.constant 5000320 : i32
      %add3A_191 = arith.addi %add3A_190, %mul3A_189 : i32
      %dma_start3A_192 = arith.constant 0 : i32
      %dma_start3A_193 = arith.constant 5 : i32
      %dma_start3A_194 = arith.constant 0 : i32
      %dma_start3A_195 = tpu.memref_slice %arg5[%dma_start3A_192, %dma_start3A_193, %dma_start3A_194] : memref<3x32x512xf32, #tpu.memory_space<vmem>> -> memref<1x1x128xf32, #tpu.memory_space<vmem>>
      %dma_start3A_196 = tpu.memref_squeeze %dma_start3A_195 : memref<1x1x128xf32, #tpu.memory_space<vmem>> -> memref<128xf32, #tpu.memory_space<vmem>>
      %dma_start3A_197 = tpu.memref_slice %arg4[%add3A_191] : memref<32002048xf32, #tpu.memory_space<hbm>> -> memref<128xf32, #tpu.memory_space<hbm>>
      %dma_start3A_198 = tpu.memref_slice %arg4[%add3A_191] : memref<32002048xf32, #tpu.memory_space<hbm>> -> memref<128xf32, #tpu.memory_space<hbm>>
      %dma_start3A_199 = arith.constant 0 : i32
      %dma_start3A_200 = tpu.memref_slice %arg5[%dma_start3A_192, %dma_start3A_193, %dma_start3A_199] : memref<3x32x512xf32, #tpu.memory_space<vmem>> -> memref<1x1x128xf32, #tpu.memory_space<vmem>>
      %dma_start3A_201 = tpu.memref_squeeze %dma_start3A_200 : memref<1x1x128xf32, #tpu.memory_space<vmem>> -> memref<128xf32, #tpu.memory_space<vmem>>
      tpu.enqueue_dma source(%dma_start3A_201 : memref<128xf32, #tpu.memory_space<vmem>>) target(%dma_start3A_198 : memref<128xf32, #tpu.memory_space<hbm>>) target_semaphore(%arg7 : memref<!tpu.dma_semaphore, #tpu.memory_space<semaphore_mem>>)
      %mul3A_202 = arith.constant 128 : i32
      %mul3A_203 = arith.muli %add3A_115, %mul3A_202 : i32
      %add3A_204 = arith.constant 6000384 : i32
      %add3A_205 = arith.addi %add3A_204, %mul3A_203 : i32
      %dma_start3A_206 = arith.constant 0 : i32
      %dma_start3A_207 = arith.constant 6 : i32
      %dma_start3A_208 = arith.constant 0 : i32
      %dma_start3A_209 = tpu.memref_slice %arg5[%dma_start3A_206, %dma_start3A_207, %dma_start3A_208] : memref<3x32x512xf32, #tpu.memory_space<vmem>> -> memref<1x1x128xf32, #tpu.memory_space<vmem>>
      %dma_start3A_210 = tpu.memref_squeeze %dma_start3A_209 : memref<1x1x128xf32, #tpu.memory_space<vmem>> -> memref<128xf32, #tpu.memory_space<vmem>>
      %dma_start3A_211 = tpu.memref_slice %arg4[%add3A_205] : memref<32002048xf32, #tpu.memory_space<hbm>> -> memref<128xf32, #tpu.memory_space<hbm>>
      %dma_start3A_212 = tpu.memref_slice %arg4[%add3A_205] : memref<32002048xf32, #tpu.memory_space<hbm>> -> memref<128xf32, #tpu.memory_space<hbm>>
      %dma_start3A_213 = arith.constant 0 : i32
      %dma_start3A_214 = tpu.memref_slice %arg5[%dma_start3A_206, %dma_start3A_207, %dma_start3A_213] : memref<3x32x512xf32, #tpu.memory_space<vmem>> -> memref<1x1x128xf32, #tpu.memory_space<vmem>>
      %dma_start3A_215 = tpu.memref_squeeze %dma_start3A_214 : memref<1x1x128xf32, #tpu.memory_space<vmem>> -> memref<128xf32, #tpu.memory_space<vmem>>
      tpu.enqueue_dma source(%dma_start3A_215 : memref<128xf32, #tpu.memory_space<vmem>>) target(%dma_start3A_212 : memref<128xf32, #tpu.memory_space<hbm>>) target_semaphore(%arg7 : memref<!tpu.dma_semaphore, #tpu.memory_space<semaphore_mem>>)
      %mul3A_216 = arith.constant 128 : i32
      %mul3A_217 = arith.muli %add3A_115, %mul3A_216 : i32
      %add3A_218 = arith.constant 7000448 : i32
      %add3A_219 = arith.addi %add3A_218, %mul3A_217 : i32
      %dma_start3A_220 = arith.constant 0 : i32
      %dma_start3A_221 = arith.constant 7 : i32
      %dma_start3A_222 = arith.constant 0 : i32
      %dma_start3A_223 = tpu.memref_slice %arg5[%dma_start3A_220, %dma_start3A_221, %dma_start3A_222] : memref<3x32x512xf32, #tpu.memory_space<vmem>> -> memref<1x1x128xf32, #tpu.memory_space<vmem>>
      %dma_start3A_224 = tpu.memref_squeeze %dma_start3A_223 : memref<1x1x128xf32, #tpu.memory_space<vmem>> -> memref<128xf32, #tpu.memory_space<vmem>>
      %dma_start3A_225 = tpu.memref_slice %arg4[%add3A_219] : memref<32002048xf32, #tpu.memory_space<hbm>> -> memref<128xf32, #tpu.memory_space<hbm>>
      %dma_start3A_226 = tpu.memref_slice %arg4[%add3A_219] : memref<32002048xf32, #tpu.memory_space<hbm>> -> memref<128xf32, #tpu.memory_space<hbm>>
      %dma_start3A_227 = arith.constant 0 : i32
      %dma_start3A_228 = tpu.memref_slice %arg5[%dma_start3A_220, %dma_start3A_221, %dma_start3A_227] : memref<3x32x512xf32, #tpu.memory_space<vmem>> -> memref<1x1x128xf32, #tpu.memory_space<vmem>>
      %dma_start3A_229 = tpu.memref_squeeze %dma_start3A_228 : memref<1x1x128xf32, #tpu.memory_space<vmem>> -> memref<128xf32, #tpu.memory_space<vmem>>
      tpu.enqueue_dma source(%dma_start3A_229 : memref<128xf32, #tpu.memory_space<vmem>>) target(%dma_start3A_226 : memref<128xf32, #tpu.memory_space<hbm>>) target_semaphore(%arg7 : memref<!tpu.dma_semaphore, #tpu.memory_space<semaphore_mem>>)
      %mul3A_230 = arith.constant 128 : i32
      %mul3A_231 = arith.muli %add3A_115, %mul3A_230 : i32
      %add3A_232 = arith.constant 8000512 : i32
      %add3A_233 = arith.addi %add3A_232, %mul3A_231 : i32
      %dma_start3A_234 = arith.constant 0 : i32
      %dma_start3A_235 = arith.constant 8 : i32
      %dma_start3A_236 = arith.constant 0 : i32
      %dma_start3A_237 = tpu.memref_slice %arg5[%dma_start3A_234, %dma_start3A_235, %dma_start3A_236] : memref<3x32x512xf32, #tpu.memory_space<vmem>> -> memref<1x1x128xf32, #tpu.memory_space<vmem>>
      %dma_start3A_238 = tpu.memref_squeeze %dma_start3A_237 : memref<1x1x128xf32, #tpu.memory_space<vmem>> -> memref<128xf32, #tpu.memory_space<vmem>>
      %dma_start3A_239 = tpu.memref_slice %arg4[%add3A_233] : memref<32002048xf32, #tpu.memory_space<hbm>> -> memref<128xf32, #tpu.memory_space<hbm>>
      %dma_start3A_240 = tpu.memref_slice %arg4[%add3A_233] : memref<32002048xf32, #tpu.memory_space<hbm>> -> memref<128xf32, #tpu.memory_space<hbm>>
      %dma_start3A_241 = arith.constant 0 : i32
      %dma_start3A_242 = tpu.memref_slice %arg5[%dma_start3A_234, %dma_start3A_235, %dma_start3A_241] : memref<3x32x512xf32, #tpu.memory_space<vmem>> -> memref<1x1x128xf32, #tpu.memory_space<vmem>>
      %dma_start3A_243 = tpu.memref_squeeze %dma_start3A_242 : memref<1x1x128xf32, #tpu.memory_space<vmem>> -> memref<128xf32, #tpu.memory_space<vmem>>
      tpu.enqueue_dma source(%dma_start3A_243 : memref<128xf32, #tpu.memory_space<vmem>>) target(%dma_start3A_240 : memref<128xf32, #tpu.memory_space<hbm>>) target_semaphore(%arg7 : memref<!tpu.dma_semaphore, #tpu.memory_space<semaphore_mem>>)
      %mul3A_244 = arith.constant 128 : i32
      %mul3A_245 = arith.muli %add3A_115, %mul3A_244 : i32
      %add3A_246 = arith.constant 9000576 : i32
      %add3A_247 = arith.addi %add3A_246, %mul3A_245 : i32
      %dma_start3A_248 = arith.constant 0 : i32
      %dma_start3A_249 = arith.constant 9 : i32
      %dma_start3A_250 = arith.constant 0 : i32
      %dma_start3A_251 = tpu.memref_slice %arg5[%dma_start3A_248, %dma_start3A_249, %dma_start3A_250] : memref<3x32x512xf32, #tpu.memory_space<vmem>> -> memref<1x1x128xf32, #tpu.memory_space<vmem>>
      %dma_start3A_252 = tpu.memref_squeeze %dma_start3A_251 : memref<1x1x128xf32, #tpu.memory_space<vmem>> -> memref<128xf32, #tpu.memory_space<vmem>>
      %dma_start3A_253 = tpu.memref_slice %arg4[%add3A_247] : memref<32002048xf32, #tpu.memory_space<hbm>> -> memref<128xf32, #tpu.memory_space<hbm>>
      %dma_start3A_254 = tpu.memref_slice %arg4[%add3A_247] : memref<32002048xf32, #tpu.memory_space<hbm>> -> memref<128xf32, #tpu.memory_space<hbm>>
      %dma_start3A_255 = arith.constant 0 : i32
      %dma_start3A_256 = tpu.memref_slice %arg5[%dma_start3A_248, %dma_start3A_249, %dma_start3A_255] : memref<3x32x512xf32, #tpu.memory_space<vmem>> -> memref<1x1x128xf32, #tpu.memory_space<vmem>>
      %dma_start3A_257 = tpu.memref_squeeze %dma_start3A_256 : memref<1x1x128xf32, #tpu.memory_space<vmem>> -> memref<128xf32, #tpu.memory_space<vmem>>
      tpu.enqueue_dma source(%dma_start3A_257 : memref<128xf32, #tpu.memory_space<vmem>>) target(%dma_start3A_254 : memref<128xf32, #tpu.memory_space<hbm>>) target_semaphore(%arg7 : memref<!tpu.dma_semaphore, #tpu.memory_space<semaphore_mem>>)
      %mul3A_258 = arith.constant 128 : i32
      %mul3A_259 = arith.muli %add3A_115, %mul3A_258 : i32
      %add3A_260 = arith.constant 10000640 : i32
      %add3A_261 = arith.addi %add3A_260, %mul3A_259 : i32
      %dma_start3A_262 = arith.constant 0 : i32
      %dma_start3A_263 = arith.constant 10 : i32
      %dma_start3A_264 = arith.constant 0 : i32
      %dma_start3A_265 = tpu.memref_slice %arg5[%dma_start3A_262, %dma_start3A_263, %dma_start3A_264] : memref<3x32x512xf32, #tpu.memory_space<vmem>> -> memref<1x1x128xf32, #tpu.memory_space<vmem>>
      %dma_start3A_266 = tpu.memref_squeeze %dma_start3A_265 : memref<1x1x128xf32, #tpu.memory_space<vmem>> -> memref<128xf32, #tpu.memory_space<vmem>>
      %dma_start3A_267 = tpu.memref_slice %arg4[%add3A_261] : memref<32002048xf32, #tpu.memory_space<hbm>> -> memref<128xf32, #tpu.memory_space<hbm>>
      %dma_start3A_268 = tpu.memref_slice %arg4[%add3A_261] : memref<32002048xf32, #tpu.memory_space<hbm>> -> memref<128xf32, #tpu.memory_space<hbm>>
      %dma_start3A_269 = arith.constant 0 : i32
      %dma_start3A_270 = tpu.memref_slice %arg5[%dma_start3A_262, %dma_start3A_263, %dma_start3A_269] : memref<3x32x512xf32, #tpu.memory_space<vmem>> -> memref<1x1x128xf32, #tpu.memory_space<vmem>>
      %dma_start3A_271 = tpu.memref_squeeze %dma_start3A_270 : memref<1x1x128xf32, #tpu.memory_space<vmem>> -> memref<128xf32, #tpu.memory_space<vmem>>
      tpu.enqueue_dma source(%dma_start3A_271 : memref<128xf32, #tpu.memory_space<vmem>>) target(%dma_start3A_268 : memref<128xf32, #tpu.memory_space<hbm>>) target_semaphore(%arg7 : memref<!tpu.dma_semaphore, #tpu.memory_space<semaphore_mem>>)
      %mul3A_272 = arith.constant 128 : i32
      %mul3A_273 = arith.muli %add3A_115, %mul3A_272 : i32
      %add3A_274 = arith.constant 11000704 : i32
      %add3A_275 = arith.addi %add3A_274, %mul3A_273 : i32
      %dma_start3A_276 = arith.constant 0 : i32
      %dma_start3A_277 = arith.constant 11 : i32
      %dma_start3A_278 = arith.constant 0 : i32
      %dma_start3A_279 = tpu.memref_slice %arg5[%dma_start3A_276, %dma_start3A_277, %dma_start3A_278] : memref<3x32x512xf32, #tpu.memory_space<vmem>> -> memref<1x1x128xf32, #tpu.memory_space<vmem>>
      %dma_start3A_280 = tpu.memref_squeeze %dma_start3A_279 : memref<1x1x128xf32, #tpu.memory_space<vmem>> -> memref<128xf32, #tpu.memory_space<vmem>>
      %dma_start3A_281 = tpu.memref_slice %arg4[%add3A_275] : memref<32002048xf32, #tpu.memory_space<hbm>> -> memref<128xf32, #tpu.memory_space<hbm>>
      %dma_start3A_282 = tpu.memref_slice %arg4[%add3A_275] : memref<32002048xf32, #tpu.memory_space<hbm>> -> memref<128xf32, #tpu.memory_space<hbm>>
      %dma_start3A_283 = arith.constant 0 : i32
      %dma_start3A_284 = tpu.memref_slice %arg5[%dma_start3A_276, %dma_start3A_277, %dma_start3A_283] : memref<3x32x512xf32, #tpu.memory_space<vmem>> -> memref<1x1x128xf32, #tpu.memory_space<vmem>>
      %dma_start3A_285 = tpu.memref_squeeze %dma_start3A_284 : memref<1x1x128xf32, #tpu.memory_space<vmem>> -> memref<128xf32, #tpu.memory_space<vmem>>
      tpu.enqueue_dma source(%dma_start3A_285 : memref<128xf32, #tpu.memory_space<vmem>>) target(%dma_start3A_282 : memref<128xf32, #tpu.memory_space<hbm>>) target_semaphore(%arg7 : memref<!tpu.dma_semaphore, #tpu.memory_space<semaphore_mem>>)
      %mul3A_286 = arith.constant 128 : i32
      %mul3A_287 = arith.muli %add3A_115, %mul3A_286 : i32
      %add3A_288 = arith.constant 12000768 : i32
      %add3A_289 = arith.addi %add3A_288, %mul3A_287 : i32
      %dma_start3A_290 = arith.constant 0 : i32
      %dma_start3A_291 = arith.constant 12 : i32
      %dma_start3A_292 = arith.constant 0 : i32
      %dma_start3A_293 = tpu.memref_slice %arg5[%dma_start3A_290, %dma_start3A_291, %dma_start3A_292] : memref<3x32x512xf32, #tpu.memory_space<vmem>> -> memref<1x1x128xf32, #tpu.memory_space<vmem>>
      %dma_start3A_294 = tpu.memref_squeeze %dma_start3A_293 : memref<1x1x128xf32, #tpu.memory_space<vmem>> -> memref<128xf32, #tpu.memory_space<vmem>>
      %dma_start3A_295 = tpu.memref_slice %arg4[%add3A_289] : memref<32002048xf32, #tpu.memory_space<hbm>> -> memref<128xf32, #tpu.memory_space<hbm>>
      %dma_start3A_296 = tpu.memref_slice %arg4[%add3A_289] : memref<32002048xf32, #tpu.memory_space<hbm>> -> memref<128xf32, #tpu.memory_space<hbm>>
      %dma_start3A_297 = arith.constant 0 : i32
      %dma_start3A_298 = tpu.memref_slice %arg5[%dma_start3A_290, %dma_start3A_291, %dma_start3A_297] : memref<3x32x512xf32, #tpu.memory_space<vmem>> -> memref<1x1x128xf32, #tpu.memory_space<vmem>>
      %dma_start3A_299 = tpu.memref_squeeze %dma_start3A_298 : memref<1x1x128xf32, #tpu.memory_space<vmem>> -> memref<128xf32, #tpu.memory_space<vmem>>
      tpu.enqueue_dma source(%dma_start3A_299 : memref<128xf32, #tpu.memory_space<vmem>>) target(%dma_start3A_296 : memref<128xf32, #tpu.memory_space<hbm>>) target_semaphore(%arg7 : memref<!tpu.dma_semaphore, #tpu.memory_space<semaphore_mem>>)
      %mul3A_300 = arith.constant 128 : i32
      %mul3A_301 = arith.muli %add3A_115, %mul3A_300 : i32
      %add3A_302 = arith.constant 13000832 : i32
      %add3A_303 = arith.addi %add3A_302, %mul3A_301 : i32
      %dma_start3A_304 = arith.constant 0 : i32
      %dma_start3A_305 = arith.constant 13 : i32
      %dma_start3A_306 = arith.constant 0 : i32
      %dma_start3A_307 = tpu.memref_slice %arg5[%dma_start3A_304, %dma_start3A_305, %dma_start3A_306] : memref<3x32x512xf32, #tpu.memory_space<vmem>> -> memref<1x1x128xf32, #tpu.memory_space<vmem>>
      %dma_start3A_308 = tpu.memref_squeeze %dma_start3A_307 : memref<1x1x128xf32, #tpu.memory_space<vmem>> -> memref<128xf32, #tpu.memory_space<vmem>>
      %dma_start3A_309 = tpu.memref_slice %arg4[%add3A_303] : memref<32002048xf32, #tpu.memory_space<hbm>> -> memref<128xf32, #tpu.memory_space<hbm>>
      %dma_start3A_310 = tpu.memref_slice %arg4[%add3A_303] : memref<32002048xf32, #tpu.memory_space<hbm>> -> memref<128xf32, #tpu.memory_space<hbm>>
      %dma_start3A_311 = arith.constant 0 : i32
      %dma_start3A_312 = tpu.memref_slice %arg5[%dma_start3A_304, %dma_start3A_305, %dma_start3A_311] : memref<3x32x512xf32, #tpu.memory_space<vmem>> -> memref<1x1x128xf32, #tpu.memory_space<vmem>>
      %dma_start3A_313 = tpu.memref_squeeze %dma_start3A_312 : memref<1x1x128xf32, #tpu.memory_space<vmem>> -> memref<128xf32, #tpu.memory_space<vmem>>
      tpu.enqueue_dma source(%dma_start3A_313 : memref<128xf32, #tpu.memory_space<vmem>>) target(%dma_start3A_310 : memref<128xf32, #tpu.memory_space<hbm>>) target_semaphore(%arg7 : memref<!tpu.dma_semaphore, #tpu.memory_space<semaphore_mem>>)
      %mul3A_314 = arith.constant 128 : i32
      %mul3A_315 = arith.muli %add3A_115, %mul3A_314 : i32
      %add3A_316 = arith.constant 14000896 : i32
      %add3A_317 = arith.addi %add3A_316, %mul3A_315 : i32
      %dma_start3A_318 = arith.constant 0 : i32
      %dma_start3A_319 = arith.constant 14 : i32
      %dma_start3A_320 = arith.constant 0 : i32
      %dma_start3A_321 = tpu.memref_slice %arg5[%dma_start3A_318, %dma_start3A_319, %dma_start3A_320] : memref<3x32x512xf32, #tpu.memory_space<vmem>> -> memref<1x1x128xf32, #tpu.memory_space<vmem>>
      %dma_start3A_322 = tpu.memref_squeeze %dma_start3A_321 : memref<1x1x128xf32, #tpu.memory_space<vmem>> -> memref<128xf32, #tpu.memory_space<vmem>>
      %dma_start3A_323 = tpu.memref_slice %arg4[%add3A_317] : memref<32002048xf32, #tpu.memory_space<hbm>> -> memref<128xf32, #tpu.memory_space<hbm>>
      %dma_start3A_324 = tpu.memref_slice %arg4[%add3A_317] : memref<32002048xf32, #tpu.memory_space<hbm>> -> memref<128xf32, #tpu.memory_space<hbm>>
      %dma_start3A_325 = arith.constant 0 : i32
      %dma_start3A_326 = tpu.memref_slice %arg5[%dma_start3A_318, %dma_start3A_319, %dma_start3A_325] : memref<3x32x512xf32, #tpu.memory_space<vmem>> -> memref<1x1x128xf32, #tpu.memory_space<vmem>>
      %dma_start3A_327 = tpu.memref_squeeze %dma_start3A_326 : memref<1x1x128xf32, #tpu.memory_space<vmem>> -> memref<128xf32, #tpu.memory_space<vmem>>
      tpu.enqueue_dma source(%dma_start3A_327 : memref<128xf32, #tpu.memory_space<vmem>>) target(%dma_start3A_324 : memref<128xf32, #tpu.memory_space<hbm>>) target_semaphore(%arg7 : memref<!tpu.dma_semaphore, #tpu.memory_space<semaphore_mem>>)
      %mul3A_328 = arith.constant 128 : i32
      %mul3A_329 = arith.muli %add3A_115, %mul3A_328 : i32
      %add3A_330 = arith.constant 15000960 : i32
      %add3A_331 = arith.addi %add3A_330, %mul3A_329 : i32
      %dma_start3A_332 = arith.constant 0 : i32
      %dma_start3A_333 = arith.constant 15 : i32
      %dma_start3A_334 = arith.constant 0 : i32
      %dma_start3A_335 = tpu.memref_slice %arg5[%dma_start3A_332, %dma_start3A_333, %dma_start3A_334] : memref<3x32x512xf32, #tpu.memory_space<vmem>> -> memref<1x1x128xf32, #tpu.memory_space<vmem>>
      %dma_start3A_336 = tpu.memref_squeeze %dma_start3A_335 : memref<1x1x128xf32, #tpu.memory_space<vmem>> -> memref<128xf32, #tpu.memory_space<vmem>>
      %dma_start3A_337 = tpu.memref_slice %arg4[%add3A_331] : memref<32002048xf32, #tpu.memory_space<hbm>> -> memref<128xf32, #tpu.memory_space<hbm>>
      %dma_start3A_338 = tpu.memref_slice %arg4[%add3A_331] : memref<32002048xf32, #tpu.memory_space<hbm>> -> memref<128xf32, #tpu.memory_space<hbm>>
      %dma_start3A_339 = arith.constant 0 : i32
      %dma_start3A_340 = tpu.memref_slice %arg5[%dma_start3A_332, %dma_start3A_333, %dma_start3A_339] : memref<3x32x512xf32, #tpu.memory_space<vmem>> -> memref<1x1x128xf32, #tpu.memory_space<vmem>>
      %dma_start3A_341 = tpu.memref_squeeze %dma_start3A_340 : memref<1x1x128xf32, #tpu.memory_space<vmem>> -> memref<128xf32, #tpu.memory_space<vmem>>
      tpu.enqueue_dma source(%dma_start3A_341 : memref<128xf32, #tpu.memory_space<vmem>>) target(%dma_start3A_338 : memref<128xf32, #tpu.memory_space<hbm>>) target_semaphore(%arg7 : memref<!tpu.dma_semaphore, #tpu.memory_space<semaphore_mem>>)
      %mul3A_342 = arith.constant 128 : i32
      %mul3A_343 = arith.muli %add3A_115, %mul3A_342 : i32
      %add3A_344 = arith.constant 16001024 : i32
      %add3A_345 = arith.addi %add3A_344, %mul3A_343 : i32
      %dma_start3A_346 = arith.constant 0 : i32
      %dma_start3A_347 = arith.constant 16 : i32
      %dma_start3A_348 = arith.constant 0 : i32
      %dma_start3A_349 = tpu.memref_slice %arg5[%dma_start3A_346, %dma_start3A_347, %dma_start3A_348] : memref<3x32x512xf32, #tpu.memory_space<vmem>> -> memref<1x1x128xf32, #tpu.memory_space<vmem>>
      %dma_start3A_350 = tpu.memref_squeeze %dma_start3A_349 : memref<1x1x128xf32, #tpu.memory_space<vmem>> -> memref<128xf32, #tpu.memory_space<vmem>>
      %dma_start3A_351 = tpu.memref_slice %arg4[%add3A_345] : memref<32002048xf32, #tpu.memory_space<hbm>> -> memref<128xf32, #tpu.memory_space<hbm>>
      %dma_start3A_352 = tpu.memref_slice %arg4[%add3A_345] : memref<32002048xf32, #tpu.memory_space<hbm>> -> memref<128xf32, #tpu.memory_space<hbm>>
      %dma_start3A_353 = arith.constant 0 : i32
      %dma_start3A_354 = tpu.memref_slice %arg5[%dma_start3A_346, %dma_start3A_347, %dma_start3A_353] : memref<3x32x512xf32, #tpu.memory_space<vmem>> -> memref<1x1x128xf32, #tpu.memory_space<vmem>>
      %dma_start3A_355 = tpu.memref_squeeze %dma_start3A_354 : memref<1x1x128xf32, #tpu.memory_space<vmem>> -> memref<128xf32, #tpu.memory_space<vmem>>
      tpu.enqueue_dma source(%dma_start3A_355 : memref<128xf32, #tpu.memory_space<vmem>>) target(%dma_start3A_352 : memref<128xf32, #tpu.memory_space<hbm>>) target_semaphore(%arg7 : memref<!tpu.dma_semaphore, #tpu.memory_space<semaphore_mem>>)
      %mul3A_356 = arith.constant 128 : i32
      %mul3A_357 = arith.muli %add3A_115, %mul3A_356 : i32
      %add3A_358 = arith.constant 17001088 : i32
      %add3A_359 = arith.addi %add3A_358, %mul3A_357 : i32
      %dma_start3A_360 = arith.constant 0 : i32
      %dma_start3A_361 = arith.constant 17 : i32
      %dma_start3A_362 = arith.constant 0 : i32
      %dma_start3A_363 = tpu.memref_slice %arg5[%dma_start3A_360, %dma_start3A_361, %dma_start3A_362] : memref<3x32x512xf32, #tpu.memory_space<vmem>> -> memref<1x1x128xf32, #tpu.memory_space<vmem>>
      %dma_start3A_364 = tpu.memref_squeeze %dma_start3A_363 : memref<1x1x128xf32, #tpu.memory_space<vmem>> -> memref<128xf32, #tpu.memory_space<vmem>>
      %dma_start3A_365 = tpu.memref_slice %arg4[%add3A_359] : memref<32002048xf32, #tpu.memory_space<hbm>> -> memref<128xf32, #tpu.memory_space<hbm>>
      %dma_start3A_366 = tpu.memref_slice %arg4[%add3A_359] : memref<32002048xf32, #tpu.memory_space<hbm>> -> memref<128xf32, #tpu.memory_space<hbm>>
      %dma_start3A_367 = arith.constant 0 : i32
      %dma_start3A_368 = tpu.memref_slice %arg5[%dma_start3A_360, %dma_start3A_361, %dma_start3A_367] : memref<3x32x512xf32, #tpu.memory_space<vmem>> -> memref<1x1x128xf32, #tpu.memory_space<vmem>>
      %dma_start3A_369 = tpu.memref_squeeze %dma_start3A_368 : memref<1x1x128xf32, #tpu.memory_space<vmem>> -> memref<128xf32, #tpu.memory_space<vmem>>
      tpu.enqueue_dma source(%dma_start3A_369 : memref<128xf32, #tpu.memory_space<vmem>>) target(%dma_start3A_366 : memref<128xf32, #tpu.memory_space<hbm>>) target_semaphore(%arg7 : memref<!tpu.dma_semaphore, #tpu.memory_space<semaphore_mem>>)
      %mul3A_370 = arith.constant 128 : i32
      %mul3A_371 = arith.muli %add3A_115, %mul3A_370 : i32
      %add3A_372 = arith.constant 18001152 : i32
      %add3A_373 = arith.addi %add3A_372, %mul3A_371 : i32
      %dma_start3A_374 = arith.constant 0 : i32
      %dma_start3A_375 = arith.constant 18 : i32
      %dma_start3A_376 = arith.constant 0 : i32
      %dma_start3A_377 = tpu.memref_slice %arg5[%dma_start3A_374, %dma_start3A_375, %dma_start3A_376] : memref<3x32x512xf32, #tpu.memory_space<vmem>> -> memref<1x1x128xf32, #tpu.memory_space<vmem>>
      %dma_start3A_378 = tpu.memref_squeeze %dma_start3A_377 : memref<1x1x128xf32, #tpu.memory_space<vmem>> -> memref<128xf32, #tpu.memory_space<vmem>>
      %dma_start3A_379 = tpu.memref_slice %arg4[%add3A_373] : memref<32002048xf32, #tpu.memory_space<hbm>> -> memref<128xf32, #tpu.memory_space<hbm>>
      %dma_start3A_380 = tpu.memref_slice %arg4[%add3A_373] : memref<32002048xf32, #tpu.memory_space<hbm>> -> memref<128xf32, #tpu.memory_space<hbm>>
      %dma_start3A_381 = arith.constant 0 : i32
      %dma_start3A_382 = tpu.memref_slice %arg5[%dma_start3A_374, %dma_start3A_375, %dma_start3A_381] : memref<3x32x512xf32, #tpu.memory_space<vmem>> -> memref<1x1x128xf32, #tpu.memory_space<vmem>>
      %dma_start3A_383 = tpu.memref_squeeze %dma_start3A_382 : memref<1x1x128xf32, #tpu.memory_space<vmem>> -> memref<128xf32, #tpu.memory_space<vmem>>
      tpu.enqueue_dma source(%dma_start3A_383 : memref<128xf32, #tpu.memory_space<vmem>>) target(%dma_start3A_380 : memref<128xf32, #tpu.memory_space<hbm>>) target_semaphore(%arg7 : memref<!tpu.dma_semaphore, #tpu.memory_space<semaphore_mem>>)
      %mul3A_384 = arith.constant 128 : i32
      %mul3A_385 = arith.muli %add3A_115, %mul3A_384 : i32
      %add3A_386 = arith.constant 19001216 : i32
      %add3A_387 = arith.addi %add3A_386, %mul3A_385 : i32
      %dma_start3A_388 = arith.constant 0 : i32
      %dma_start3A_389 = arith.constant 19 : i32
      %dma_start3A_390 = arith.constant 0 : i32
      %dma_start3A_391 = tpu.memref_slice %arg5[%dma_start3A_388, %dma_start3A_389, %dma_start3A_390] : memref<3x32x512xf32, #tpu.memory_space<vmem>> -> memref<1x1x128xf32, #tpu.memory_space<vmem>>
      %dma_start3A_392 = tpu.memref_squeeze %dma_start3A_391 : memref<1x1x128xf32, #tpu.memory_space<vmem>> -> memref<128xf32, #tpu.memory_space<vmem>>
      %dma_start3A_393 = tpu.memref_slice %arg4[%add3A_387] : memref<32002048xf32, #tpu.memory_space<hbm>> -> memref<128xf32, #tpu.memory_space<hbm>>
      %dma_start3A_394 = tpu.memref_slice %arg4[%add3A_387] : memref<32002048xf32, #tpu.memory_space<hbm>> -> memref<128xf32, #tpu.memory_space<hbm>>
      %dma_start3A_395 = arith.constant 0 : i32
      %dma_start3A_396 = tpu.memref_slice %arg5[%dma_start3A_388, %dma_start3A_389, %dma_start3A_395] : memref<3x32x512xf32, #tpu.memory_space<vmem>> -> memref<1x1x128xf32, #tpu.memory_space<vmem>>
      %dma_start3A_397 = tpu.memref_squeeze %dma_start3A_396 : memref<1x1x128xf32, #tpu.memory_space<vmem>> -> memref<128xf32, #tpu.memory_space<vmem>>
      tpu.enqueue_dma source(%dma_start3A_397 : memref<128xf32, #tpu.memory_space<vmem>>) target(%dma_start3A_394 : memref<128xf32, #tpu.memory_space<hbm>>) target_semaphore(%arg7 : memref<!tpu.dma_semaphore, #tpu.memory_space<semaphore_mem>>)
      %mul3A_398 = arith.constant 128 : i32
      %mul3A_399 = arith.muli %add3A_115, %mul3A_398 : i32
      %add3A_400 = arith.constant 20001280 : i32
      %add3A_401 = arith.addi %add3A_400, %mul3A_399 : i32
      %dma_start3A_402 = arith.constant 0 : i32
      %dma_start3A_403 = arith.constant 20 : i32
      %dma_start3A_404 = arith.constant 0 : i32
      %dma_start3A_405 = tpu.memref_slice %arg5[%dma_start3A_402, %dma_start3A_403, %dma_start3A_404] : memref<3x32x512xf32, #tpu.memory_space<vmem>> -> memref<1x1x128xf32, #tpu.memory_space<vmem>>
      %dma_start3A_406 = tpu.memref_squeeze %dma_start3A_405 : memref<1x1x128xf32, #tpu.memory_space<vmem>> -> memref<128xf32, #tpu.memory_space<vmem>>
      %dma_start3A_407 = tpu.memref_slice %arg4[%add3A_401] : memref<32002048xf32, #tpu.memory_space<hbm>> -> memref<128xf32, #tpu.memory_space<hbm>>
      %dma_start3A_408 = tpu.memref_slice %arg4[%add3A_401] : memref<32002048xf32, #tpu.memory_space<hbm>> -> memref<128xf32, #tpu.memory_space<hbm>>
      %dma_start3A_409 = arith.constant 0 : i32
      %dma_start3A_410 = tpu.memref_slice %arg5[%dma_start3A_402, %dma_start3A_403, %dma_start3A_409] : memref<3x32x512xf32, #tpu.memory_space<vmem>> -> memref<1x1x128xf32, #tpu.memory_space<vmem>>
      %dma_start3A_411 = tpu.memref_squeeze %dma_start3A_410 : memref<1x1x128xf32, #tpu.memory_space<vmem>> -> memref<128xf32, #tpu.memory_space<vmem>>
      tpu.enqueue_dma source(%dma_start3A_411 : memref<128xf32, #tpu.memory_space<vmem>>) target(%dma_start3A_408 : memref<128xf32, #tpu.memory_space<hbm>>) target_semaphore(%arg7 : memref<!tpu.dma_semaphore, #tpu.memory_space<semaphore_mem>>)
      %mul3A_412 = arith.constant 128 : i32
      %mul3A_413 = arith.muli %add3A_115, %mul3A_412 : i32
      %add3A_414 = arith.constant 21001344 : i32
      %add3A_415 = arith.addi %add3A_414, %mul3A_413 : i32
      %dma_start3A_416 = arith.constant 0 : i32
      %dma_start3A_417 = arith.constant 21 : i32
      %dma_start3A_418 = arith.constant 0 : i32
      %dma_start3A_419 = tpu.memref_slice %arg5[%dma_start3A_416, %dma_start3A_417, %dma_start3A_418] : memref<3x32x512xf32, #tpu.memory_space<vmem>> -> memref<1x1x128xf32, #tpu.memory_space<vmem>>
      %dma_start3A_420 = tpu.memref_squeeze %dma_start3A_419 : memref<1x1x128xf32, #tpu.memory_space<vmem>> -> memref<128xf32, #tpu.memory_space<vmem>>
      %dma_start3A_421 = tpu.memref_slice %arg4[%add3A_415] : memref<32002048xf32, #tpu.memory_space<hbm>> -> memref<128xf32, #tpu.memory_space<hbm>>
      %dma_start3A_422 = tpu.memref_slice %arg4[%add3A_415] : memref<32002048xf32, #tpu.memory_space<hbm>> -> memref<128xf32, #tpu.memory_space<hbm>>
      %dma_start3A_423 = arith.constant 0 : i32
      %dma_start3A_424 = tpu.memref_slice %arg5[%dma_start3A_416, %dma_start3A_417, %dma_start3A_423] : memref<3x32x512xf32, #tpu.memory_space<vmem>> -> memref<1x1x128xf32, #tpu.memory_space<vmem>>
      %dma_start3A_425 = tpu.memref_squeeze %dma_start3A_424 : memref<1x1x128xf32, #tpu.memory_space<vmem>> -> memref<128xf32, #tpu.memory_space<vmem>>
      tpu.enqueue_dma source(%dma_start3A_425 : memref<128xf32, #tpu.memory_space<vmem>>) target(%dma_start3A_422 : memref<128xf32, #tpu.memory_space<hbm>>) target_semaphore(%arg7 : memref<!tpu.dma_semaphore, #tpu.memory_space<semaphore_mem>>)
      %mul3A_426 = arith.constant 128 : i32
      %mul3A_427 = arith.muli %add3A_115, %mul3A_426 : i32
      %add3A_428 = arith.constant 22001408 : i32
      %add3A_429 = arith.addi %add3A_428, %mul3A_427 : i32
      %dma_start3A_430 = arith.constant 0 : i32
      %dma_start3A_431 = arith.constant 22 : i32
      %dma_start3A_432 = arith.constant 0 : i32
      %dma_start3A_433 = tpu.memref_slice %arg5[%dma_start3A_430, %dma_start3A_431, %dma_start3A_432] : memref<3x32x512xf32, #tpu.memory_space<vmem>> -> memref<1x1x128xf32, #tpu.memory_space<vmem>>
      %dma_start3A_434 = tpu.memref_squeeze %dma_start3A_433 : memref<1x1x128xf32, #tpu.memory_space<vmem>> -> memref<128xf32, #tpu.memory_space<vmem>>
      %dma_start3A_435 = tpu.memref_slice %arg4[%add3A_429] : memref<32002048xf32, #tpu.memory_space<hbm>> -> memref<128xf32, #tpu.memory_space<hbm>>
      %dma_start3A_436 = tpu.memref_slice %arg4[%add3A_429] : memref<32002048xf32, #tpu.memory_space<hbm>> -> memref<128xf32, #tpu.memory_space<hbm>>
      %dma_start3A_437 = arith.constant 0 : i32
      %dma_start3A_438 = tpu.memref_slice %arg5[%dma_start3A_430, %dma_start3A_431, %dma_start3A_437] : memref<3x32x512xf32, #tpu.memory_space<vmem>> -> memref<1x1x128xf32, #tpu.memory_space<vmem>>
      %dma_start3A_439 = tpu.memref_squeeze %dma_start3A_438 : memref<1x1x128xf32, #tpu.memory_space<vmem>> -> memref<128xf32, #tpu.memory_space<vmem>>
      tpu.enqueue_dma source(%dma_start3A_439 : memref<128xf32, #tpu.memory_space<vmem>>) target(%dma_start3A_436 : memref<128xf32, #tpu.memory_space<hbm>>) target_semaphore(%arg7 : memref<!tpu.dma_semaphore, #tpu.memory_space<semaphore_mem>>)
      %mul3A_440 = arith.constant 128 : i32
      %mul3A_441 = arith.muli %add3A_115, %mul3A_440 : i32
      %add3A_442 = arith.constant 23001472 : i32
      %add3A_443 = arith.addi %add3A_442, %mul3A_441 : i32
      %dma_start3A_444 = arith.constant 0 : i32
      %dma_start3A_445 = arith.constant 23 : i32
      %dma_start3A_446 = arith.constant 0 : i32
      %dma_start3A_447 = tpu.memref_slice %arg5[%dma_start3A_444, %dma_start3A_445, %dma_start3A_446] : memref<3x32x512xf32, #tpu.memory_space<vmem>> -> memref<1x1x128xf32, #tpu.memory_space<vmem>>
      %dma_start3A_448 = tpu.memref_squeeze %dma_start3A_447 : memref<1x1x128xf32, #tpu.memory_space<vmem>> -> memref<128xf32, #tpu.memory_space<vmem>>
      %dma_start3A_449 = tpu.memref_slice %arg4[%add3A_443] : memref<32002048xf32, #tpu.memory_space<hbm>> -> memref<128xf32, #tpu.memory_space<hbm>>
      %dma_start3A_450 = tpu.memref_slice %arg4[%add3A_443] : memref<32002048xf32, #tpu.memory_space<hbm>> -> memref<128xf32, #tpu.memory_space<hbm>>
      %dma_start3A_451 = arith.constant 0 : i32
      %dma_start3A_452 = tpu.memref_slice %arg5[%dma_start3A_444, %dma_start3A_445, %dma_start3A_451] : memref<3x32x512xf32, #tpu.memory_space<vmem>> -> memref<1x1x128xf32, #tpu.memory_space<vmem>>
      %dma_start3A_453 = tpu.memref_squeeze %dma_start3A_452 : memref<1x1x128xf32, #tpu.memory_space<vmem>> -> memref<128xf32, #tpu.memory_space<vmem>>
      tpu.enqueue_dma source(%dma_start3A_453 : memref<128xf32, #tpu.memory_space<vmem>>) target(%dma_start3A_450 : memref<128xf32, #tpu.memory_space<hbm>>) target_semaphore(%arg7 : memref<!tpu.dma_semaphore, #tpu.memory_space<semaphore_mem>>)
      %mul3A_454 = arith.constant 128 : i32
      %mul3A_455 = arith.muli %add3A_115, %mul3A_454 : i32
      %add3A_456 = arith.constant 24001536 : i32
      %add3A_457 = arith.addi %add3A_456, %mul3A_455 : i32
      %dma_start3A_458 = arith.constant 0 : i32
      %dma_start3A_459 = arith.constant 24 : i32
      %dma_start3A_460 = arith.constant 0 : i32
      %dma_start3A_461 = tpu.memref_slice %arg5[%dma_start3A_458, %dma_start3A_459, %dma_start3A_460] : memref<3x32x512xf32, #tpu.memory_space<vmem>> -> memref<1x1x128xf32, #tpu.memory_space<vmem>>
      %dma_start3A_462 = tpu.memref_squeeze %dma_start3A_461 : memref<1x1x128xf32, #tpu.memory_space<vmem>> -> memref<128xf32, #tpu.memory_space<vmem>>
      %dma_start3A_463 = tpu.memref_slice %arg4[%add3A_457] : memref<32002048xf32, #tpu.memory_space<hbm>> -> memref<128xf32, #tpu.memory_space<hbm>>
      %dma_start3A_464 = tpu.memref_slice %arg4[%add3A_457] : memref<32002048xf32, #tpu.memory_space<hbm>> -> memref<128xf32, #tpu.memory_space<hbm>>
      %dma_start3A_465 = arith.constant 0 : i32
      %dma_start3A_466 = tpu.memref_slice %arg5[%dma_start3A_458, %dma_start3A_459, %dma_start3A_465] : memref<3x32x512xf32, #tpu.memory_space<vmem>> -> memref<1x1x128xf32, #tpu.memory_space<vmem>>
      %dma_start3A_467 = tpu.memref_squeeze %dma_start3A_466 : memref<1x1x128xf32, #tpu.memory_space<vmem>> -> memref<128xf32, #tpu.memory_space<vmem>>
      tpu.enqueue_dma source(%dma_start3A_467 : memref<128xf32, #tpu.memory_space<vmem>>) target(%dma_start3A_464 : memref<128xf32, #tpu.memory_space<hbm>>) target_semaphore(%arg7 : memref<!tpu.dma_semaphore, #tpu.memory_space<semaphore_mem>>)
      %mul3A_468 = arith.constant 128 : i32
      %mul3A_469 = arith.muli %add3A_115, %mul3A_468 : i32
      %add3A_470 = arith.constant 25001600 : i32
      %add3A_471 = arith.addi %add3A_470, %mul3A_469 : i32
      %dma_start3A_472 = arith.constant 0 : i32
      %dma_start3A_473 = arith.constant 25 : i32
      %dma_start3A_474 = arith.constant 0 : i32
      %dma_start3A_475 = tpu.memref_slice %arg5[%dma_start3A_472, %dma_start3A_473, %dma_start3A_474] : memref<3x32x512xf32, #tpu.memory_space<vmem>> -> memref<1x1x128xf32, #tpu.memory_space<vmem>>
      %dma_start3A_476 = tpu.memref_squeeze %dma_start3A_475 : memref<1x1x128xf32, #tpu.memory_space<vmem>> -> memref<128xf32, #tpu.memory_space<vmem>>
      %dma_start3A_477 = tpu.memref_slice %arg4[%add3A_471] : memref<32002048xf32, #tpu.memory_space<hbm>> -> memref<128xf32, #tpu.memory_space<hbm>>
      %dma_start3A_478 = tpu.memref_slice %arg4[%add3A_471] : memref<32002048xf32, #tpu.memory_space<hbm>> -> memref<128xf32, #tpu.memory_space<hbm>>
      %dma_start3A_479 = arith.constant 0 : i32
      %dma_start3A_480 = tpu.memref_slice %arg5[%dma_start3A_472, %dma_start3A_473, %dma_start3A_479] : memref<3x32x512xf32, #tpu.memory_space<vmem>> -> memref<1x1x128xf32, #tpu.memory_space<vmem>>
      %dma_start3A_481 = tpu.memref_squeeze %dma_start3A_480 : memref<1x1x128xf32, #tpu.memory_space<vmem>> -> memref<128xf32, #tpu.memory_space<vmem>>
      tpu.enqueue_dma source(%dma_start3A_481 : memref<128xf32, #tpu.memory_space<vmem>>) target(%dma_start3A_478 : memref<128xf32, #tpu.memory_space<hbm>>) target_semaphore(%arg7 : memref<!tpu.dma_semaphore, #tpu.memory_space<semaphore_mem>>)
      %mul3A_482 = arith.constant 128 : i32
      %mul3A_483 = arith.muli %add3A_115, %mul3A_482 : i32
      %add3A_484 = arith.constant 26001664 : i32
      %add3A_485 = arith.addi %add3A_484, %mul3A_483 : i32
      %dma_start3A_486 = arith.constant 0 : i32
      %dma_start3A_487 = arith.constant 26 : i32
      %dma_start3A_488 = arith.constant 0 : i32
      %dma_start3A_489 = tpu.memref_slice %arg5[%dma_start3A_486, %dma_start3A_487, %dma_start3A_488] : memref<3x32x512xf32, #tpu.memory_space<vmem>> -> memref<1x1x128xf32, #tpu.memory_space<vmem>>
      %dma_start3A_490 = tpu.memref_squeeze %dma_start3A_489 : memref<1x1x128xf32, #tpu.memory_space<vmem>> -> memref<128xf32, #tpu.memory_space<vmem>>
      %dma_start3A_491 = tpu.memref_slice %arg4[%add3A_485] : memref<32002048xf32, #tpu.memory_space<hbm>> -> memref<128xf32, #tpu.memory_space<hbm>>
      %dma_start3A_492 = tpu.memref_slice %arg4[%add3A_485] : memref<32002048xf32, #tpu.memory_space<hbm>> -> memref<128xf32, #tpu.memory_space<hbm>>
      %dma_start3A_493 = arith.constant 0 : i32
      %dma_start3A_494 = tpu.memref_slice %arg5[%dma_start3A_486, %dma_start3A_487, %dma_start3A_493] : memref<3x32x512xf32, #tpu.memory_space<vmem>> -> memref<1x1x128xf32, #tpu.memory_space<vmem>>
      %dma_start3A_495 = tpu.memref_squeeze %dma_start3A_494 : memref<1x1x128xf32, #tpu.memory_space<vmem>> -> memref<128xf32, #tpu.memory_space<vmem>>
      tpu.enqueue_dma source(%dma_start3A_495 : memref<128xf32, #tpu.memory_space<vmem>>) target(%dma_start3A_492 : memref<128xf32, #tpu.memory_space<hbm>>) target_semaphore(%arg7 : memref<!tpu.dma_semaphore, #tpu.memory_space<semaphore_mem>>)
      %mul3A_496 = arith.constant 128 : i32
      %mul3A_497 = arith.muli %add3A_115, %mul3A_496 : i32
      %add3A_498 = arith.constant 27001728 : i32
      %add3A_499 = arith.addi %add3A_498, %mul3A_497 : i32
      %dma_start3A_500 = arith.constant 0 : i32
      %dma_start3A_501 = arith.constant 27 : i32
      %dma_start3A_502 = arith.constant 0 : i32
      %dma_start3A_503 = tpu.memref_slice %arg5[%dma_start3A_500, %dma_start3A_501, %dma_start3A_502] : memref<3x32x512xf32, #tpu.memory_space<vmem>> -> memref<1x1x128xf32, #tpu.memory_space<vmem>>
      %dma_start3A_504 = tpu.memref_squeeze %dma_start3A_503 : memref<1x1x128xf32, #tpu.memory_space<vmem>> -> memref<128xf32, #tpu.memory_space<vmem>>
      %dma_start3A_505 = tpu.memref_slice %arg4[%add3A_499] : memref<32002048xf32, #tpu.memory_space<hbm>> -> memref<128xf32, #tpu.memory_space<hbm>>
      %dma_start3A_506 = tpu.memref_slice %arg4[%add3A_499] : memref<32002048xf32, #tpu.memory_space<hbm>> -> memref<128xf32, #tpu.memory_space<hbm>>
      %dma_start3A_507 = arith.constant 0 : i32
      %dma_start3A_508 = tpu.memref_slice %arg5[%dma_start3A_500, %dma_start3A_501, %dma_start3A_507] : memref<3x32x512xf32, #tpu.memory_space<vmem>> -> memref<1x1x128xf32, #tpu.memory_space<vmem>>
      %dma_start3A_509 = tpu.memref_squeeze %dma_start3A_508 : memref<1x1x128xf32, #tpu.memory_space<vmem>> -> memref<128xf32, #tpu.memory_space<vmem>>
      tpu.enqueue_dma source(%dma_start3A_509 : memref<128xf32, #tpu.memory_space<vmem>>) target(%dma_start3A_506 : memref<128xf32, #tpu.memory_space<hbm>>) target_semaphore(%arg7 : memref<!tpu.dma_semaphore, #tpu.memory_space<semaphore_mem>>)
      %mul3A_510 = arith.constant 128 : i32
      %mul3A_511 = arith.muli %add3A_115, %mul3A_510 : i32
      %add3A_512 = arith.constant 28001792 : i32
      %add3A_513 = arith.addi %add3A_512, %mul3A_511 : i32
      %dma_start3A_514 = arith.constant 0 : i32
      %dma_start3A_515 = arith.constant 28 : i32
      %dma_start3A_516 = arith.constant 0 : i32
      %dma_start3A_517 = tpu.memref_slice %arg5[%dma_start3A_514, %dma_start3A_515, %dma_start3A_516] : memref<3x32x512xf32, #tpu.memory_space<vmem>> -> memref<1x1x128xf32, #tpu.memory_space<vmem>>
      %dma_start3A_518 = tpu.memref_squeeze %dma_start3A_517 : memref<1x1x128xf32, #tpu.memory_space<vmem>> -> memref<128xf32, #tpu.memory_space<vmem>>
      %dma_start3A_519 = tpu.memref_slice %arg4[%add3A_513] : memref<32002048xf32, #tpu.memory_space<hbm>> -> memref<128xf32, #tpu.memory_space<hbm>>
      %dma_start3A_520 = tpu.memref_slice %arg4[%add3A_513] : memref<32002048xf32, #tpu.memory_space<hbm>> -> memref<128xf32, #tpu.memory_space<hbm>>
      %dma_start3A_521 = arith.constant 0 : i32
      %dma_start3A_522 = tpu.memref_slice %arg5[%dma_start3A_514, %dma_start3A_515, %dma_start3A_521] : memref<3x32x512xf32, #tpu.memory_space<vmem>> -> memref<1x1x128xf32, #tpu.memory_space<vmem>>
      %dma_start3A_523 = tpu.memref_squeeze %dma_start3A_522 : memref<1x1x128xf32, #tpu.memory_space<vmem>> -> memref<128xf32, #tpu.memory_space<vmem>>
      tpu.enqueue_dma source(%dma_start3A_523 : memref<128xf32, #tpu.memory_space<vmem>>) target(%dma_start3A_520 : memref<128xf32, #tpu.memory_space<hbm>>) target_semaphore(%arg7 : memref<!tpu.dma_semaphore, #tpu.memory_space<semaphore_mem>>)
      %mul3A_524 = arith.constant 128 : i32
      %mul3A_525 = arith.muli %add3A_115, %mul3A_524 : i32
      %add3A_526 = arith.constant 29001856 : i32
      %add3A_527 = arith.addi %add3A_526, %mul3A_525 : i32
      %dma_start3A_528 = arith.constant 0 : i32
      %dma_start3A_529 = arith.constant 29 : i32
      %dma_start3A_530 = arith.constant 0 : i32
      %dma_start3A_531 = tpu.memref_slice %arg5[%dma_start3A_528, %dma_start3A_529, %dma_start3A_530] : memref<3x32x512xf32, #tpu.memory_space<vmem>> -> memref<1x1x128xf32, #tpu.memory_space<vmem>>
      %dma_start3A_532 = tpu.memref_squeeze %dma_start3A_531 : memref<1x1x128xf32, #tpu.memory_space<vmem>> -> memref<128xf32, #tpu.memory_space<vmem>>
      %dma_start3A_533 = tpu.memref_slice %arg4[%add3A_527] : memref<32002048xf32, #tpu.memory_space<hbm>> -> memref<128xf32, #tpu.memory_space<hbm>>
      %dma_start3A_534 = tpu.memref_slice %arg4[%add3A_527] : memref<32002048xf32, #tpu.memory_space<hbm>> -> memref<128xf32, #tpu.memory_space<hbm>>
      %dma_start3A_535 = arith.constant 0 : i32
      %dma_start3A_536 = tpu.memref_slice %arg5[%dma_start3A_528, %dma_start3A_529, %dma_start3A_535] : memref<3x32x512xf32, #tpu.memory_space<vmem>> -> memref<1x1x128xf32, #tpu.memory_space<vmem>>
      %dma_start3A_537 = tpu.memref_squeeze %dma_start3A_536 : memref<1x1x128xf32, #tpu.memory_space<vmem>> -> memref<128xf32, #tpu.memory_space<vmem>>
      tpu.enqueue_dma source(%dma_start3A_537 : memref<128xf32, #tpu.memory_space<vmem>>) target(%dma_start3A_534 : memref<128xf32, #tpu.memory_space<hbm>>) target_semaphore(%arg7 : memref<!tpu.dma_semaphore, #tpu.memory_space<semaphore_mem>>)
      %mul3A_538 = arith.constant 128 : i32
      %mul3A_539 = arith.muli %add3A_115, %mul3A_538 : i32
      %add3A_540 = arith.constant 30001920 : i32
      %add3A_541 = arith.addi %add3A_540, %mul3A_539 : i32
      %dma_start3A_542 = arith.constant 0 : i32
      %dma_start3A_543 = arith.constant 30 : i32
      %dma_start3A_544 = arith.constant 0 : i32
      %dma_start3A_545 = tpu.memref_slice %arg5[%dma_start3A_542, %dma_start3A_543, %dma_start3A_544] : memref<3x32x512xf32, #tpu.memory_space<vmem>> -> memref<1x1x128xf32, #tpu.memory_space<vmem>>
      %dma_start3A_546 = tpu.memref_squeeze %dma_start3A_545 : memref<1x1x128xf32, #tpu.memory_space<vmem>> -> memref<128xf32, #tpu.memory_space<vmem>>
      %dma_start3A_547 = tpu.memref_slice %arg4[%add3A_541] : memref<32002048xf32, #tpu.memory_space<hbm>> -> memref<128xf32, #tpu.memory_space<hbm>>
      %dma_start3A_548 = tpu.memref_slice %arg4[%add3A_541] : memref<32002048xf32, #tpu.memory_space<hbm>> -> memref<128xf32, #tpu.memory_space<hbm>>
      %dma_start3A_549 = arith.constant 0 : i32
      %dma_start3A_550 = tpu.memref_slice %arg5[%dma_start3A_542, %dma_start3A_543, %dma_start3A_549] : memref<3x32x512xf32, #tpu.memory_space<vmem>> -> memref<1x1x128xf32, #tpu.memory_space<vmem>>
      %dma_start3A_551 = tpu.memref_squeeze %dma_start3A_550 : memref<1x1x128xf32, #tpu.memory_space<vmem>> -> memref<128xf32, #tpu.memory_space<vmem>>
      tpu.enqueue_dma source(%dma_start3A_551 : memref<128xf32, #tpu.memory_space<vmem>>) target(%dma_start3A_548 : memref<128xf32, #tpu.memory_space<hbm>>) target_semaphore(%arg7 : memref<!tpu.dma_semaphore, #tpu.memory_space<semaphore_mem>>)
      %mul3A_552 = arith.constant 128 : i32
      %mul3A_553 = arith.muli %add3A_115, %mul3A_552 : i32
      %add3A_554 = arith.constant 31001984 : i32
      %add3A_555 = arith.addi %add3A_554, %mul3A_553 : i32
      %dma_start3A_556 = arith.constant 0 : i32
      %dma_start3A_557 = arith.constant 31 : i32
      %dma_start3A_558 = arith.constant 0 : i32
      %dma_start3A_559 = tpu.memref_slice %arg5[%dma_start3A_556, %dma_start3A_557, %dma_start3A_558] : memref<3x32x512xf32, #tpu.memory_space<vmem>> -> memref<1x1x128xf32, #tpu.memory_space<vmem>>
      %dma_start3A_560 = tpu.memref_squeeze %dma_start3A_559 : memref<1x1x128xf32, #tpu.memory_space<vmem>> -> memref<128xf32, #tpu.memory_space<vmem>>
      %dma_start3A_561 = tpu.memref_slice %arg4[%add3A_555] : memref<32002048xf32, #tpu.memory_space<hbm>> -> memref<128xf32, #tpu.memory_space<hbm>>
      %dma_start3A_562 = tpu.memref_slice %arg4[%add3A_555] : memref<32002048xf32, #tpu.memory_space<hbm>> -> memref<128xf32, #tpu.memory_space<hbm>>
      %dma_start3A_563 = arith.constant 0 : i32
      %dma_start3A_564 = tpu.memref_slice %arg5[%dma_start3A_556, %dma_start3A_557, %dma_start3A_563] : memref<3x32x512xf32, #tpu.memory_space<vmem>> -> memref<1x1x128xf32, #tpu.memory_space<vmem>>
      %dma_start3A_565 = tpu.memref_squeeze %dma_start3A_564 : memref<1x1x128xf32, #tpu.memory_space<vmem>> -> memref<128xf32, #tpu.memory_space<vmem>>
      tpu.enqueue_dma source(%dma_start3A_565 : memref<128xf32, #tpu.memory_space<vmem>>) target(%dma_start3A_562 : memref<128xf32, #tpu.memory_space<hbm>>) target_semaphore(%arg7 : memref<!tpu.dma_semaphore, #tpu.memory_space<semaphore_mem>>)
      %dma_wait3A_566 = arith.constant 0 : i32
      %dma_wait3A_567 = arith.constant 0 : i32
      %dma_wait3A_568 = arith.constant 0 : i32
      %dma_wait3A_569 = tpu.memref_slice %arg5[%dma_wait3A_566, %dma_wait3A_567, %dma_wait3A_568] : memref<3x32x512xf32, #tpu.memory_space<vmem>> -> memref<1x32x128xf32, #tpu.memory_space<vmem>>
      %dma_wait3A_570 = tpu.memref_squeeze %dma_wait3A_569 : memref<1x32x128xf32, #tpu.memory_space<vmem>> -> memref<32x128xf32, #tpu.memory_space<vmem>>
      %dma_wait3A_571 = arith.constant 0 : i32
      %dma_wait3A_572 = arith.constant 0 : i32
      %dma_wait3A_573 = tpu.memref_slice %arg2[%dma_wait3A_571, %dma_wait3A_572] : memref<32x1000001xf32, #tpu.memory_space<hbm>> -> memref<32x128xf32, #tpu.memory_space<hbm>>
      %dma_wait3A_574 = arith.constant 0 : i32
      %dma_wait3A_575 = arith.constant 0 : i32
      %dma_wait3A_576 = tpu.memref_slice %arg5[%dma_wait3A_566, %dma_wait3A_574, %dma_wait3A_575] : memref<3x32x512xf32, #tpu.memory_space<vmem>> -> memref<1x32x128xf32, #tpu.memory_space<vmem>>
      %dma_wait3A_577 = tpu.memref_squeeze %dma_wait3A_576 : memref<1x32x128xf32, #tpu.memory_space<vmem>> -> memref<32x128xf32, #tpu.memory_space<vmem>>
      %dma_wait3A_578 = arith.constant 0 : i32
      %dma_wait3A_579 = arith.constant 0 : i32
      %dma_wait3A_580 = tpu.memref_slice %arg2[%dma_wait3A_578, %dma_wait3A_579] : memref<32x1000001xf32, #tpu.memory_space<hbm>> -> memref<32x128xf32, #tpu.memory_space<hbm>>
      tpu.wait_dma2 semaphore(%arg7 : memref<!tpu.dma_semaphore, #tpu.memory_space<semaphore_mem>>) src(%dma_wait3A_580 : memref<32x128xf32, #tpu.memory_space<hbm>>) dst(%dma_wait3A_577 : memref<32x128xf32, #tpu.memory_space<vmem>>)
    } else {
    }
    %eq3A = arith.constant 4 : i32
    %eq3A_110 = arith.cmpi eq, %add3A, %eq3A : i32
    %convert_element_type3A_111 = arith.extui %eq3A_110 : i1 to i32
    %cond3A_112 = arith.constant 0 : i32
    %cond3A_113 = arith.cmpi ne, %convert_element_type3A_111, %cond3A_112 : i32
    scf.if %cond3A_113 {
      %run_scoped3A = arith.constant 0 : i32
      "tpu.region"() ({
        %run_scoped3A_513 = tpu.sem_alloc : memref<!tpu.dma_semaphore, #tpu.memory_space<semaphore_mem>>
        %dma_start3A_514 = arith.constant 0 : i32
        %dma_start3A_515 = arith.constant 0 : i32
        %dma_start3A_516 = tpu.memref_slice %arg5[%run_scoped3A, %dma_start3A_514, %dma_start3A_515] : memref<3x32x512xf32, #tpu.memory_space<vmem>> -> memref<1x32x128xf32, #tpu.memory_space<vmem>>
        %dma_start3A_517 = tpu.memref_squeeze %dma_start3A_516 : memref<1x32x128xf32, #tpu.memory_space<vmem>> -> memref<32x128xf32, #tpu.memory_space<vmem>>
        %dma_start3A_518 = arith.constant 0 : i32
        %dma_start3A_519 = arith.constant 0 : i32
        %dma_start3A_520 = tpu.memref_slice %arg5[%run_scoped3A, %dma_start3A_518, %dma_start3A_519] : memref<3x32x512xf32, #tpu.memory_space<vmem>> -> memref<1x32x128xf32, #tpu.memory_space<vmem>>
        %dma_start3A_521 = tpu.memref_squeeze %dma_start3A_520 : memref<1x32x128xf32, #tpu.memory_space<vmem>> -> memref<32x128xf32, #tpu.memory_space<vmem>>
        tpu.enqueue_dma source(%arg3 : memref<32x128xf32, #tpu.memory_space<hbm>>) target(%dma_start3A_521 : memref<32x128xf32, #tpu.memory_space<vmem>>) target_semaphore(%run_scoped3A_513 : memref<!tpu.dma_semaphore, #tpu.memory_space<semaphore_mem>>)
        %dma_wait3A_522 = arith.constant 0 : i32
        %dma_wait3A_523 = arith.constant 0 : i32
        %dma_wait3A_524 = tpu.memref_slice %arg5[%run_scoped3A, %dma_wait3A_522, %dma_wait3A_523] : memref<3x32x512xf32, #tpu.memory_space<vmem>> -> memref<1x32x128xf32, #tpu.memory_space<vmem>>
        %dma_wait3A_525 = tpu.memref_squeeze %dma_wait3A_524 : memref<1x32x128xf32, #tpu.memory_space<vmem>> -> memref<32x128xf32, #tpu.memory_space<vmem>>
        %dma_wait3A_526 = arith.constant 0 : i32
        %dma_wait3A_527 = arith.constant 0 : i32
        %dma_wait3A_528 = tpu.memref_slice %arg5[%run_scoped3A, %dma_wait3A_526, %dma_wait3A_527] : memref<3x32x512xf32, #tpu.memory_space<vmem>> -> memref<1x32x128xf32, #tpu.memory_space<vmem>>
        %dma_wait3A_529 = tpu.memref_squeeze %dma_wait3A_528 : memref<1x32x128xf32, #tpu.memory_space<vmem>> -> memref<32x128xf32, #tpu.memory_space<vmem>>
        tpu.wait_dma2 semaphore(%run_scoped3A_513 : memref<!tpu.dma_semaphore, #tpu.memory_space<semaphore_mem>>) src(%arg3 : memref<32x128xf32, #tpu.memory_space<hbm>>) dst(%dma_wait3A_529 : memref<32x128xf32, #tpu.memory_space<vmem>>)
        tpu.yield
      }) : () -> ()
      %dma_start3A_114 = arith.constant 0 : i32
      %dma_start3A_115 = arith.constant 0 : i32
      %dma_start3A_116 = arith.constant 0 : i32
      %dma_start3A_117 = tpu.memref_slice %arg5[%dma_start3A_114, %dma_start3A_115, %dma_start3A_116] : memref<3x32x512xf32, #tpu.memory_space<vmem>> -> memref<1x1x128xf32, #tpu.memory_space<vmem>>
      %dma_start3A_118 = tpu.memref_squeeze %dma_start3A_117 : memref<1x1x128xf32, #tpu.memory_space<vmem>> -> memref<128xf32, #tpu.memory_space<vmem>>
      %dma_start3A_119 = arith.constant 999936 : i32
      %dma_start3A_120 = tpu.memref_slice %arg4[%dma_start3A_119] : memref<32002048xf32, #tpu.memory_space<hbm>> -> memref<128xf32, #tpu.memory_space<hbm>>
      %dma_start3A_121 = arith.constant 999936 : i32
      %dma_start3A_122 = tpu.memref_slice %arg4[%dma_start3A_121] : memref<32002048xf32, #tpu.memory_space<hbm>> -> memref<128xf32, #tpu.memory_space<hbm>>
      %dma_start3A_123 = arith.constant 0 : i32
      %dma_start3A_124 = tpu.memref_slice %arg5[%dma_start3A_114, %dma_start3A_115, %dma_start3A_123] : memref<3x32x512xf32, #tpu.memory_space<vmem>> -> memref<1x1x128xf32, #tpu.memory_space<vmem>>
      %dma_start3A_125 = tpu.memref_squeeze %dma_start3A_124 : memref<1x1x128xf32, #tpu.memory_space<vmem>> -> memref<128xf32, #tpu.memory_space<vmem>>
      tpu.enqueue_dma source(%dma_start3A_125 : memref<128xf32, #tpu.memory_space<vmem>>) target(%dma_start3A_122 : memref<128xf32, #tpu.memory_space<hbm>>) target_semaphore(%arg7 : memref<!tpu.dma_semaphore, #tpu.memory_space<semaphore_mem>>)
      %dma_start3A_126 = arith.constant 0 : i32
      %dma_start3A_127 = arith.constant 1 : i32
      %dma_start3A_128 = arith.constant 0 : i32
      %dma_start3A_129 = tpu.memref_slice %arg5[%dma_start3A_126, %dma_start3A_127, %dma_start3A_128] : memref<3x32x512xf32, #tpu.memory_space<vmem>> -> memref<1x1x128xf32, #tpu.memory_space<vmem>>
      %dma_start3A_130 = tpu.memref_squeeze %dma_start3A_129 : memref<1x1x128xf32, #tpu.memory_space<vmem>> -> memref<128xf32, #tpu.memory_space<vmem>>
      %dma_start3A_131 = arith.constant 2000000 : i32
      %dma_start3A_132 = tpu.memref_slice %arg4[%dma_start3A_131] : memref<32002048xf32, #tpu.memory_space<hbm>> -> memref<128xf32, #tpu.memory_space<hbm>>
      %dma_start3A_133 = arith.constant 2000000 : i32
      %dma_start3A_134 = tpu.memref_slice %arg4[%dma_start3A_133] : memref<32002048xf32, #tpu.memory_space<hbm>> -> memref<128xf32, #tpu.memory_space<hbm>>
      %dma_start3A_135 = arith.constant 0 : i32
      %dma_start3A_136 = tpu.memref_slice %arg5[%dma_start3A_126, %dma_start3A_127, %dma_start3A_135] : memref<3x32x512xf32, #tpu.memory_space<vmem>> -> memref<1x1x128xf32, #tpu.memory_space<vmem>>
      %dma_start3A_137 = tpu.memref_squeeze %dma_start3A_136 : memref<1x1x128xf32, #tpu.memory_space<vmem>> -> memref<128xf32, #tpu.memory_space<vmem>>
      tpu.enqueue_dma source(%dma_start3A_137 : memref<128xf32, #tpu.memory_space<vmem>>) target(%dma_start3A_134 : memref<128xf32, #tpu.memory_space<hbm>>) target_semaphore(%arg7 : memref<!tpu.dma_semaphore, #tpu.memory_space<semaphore_mem>>)
      %dma_start3A_138 = arith.constant 0 : i32
      %dma_start3A_139 = arith.constant 2 : i32
      %dma_start3A_140 = arith.constant 0 : i32
      %dma_start3A_141 = tpu.memref_slice %arg5[%dma_start3A_138, %dma_start3A_139, %dma_start3A_140] : memref<3x32x512xf32, #tpu.memory_space<vmem>> -> memref<1x1x128xf32, #tpu.memory_space<vmem>>
      %dma_start3A_142 = tpu.memref_squeeze %dma_start3A_141 : memref<1x1x128xf32, #tpu.memory_space<vmem>> -> memref<128xf32, #tpu.memory_space<vmem>>
      %dma_start3A_143 = arith.constant 3000064 : i32
      %dma_start3A_144 = tpu.memref_slice %arg4[%dma_start3A_143] : memref<32002048xf32, #tpu.memory_space<hbm>> -> memref<128xf32, #tpu.memory_space<hbm>>
      %dma_start3A_145 = arith.constant 3000064 : i32
      %dma_start3A_146 = tpu.memref_slice %arg4[%dma_start3A_145] : memref<32002048xf32, #tpu.memory_space<hbm>> -> memref<128xf32, #tpu.memory_space<hbm>>
      %dma_start3A_147 = arith.constant 0 : i32
      %dma_start3A_148 = tpu.memref_slice %arg5[%dma_start3A_138, %dma_start3A_139, %dma_start3A_147] : memref<3x32x512xf32, #tpu.memory_space<vmem>> -> memref<1x1x128xf32, #tpu.memory_space<vmem>>
      %dma_start3A_149 = tpu.memref_squeeze %dma_start3A_148 : memref<1x1x128xf32, #tpu.memory_space<vmem>> -> memref<128xf32, #tpu.memory_space<vmem>>
      tpu.enqueue_dma source(%dma_start3A_149 : memref<128xf32, #tpu.memory_space<vmem>>) target(%dma_start3A_146 : memref<128xf32, #tpu.memory_space<hbm>>) target_semaphore(%arg7 : memref<!tpu.dma_semaphore, #tpu.memory_space<semaphore_mem>>)
      %dma_start3A_150 = arith.constant 0 : i32
      %dma_start3A_151 = arith.constant 3 : i32
      %dma_start3A_152 = arith.constant 0 : i32
      %dma_start3A_153 = tpu.memref_slice %arg5[%dma_start3A_150, %dma_start3A_151, %dma_start3A_152] : memref<3x32x512xf32, #tpu.memory_space<vmem>> -> memref<1x1x128xf32, #tpu.memory_space<vmem>>
      %dma_start3A_154 = tpu.memref_squeeze %dma_start3A_153 : memref<1x1x128xf32, #tpu.memory_space<vmem>> -> memref<128xf32, #tpu.memory_space<vmem>>
      %dma_start3A_155 = arith.constant 4000128 : i32
      %dma_start3A_156 = tpu.memref_slice %arg4[%dma_start3A_155] : memref<32002048xf32, #tpu.memory_space<hbm>> -> memref<128xf32, #tpu.memory_space<hbm>>
      %dma_start3A_157 = arith.constant 4000128 : i32
      %dma_start3A_158 = tpu.memref_slice %arg4[%dma_start3A_157] : memref<32002048xf32, #tpu.memory_space<hbm>> -> memref<128xf32, #tpu.memory_space<hbm>>
      %dma_start3A_159 = arith.constant 0 : i32
      %dma_start3A_160 = tpu.memref_slice %arg5[%dma_start3A_150, %dma_start3A_151, %dma_start3A_159] : memref<3x32x512xf32, #tpu.memory_space<vmem>> -> memref<1x1x128xf32, #tpu.memory_space<vmem>>
      %dma_start3A_161 = tpu.memref_squeeze %dma_start3A_160 : memref<1x1x128xf32, #tpu.memory_space<vmem>> -> memref<128xf32, #tpu.memory_space<vmem>>
      tpu.enqueue_dma source(%dma_start3A_161 : memref<128xf32, #tpu.memory_space<vmem>>) target(%dma_start3A_158 : memref<128xf32, #tpu.memory_space<hbm>>) target_semaphore(%arg7 : memref<!tpu.dma_semaphore, #tpu.memory_space<semaphore_mem>>)
      %dma_start3A_162 = arith.constant 0 : i32
      %dma_start3A_163 = arith.constant 4 : i32
      %dma_start3A_164 = arith.constant 0 : i32
      %dma_start3A_165 = tpu.memref_slice %arg5[%dma_start3A_162, %dma_start3A_163, %dma_start3A_164] : memref<3x32x512xf32, #tpu.memory_space<vmem>> -> memref<1x1x128xf32, #tpu.memory_space<vmem>>
      %dma_start3A_166 = tpu.memref_squeeze %dma_start3A_165 : memref<1x1x128xf32, #tpu.memory_space<vmem>> -> memref<128xf32, #tpu.memory_space<vmem>>
      %dma_start3A_167 = arith.constant 5000192 : i32
      %dma_start3A_168 = tpu.memref_slice %arg4[%dma_start3A_167] : memref<32002048xf32, #tpu.memory_space<hbm>> -> memref<128xf32, #tpu.memory_space<hbm>>
      %dma_start3A_169 = arith.constant 5000192 : i32
      %dma_start3A_170 = tpu.memref_slice %arg4[%dma_start3A_169] : memref<32002048xf32, #tpu.memory_space<hbm>> -> memref<128xf32, #tpu.memory_space<hbm>>
      %dma_start3A_171 = arith.constant 0 : i32
      %dma_start3A_172 = tpu.memref_slice %arg5[%dma_start3A_162, %dma_start3A_163, %dma_start3A_171] : memref<3x32x512xf32, #tpu.memory_space<vmem>> -> memref<1x1x128xf32, #tpu.memory_space<vmem>>
      %dma_start3A_173 = tpu.memref_squeeze %dma_start3A_172 : memref<1x1x128xf32, #tpu.memory_space<vmem>> -> memref<128xf32, #tpu.memory_space<vmem>>
      tpu.enqueue_dma source(%dma_start3A_173 : memref<128xf32, #tpu.memory_space<vmem>>) target(%dma_start3A_170 : memref<128xf32, #tpu.memory_space<hbm>>) target_semaphore(%arg7 : memref<!tpu.dma_semaphore, #tpu.memory_space<semaphore_mem>>)
      %dma_start3A_174 = arith.constant 0 : i32
      %dma_start3A_175 = arith.constant 5 : i32
      %dma_start3A_176 = arith.constant 0 : i32
      %dma_start3A_177 = tpu.memref_slice %arg5[%dma_start3A_174, %dma_start3A_175, %dma_start3A_176] : memref<3x32x512xf32, #tpu.memory_space<vmem>> -> memref<1x1x128xf32, #tpu.memory_space<vmem>>
      %dma_start3A_178 = tpu.memref_squeeze %dma_start3A_177 : memref<1x1x128xf32, #tpu.memory_space<vmem>> -> memref<128xf32, #tpu.memory_space<vmem>>
      %dma_start3A_179 = arith.constant 6000256 : i32
      %dma_start3A_180 = tpu.memref_slice %arg4[%dma_start3A_179] : memref<32002048xf32, #tpu.memory_space<hbm>> -> memref<128xf32, #tpu.memory_space<hbm>>
      %dma_start3A_181 = arith.constant 6000256 : i32
      %dma_start3A_182 = tpu.memref_slice %arg4[%dma_start3A_181] : memref<32002048xf32, #tpu.memory_space<hbm>> -> memref<128xf32, #tpu.memory_space<hbm>>
      %dma_start3A_183 = arith.constant 0 : i32
      %dma_start3A_184 = tpu.memref_slice %arg5[%dma_start3A_174, %dma_start3A_175, %dma_start3A_183] : memref<3x32x512xf32, #tpu.memory_space<vmem>> -> memref<1x1x128xf32, #tpu.memory_space<vmem>>
      %dma_start3A_185 = tpu.memref_squeeze %dma_start3A_184 : memref<1x1x128xf32, #tpu.memory_space<vmem>> -> memref<128xf32, #tpu.memory_space<vmem>>
      tpu.enqueue_dma source(%dma_start3A_185 : memref<128xf32, #tpu.memory_space<vmem>>) target(%dma_start3A_182 : memref<128xf32, #tpu.memory_space<hbm>>) target_semaphore(%arg7 : memref<!tpu.dma_semaphore, #tpu.memory_space<semaphore_mem>>)
      %dma_start3A_186 = arith.constant 0 : i32
      %dma_start3A_187 = arith.constant 6 : i32
      %dma_start3A_188 = arith.constant 0 : i32
      %dma_start3A_189 = tpu.memref_slice %arg5[%dma_start3A_186, %dma_start3A_187, %dma_start3A_188] : memref<3x32x512xf32, #tpu.memory_space<vmem>> -> memref<1x1x128xf32, #tpu.memory_space<vmem>>
      %dma_start3A_190 = tpu.memref_squeeze %dma_start3A_189 : memref<1x1x128xf32, #tpu.memory_space<vmem>> -> memref<128xf32, #tpu.memory_space<vmem>>
      %dma_start3A_191 = arith.constant 7000320 : i32
      %dma_start3A_192 = tpu.memref_slice %arg4[%dma_start3A_191] : memref<32002048xf32, #tpu.memory_space<hbm>> -> memref<128xf32, #tpu.memory_space<hbm>>
      %dma_start3A_193 = arith.constant 7000320 : i32
      %dma_start3A_194 = tpu.memref_slice %arg4[%dma_start3A_193] : memref<32002048xf32, #tpu.memory_space<hbm>> -> memref<128xf32, #tpu.memory_space<hbm>>
      %dma_start3A_195 = arith.constant 0 : i32
      %dma_start3A_196 = tpu.memref_slice %arg5[%dma_start3A_186, %dma_start3A_187, %dma_start3A_195] : memref<3x32x512xf32, #tpu.memory_space<vmem>> -> memref<1x1x128xf32, #tpu.memory_space<vmem>>
      %dma_start3A_197 = tpu.memref_squeeze %dma_start3A_196 : memref<1x1x128xf32, #tpu.memory_space<vmem>> -> memref<128xf32, #tpu.memory_space<vmem>>
      tpu.enqueue_dma source(%dma_start3A_197 : memref<128xf32, #tpu.memory_space<vmem>>) target(%dma_start3A_194 : memref<128xf32, #tpu.memory_space<hbm>>) target_semaphore(%arg7 : memref<!tpu.dma_semaphore, #tpu.memory_space<semaphore_mem>>)
      %dma_start3A_198 = arith.constant 0 : i32
      %dma_start3A_199 = arith.constant 7 : i32
      %dma_start3A_200 = arith.constant 0 : i32
      %dma_start3A_201 = tpu.memref_slice %arg5[%dma_start3A_198, %dma_start3A_199, %dma_start3A_200] : memref<3x32x512xf32, #tpu.memory_space<vmem>> -> memref<1x1x128xf32, #tpu.memory_space<vmem>>
      %dma_start3A_202 = tpu.memref_squeeze %dma_start3A_201 : memref<1x1x128xf32, #tpu.memory_space<vmem>> -> memref<128xf32, #tpu.memory_space<vmem>>
      %dma_start3A_203 = arith.constant 8000384 : i32
      %dma_start3A_204 = tpu.memref_slice %arg4[%dma_start3A_203] : memref<32002048xf32, #tpu.memory_space<hbm>> -> memref<128xf32, #tpu.memory_space<hbm>>
      %dma_start3A_205 = arith.constant 8000384 : i32
      %dma_start3A_206 = tpu.memref_slice %arg4[%dma_start3A_205] : memref<32002048xf32, #tpu.memory_space<hbm>> -> memref<128xf32, #tpu.memory_space<hbm>>
      %dma_start3A_207 = arith.constant 0 : i32
      %dma_start3A_208 = tpu.memref_slice %arg5[%dma_start3A_198, %dma_start3A_199, %dma_start3A_207] : memref<3x32x512xf32, #tpu.memory_space<vmem>> -> memref<1x1x128xf32, #tpu.memory_space<vmem>>
      %dma_start3A_209 = tpu.memref_squeeze %dma_start3A_208 : memref<1x1x128xf32, #tpu.memory_space<vmem>> -> memref<128xf32, #tpu.memory_space<vmem>>
      tpu.enqueue_dma source(%dma_start3A_209 : memref<128xf32, #tpu.memory_space<vmem>>) target(%dma_start3A_206 : memref<128xf32, #tpu.memory_space<hbm>>) target_semaphore(%arg7 : memref<!tpu.dma_semaphore, #tpu.memory_space<semaphore_mem>>)
      %dma_start3A_210 = arith.constant 0 : i32
      %dma_start3A_211 = arith.constant 8 : i32
      %dma_start3A_212 = arith.constant 0 : i32
      %dma_start3A_213 = tpu.memref_slice %arg5[%dma_start3A_210, %dma_start3A_211, %dma_start3A_212] : memref<3x32x512xf32, #tpu.memory_space<vmem>> -> memref<1x1x128xf32, #tpu.memory_space<vmem>>
      %dma_start3A_214 = tpu.memref_squeeze %dma_start3A_213 : memref<1x1x128xf32, #tpu.memory_space<vmem>> -> memref<128xf32, #tpu.memory_space<vmem>>
      %dma_start3A_215 = arith.constant 9000448 : i32
      %dma_start3A_216 = tpu.memref_slice %arg4[%dma_start3A_215] : memref<32002048xf32, #tpu.memory_space<hbm>> -> memref<128xf32, #tpu.memory_space<hbm>>
      %dma_start3A_217 = arith.constant 9000448 : i32
      %dma_start3A_218 = tpu.memref_slice %arg4[%dma_start3A_217] : memref<32002048xf32, #tpu.memory_space<hbm>> -> memref<128xf32, #tpu.memory_space<hbm>>
      %dma_start3A_219 = arith.constant 0 : i32
      %dma_start3A_220 = tpu.memref_slice %arg5[%dma_start3A_210, %dma_start3A_211, %dma_start3A_219] : memref<3x32x512xf32, #tpu.memory_space<vmem>> -> memref<1x1x128xf32, #tpu.memory_space<vmem>>
      %dma_start3A_221 = tpu.memref_squeeze %dma_start3A_220 : memref<1x1x128xf32, #tpu.memory_space<vmem>> -> memref<128xf32, #tpu.memory_space<vmem>>
      tpu.enqueue_dma source(%dma_start3A_221 : memref<128xf32, #tpu.memory_space<vmem>>) target(%dma_start3A_218 : memref<128xf32, #tpu.memory_space<hbm>>) target_semaphore(%arg7 : memref<!tpu.dma_semaphore, #tpu.memory_space<semaphore_mem>>)
      %dma_start3A_222 = arith.constant 0 : i32
      %dma_start3A_223 = arith.constant 9 : i32
      %dma_start3A_224 = arith.constant 0 : i32
      %dma_start3A_225 = tpu.memref_slice %arg5[%dma_start3A_222, %dma_start3A_223, %dma_start3A_224] : memref<3x32x512xf32, #tpu.memory_space<vmem>> -> memref<1x1x128xf32, #tpu.memory_space<vmem>>
      %dma_start3A_226 = tpu.memref_squeeze %dma_start3A_225 : memref<1x1x128xf32, #tpu.memory_space<vmem>> -> memref<128xf32, #tpu.memory_space<vmem>>
      %dma_start3A_227 = arith.constant 10000512 : i32
      %dma_start3A_228 = tpu.memref_slice %arg4[%dma_start3A_227] : memref<32002048xf32, #tpu.memory_space<hbm>> -> memref<128xf32, #tpu.memory_space<hbm>>
      %dma_start3A_229 = arith.constant 10000512 : i32
      %dma_start3A_230 = tpu.memref_slice %arg4[%dma_start3A_229] : memref<32002048xf32, #tpu.memory_space<hbm>> -> memref<128xf32, #tpu.memory_space<hbm>>
      %dma_start3A_231 = arith.constant 0 : i32
      %dma_start3A_232 = tpu.memref_slice %arg5[%dma_start3A_222, %dma_start3A_223, %dma_start3A_231] : memref<3x32x512xf32, #tpu.memory_space<vmem>> -> memref<1x1x128xf32, #tpu.memory_space<vmem>>
      %dma_start3A_233 = tpu.memref_squeeze %dma_start3A_232 : memref<1x1x128xf32, #tpu.memory_space<vmem>> -> memref<128xf32, #tpu.memory_space<vmem>>
      tpu.enqueue_dma source(%dma_start3A_233 : memref<128xf32, #tpu.memory_space<vmem>>) target(%dma_start3A_230 : memref<128xf32, #tpu.memory_space<hbm>>) target_semaphore(%arg7 : memref<!tpu.dma_semaphore, #tpu.memory_space<semaphore_mem>>)
      %dma_start3A_234 = arith.constant 0 : i32
      %dma_start3A_235 = arith.constant 10 : i32
      %dma_start3A_236 = arith.constant 0 : i32
      %dma_start3A_237 = tpu.memref_slice %arg5[%dma_start3A_234, %dma_start3A_235, %dma_start3A_236] : memref<3x32x512xf32, #tpu.memory_space<vmem>> -> memref<1x1x128xf32, #tpu.memory_space<vmem>>
      %dma_start3A_238 = tpu.memref_squeeze %dma_start3A_237 : memref<1x1x128xf32, #tpu.memory_space<vmem>> -> memref<128xf32, #tpu.memory_space<vmem>>
      %dma_start3A_239 = arith.constant 11000576 : i32
      %dma_start3A_240 = tpu.memref_slice %arg4[%dma_start3A_239] : memref<32002048xf32, #tpu.memory_space<hbm>> -> memref<128xf32, #tpu.memory_space<hbm>>
      %dma_start3A_241 = arith.constant 11000576 : i32
      %dma_start3A_242 = tpu.memref_slice %arg4[%dma_start3A_241] : memref<32002048xf32, #tpu.memory_space<hbm>> -> memref<128xf32, #tpu.memory_space<hbm>>
      %dma_start3A_243 = arith.constant 0 : i32
      %dma_start3A_244 = tpu.memref_slice %arg5[%dma_start3A_234, %dma_start3A_235, %dma_start3A_243] : memref<3x32x512xf32, #tpu.memory_space<vmem>> -> memref<1x1x128xf32, #tpu.memory_space<vmem>>
      %dma_start3A_245 = tpu.memref_squeeze %dma_start3A_244 : memref<1x1x128xf32, #tpu.memory_space<vmem>> -> memref<128xf32, #tpu.memory_space<vmem>>
      tpu.enqueue_dma source(%dma_start3A_245 : memref<128xf32, #tpu.memory_space<vmem>>) target(%dma_start3A_242 : memref<128xf32, #tpu.memory_space<hbm>>) target_semaphore(%arg7 : memref<!tpu.dma_semaphore, #tpu.memory_space<semaphore_mem>>)
      %dma_start3A_246 = arith.constant 0 : i32
      %dma_start3A_247 = arith.constant 11 : i32
      %dma_start3A_248 = arith.constant 0 : i32
      %dma_start3A_249 = tpu.memref_slice %arg5[%dma_start3A_246, %dma_start3A_247, %dma_start3A_248] : memref<3x32x512xf32, #tpu.memory_space<vmem>> -> memref<1x1x128xf32, #tpu.memory_space<vmem>>
      %dma_start3A_250 = tpu.memref_squeeze %dma_start3A_249 : memref<1x1x128xf32, #tpu.memory_space<vmem>> -> memref<128xf32, #tpu.memory_space<vmem>>
      %dma_start3A_251 = arith.constant 12000640 : i32
      %dma_start3A_252 = tpu.memref_slice %arg4[%dma_start3A_251] : memref<32002048xf32, #tpu.memory_space<hbm>> -> memref<128xf32, #tpu.memory_space<hbm>>
      %dma_start3A_253 = arith.constant 12000640 : i32
      %dma_start3A_254 = tpu.memref_slice %arg4[%dma_start3A_253] : memref<32002048xf32, #tpu.memory_space<hbm>> -> memref<128xf32, #tpu.memory_space<hbm>>
      %dma_start3A_255 = arith.constant 0 : i32
      %dma_start3A_256 = tpu.memref_slice %arg5[%dma_start3A_246, %dma_start3A_247, %dma_start3A_255] : memref<3x32x512xf32, #tpu.memory_space<vmem>> -> memref<1x1x128xf32, #tpu.memory_space<vmem>>
      %dma_start3A_257 = tpu.memref_squeeze %dma_start3A_256 : memref<1x1x128xf32, #tpu.memory_space<vmem>> -> memref<128xf32, #tpu.memory_space<vmem>>
      tpu.enqueue_dma source(%dma_start3A_257 : memref<128xf32, #tpu.memory_space<vmem>>) target(%dma_start3A_254 : memref<128xf32, #tpu.memory_space<hbm>>) target_semaphore(%arg7 : memref<!tpu.dma_semaphore, #tpu.memory_space<semaphore_mem>>)
      %dma_start3A_258 = arith.constant 0 : i32
      %dma_start3A_259 = arith.constant 12 : i32
      %dma_start3A_260 = arith.constant 0 : i32
      %dma_start3A_261 = tpu.memref_slice %arg5[%dma_start3A_258, %dma_start3A_259, %dma_start3A_260] : memref<3x32x512xf32, #tpu.memory_space<vmem>> -> memref<1x1x128xf32, #tpu.memory_space<vmem>>
      %dma_start3A_262 = tpu.memref_squeeze %dma_start3A_261 : memref<1x1x128xf32, #tpu.memory_space<vmem>> -> memref<128xf32, #tpu.memory_space<vmem>>
      %dma_start3A_263 = arith.constant 13000704 : i32
      %dma_start3A_264 = tpu.memref_slice %arg4[%dma_start3A_263] : memref<32002048xf32, #tpu.memory_space<hbm>> -> memref<128xf32, #tpu.memory_space<hbm>>
      %dma_start3A_265 = arith.constant 13000704 : i32
      %dma_start3A_266 = tpu.memref_slice %arg4[%dma_start3A_265] : memref<32002048xf32, #tpu.memory_space<hbm>> -> memref<128xf32, #tpu.memory_space<hbm>>
      %dma_start3A_267 = arith.constant 0 : i32
      %dma_start3A_268 = tpu.memref_slice %arg5[%dma_start3A_258, %dma_start3A_259, %dma_start3A_267] : memref<3x32x512xf32, #tpu.memory_space<vmem>> -> memref<1x1x128xf32, #tpu.memory_space<vmem>>
      %dma_start3A_269 = tpu.memref_squeeze %dma_start3A_268 : memref<1x1x128xf32, #tpu.memory_space<vmem>> -> memref<128xf32, #tpu.memory_space<vmem>>
      tpu.enqueue_dma source(%dma_start3A_269 : memref<128xf32, #tpu.memory_space<vmem>>) target(%dma_start3A_266 : memref<128xf32, #tpu.memory_space<hbm>>) target_semaphore(%arg7 : memref<!tpu.dma_semaphore, #tpu.memory_space<semaphore_mem>>)
      %dma_start3A_270 = arith.constant 0 : i32
      %dma_start3A_271 = arith.constant 13 : i32
      %dma_start3A_272 = arith.constant 0 : i32
      %dma_start3A_273 = tpu.memref_slice %arg5[%dma_start3A_270, %dma_start3A_271, %dma_start3A_272] : memref<3x32x512xf32, #tpu.memory_space<vmem>> -> memref<1x1x128xf32, #tpu.memory_space<vmem>>
      %dma_start3A_274 = tpu.memref_squeeze %dma_start3A_273 : memref<1x1x128xf32, #tpu.memory_space<vmem>> -> memref<128xf32, #tpu.memory_space<vmem>>
      %dma_start3A_275 = arith.constant 14000768 : i32
      %dma_start3A_276 = tpu.memref_slice %arg4[%dma_start3A_275] : memref<32002048xf32, #tpu.memory_space<hbm>> -> memref<128xf32, #tpu.memory_space<hbm>>
      %dma_start3A_277 = arith.constant 14000768 : i32
      %dma_start3A_278 = tpu.memref_slice %arg4[%dma_start3A_277] : memref<32002048xf32, #tpu.memory_space<hbm>> -> memref<128xf32, #tpu.memory_space<hbm>>
      %dma_start3A_279 = arith.constant 0 : i32
      %dma_start3A_280 = tpu.memref_slice %arg5[%dma_start3A_270, %dma_start3A_271, %dma_start3A_279] : memref<3x32x512xf32, #tpu.memory_space<vmem>> -> memref<1x1x128xf32, #tpu.memory_space<vmem>>
      %dma_start3A_281 = tpu.memref_squeeze %dma_start3A_280 : memref<1x1x128xf32, #tpu.memory_space<vmem>> -> memref<128xf32, #tpu.memory_space<vmem>>
      tpu.enqueue_dma source(%dma_start3A_281 : memref<128xf32, #tpu.memory_space<vmem>>) target(%dma_start3A_278 : memref<128xf32, #tpu.memory_space<hbm>>) target_semaphore(%arg7 : memref<!tpu.dma_semaphore, #tpu.memory_space<semaphore_mem>>)
      %dma_start3A_282 = arith.constant 0 : i32
      %dma_start3A_283 = arith.constant 14 : i32
      %dma_start3A_284 = arith.constant 0 : i32
      %dma_start3A_285 = tpu.memref_slice %arg5[%dma_start3A_282, %dma_start3A_283, %dma_start3A_284] : memref<3x32x512xf32, #tpu.memory_space<vmem>> -> memref<1x1x128xf32, #tpu.memory_space<vmem>>
      %dma_start3A_286 = tpu.memref_squeeze %dma_start3A_285 : memref<1x1x128xf32, #tpu.memory_space<vmem>> -> memref<128xf32, #tpu.memory_space<vmem>>
      %dma_start3A_287 = arith.constant 15000832 : i32
      %dma_start3A_288 = tpu.memref_slice %arg4[%dma_start3A_287] : memref<32002048xf32, #tpu.memory_space<hbm>> -> memref<128xf32, #tpu.memory_space<hbm>>
      %dma_start3A_289 = arith.constant 15000832 : i32
      %dma_start3A_290 = tpu.memref_slice %arg4[%dma_start3A_289] : memref<32002048xf32, #tpu.memory_space<hbm>> -> memref<128xf32, #tpu.memory_space<hbm>>
      %dma_start3A_291 = arith.constant 0 : i32
      %dma_start3A_292 = tpu.memref_slice %arg5[%dma_start3A_282, %dma_start3A_283, %dma_start3A_291] : memref<3x32x512xf32, #tpu.memory_space<vmem>> -> memref<1x1x128xf32, #tpu.memory_space<vmem>>
      %dma_start3A_293 = tpu.memref_squeeze %dma_start3A_292 : memref<1x1x128xf32, #tpu.memory_space<vmem>> -> memref<128xf32, #tpu.memory_space<vmem>>
      tpu.enqueue_dma source(%dma_start3A_293 : memref<128xf32, #tpu.memory_space<vmem>>) target(%dma_start3A_290 : memref<128xf32, #tpu.memory_space<hbm>>) target_semaphore(%arg7 : memref<!tpu.dma_semaphore, #tpu.memory_space<semaphore_mem>>)
      %dma_start3A_294 = arith.constant 0 : i32
      %dma_start3A_295 = arith.constant 15 : i32
      %dma_start3A_296 = arith.constant 0 : i32
      %dma_start3A_297 = tpu.memref_slice %arg5[%dma_start3A_294, %dma_start3A_295, %dma_start3A_296] : memref<3x32x512xf32, #tpu.memory_space<vmem>> -> memref<1x1x128xf32, #tpu.memory_space<vmem>>
      %dma_start3A_298 = tpu.memref_squeeze %dma_start3A_297 : memref<1x1x128xf32, #tpu.memory_space<vmem>> -> memref<128xf32, #tpu.memory_space<vmem>>
      %dma_start3A_299 = arith.constant 16000896 : i32
      %dma_start3A_300 = tpu.memref_slice %arg4[%dma_start3A_299] : memref<32002048xf32, #tpu.memory_space<hbm>> -> memref<128xf32, #tpu.memory_space<hbm>>
      %dma_start3A_301 = arith.constant 16000896 : i32
      %dma_start3A_302 = tpu.memref_slice %arg4[%dma_start3A_301] : memref<32002048xf32, #tpu.memory_space<hbm>> -> memref<128xf32, #tpu.memory_space<hbm>>
      %dma_start3A_303 = arith.constant 0 : i32
      %dma_start3A_304 = tpu.memref_slice %arg5[%dma_start3A_294, %dma_start3A_295, %dma_start3A_303] : memref<3x32x512xf32, #tpu.memory_space<vmem>> -> memref<1x1x128xf32, #tpu.memory_space<vmem>>
      %dma_start3A_305 = tpu.memref_squeeze %dma_start3A_304 : memref<1x1x128xf32, #tpu.memory_space<vmem>> -> memref<128xf32, #tpu.memory_space<vmem>>
      tpu.enqueue_dma source(%dma_start3A_305 : memref<128xf32, #tpu.memory_space<vmem>>) target(%dma_start3A_302 : memref<128xf32, #tpu.memory_space<hbm>>) target_semaphore(%arg7 : memref<!tpu.dma_semaphore, #tpu.memory_space<semaphore_mem>>)
      %dma_start3A_306 = arith.constant 0 : i32
      %dma_start3A_307 = arith.constant 16 : i32
      %dma_start3A_308 = arith.constant 0 : i32
      %dma_start3A_309 = tpu.memref_slice %arg5[%dma_start3A_306, %dma_start3A_307, %dma_start3A_308] : memref<3x32x512xf32, #tpu.memory_space<vmem>> -> memref<1x1x128xf32, #tpu.memory_space<vmem>>
      %dma_start3A_310 = tpu.memref_squeeze %dma_start3A_309 : memref<1x1x128xf32, #tpu.memory_space<vmem>> -> memref<128xf32, #tpu.memory_space<vmem>>
      %dma_start3A_311 = arith.constant 17000960 : i32
      %dma_start3A_312 = tpu.memref_slice %arg4[%dma_start3A_311] : memref<32002048xf32, #tpu.memory_space<hbm>> -> memref<128xf32, #tpu.memory_space<hbm>>
      %dma_start3A_313 = arith.constant 17000960 : i32
      %dma_start3A_314 = tpu.memref_slice %arg4[%dma_start3A_313] : memref<32002048xf32, #tpu.memory_space<hbm>> -> memref<128xf32, #tpu.memory_space<hbm>>
      %dma_start3A_315 = arith.constant 0 : i32
      %dma_start3A_316 = tpu.memref_slice %arg5[%dma_start3A_306, %dma_start3A_307, %dma_start3A_315] : memref<3x32x512xf32, #tpu.memory_space<vmem>> -> memref<1x1x128xf32, #tpu.memory_space<vmem>>
      %dma_start3A_317 = tpu.memref_squeeze %dma_start3A_316 : memref<1x1x128xf32, #tpu.memory_space<vmem>> -> memref<128xf32, #tpu.memory_space<vmem>>
      tpu.enqueue_dma source(%dma_start3A_317 : memref<128xf32, #tpu.memory_space<vmem>>) target(%dma_start3A_314 : memref<128xf32, #tpu.memory_space<hbm>>) target_semaphore(%arg7 : memref<!tpu.dma_semaphore, #tpu.memory_space<semaphore_mem>>)
      %dma_start3A_318 = arith.constant 0 : i32
      %dma_start3A_319 = arith.constant 17 : i32
      %dma_start3A_320 = arith.constant 0 : i32
      %dma_start3A_321 = tpu.memref_slice %arg5[%dma_start3A_318, %dma_start3A_319, %dma_start3A_320] : memref<3x32x512xf32, #tpu.memory_space<vmem>> -> memref<1x1x128xf32, #tpu.memory_space<vmem>>
      %dma_start3A_322 = tpu.memref_squeeze %dma_start3A_321 : memref<1x1x128xf32, #tpu.memory_space<vmem>> -> memref<128xf32, #tpu.memory_space<vmem>>
      %dma_start3A_323 = arith.constant 18001024 : i32
      %dma_start3A_324 = tpu.memref_slice %arg4[%dma_start3A_323] : memref<32002048xf32, #tpu.memory_space<hbm>> -> memref<128xf32, #tpu.memory_space<hbm>>
      %dma_start3A_325 = arith.constant 18001024 : i32
      %dma_start3A_326 = tpu.memref_slice %arg4[%dma_start3A_325] : memref<32002048xf32, #tpu.memory_space<hbm>> -> memref<128xf32, #tpu.memory_space<hbm>>
      %dma_start3A_327 = arith.constant 0 : i32
      %dma_start3A_328 = tpu.memref_slice %arg5[%dma_start3A_318, %dma_start3A_319, %dma_start3A_327] : memref<3x32x512xf32, #tpu.memory_space<vmem>> -> memref<1x1x128xf32, #tpu.memory_space<vmem>>
      %dma_start3A_329 = tpu.memref_squeeze %dma_start3A_328 : memref<1x1x128xf32, #tpu.memory_space<vmem>> -> memref<128xf32, #tpu.memory_space<vmem>>
      tpu.enqueue_dma source(%dma_start3A_329 : memref<128xf32, #tpu.memory_space<vmem>>) target(%dma_start3A_326 : memref<128xf32, #tpu.memory_space<hbm>>) target_semaphore(%arg7 : memref<!tpu.dma_semaphore, #tpu.memory_space<semaphore_mem>>)
      %dma_start3A_330 = arith.constant 0 : i32
      %dma_start3A_331 = arith.constant 18 : i32
      %dma_start3A_332 = arith.constant 0 : i32
      %dma_start3A_333 = tpu.memref_slice %arg5[%dma_start3A_330, %dma_start3A_331, %dma_start3A_332] : memref<3x32x512xf32, #tpu.memory_space<vmem>> -> memref<1x1x128xf32, #tpu.memory_space<vmem>>
      %dma_start3A_334 = tpu.memref_squeeze %dma_start3A_333 : memref<1x1x128xf32, #tpu.memory_space<vmem>> -> memref<128xf32, #tpu.memory_space<vmem>>
      %dma_start3A_335 = arith.constant 19001088 : i32
      %dma_start3A_336 = tpu.memref_slice %arg4[%dma_start3A_335] : memref<32002048xf32, #tpu.memory_space<hbm>> -> memref<128xf32, #tpu.memory_space<hbm>>
      %dma_start3A_337 = arith.constant 19001088 : i32
      %dma_start3A_338 = tpu.memref_slice %arg4[%dma_start3A_337] : memref<32002048xf32, #tpu.memory_space<hbm>> -> memref<128xf32, #tpu.memory_space<hbm>>
      %dma_start3A_339 = arith.constant 0 : i32
      %dma_start3A_340 = tpu.memref_slice %arg5[%dma_start3A_330, %dma_start3A_331, %dma_start3A_339] : memref<3x32x512xf32, #tpu.memory_space<vmem>> -> memref<1x1x128xf32, #tpu.memory_space<vmem>>
      %dma_start3A_341 = tpu.memref_squeeze %dma_start3A_340 : memref<1x1x128xf32, #tpu.memory_space<vmem>> -> memref<128xf32, #tpu.memory_space<vmem>>
      tpu.enqueue_dma source(%dma_start3A_341 : memref<128xf32, #tpu.memory_space<vmem>>) target(%dma_start3A_338 : memref<128xf32, #tpu.memory_space<hbm>>) target_semaphore(%arg7 : memref<!tpu.dma_semaphore, #tpu.memory_space<semaphore_mem>>)
      %dma_start3A_342 = arith.constant 0 : i32
      %dma_start3A_343 = arith.constant 19 : i32
      %dma_start3A_344 = arith.constant 0 : i32
      %dma_start3A_345 = tpu.memref_slice %arg5[%dma_start3A_342, %dma_start3A_343, %dma_start3A_344] : memref<3x32x512xf32, #tpu.memory_space<vmem>> -> memref<1x1x128xf32, #tpu.memory_space<vmem>>
      %dma_start3A_346 = tpu.memref_squeeze %dma_start3A_345 : memref<1x1x128xf32, #tpu.memory_space<vmem>> -> memref<128xf32, #tpu.memory_space<vmem>>
      %dma_start3A_347 = arith.constant 20001152 : i32
      %dma_start3A_348 = tpu.memref_slice %arg4[%dma_start3A_347] : memref<32002048xf32, #tpu.memory_space<hbm>> -> memref<128xf32, #tpu.memory_space<hbm>>
      %dma_start3A_349 = arith.constant 20001152 : i32
      %dma_start3A_350 = tpu.memref_slice %arg4[%dma_start3A_349] : memref<32002048xf32, #tpu.memory_space<hbm>> -> memref<128xf32, #tpu.memory_space<hbm>>
      %dma_start3A_351 = arith.constant 0 : i32
      %dma_start3A_352 = tpu.memref_slice %arg5[%dma_start3A_342, %dma_start3A_343, %dma_start3A_351] : memref<3x32x512xf32, #tpu.memory_space<vmem>> -> memref<1x1x128xf32, #tpu.memory_space<vmem>>
      %dma_start3A_353 = tpu.memref_squeeze %dma_start3A_352 : memref<1x1x128xf32, #tpu.memory_space<vmem>> -> memref<128xf32, #tpu.memory_space<vmem>>
      tpu.enqueue_dma source(%dma_start3A_353 : memref<128xf32, #tpu.memory_space<vmem>>) target(%dma_start3A_350 : memref<128xf32, #tpu.memory_space<hbm>>) target_semaphore(%arg7 : memref<!tpu.dma_semaphore, #tpu.memory_space<semaphore_mem>>)
      %dma_start3A_354 = arith.constant 0 : i32
      %dma_start3A_355 = arith.constant 20 : i32
      %dma_start3A_356 = arith.constant 0 : i32
      %dma_start3A_357 = tpu.memref_slice %arg5[%dma_start3A_354, %dma_start3A_355, %dma_start3A_356] : memref<3x32x512xf32, #tpu.memory_space<vmem>> -> memref<1x1x128xf32, #tpu.memory_space<vmem>>
      %dma_start3A_358 = tpu.memref_squeeze %dma_start3A_357 : memref<1x1x128xf32, #tpu.memory_space<vmem>> -> memref<128xf32, #tpu.memory_space<vmem>>
      %dma_start3A_359 = arith.constant 21001216 : i32
      %dma_start3A_360 = tpu.memref_slice %arg4[%dma_start3A_359] : memref<32002048xf32, #tpu.memory_space<hbm>> -> memref<128xf32, #tpu.memory_space<hbm>>
      %dma_start3A_361 = arith.constant 21001216 : i32
      %dma_start3A_362 = tpu.memref_slice %arg4[%dma_start3A_361] : memref<32002048xf32, #tpu.memory_space<hbm>> -> memref<128xf32, #tpu.memory_space<hbm>>
      %dma_start3A_363 = arith.constant 0 : i32
      %dma_start3A_364 = tpu.memref_slice %arg5[%dma_start3A_354, %dma_start3A_355, %dma_start3A_363] : memref<3x32x512xf32, #tpu.memory_space<vmem>> -> memref<1x1x128xf32, #tpu.memory_space<vmem>>
      %dma_start3A_365 = tpu.memref_squeeze %dma_start3A_364 : memref<1x1x128xf32, #tpu.memory_space<vmem>> -> memref<128xf32, #tpu.memory_space<vmem>>
      tpu.enqueue_dma source(%dma_start3A_365 : memref<128xf32, #tpu.memory_space<vmem>>) target(%dma_start3A_362 : memref<128xf32, #tpu.memory_space<hbm>>) target_semaphore(%arg7 : memref<!tpu.dma_semaphore, #tpu.memory_space<semaphore_mem>>)
      %dma_start3A_366 = arith.constant 0 : i32
      %dma_start3A_367 = arith.constant 21 : i32
      %dma_start3A_368 = arith.constant 0 : i32
      %dma_start3A_369 = tpu.memref_slice %arg5[%dma_start3A_366, %dma_start3A_367, %dma_start3A_368] : memref<3x32x512xf32, #tpu.memory_space<vmem>> -> memref<1x1x128xf32, #tpu.memory_space<vmem>>
      %dma_start3A_370 = tpu.memref_squeeze %dma_start3A_369 : memref<1x1x128xf32, #tpu.memory_space<vmem>> -> memref<128xf32, #tpu.memory_space<vmem>>
      %dma_start3A_371 = arith.constant 22001280 : i32
      %dma_start3A_372 = tpu.memref_slice %arg4[%dma_start3A_371] : memref<32002048xf32, #tpu.memory_space<hbm>> -> memref<128xf32, #tpu.memory_space<hbm>>
      %dma_start3A_373 = arith.constant 22001280 : i32
      %dma_start3A_374 = tpu.memref_slice %arg4[%dma_start3A_373] : memref<32002048xf32, #tpu.memory_space<hbm>> -> memref<128xf32, #tpu.memory_space<hbm>>
      %dma_start3A_375 = arith.constant 0 : i32
      %dma_start3A_376 = tpu.memref_slice %arg5[%dma_start3A_366, %dma_start3A_367, %dma_start3A_375] : memref<3x32x512xf32, #tpu.memory_space<vmem>> -> memref<1x1x128xf32, #tpu.memory_space<vmem>>
      %dma_start3A_377 = tpu.memref_squeeze %dma_start3A_376 : memref<1x1x128xf32, #tpu.memory_space<vmem>> -> memref<128xf32, #tpu.memory_space<vmem>>
      tpu.enqueue_dma source(%dma_start3A_377 : memref<128xf32, #tpu.memory_space<vmem>>) target(%dma_start3A_374 : memref<128xf32, #tpu.memory_space<hbm>>) target_semaphore(%arg7 : memref<!tpu.dma_semaphore, #tpu.memory_space<semaphore_mem>>)
      %dma_start3A_378 = arith.constant 0 : i32
      %dma_start3A_379 = arith.constant 22 : i32
      %dma_start3A_380 = arith.constant 0 : i32
      %dma_start3A_381 = tpu.memref_slice %arg5[%dma_start3A_378, %dma_start3A_379, %dma_start3A_380] : memref<3x32x512xf32, #tpu.memory_space<vmem>> -> memref<1x1x128xf32, #tpu.memory_space<vmem>>
      %dma_start3A_382 = tpu.memref_squeeze %dma_start3A_381 : memref<1x1x128xf32, #tpu.memory_space<vmem>> -> memref<128xf32, #tpu.memory_space<vmem>>
      %dma_start3A_383 = arith.constant 23001344 : i32
      %dma_start3A_384 = tpu.memref_slice %arg4[%dma_start3A_383] : memref<32002048xf32, #tpu.memory_space<hbm>> -> memref<128xf32, #tpu.memory_space<hbm>>
      %dma_start3A_385 = arith.constant 23001344 : i32
      %dma_start3A_386 = tpu.memref_slice %arg4[%dma_start3A_385] : memref<32002048xf32, #tpu.memory_space<hbm>> -> memref<128xf32, #tpu.memory_space<hbm>>
      %dma_start3A_387 = arith.constant 0 : i32
      %dma_start3A_388 = tpu.memref_slice %arg5[%dma_start3A_378, %dma_start3A_379, %dma_start3A_387] : memref<3x32x512xf32, #tpu.memory_space<vmem>> -> memref<1x1x128xf32, #tpu.memory_space<vmem>>
      %dma_start3A_389 = tpu.memref_squeeze %dma_start3A_388 : memref<1x1x128xf32, #tpu.memory_space<vmem>> -> memref<128xf32, #tpu.memory_space<vmem>>
      tpu.enqueue_dma source(%dma_start3A_389 : memref<128xf32, #tpu.memory_space<vmem>>) target(%dma_start3A_386 : memref<128xf32, #tpu.memory_space<hbm>>) target_semaphore(%arg7 : memref<!tpu.dma_semaphore, #tpu.memory_space<semaphore_mem>>)
      %dma_start3A_390 = arith.constant 0 : i32
      %dma_start3A_391 = arith.constant 23 : i32
      %dma_start3A_392 = arith.constant 0 : i32
      %dma_start3A_393 = tpu.memref_slice %arg5[%dma_start3A_390, %dma_start3A_391, %dma_start3A_392] : memref<3x32x512xf32, #tpu.memory_space<vmem>> -> memref<1x1x128xf32, #tpu.memory_space<vmem>>
      %dma_start3A_394 = tpu.memref_squeeze %dma_start3A_393 : memref<1x1x128xf32, #tpu.memory_space<vmem>> -> memref<128xf32, #tpu.memory_space<vmem>>
      %dma_start3A_395 = arith.constant 24001408 : i32
      %dma_start3A_396 = tpu.memref_slice %arg4[%dma_start3A_395] : memref<32002048xf32, #tpu.memory_space<hbm>> -> memref<128xf32, #tpu.memory_space<hbm>>
      %dma_start3A_397 = arith.constant 24001408 : i32
      %dma_start3A_398 = tpu.memref_slice %arg4[%dma_start3A_397] : memref<32002048xf32, #tpu.memory_space<hbm>> -> memref<128xf32, #tpu.memory_space<hbm>>
      %dma_start3A_399 = arith.constant 0 : i32
      %dma_start3A_400 = tpu.memref_slice %arg5[%dma_start3A_390, %dma_start3A_391, %dma_start3A_399] : memref<3x32x512xf32, #tpu.memory_space<vmem>> -> memref<1x1x128xf32, #tpu.memory_space<vmem>>
      %dma_start3A_401 = tpu.memref_squeeze %dma_start3A_400 : memref<1x1x128xf32, #tpu.memory_space<vmem>> -> memref<128xf32, #tpu.memory_space<vmem>>
      tpu.enqueue_dma source(%dma_start3A_401 : memref<128xf32, #tpu.memory_space<vmem>>) target(%dma_start3A_398 : memref<128xf32, #tpu.memory_space<hbm>>) target_semaphore(%arg7 : memref<!tpu.dma_semaphore, #tpu.memory_space<semaphore_mem>>)
      %dma_start3A_402 = arith.constant 0 : i32
      %dma_start3A_403 = arith.constant 24 : i32
      %dma_start3A_404 = arith.constant 0 : i32
      %dma_start3A_405 = tpu.memref_slice %arg5[%dma_start3A_402, %dma_start3A_403, %dma_start3A_404] : memref<3x32x512xf32, #tpu.memory_space<vmem>> -> memref<1x1x128xf32, #tpu.memory_space<vmem>>
      %dma_start3A_406 = tpu.memref_squeeze %dma_start3A_405 : memref<1x1x128xf32, #tpu.memory_space<vmem>> -> memref<128xf32, #tpu.memory_space<vmem>>
      %dma_start3A_407 = arith.constant 25001472 : i32
      %dma_start3A_408 = tpu.memref_slice %arg4[%dma_start3A_407] : memref<32002048xf32, #tpu.memory_space<hbm>> -> memref<128xf32, #tpu.memory_space<hbm>>
      %dma_start3A_409 = arith.constant 25001472 : i32
      %dma_start3A_410 = tpu.memref_slice %arg4[%dma_start3A_409] : memref<32002048xf32, #tpu.memory_space<hbm>> -> memref<128xf32, #tpu.memory_space<hbm>>
      %dma_start3A_411 = arith.constant 0 : i32
      %dma_start3A_412 = tpu.memref_slice %arg5[%dma_start3A_402, %dma_start3A_403, %dma_start3A_411] : memref<3x32x512xf32, #tpu.memory_space<vmem>> -> memref<1x1x128xf32, #tpu.memory_space<vmem>>
      %dma_start3A_413 = tpu.memref_squeeze %dma_start3A_412 : memref<1x1x128xf32, #tpu.memory_space<vmem>> -> memref<128xf32, #tpu.memory_space<vmem>>
      tpu.enqueue_dma source(%dma_start3A_413 : memref<128xf32, #tpu.memory_space<vmem>>) target(%dma_start3A_410 : memref<128xf32, #tpu.memory_space<hbm>>) target_semaphore(%arg7 : memref<!tpu.dma_semaphore, #tpu.memory_space<semaphore_mem>>)
      %dma_start3A_414 = arith.constant 0 : i32
      %dma_start3A_415 = arith.constant 25 : i32
      %dma_start3A_416 = arith.constant 0 : i32
      %dma_start3A_417 = tpu.memref_slice %arg5[%dma_start3A_414, %dma_start3A_415, %dma_start3A_416] : memref<3x32x512xf32, #tpu.memory_space<vmem>> -> memref<1x1x128xf32, #tpu.memory_space<vmem>>
      %dma_start3A_418 = tpu.memref_squeeze %dma_start3A_417 : memref<1x1x128xf32, #tpu.memory_space<vmem>> -> memref<128xf32, #tpu.memory_space<vmem>>
      %dma_start3A_419 = arith.constant 26001536 : i32
      %dma_start3A_420 = tpu.memref_slice %arg4[%dma_start3A_419] : memref<32002048xf32, #tpu.memory_space<hbm>> -> memref<128xf32, #tpu.memory_space<hbm>>
      %dma_start3A_421 = arith.constant 26001536 : i32
      %dma_start3A_422 = tpu.memref_slice %arg4[%dma_start3A_421] : memref<32002048xf32, #tpu.memory_space<hbm>> -> memref<128xf32, #tpu.memory_space<hbm>>
      %dma_start3A_423 = arith.constant 0 : i32
      %dma_start3A_424 = tpu.memref_slice %arg5[%dma_start3A_414, %dma_start3A_415, %dma_start3A_423] : memref<3x32x512xf32, #tpu.memory_space<vmem>> -> memref<1x1x128xf32, #tpu.memory_space<vmem>>
      %dma_start3A_425 = tpu.memref_squeeze %dma_start3A_424 : memref<1x1x128xf32, #tpu.memory_space<vmem>> -> memref<128xf32, #tpu.memory_space<vmem>>
      tpu.enqueue_dma source(%dma_start3A_425 : memref<128xf32, #tpu.memory_space<vmem>>) target(%dma_start3A_422 : memref<128xf32, #tpu.memory_space<hbm>>) target_semaphore(%arg7 : memref<!tpu.dma_semaphore, #tpu.memory_space<semaphore_mem>>)
      %dma_start3A_426 = arith.constant 0 : i32
      %dma_start3A_427 = arith.constant 26 : i32
      %dma_start3A_428 = arith.constant 0 : i32
      %dma_start3A_429 = tpu.memref_slice %arg5[%dma_start3A_426, %dma_start3A_427, %dma_start3A_428] : memref<3x32x512xf32, #tpu.memory_space<vmem>> -> memref<1x1x128xf32, #tpu.memory_space<vmem>>
      %dma_start3A_430 = tpu.memref_squeeze %dma_start3A_429 : memref<1x1x128xf32, #tpu.memory_space<vmem>> -> memref<128xf32, #tpu.memory_space<vmem>>
      %dma_start3A_431 = arith.constant 27001600 : i32
      %dma_start3A_432 = tpu.memref_slice %arg4[%dma_start3A_431] : memref<32002048xf32, #tpu.memory_space<hbm>> -> memref<128xf32, #tpu.memory_space<hbm>>
      %dma_start3A_433 = arith.constant 27001600 : i32
      %dma_start3A_434 = tpu.memref_slice %arg4[%dma_start3A_433] : memref<32002048xf32, #tpu.memory_space<hbm>> -> memref<128xf32, #tpu.memory_space<hbm>>
      %dma_start3A_435 = arith.constant 0 : i32
      %dma_start3A_436 = tpu.memref_slice %arg5[%dma_start3A_426, %dma_start3A_427, %dma_start3A_435] : memref<3x32x512xf32, #tpu.memory_space<vmem>> -> memref<1x1x128xf32, #tpu.memory_space<vmem>>
      %dma_start3A_437 = tpu.memref_squeeze %dma_start3A_436 : memref<1x1x128xf32, #tpu.memory_space<vmem>> -> memref<128xf32, #tpu.memory_space<vmem>>
      tpu.enqueue_dma source(%dma_start3A_437 : memref<128xf32, #tpu.memory_space<vmem>>) target(%dma_start3A_434 : memref<128xf32, #tpu.memory_space<hbm>>) target_semaphore(%arg7 : memref<!tpu.dma_semaphore, #tpu.memory_space<semaphore_mem>>)
      %dma_start3A_438 = arith.constant 0 : i32
      %dma_start3A_439 = arith.constant 27 : i32
      %dma_start3A_440 = arith.constant 0 : i32
      %dma_start3A_441 = tpu.memref_slice %arg5[%dma_start3A_438, %dma_start3A_439, %dma_start3A_440] : memref<3x32x512xf32, #tpu.memory_space<vmem>> -> memref<1x1x128xf32, #tpu.memory_space<vmem>>
      %dma_start3A_442 = tpu.memref_squeeze %dma_start3A_441 : memref<1x1x128xf32, #tpu.memory_space<vmem>> -> memref<128xf32, #tpu.memory_space<vmem>>
      %dma_start3A_443 = arith.constant 28001664 : i32
      %dma_start3A_444 = tpu.memref_slice %arg4[%dma_start3A_443] : memref<32002048xf32, #tpu.memory_space<hbm>> -> memref<128xf32, #tpu.memory_space<hbm>>
      %dma_start3A_445 = arith.constant 28001664 : i32
      %dma_start3A_446 = tpu.memref_slice %arg4[%dma_start3A_445] : memref<32002048xf32, #tpu.memory_space<hbm>> -> memref<128xf32, #tpu.memory_space<hbm>>
      %dma_start3A_447 = arith.constant 0 : i32
      %dma_start3A_448 = tpu.memref_slice %arg5[%dma_start3A_438, %dma_start3A_439, %dma_start3A_447] : memref<3x32x512xf32, #tpu.memory_space<vmem>> -> memref<1x1x128xf32, #tpu.memory_space<vmem>>
      %dma_start3A_449 = tpu.memref_squeeze %dma_start3A_448 : memref<1x1x128xf32, #tpu.memory_space<vmem>> -> memref<128xf32, #tpu.memory_space<vmem>>
      tpu.enqueue_dma source(%dma_start3A_449 : memref<128xf32, #tpu.memory_space<vmem>>) target(%dma_start3A_446 : memref<128xf32, #tpu.memory_space<hbm>>) target_semaphore(%arg7 : memref<!tpu.dma_semaphore, #tpu.memory_space<semaphore_mem>>)
      %dma_start3A_450 = arith.constant 0 : i32
      %dma_start3A_451 = arith.constant 28 : i32
      %dma_start3A_452 = arith.constant 0 : i32
      %dma_start3A_453 = tpu.memref_slice %arg5[%dma_start3A_450, %dma_start3A_451, %dma_start3A_452] : memref<3x32x512xf32, #tpu.memory_space<vmem>> -> memref<1x1x128xf32, #tpu.memory_space<vmem>>
      %dma_start3A_454 = tpu.memref_squeeze %dma_start3A_453 : memref<1x1x128xf32, #tpu.memory_space<vmem>> -> memref<128xf32, #tpu.memory_space<vmem>>
      %dma_start3A_455 = arith.constant 29001728 : i32
      %dma_start3A_456 = tpu.memref_slice %arg4[%dma_start3A_455] : memref<32002048xf32, #tpu.memory_space<hbm>> -> memref<128xf32, #tpu.memory_space<hbm>>
      %dma_start3A_457 = arith.constant 29001728 : i32
      %dma_start3A_458 = tpu.memref_slice %arg4[%dma_start3A_457] : memref<32002048xf32, #tpu.memory_space<hbm>> -> memref<128xf32, #tpu.memory_space<hbm>>
      %dma_start3A_459 = arith.constant 0 : i32
      %dma_start3A_460 = tpu.memref_slice %arg5[%dma_start3A_450, %dma_start3A_451, %dma_start3A_459] : memref<3x32x512xf32, #tpu.memory_space<vmem>> -> memref<1x1x128xf32, #tpu.memory_space<vmem>>
      %dma_start3A_461 = tpu.memref_squeeze %dma_start3A_460 : memref<1x1x128xf32, #tpu.memory_space<vmem>> -> memref<128xf32, #tpu.memory_space<vmem>>
      tpu.enqueue_dma source(%dma_start3A_461 : memref<128xf32, #tpu.memory_space<vmem>>) target(%dma_start3A_458 : memref<128xf32, #tpu.memory_space<hbm>>) target_semaphore(%arg7 : memref<!tpu.dma_semaphore, #tpu.memory_space<semaphore_mem>>)
      %dma_start3A_462 = arith.constant 0 : i32
      %dma_start3A_463 = arith.constant 29 : i32
      %dma_start3A_464 = arith.constant 0 : i32
      %dma_start3A_465 = tpu.memref_slice %arg5[%dma_start3A_462, %dma_start3A_463, %dma_start3A_464] : memref<3x32x512xf32, #tpu.memory_space<vmem>> -> memref<1x1x128xf32, #tpu.memory_space<vmem>>
      %dma_start3A_466 = tpu.memref_squeeze %dma_start3A_465 : memref<1x1x128xf32, #tpu.memory_space<vmem>> -> memref<128xf32, #tpu.memory_space<vmem>>
      %dma_start3A_467 = arith.constant 30001792 : i32
      %dma_start3A_468 = tpu.memref_slice %arg4[%dma_start3A_467] : memref<32002048xf32, #tpu.memory_space<hbm>> -> memref<128xf32, #tpu.memory_space<hbm>>
      %dma_start3A_469 = arith.constant 30001792 : i32
      %dma_start3A_470 = tpu.memref_slice %arg4[%dma_start3A_469] : memref<32002048xf32, #tpu.memory_space<hbm>> -> memref<128xf32, #tpu.memory_space<hbm>>
      %dma_start3A_471 = arith.constant 0 : i32
      %dma_start3A_472 = tpu.memref_slice %arg5[%dma_start3A_462, %dma_start3A_463, %dma_start3A_471] : memref<3x32x512xf32, #tpu.memory_space<vmem>> -> memref<1x1x128xf32, #tpu.memory_space<vmem>>
      %dma_start3A_473 = tpu.memref_squeeze %dma_start3A_472 : memref<1x1x128xf32, #tpu.memory_space<vmem>> -> memref<128xf32, #tpu.memory_space<vmem>>
      tpu.enqueue_dma source(%dma_start3A_473 : memref<128xf32, #tpu.memory_space<vmem>>) target(%dma_start3A_470 : memref<128xf32, #tpu.memory_space<hbm>>) target_semaphore(%arg7 : memref<!tpu.dma_semaphore, #tpu.memory_space<semaphore_mem>>)
      %dma_start3A_474 = arith.constant 0 : i32
      %dma_start3A_475 = arith.constant 30 : i32
      %dma_start3A_476 = arith.constant 0 : i32
      %dma_start3A_477 = tpu.memref_slice %arg5[%dma_start3A_474, %dma_start3A_475, %dma_start3A_476] : memref<3x32x512xf32, #tpu.memory_space<vmem>> -> memref<1x1x128xf32, #tpu.memory_space<vmem>>
      %dma_start3A_478 = tpu.memref_squeeze %dma_start3A_477 : memref<1x1x128xf32, #tpu.memory_space<vmem>> -> memref<128xf32, #tpu.memory_space<vmem>>
      %dma_start3A_479 = arith.constant 31001856 : i32
      %dma_start3A_480 = tpu.memref_slice %arg4[%dma_start3A_479] : memref<32002048xf32, #tpu.memory_space<hbm>> -> memref<128xf32, #tpu.memory_space<hbm>>
      %dma_start3A_481 = arith.constant 31001856 : i32
      %dma_start3A_482 = tpu.memref_slice %arg4[%dma_start3A_481] : memref<32002048xf32, #tpu.memory_space<hbm>> -> memref<128xf32, #tpu.memory_space<hbm>>
      %dma_start3A_483 = arith.constant 0 : i32
      %dma_start3A_484 = tpu.memref_slice %arg5[%dma_start3A_474, %dma_start3A_475, %dma_start3A_483] : memref<3x32x512xf32, #tpu.memory_space<vmem>> -> memref<1x1x128xf32, #tpu.memory_space<vmem>>
      %dma_start3A_485 = tpu.memref_squeeze %dma_start3A_484 : memref<1x1x128xf32, #tpu.memory_space<vmem>> -> memref<128xf32, #tpu.memory_space<vmem>>
      tpu.enqueue_dma source(%dma_start3A_485 : memref<128xf32, #tpu.memory_space<vmem>>) target(%dma_start3A_482 : memref<128xf32, #tpu.memory_space<hbm>>) target_semaphore(%arg7 : memref<!tpu.dma_semaphore, #tpu.memory_space<semaphore_mem>>)
      %dma_start3A_486 = arith.constant 0 : i32
      %dma_start3A_487 = arith.constant 31 : i32
      %dma_start3A_488 = arith.constant 0 : i32
      %dma_start3A_489 = tpu.memref_slice %arg5[%dma_start3A_486, %dma_start3A_487, %dma_start3A_488] : memref<3x32x512xf32, #tpu.memory_space<vmem>> -> memref<1x1x128xf32, #tpu.memory_space<vmem>>
      %dma_start3A_490 = tpu.memref_squeeze %dma_start3A_489 : memref<1x1x128xf32, #tpu.memory_space<vmem>> -> memref<128xf32, #tpu.memory_space<vmem>>
      %dma_start3A_491 = arith.constant 32001920 : i32
      %dma_start3A_492 = tpu.memref_slice %arg4[%dma_start3A_491] : memref<32002048xf32, #tpu.memory_space<hbm>> -> memref<128xf32, #tpu.memory_space<hbm>>
      %dma_start3A_493 = arith.constant 32001920 : i32
      %dma_start3A_494 = tpu.memref_slice %arg4[%dma_start3A_493] : memref<32002048xf32, #tpu.memory_space<hbm>> -> memref<128xf32, #tpu.memory_space<hbm>>
      %dma_start3A_495 = arith.constant 0 : i32
      %dma_start3A_496 = tpu.memref_slice %arg5[%dma_start3A_486, %dma_start3A_487, %dma_start3A_495] : memref<3x32x512xf32, #tpu.memory_space<vmem>> -> memref<1x1x128xf32, #tpu.memory_space<vmem>>
      %dma_start3A_497 = tpu.memref_squeeze %dma_start3A_496 : memref<1x1x128xf32, #tpu.memory_space<vmem>> -> memref<128xf32, #tpu.memory_space<vmem>>
      tpu.enqueue_dma source(%dma_start3A_497 : memref<128xf32, #tpu.memory_space<vmem>>) target(%dma_start3A_494 : memref<128xf32, #tpu.memory_space<hbm>>) target_semaphore(%arg7 : memref<!tpu.dma_semaphore, #tpu.memory_space<semaphore_mem>>)
      %dma_wait3A_498 = arith.constant 0 : i32
      %dma_wait3A_499 = arith.constant 0 : i32
      %dma_wait3A_500 = arith.constant 0 : i32
      %dma_wait3A_501 = tpu.memref_slice %arg5[%dma_wait3A_498, %dma_wait3A_499, %dma_wait3A_500] : memref<3x32x512xf32, #tpu.memory_space<vmem>> -> memref<1x32x128xf32, #tpu.memory_space<vmem>>
      %dma_wait3A_502 = tpu.memref_squeeze %dma_wait3A_501 : memref<1x32x128xf32, #tpu.memory_space<vmem>> -> memref<32x128xf32, #tpu.memory_space<vmem>>
      %dma_wait3A_503 = arith.constant 0 : i32
      %dma_wait3A_504 = arith.constant 0 : i32
      %dma_wait3A_505 = tpu.memref_slice %arg2[%dma_wait3A_503, %dma_wait3A_504] : memref<32x1000001xf32, #tpu.memory_space<hbm>> -> memref<32x128xf32, #tpu.memory_space<hbm>>
      %dma_wait3A_506 = arith.constant 0 : i32
      %dma_wait3A_507 = arith.constant 0 : i32
      %dma_wait3A_508 = tpu.memref_slice %arg5[%dma_wait3A_498, %dma_wait3A_506, %dma_wait3A_507] : memref<3x32x512xf32, #tpu.memory_space<vmem>> -> memref<1x32x128xf32, #tpu.memory_space<vmem>>
      %dma_wait3A_509 = tpu.memref_squeeze %dma_wait3A_508 : memref<1x32x128xf32, #tpu.memory_space<vmem>> -> memref<32x128xf32, #tpu.memory_space<vmem>>
      %dma_wait3A_510 = arith.constant 0 : i32
      %dma_wait3A_511 = arith.constant 0 : i32
      %dma_wait3A_512 = tpu.memref_slice %arg2[%dma_wait3A_510, %dma_wait3A_511] : memref<32x1000001xf32, #tpu.memory_space<hbm>> -> memref<32x128xf32, #tpu.memory_space<hbm>>
      tpu.wait_dma2 semaphore(%arg7 : memref<!tpu.dma_semaphore, #tpu.memory_space<semaphore_mem>>) src(%dma_wait3A_512 : memref<32x128xf32, #tpu.memory_space<hbm>>) dst(%dma_wait3A_509 : memref<32x128xf32, #tpu.memory_space<vmem>>)
    } else {
    }
    return
  }
}

#map = affine_map<(d0, d1) -> (0)>
#map1 = affine_map<(d0, d1) -> (0, 0)>
module attributes {stable_mosaic.version = 14 : i64} {
  func.func @_gather(%arg0: i32, %arg1: i32, %arg2: memref<16384xi32, #tpu.memory_space<hbm>>, %arg3: memref<32002048xf32, #tpu.memory_space<hbm>>, %arg4: memref<32x16384xf32, #tpu.memory_space<hbm>>, %arg5: memref<512xi32, #tpu.memory_space<vmem>>, %arg6: memref<32x512xi32, #tpu.memory_space<vmem>>, %arg7: memref<32x512xf32, #tpu.memory_space<vmem>>, %arg8: memref<!tpu.dma_semaphore, #tpu.memory_space<semaphore_mem>>) attributes {dimension_semantics = [#tpu.dimension_semantics<core_parallel>, #tpu.dimension_semantics<subcore_parallel>], iteration_bounds = array<i64: 2, 16>, scalar_prefetch = 0 : i64, scratch_operands = 4 : i64, tpu.core_type = #tpu.core_type<sc_vector_subcore>, window_params = [{transform_indices = #map}, {transform_indices = #map}, {transform_indices = #map1}]} {
    %mul3A = arith.constant 2 : i32
    %mul3A_0 = arith.muli %arg1, %mul3A : i32
    %add3A = arith.addi %mul3A_0, %arg0 : i32
    %mul3A_1 = arith.constant 512 : i32
    %mul3A_2 = arith.muli %add3A, %mul3A_1 : i32
    "tpu.region"() ({
      %run_scoped3A = tpu.sem_alloc : memref<!tpu.dma_semaphore, #tpu.memory_space<semaphore_mem>>
      %dma_start3A = tpu.memref_slice %arg2[%mul3A_2] : memref<16384xi32, #tpu.memory_space<hbm>> -> memref<512xi32, #tpu.memory_space<hbm>>
      %dma_start3A_14 = tpu.memref_slice %arg2[%mul3A_2] : memref<16384xi32, #tpu.memory_space<hbm>> -> memref<512xi32, #tpu.memory_space<hbm>>
      tpu.enqueue_dma source(%dma_start3A_14 : memref<512xi32, #tpu.memory_space<hbm>>) target(%arg5 : memref<512xi32, #tpu.memory_space<vmem>>) target_semaphore(%run_scoped3A : memref<!tpu.dma_semaphore, #tpu.memory_space<semaphore_mem>>)
      %dma_wait3A = tpu.memref_slice %arg2[%mul3A_2] : memref<16384xi32, #tpu.memory_space<hbm>> -> memref<512xi32, #tpu.memory_space<hbm>>
      %dma_wait3A_15 = tpu.memref_slice %arg2[%mul3A_2] : memref<16384xi32, #tpu.memory_space<hbm>> -> memref<512xi32, #tpu.memory_space<hbm>>
      tpu.wait_dma2 semaphore(%run_scoped3A : memref<!tpu.dma_semaphore, #tpu.memory_space<semaphore_mem>>) src(%dma_wait3A_15 : memref<512xi32, #tpu.memory_space<hbm>>) dst(%arg5 : memref<512xi32, #tpu.memory_space<vmem>>)
      tpu.yield
    }) : () -> ()
    %scan3A = arith.constant 0 : i32
    %scan3A_3 = arith.constant 0 : i32
    %scan3A_4 = arith.constant 32 : i32
    %scan3A_5 = arith.addi %scan3A_3, %scan3A_4 : i32
    %scan3A_6 = arith.constant 1 : i32
    scf.for %scan3A_14 = %scan3A_3 to %scan3A_5 step %scan3A_6  : i32 {
      %get3A = arith.constant 0 : index
      %get3A_15 = tpu.vector_load %arg5[%get3A] {strides = array<i32>} : memref<512xi32, #tpu.memory_space<vmem>>, vector<16xi32>,
      %get3A_16 = vector.shape_cast %get3A_15 : vector<16xi32> to vector<16xi32>
      %mul3A_17 = arith.constant 1000064 : i32
      %mul3A_18 = arith.muli %scan3A_14, %mul3A_17 : i32
      %add3A_19 = vector.broadcast %mul3A_18 : i32 to vector<16xi32>
      %add3A_20 = arith.addi %get3A_16, %add3A_19 : vector<16xi32>
      %swap3A = arith.index_cast %scan3A_14 : i32 to index
      %swap3A_21 = arith.constant 0 : index
      %swap3A_22 = tpu.vector_load %arg6[%swap3A, %swap3A_21] {strides = array<i32>} : memref<32x512xi32, #tpu.memory_space<vmem>>, vector<1x16xi32>,
      %swap3A_23 = vector.shape_cast %swap3A_22 : vector<1x16xi32> to vector<16xi32>
      %swap3A_24 = vector.shape_cast %add3A_20 : vector<16xi32> to vector<1x16xi32>
      tpu.vector_store %arg6[%swap3A, %swap3A_21], %swap3A_24 {strides = array<i32>} : memref<32x512xi32, #tpu.memory_space<vmem>>, vector<1x16xi32>,
      %get3A_25 = arith.constant 16 : index
      %get3A_26 = tpu.vector_load %arg5[%get3A_25] {strides = array<i32>} : memref<512xi32, #tpu.memory_space<vmem>>, vector<16xi32>,
      %get3A_27 = vector.shape_cast %get3A_26 : vector<16xi32> to vector<16xi32>
      %mul3A_28 = arith.constant 1000064 : i32
      %mul3A_29 = arith.muli %scan3A_14, %mul3A_28 : i32
      %add3A_30 = vector.broadcast %mul3A_29 : i32 to vector<16xi32>
      %add3A_31 = arith.addi %get3A_27, %add3A_30 : vector<16xi32>
      %swap3A_32 = arith.index_cast %scan3A_14 : i32 to index
      %swap3A_33 = arith.constant 16 : index
      %swap3A_34 = tpu.vector_load %arg6[%swap3A_32, %swap3A_33] {strides = array<i32>} : memref<32x512xi32, #tpu.memory_space<vmem>>, vector<1x16xi32>,
      %swap3A_35 = vector.shape_cast %swap3A_34 : vector<1x16xi32> to vector<16xi32>
      %swap3A_36 = vector.shape_cast %add3A_31 : vector<16xi32> to vector<1x16xi32>
      tpu.vector_store %arg6[%swap3A_32, %swap3A_33], %swap3A_36 {strides = array<i32>} : memref<32x512xi32, #tpu.memory_space<vmem>>, vector<1x16xi32>,
      %get3A_37 = arith.constant 32 : index
      %get3A_38 = tpu.vector_load %arg5[%get3A_37] {strides = array<i32>} : memref<512xi32, #tpu.memory_space<vmem>>, vector<16xi32>,
      %get3A_39 = vector.shape_cast %get3A_38 : vector<16xi32> to vector<16xi32>
      %mul3A_40 = arith.constant 1000064 : i32
      %mul3A_41 = arith.muli %scan3A_14, %mul3A_40 : i32
      %add3A_42 = vector.broadcast %mul3A_41 : i32 to vector<16xi32>
      %add3A_43 = arith.addi %get3A_39, %add3A_42 : vector<16xi32>
      %swap3A_44 = arith.index_cast %scan3A_14 : i32 to index
      %swap3A_45 = arith.constant 32 : index
      %swap3A_46 = tpu.vector_load %arg6[%swap3A_44, %swap3A_45] {strides = array<i32>} : memref<32x512xi32, #tpu.memory_space<vmem>>, vector<1x16xi32>,
      %swap3A_47 = vector.shape_cast %swap3A_46 : vector<1x16xi32> to vector<16xi32>
      %swap3A_48 = vector.shape_cast %add3A_43 : vector<16xi32> to vector<1x16xi32>
      tpu.vector_store %arg6[%swap3A_44, %swap3A_45], %swap3A_48 {strides = array<i32>} : memref<32x512xi32, #tpu.memory_space<vmem>>, vector<1x16xi32>,
      %get3A_49 = arith.constant 48 : index
      %get3A_50 = tpu.vector_load %arg5[%get3A_49] {strides = array<i32>} : memref<512xi32, #tpu.memory_space<vmem>>, vector<16xi32>,
      %get3A_51 = vector.shape_cast %get3A_50 : vector<16xi32> to vector<16xi32>
      %mul3A_52 = arith.constant 1000064 : i32
      %mul3A_53 = arith.muli %scan3A_14, %mul3A_52 : i32
      %add3A_54 = vector.broadcast %mul3A_53 : i32 to vector<16xi32>
      %add3A_55 = arith.addi %get3A_51, %add3A_54 : vector<16xi32>
      %swap3A_56 = arith.index_cast %scan3A_14 : i32 to index
      %swap3A_57 = arith.constant 48 : index
      %swap3A_58 = tpu.vector_load %arg6[%swap3A_56, %swap3A_57] {strides = array<i32>} : memref<32x512xi32, #tpu.memory_space<vmem>>, vector<1x16xi32>,
      %swap3A_59 = vector.shape_cast %swap3A_58 : vector<1x16xi32> to vector<16xi32>
      %swap3A_60 = vector.shape_cast %add3A_55 : vector<16xi32> to vector<1x16xi32>
      tpu.vector_store %arg6[%swap3A_56, %swap3A_57], %swap3A_60 {strides = array<i32>} : memref<32x512xi32, #tpu.memory_space<vmem>>, vector<1x16xi32>,
      %get3A_61 = arith.constant 64 : index
      %get3A_62 = tpu.vector_load %arg5[%get3A_61] {strides = array<i32>} : memref<512xi32, #tpu.memory_space<vmem>>, vector<16xi32>,
      %get3A_63 = vector.shape_cast %get3A_62 : vector<16xi32> to vector<16xi32>
      %mul3A_64 = arith.constant 1000064 : i32
      %mul3A_65 = arith.muli %scan3A_14, %mul3A_64 : i32
      %add3A_66 = vector.broadcast %mul3A_65 : i32 to vector<16xi32>
      %add3A_67 = arith.addi %get3A_63, %add3A_66 : vector<16xi32>
      %swap3A_68 = arith.index_cast %scan3A_14 : i32 to index
      %swap3A_69 = arith.constant 64 : index
      %swap3A_70 = tpu.vector_load %arg6[%swap3A_68, %swap3A_69] {strides = array<i32>} : memref<32x512xi32, #tpu.memory_space<vmem>>, vector<1x16xi32>,
      %swap3A_71 = vector.shape_cast %swap3A_70 : vector<1x16xi32> to vector<16xi32>
      %swap3A_72 = vector.shape_cast %add3A_67 : vector<16xi32> to vector<1x16xi32>
      tpu.vector_store %arg6[%swap3A_68, %swap3A_69], %swap3A_72 {strides = array<i32>} : memref<32x512xi32, #tpu.memory_space<vmem>>, vector<1x16xi32>,
      %get3A_73 = arith.constant 80 : index
      %get3A_74 = tpu.vector_load %arg5[%get3A_73] {strides = array<i32>} : memref<512xi32, #tpu.memory_space<vmem>>, vector<16xi32>,
      %get3A_75 = vector.shape_cast %get3A_74 : vector<16xi32> to vector<16xi32>
      %mul3A_76 = arith.constant 1000064 : i32
      %mul3A_77 = arith.muli %scan3A_14, %mul3A_76 : i32
      %add3A_78 = vector.broadcast %mul3A_77 : i32 to vector<16xi32>
      %add3A_79 = arith.addi %get3A_75, %add3A_78 : vector<16xi32>
      %swap3A_80 = arith.index_cast %scan3A_14 : i32 to index
      %swap3A_81 = arith.constant 80 : index
      %swap3A_82 = tpu.vector_load %arg6[%swap3A_80, %swap3A_81] {strides = array<i32>} : memref<32x512xi32, #tpu.memory_space<vmem>>, vector<1x16xi32>,
      %swap3A_83 = vector.shape_cast %swap3A_82 : vector<1x16xi32> to vector<16xi32>
      %swap3A_84 = vector.shape_cast %add3A_79 : vector<16xi32> to vector<1x16xi32>
      tpu.vector_store %arg6[%swap3A_80, %swap3A_81], %swap3A_84 {strides = array<i32>} : memref<32x512xi32, #tpu.memory_space<vmem>>, vector<1x16xi32>,
      %get3A_85 = arith.constant 96 : index
      %get3A_86 = tpu.vector_load %arg5[%get3A_85] {strides = array<i32>} : memref<512xi32, #tpu.memory_space<vmem>>, vector<16xi32>,
      %get3A_87 = vector.shape_cast %get3A_86 : vector<16xi32> to vector<16xi32>
      %mul3A_88 = arith.constant 1000064 : i32
      %mul3A_89 = arith.muli %scan3A_14, %mul3A_88 : i32
      %add3A_90 = vector.broadcast %mul3A_89 : i32 to vector<16xi32>
      %add3A_91 = arith.addi %get3A_87, %add3A_90 : vector<16xi32>
      %swap3A_92 = arith.index_cast %scan3A_14 : i32 to index
      %swap3A_93 = arith.constant 96 : index
      %swap3A_94 = tpu.vector_load %arg6[%swap3A_92, %swap3A_93] {strides = array<i32>} : memref<32x512xi32, #tpu.memory_space<vmem>>, vector<1x16xi32>,
      %swap3A_95 = vector.shape_cast %swap3A_94 : vector<1x16xi32> to vector<16xi32>
      %swap3A_96 = vector.shape_cast %add3A_91 : vector<16xi32> to vector<1x16xi32>
      tpu.vector_store %arg6[%swap3A_92, %swap3A_93], %swap3A_96 {strides = array<i32>} : memref<32x512xi32, #tpu.memory_space<vmem>>, vector<1x16xi32>,
      %get3A_97 = arith.constant 112 : index
      %get3A_98 = tpu.vector_load %arg5[%get3A_97] {strides = array<i32>} : memref<512xi32, #tpu.memory_space<vmem>>, vector<16xi32>,
      %get3A_99 = vector.shape_cast %get3A_98 : vector<16xi32> to vector<16xi32>
      %mul3A_100 = arith.constant 1000064 : i32
      %mul3A_101 = arith.muli %scan3A_14, %mul3A_100 : i32
      %add3A_102 = vector.broadcast %mul3A_101 : i32 to vector<16xi32>
      %add3A_103 = arith.addi %get3A_99, %add3A_102 : vector<16xi32>
      %swap3A_104 = arith.index_cast %scan3A_14 : i32 to index
      %swap3A_105 = arith.constant 112 : index
      %swap3A_106 = tpu.vector_load %arg6[%swap3A_104, %swap3A_105] {strides = array<i32>} : memref<32x512xi32, #tpu.memory_space<vmem>>, vector<1x16xi32>,
      %swap3A_107 = vector.shape_cast %swap3A_106 : vector<1x16xi32> to vector<16xi32>
      %swap3A_108 = vector.shape_cast %add3A_103 : vector<16xi32> to vector<1x16xi32>
      tpu.vector_store %arg6[%swap3A_104, %swap3A_105], %swap3A_108 {strides = array<i32>} : memref<32x512xi32, #tpu.memory_space<vmem>>, vector<1x16xi32>,
      %get3A_109 = arith.constant 128 : index
      %get3A_110 = tpu.vector_load %arg5[%get3A_109] {strides = array<i32>} : memref<512xi32, #tpu.memory_space<vmem>>, vector<16xi32>,
      %get3A_111 = vector.shape_cast %get3A_110 : vector<16xi32> to vector<16xi32>
      %mul3A_112 = arith.constant 1000064 : i32
      %mul3A_113 = arith.muli %scan3A_14, %mul3A_112 : i32
      %add3A_114 = vector.broadcast %mul3A_113 : i32 to vector<16xi32>
      %add3A_115 = arith.addi %get3A_111, %add3A_114 : vector<16xi32>
      %swap3A_116 = arith.index_cast %scan3A_14 : i32 to index
      %swap3A_117 = arith.constant 128 : index
      %swap3A_118 = tpu.vector_load %arg6[%swap3A_116, %swap3A_117] {strides = array<i32>} : memref<32x512xi32, #tpu.memory_space<vmem>>, vector<1x16xi32>,
      %swap3A_119 = vector.shape_cast %swap3A_118 : vector<1x16xi32> to vector<16xi32>
      %swap3A_120 = vector.shape_cast %add3A_115 : vector<16xi32> to vector<1x16xi32>
      tpu.vector_store %arg6[%swap3A_116, %swap3A_117], %swap3A_120 {strides = array<i32>} : memref<32x512xi32, #tpu.memory_space<vmem>>, vector<1x16xi32>,
      %get3A_121 = arith.constant 144 : index
      %get3A_122 = tpu.vector_load %arg5[%get3A_121] {strides = array<i32>} : memref<512xi32, #tpu.memory_space<vmem>>, vector<16xi32>,
      %get3A_123 = vector.shape_cast %get3A_122 : vector<16xi32> to vector<16xi32>
      %mul3A_124 = arith.constant 1000064 : i32
      %mul3A_125 = arith.muli %scan3A_14, %mul3A_124 : i32
      %add3A_126 = vector.broadcast %mul3A_125 : i32 to vector<16xi32>
      %add3A_127 = arith.addi %get3A_123, %add3A_126 : vector<16xi32>
      %swap3A_128 = arith.index_cast %scan3A_14 : i32 to index
      %swap3A_129 = arith.constant 144 : index
      %swap3A_130 = tpu.vector_load %arg6[%swap3A_128, %swap3A_129] {strides = array<i32>} : memref<32x512xi32, #tpu.memory_space<vmem>>, vector<1x16xi32>,
      %swap3A_131 = vector.shape_cast %swap3A_130 : vector<1x16xi32> to vector<16xi32>
      %swap3A_132 = vector.shape_cast %add3A_127 : vector<16xi32> to vector<1x16xi32>
      tpu.vector_store %arg6[%swap3A_128, %swap3A_129], %swap3A_132 {strides = array<i32>} : memref<32x512xi32, #tpu.memory_space<vmem>>, vector<1x16xi32>,
      %get3A_133 = arith.constant 160 : index
      %get3A_134 = tpu.vector_load %arg5[%get3A_133] {strides = array<i32>} : memref<512xi32, #tpu.memory_space<vmem>>, vector<16xi32>,
      %get3A_135 = vector.shape_cast %get3A_134 : vector<16xi32> to vector<16xi32>
      %mul3A_136 = arith.constant 1000064 : i32
      %mul3A_137 = arith.muli %scan3A_14, %mul3A_136 : i32
      %add3A_138 = vector.broadcast %mul3A_137 : i32 to vector<16xi32>
      %add3A_139 = arith.addi %get3A_135, %add3A_138 : vector<16xi32>
      %swap3A_140 = arith.index_cast %scan3A_14 : i32 to index
      %swap3A_141 = arith.constant 160 : index
      %swap3A_142 = tpu.vector_load %arg6[%swap3A_140, %swap3A_141] {strides = array<i32>} : memref<32x512xi32, #tpu.memory_space<vmem>>, vector<1x16xi32>,
      %swap3A_143 = vector.shape_cast %swap3A_142 : vector<1x16xi32> to vector<16xi32>
      %swap3A_144 = vector.shape_cast %add3A_139 : vector<16xi32> to vector<1x16xi32>
      tpu.vector_store %arg6[%swap3A_140, %swap3A_141], %swap3A_144 {strides = array<i32>} : memref<32x512xi32, #tpu.memory_space<vmem>>, vector<1x16xi32>,
      %get3A_145 = arith.constant 176 : index
      %get3A_146 = tpu.vector_load %arg5[%get3A_145] {strides = array<i32>} : memref<512xi32, #tpu.memory_space<vmem>>, vector<16xi32>,
      %get3A_147 = vector.shape_cast %get3A_146 : vector<16xi32> to vector<16xi32>
      %mul3A_148 = arith.constant 1000064 : i32
      %mul3A_149 = arith.muli %scan3A_14, %mul3A_148 : i32
      %add3A_150 = vector.broadcast %mul3A_149 : i32 to vector<16xi32>
      %add3A_151 = arith.addi %get3A_147, %add3A_150 : vector<16xi32>
      %swap3A_152 = arith.index_cast %scan3A_14 : i32 to index
      %swap3A_153 = arith.constant 176 : index
      %swap3A_154 = tpu.vector_load %arg6[%swap3A_152, %swap3A_153] {strides = array<i32>} : memref<32x512xi32, #tpu.memory_space<vmem>>, vector<1x16xi32>,
      %swap3A_155 = vector.shape_cast %swap3A_154 : vector<1x16xi32> to vector<16xi32>
      %swap3A_156 = vector.shape_cast %add3A_151 : vector<16xi32> to vector<1x16xi32>
      tpu.vector_store %arg6[%swap3A_152, %swap3A_153], %swap3A_156 {strides = array<i32>} : memref<32x512xi32, #tpu.memory_space<vmem>>, vector<1x16xi32>,
      %get3A_157 = arith.constant 192 : index
      %get3A_158 = tpu.vector_load %arg5[%get3A_157] {strides = array<i32>} : memref<512xi32, #tpu.memory_space<vmem>>, vector<16xi32>,
      %get3A_159 = vector.shape_cast %get3A_158 : vector<16xi32> to vector<16xi32>
      %mul3A_160 = arith.constant 1000064 : i32
      %mul3A_161 = arith.muli %scan3A_14, %mul3A_160 : i32
      %add3A_162 = vector.broadcast %mul3A_161 : i32 to vector<16xi32>
      %add3A_163 = arith.addi %get3A_159, %add3A_162 : vector<16xi32>
      %swap3A_164 = arith.index_cast %scan3A_14 : i32 to index
      %swap3A_165 = arith.constant 192 : index
      %swap3A_166 = tpu.vector_load %arg6[%swap3A_164, %swap3A_165] {strides = array<i32>} : memref<32x512xi32, #tpu.memory_space<vmem>>, vector<1x16xi32>,
      %swap3A_167 = vector.shape_cast %swap3A_166 : vector<1x16xi32> to vector<16xi32>
      %swap3A_168 = vector.shape_cast %add3A_163 : vector<16xi32> to vector<1x16xi32>
      tpu.vector_store %arg6[%swap3A_164, %swap3A_165], %swap3A_168 {strides = array<i32>} : memref<32x512xi32, #tpu.memory_space<vmem>>, vector<1x16xi32>,
      %get3A_169 = arith.constant 208 : index
      %get3A_170 = tpu.vector_load %arg5[%get3A_169] {strides = array<i32>} : memref<512xi32, #tpu.memory_space<vmem>>, vector<16xi32>,
      %get3A_171 = vector.shape_cast %get3A_170 : vector<16xi32> to vector<16xi32>
      %mul3A_172 = arith.constant 1000064 : i32
      %mul3A_173 = arith.muli %scan3A_14, %mul3A_172 : i32
      %add3A_174 = vector.broadcast %mul3A_173 : i32 to vector<16xi32>
      %add3A_175 = arith.addi %get3A_171, %add3A_174 : vector<16xi32>
      %swap3A_176 = arith.index_cast %scan3A_14 : i32 to index
      %swap3A_177 = arith.constant 208 : index
      %swap3A_178 = tpu.vector_load %arg6[%swap3A_176, %swap3A_177] {strides = array<i32>} : memref<32x512xi32, #tpu.memory_space<vmem>>, vector<1x16xi32>,
      %swap3A_179 = vector.shape_cast %swap3A_178 : vector<1x16xi32> to vector<16xi32>
      %swap3A_180 = vector.shape_cast %add3A_175 : vector<16xi32> to vector<1x16xi32>
      tpu.vector_store %arg6[%swap3A_176, %swap3A_177], %swap3A_180 {strides = array<i32>} : memref<32x512xi32, #tpu.memory_space<vmem>>, vector<1x16xi32>,
      %get3A_181 = arith.constant 224 : index
      %get3A_182 = tpu.vector_load %arg5[%get3A_181] {strides = array<i32>} : memref<512xi32, #tpu.memory_space<vmem>>, vector<16xi32>,
      %get3A_183 = vector.shape_cast %get3A_182 : vector<16xi32> to vector<16xi32>
      %mul3A_184 = arith.constant 1000064 : i32
      %mul3A_185 = arith.muli %scan3A_14, %mul3A_184 : i32
      %add3A_186 = vector.broadcast %mul3A_185 : i32 to vector<16xi32>
      %add3A_187 = arith.addi %get3A_183, %add3A_186 : vector<16xi32>
      %swap3A_188 = arith.index_cast %scan3A_14 : i32 to index
      %swap3A_189 = arith.constant 224 : index
      %swap3A_190 = tpu.vector_load %arg6[%swap3A_188, %swap3A_189] {strides = array<i32>} : memref<32x512xi32, #tpu.memory_space<vmem>>, vector<1x16xi32>,
      %swap3A_191 = vector.shape_cast %swap3A_190 : vector<1x16xi32> to vector<16xi32>
      %swap3A_192 = vector.shape_cast %add3A_187 : vector<16xi32> to vector<1x16xi32>
      tpu.vector_store %arg6[%swap3A_188, %swap3A_189], %swap3A_192 {strides = array<i32>} : memref<32x512xi32, #tpu.memory_space<vmem>>, vector<1x16xi32>,
      %get3A_193 = arith.constant 240 : index
      %get3A_194 = tpu.vector_load %arg5[%get3A_193] {strides = array<i32>} : memref<512xi32, #tpu.memory_space<vmem>>, vector<16xi32>,
      %get3A_195 = vector.shape_cast %get3A_194 : vector<16xi32> to vector<16xi32>
      %mul3A_196 = arith.constant 1000064 : i32
      %mul3A_197 = arith.muli %scan3A_14, %mul3A_196 : i32
      %add3A_198 = vector.broadcast %mul3A_197 : i32 to vector<16xi32>
      %add3A_199 = arith.addi %get3A_195, %add3A_198 : vector<16xi32>
      %swap3A_200 = arith.index_cast %scan3A_14 : i32 to index
      %swap3A_201 = arith.constant 240 : index
      %swap3A_202 = tpu.vector_load %arg6[%swap3A_200, %swap3A_201] {strides = array<i32>} : memref<32x512xi32, #tpu.memory_space<vmem>>, vector<1x16xi32>,
      %swap3A_203 = vector.shape_cast %swap3A_202 : vector<1x16xi32> to vector<16xi32>
      %swap3A_204 = vector.shape_cast %add3A_199 : vector<16xi32> to vector<1x16xi32>
      tpu.vector_store %arg6[%swap3A_200, %swap3A_201], %swap3A_204 {strides = array<i32>} : memref<32x512xi32, #tpu.memory_space<vmem>>, vector<1x16xi32>,
      %get3A_205 = arith.constant 256 : index
      %get3A_206 = tpu.vector_load %arg5[%get3A_205] {strides = array<i32>} : memref<512xi32, #tpu.memory_space<vmem>>, vector<16xi32>,
      %get3A_207 = vector.shape_cast %get3A_206 : vector<16xi32> to vector<16xi32>
      %mul3A_208 = arith.constant 1000064 : i32
      %mul3A_209 = arith.muli %scan3A_14, %mul3A_208 : i32
      %add3A_210 = vector.broadcast %mul3A_209 : i32 to vector<16xi32>
      %add3A_211 = arith.addi %get3A_207, %add3A_210 : vector<16xi32>
      %swap3A_212 = arith.index_cast %scan3A_14 : i32 to index
      %swap3A_213 = arith.constant 256 : index
      %swap3A_214 = tpu.vector_load %arg6[%swap3A_212, %swap3A_213] {strides = array<i32>} : memref<32x512xi32, #tpu.memory_space<vmem>>, vector<1x16xi32>,
      %swap3A_215 = vector.shape_cast %swap3A_214 : vector<1x16xi32> to vector<16xi32>
      %swap3A_216 = vector.shape_cast %add3A_211 : vector<16xi32> to vector<1x16xi32>
      tpu.vector_store %arg6[%swap3A_212, %swap3A_213], %swap3A_216 {strides = array<i32>} : memref<32x512xi32, #tpu.memory_space<vmem>>, vector<1x16xi32>,
      %get3A_217 = arith.constant 272 : index
      %get3A_218 = tpu.vector_load %arg5[%get3A_217] {strides = array<i32>} : memref<512xi32, #tpu.memory_space<vmem>>, vector<16xi32>,
      %get3A_219 = vector.shape_cast %get3A_218 : vector<16xi32> to vector<16xi32>
      %mul3A_220 = arith.constant 1000064 : i32
      %mul3A_221 = arith.muli %scan3A_14, %mul3A_220 : i32
      %add3A_222 = vector.broadcast %mul3A_221 : i32 to vector<16xi32>
      %add3A_223 = arith.addi %get3A_219, %add3A_222 : vector<16xi32>
      %swap3A_224 = arith.index_cast %scan3A_14 : i32 to index
      %swap3A_225 = arith.constant 272 : index
      %swap3A_226 = tpu.vector_load %arg6[%swap3A_224, %swap3A_225] {strides = array<i32>} : memref<32x512xi32, #tpu.memory_space<vmem>>, vector<1x16xi32>,
      %swap3A_227 = vector.shape_cast %swap3A_226 : vector<1x16xi32> to vector<16xi32>
      %swap3A_228 = vector.shape_cast %add3A_223 : vector<16xi32> to vector<1x16xi32>
      tpu.vector_store %arg6[%swap3A_224, %swap3A_225], %swap3A_228 {strides = array<i32>} : memref<32x512xi32, #tpu.memory_space<vmem>>, vector<1x16xi32>,
      %get3A_229 = arith.constant 288 : index
      %get3A_230 = tpu.vector_load %arg5[%get3A_229] {strides = array<i32>} : memref<512xi32, #tpu.memory_space<vmem>>, vector<16xi32>,
      %get3A_231 = vector.shape_cast %get3A_230 : vector<16xi32> to vector<16xi32>
      %mul3A_232 = arith.constant 1000064 : i32
      %mul3A_233 = arith.muli %scan3A_14, %mul3A_232 : i32
      %add3A_234 = vector.broadcast %mul3A_233 : i32 to vector<16xi32>
      %add3A_235 = arith.addi %get3A_231, %add3A_234 : vector<16xi32>
      %swap3A_236 = arith.index_cast %scan3A_14 : i32 to index
      %swap3A_237 = arith.constant 288 : index
      %swap3A_238 = tpu.vector_load %arg6[%swap3A_236, %swap3A_237] {strides = array<i32>} : memref<32x512xi32, #tpu.memory_space<vmem>>, vector<1x16xi32>,
      %swap3A_239 = vector.shape_cast %swap3A_238 : vector<1x16xi32> to vector<16xi32>
      %swap3A_240 = vector.shape_cast %add3A_235 : vector<16xi32> to vector<1x16xi32>
      tpu.vector_store %arg6[%swap3A_236, %swap3A_237], %swap3A_240 {strides = array<i32>} : memref<32x512xi32, #tpu.memory_space<vmem>>, vector<1x16xi32>,
      %get3A_241 = arith.constant 304 : index
      %get3A_242 = tpu.vector_load %arg5[%get3A_241] {strides = array<i32>} : memref<512xi32, #tpu.memory_space<vmem>>, vector<16xi32>,
      %get3A_243 = vector.shape_cast %get3A_242 : vector<16xi32> to vector<16xi32>
      %mul3A_244 = arith.constant 1000064 : i32
      %mul3A_245 = arith.muli %scan3A_14, %mul3A_244 : i32
      %add3A_246 = vector.broadcast %mul3A_245 : i32 to vector<16xi32>
      %add3A_247 = arith.addi %get3A_243, %add3A_246 : vector<16xi32>
      %swap3A_248 = arith.index_cast %scan3A_14 : i32 to index
      %swap3A_249 = arith.constant 304 : index
      %swap3A_250 = tpu.vector_load %arg6[%swap3A_248, %swap3A_249] {strides = array<i32>} : memref<32x512xi32, #tpu.memory_space<vmem>>, vector<1x16xi32>,
      %swap3A_251 = vector.shape_cast %swap3A_250 : vector<1x16xi32> to vector<16xi32>
      %swap3A_252 = vector.shape_cast %add3A_247 : vector<16xi32> to vector<1x16xi32>
      tpu.vector_store %arg6[%swap3A_248, %swap3A_249], %swap3A_252 {strides = array<i32>} : memref<32x512xi32, #tpu.memory_space<vmem>>, vector<1x16xi32>,
      %get3A_253 = arith.constant 320 : index
      %get3A_254 = tpu.vector_load %arg5[%get3A_253] {strides = array<i32>} : memref<512xi32, #tpu.memory_space<vmem>>, vector<16xi32>,
      %get3A_255 = vector.shape_cast %get3A_254 : vector<16xi32> to vector<16xi32>
      %mul3A_256 = arith.constant 1000064 : i32
      %mul3A_257 = arith.muli %scan3A_14, %mul3A_256 : i32
      %add3A_258 = vector.broadcast %mul3A_257 : i32 to vector<16xi32>
      %add3A_259 = arith.addi %get3A_255, %add3A_258 : vector<16xi32>
      %swap3A_260 = arith.index_cast %scan3A_14 : i32 to index
      %swap3A_261 = arith.constant 320 : index
      %swap3A_262 = tpu.vector_load %arg6[%swap3A_260, %swap3A_261] {strides = array<i32>} : memref<32x512xi32, #tpu.memory_space<vmem>>, vector<1x16xi32>,
      %swap3A_263 = vector.shape_cast %swap3A_262 : vector<1x16xi32> to vector<16xi32>
      %swap3A_264 = vector.shape_cast %add3A_259 : vector<16xi32> to vector<1x16xi32>
      tpu.vector_store %arg6[%swap3A_260, %swap3A_261], %swap3A_264 {strides = array<i32>} : memref<32x512xi32, #tpu.memory_space<vmem>>, vector<1x16xi32>,
      %get3A_265 = arith.constant 336 : index
      %get3A_266 = tpu.vector_load %arg5[%get3A_265] {strides = array<i32>} : memref<512xi32, #tpu.memory_space<vmem>>, vector<16xi32>,
      %get3A_267 = vector.shape_cast %get3A_266 : vector<16xi32> to vector<16xi32>
      %mul3A_268 = arith.constant 1000064 : i32
      %mul3A_269 = arith.muli %scan3A_14, %mul3A_268 : i32
      %add3A_270 = vector.broadcast %mul3A_269 : i32 to vector<16xi32>
      %add3A_271 = arith.addi %get3A_267, %add3A_270 : vector<16xi32>
      %swap3A_272 = arith.index_cast %scan3A_14 : i32 to index
      %swap3A_273 = arith.constant 336 : index
      %swap3A_274 = tpu.vector_load %arg6[%swap3A_272, %swap3A_273] {strides = array<i32>} : memref<32x512xi32, #tpu.memory_space<vmem>>, vector<1x16xi32>,
      %swap3A_275 = vector.shape_cast %swap3A_274 : vector<1x16xi32> to vector<16xi32>
      %swap3A_276 = vector.shape_cast %add3A_271 : vector<16xi32> to vector<1x16xi32>
      tpu.vector_store %arg6[%swap3A_272, %swap3A_273], %swap3A_276 {strides = array<i32>} : memref<32x512xi32, #tpu.memory_space<vmem>>, vector<1x16xi32>,
      %get3A_277 = arith.constant 352 : index
      %get3A_278 = tpu.vector_load %arg5[%get3A_277] {strides = array<i32>} : memref<512xi32, #tpu.memory_space<vmem>>, vector<16xi32>,
      %get3A_279 = vector.shape_cast %get3A_278 : vector<16xi32> to vector<16xi32>
      %mul3A_280 = arith.constant 1000064 : i32
      %mul3A_281 = arith.muli %scan3A_14, %mul3A_280 : i32
      %add3A_282 = vector.broadcast %mul3A_281 : i32 to vector<16xi32>
      %add3A_283 = arith.addi %get3A_279, %add3A_282 : vector<16xi32>
      %swap3A_284 = arith.index_cast %scan3A_14 : i32 to index
      %swap3A_285 = arith.constant 352 : index
      %swap3A_286 = tpu.vector_load %arg6[%swap3A_284, %swap3A_285] {strides = array<i32>} : memref<32x512xi32, #tpu.memory_space<vmem>>, vector<1x16xi32>,
      %swap3A_287 = vector.shape_cast %swap3A_286 : vector<1x16xi32> to vector<16xi32>
      %swap3A_288 = vector.shape_cast %add3A_283 : vector<16xi32> to vector<1x16xi32>
      tpu.vector_store %arg6[%swap3A_284, %swap3A_285], %swap3A_288 {strides = array<i32>} : memref<32x512xi32, #tpu.memory_space<vmem>>, vector<1x16xi32>,
      %get3A_289 = arith.constant 368 : index
      %get3A_290 = tpu.vector_load %arg5[%get3A_289] {strides = array<i32>} : memref<512xi32, #tpu.memory_space<vmem>>, vector<16xi32>,
      %get3A_291 = vector.shape_cast %get3A_290 : vector<16xi32> to vector<16xi32>
      %mul3A_292 = arith.constant 1000064 : i32
      %mul3A_293 = arith.muli %scan3A_14, %mul3A_292 : i32
      %add3A_294 = vector.broadcast %mul3A_293 : i32 to vector<16xi32>
      %add3A_295 = arith.addi %get3A_291, %add3A_294 : vector<16xi32>
      %swap3A_296 = arith.index_cast %scan3A_14 : i32 to index
      %swap3A_297 = arith.constant 368 : index
      %swap3A_298 = tpu.vector_load %arg6[%swap3A_296, %swap3A_297] {strides = array<i32>} : memref<32x512xi32, #tpu.memory_space<vmem>>, vector<1x16xi32>,
      %swap3A_299 = vector.shape_cast %swap3A_298 : vector<1x16xi32> to vector<16xi32>
      %swap3A_300 = vector.shape_cast %add3A_295 : vector<16xi32> to vector<1x16xi32>
      tpu.vector_store %arg6[%swap3A_296, %swap3A_297], %swap3A_300 {strides = array<i32>} : memref<32x512xi32, #tpu.memory_space<vmem>>, vector<1x16xi32>,
      %get3A_301 = arith.constant 384 : index
      %get3A_302 = tpu.vector_load %arg5[%get3A_301] {strides = array<i32>} : memref<512xi32, #tpu.memory_space<vmem>>, vector<16xi32>,
      %get3A_303 = vector.shape_cast %get3A_302 : vector<16xi32> to vector<16xi32>
      %mul3A_304 = arith.constant 1000064 : i32
      %mul3A_305 = arith.muli %scan3A_14, %mul3A_304 : i32
      %add3A_306 = vector.broadcast %mul3A_305 : i32 to vector<16xi32>
      %add3A_307 = arith.addi %get3A_303, %add3A_306 : vector<16xi32>
      %swap3A_308 = arith.index_cast %scan3A_14 : i32 to index
      %swap3A_309 = arith.constant 384 : index
      %swap3A_310 = tpu.vector_load %arg6[%swap3A_308, %swap3A_309] {strides = array<i32>} : memref<32x512xi32, #tpu.memory_space<vmem>>, vector<1x16xi32>,
      %swap3A_311 = vector.shape_cast %swap3A_310 : vector<1x16xi32> to vector<16xi32>
      %swap3A_312 = vector.shape_cast %add3A_307 : vector<16xi32> to vector<1x16xi32>
      tpu.vector_store %arg6[%swap3A_308, %swap3A_309], %swap3A_312 {strides = array<i32>} : memref<32x512xi32, #tpu.memory_space<vmem>>, vector<1x16xi32>,
      %get3A_313 = arith.constant 400 : index
      %get3A_314 = tpu.vector_load %arg5[%get3A_313] {strides = array<i32>} : memref<512xi32, #tpu.memory_space<vmem>>, vector<16xi32>,
      %get3A_315 = vector.shape_cast %get3A_314 : vector<16xi32> to vector<16xi32>
      %mul3A_316 = arith.constant 1000064 : i32
      %mul3A_317 = arith.muli %scan3A_14, %mul3A_316 : i32
      %add3A_318 = vector.broadcast %mul3A_317 : i32 to vector<16xi32>
      %add3A_319 = arith.addi %get3A_315, %add3A_318 : vector<16xi32>
      %swap3A_320 = arith.index_cast %scan3A_14 : i32 to index
      %swap3A_321 = arith.constant 400 : index
      %swap3A_322 = tpu.vector_load %arg6[%swap3A_320, %swap3A_321] {strides = array<i32>} : memref<32x512xi32, #tpu.memory_space<vmem>>, vector<1x16xi32>,
      %swap3A_323 = vector.shape_cast %swap3A_322 : vector<1x16xi32> to vector<16xi32>
      %swap3A_324 = vector.shape_cast %add3A_319 : vector<16xi32> to vector<1x16xi32>
      tpu.vector_store %arg6[%swap3A_320, %swap3A_321], %swap3A_324 {strides = array<i32>} : memref<32x512xi32, #tpu.memory_space<vmem>>, vector<1x16xi32>,
      %get3A_325 = arith.constant 416 : index
      %get3A_326 = tpu.vector_load %arg5[%get3A_325] {strides = array<i32>} : memref<512xi32, #tpu.memory_space<vmem>>, vector<16xi32>,
      %get3A_327 = vector.shape_cast %get3A_326 : vector<16xi32> to vector<16xi32>
      %mul3A_328 = arith.constant 1000064 : i32
      %mul3A_329 = arith.muli %scan3A_14, %mul3A_328 : i32
      %add3A_330 = vector.broadcast %mul3A_329 : i32 to vector<16xi32>
      %add3A_331 = arith.addi %get3A_327, %add3A_330 : vector<16xi32>
      %swap3A_332 = arith.index_cast %scan3A_14 : i32 to index
      %swap3A_333 = arith.constant 416 : index
      %swap3A_334 = tpu.vector_load %arg6[%swap3A_332, %swap3A_333] {strides = array<i32>} : memref<32x512xi32, #tpu.memory_space<vmem>>, vector<1x16xi32>,
      %swap3A_335 = vector.shape_cast %swap3A_334 : vector<1x16xi32> to vector<16xi32>
      %swap3A_336 = vector.shape_cast %add3A_331 : vector<16xi32> to vector<1x16xi32>
      tpu.vector_store %arg6[%swap3A_332, %swap3A_333], %swap3A_336 {strides = array<i32>} : memref<32x512xi32, #tpu.memory_space<vmem>>, vector<1x16xi32>,
      %get3A_337 = arith.constant 432 : index
      %get3A_338 = tpu.vector_load %arg5[%get3A_337] {strides = array<i32>} : memref<512xi32, #tpu.memory_space<vmem>>, vector<16xi32>,
      %get3A_339 = vector.shape_cast %get3A_338 : vector<16xi32> to vector<16xi32>
      %mul3A_340 = arith.constant 1000064 : i32
      %mul3A_341 = arith.muli %scan3A_14, %mul3A_340 : i32
      %add3A_342 = vector.broadcast %mul3A_341 : i32 to vector<16xi32>
      %add3A_343 = arith.addi %get3A_339, %add3A_342 : vector<16xi32>
      %swap3A_344 = arith.index_cast %scan3A_14 : i32 to index
      %swap3A_345 = arith.constant 432 : index
      %swap3A_346 = tpu.vector_load %arg6[%swap3A_344, %swap3A_345] {strides = array<i32>} : memref<32x512xi32, #tpu.memory_space<vmem>>, vector<1x16xi32>,
      %swap3A_347 = vector.shape_cast %swap3A_346 : vector<1x16xi32> to vector<16xi32>
      %swap3A_348 = vector.shape_cast %add3A_343 : vector<16xi32> to vector<1x16xi32>
      tpu.vector_store %arg6[%swap3A_344, %swap3A_345], %swap3A_348 {strides = array<i32>} : memref<32x512xi32, #tpu.memory_space<vmem>>, vector<1x16xi32>,
      %get3A_349 = arith.constant 448 : index
      %get3A_350 = tpu.vector_load %arg5[%get3A_349] {strides = array<i32>} : memref<512xi32, #tpu.memory_space<vmem>>, vector<16xi32>,
      %get3A_351 = vector.shape_cast %get3A_350 : vector<16xi32> to vector<16xi32>
      %mul3A_352 = arith.constant 1000064 : i32
      %mul3A_353 = arith.muli %scan3A_14, %mul3A_352 : i32
      %add3A_354 = vector.broadcast %mul3A_353 : i32 to vector<16xi32>
      %add3A_355 = arith.addi %get3A_351, %add3A_354 : vector<16xi32>
      %swap3A_356 = arith.index_cast %scan3A_14 : i32 to index
      %swap3A_357 = arith.constant 448 : index
      %swap3A_358 = tpu.vector_load %arg6[%swap3A_356, %swap3A_357] {strides = array<i32>} : memref<32x512xi32, #tpu.memory_space<vmem>>, vector<1x16xi32>,
      %swap3A_359 = vector.shape_cast %swap3A_358 : vector<1x16xi32> to vector<16xi32>
      %swap3A_360 = vector.shape_cast %add3A_355 : vector<16xi32> to vector<1x16xi32>
      tpu.vector_store %arg6[%swap3A_356, %swap3A_357], %swap3A_360 {strides = array<i32>} : memref<32x512xi32, #tpu.memory_space<vmem>>, vector<1x16xi32>,
      %get3A_361 = arith.constant 464 : index
      %get3A_362 = tpu.vector_load %arg5[%get3A_361] {strides = array<i32>} : memref<512xi32, #tpu.memory_space<vmem>>, vector<16xi32>,
      %get3A_363 = vector.shape_cast %get3A_362 : vector<16xi32> to vector<16xi32>
      %mul3A_364 = arith.constant 1000064 : i32
      %mul3A_365 = arith.muli %scan3A_14, %mul3A_364 : i32
      %add3A_366 = vector.broadcast %mul3A_365 : i32 to vector<16xi32>
      %add3A_367 = arith.addi %get3A_363, %add3A_366 : vector<16xi32>
      %swap3A_368 = arith.index_cast %scan3A_14 : i32 to index
      %swap3A_369 = arith.constant 464 : index
      %swap3A_370 = tpu.vector_load %arg6[%swap3A_368, %swap3A_369] {strides = array<i32>} : memref<32x512xi32, #tpu.memory_space<vmem>>, vector<1x16xi32>,
      %swap3A_371 = vector.shape_cast %swap3A_370 : vector<1x16xi32> to vector<16xi32>
      %swap3A_372 = vector.shape_cast %add3A_367 : vector<16xi32> to vector<1x16xi32>
      tpu.vector_store %arg6[%swap3A_368, %swap3A_369], %swap3A_372 {strides = array<i32>} : memref<32x512xi32, #tpu.memory_space<vmem>>, vector<1x16xi32>,
      %get3A_373 = arith.constant 480 : index
      %get3A_374 = tpu.vector_load %arg5[%get3A_373] {strides = array<i32>} : memref<512xi32, #tpu.memory_space<vmem>>, vector<16xi32>,
      %get3A_375 = vector.shape_cast %get3A_374 : vector<16xi32> to vector<16xi32>
      %mul3A_376 = arith.constant 1000064 : i32
      %mul3A_377 = arith.muli %scan3A_14, %mul3A_376 : i32
      %add3A_378 = vector.broadcast %mul3A_377 : i32 to vector<16xi32>
      %add3A_379 = arith.addi %get3A_375, %add3A_378 : vector<16xi32>
      %swap3A_380 = arith.index_cast %scan3A_14 : i32 to index
      %swap3A_381 = arith.constant 480 : index
      %swap3A_382 = tpu.vector_load %arg6[%swap3A_380, %swap3A_381] {strides = array<i32>} : memref<32x512xi32, #tpu.memory_space<vmem>>, vector<1x16xi32>,
      %swap3A_383 = vector.shape_cast %swap3A_382 : vector<1x16xi32> to vector<16xi32>
      %swap3A_384 = vector.shape_cast %add3A_379 : vector<16xi32> to vector<1x16xi32>
      tpu.vector_store %arg6[%swap3A_380, %swap3A_381], %swap3A_384 {strides = array<i32>} : memref<32x512xi32, #tpu.memory_space<vmem>>, vector<1x16xi32>,
      %get3A_385 = arith.constant 496 : index
      %get3A_386 = tpu.vector_load %arg5[%get3A_385] {strides = array<i32>} : memref<512xi32, #tpu.memory_space<vmem>>, vector<16xi32>,
      %get3A_387 = vector.shape_cast %get3A_386 : vector<16xi32> to vector<16xi32>
      %mul3A_388 = arith.constant 1000064 : i32
      %mul3A_389 = arith.muli %scan3A_14, %mul3A_388 : i32
      %add3A_390 = vector.broadcast %mul3A_389 : i32 to vector<16xi32>
      %add3A_391 = arith.addi %get3A_387, %add3A_390 : vector<16xi32>
      %swap3A_392 = arith.index_cast %scan3A_14 : i32 to index
      %swap3A_393 = arith.constant 496 : index
      %swap3A_394 = tpu.vector_load %arg6[%swap3A_392, %swap3A_393] {strides = array<i32>} : memref<32x512xi32, #tpu.memory_space<vmem>>, vector<1x16xi32>,
      %swap3A_395 = vector.shape_cast %swap3A_394 : vector<1x16xi32> to vector<16xi32>
      %swap3A_396 = vector.shape_cast %add3A_391 : vector<16xi32> to vector<1x16xi32>
      tpu.vector_store %arg6[%swap3A_392, %swap3A_393], %swap3A_396 {strides = array<i32>} : memref<32x512xi32, #tpu.memory_space<vmem>>, vector<1x16xi32>,
      %dma_start3A = arith.constant 0 : i32
      %dma_start3A_397 = tpu.memref_slice %arg7[%scan3A_14, %dma_start3A] : memref<32x512xf32, #tpu.memory_space<vmem>> -> memref<1x512xf32, #tpu.memory_space<vmem>>
      %dma_start3A_398 = tpu.memref_squeeze %dma_start3A_397 : memref<1x512xf32, #tpu.memory_space<vmem>> -> memref<512xf32, #tpu.memory_space<vmem>>
      %dma_start3A_399 = arith.constant 0 : i32
      %dma_start3A_400 = tpu.memref_slice %arg6[%scan3A_14, %dma_start3A_399] : memref<32x512xi32, #tpu.memory_space<vmem>> -> memref<1x512xi32, #tpu.memory_space<vmem>>
      %dma_start3A_401 = tpu.memref_squeeze %dma_start3A_400 : memref<1x512xi32, #tpu.memory_space<vmem>> -> memref<512xi32, #tpu.memory_space<vmem>>
      %dma_start3A_402 = arith.constant 0 : i32
      %dma_start3A_403 = tpu.memref_slice %arg3[%dma_start3A_402] : memref<32002048xf32, #tpu.memory_space<hbm>> -> memref<32002048xf32, #tpu.memory_space<hbm>>
      tpu.enqueue_indirect_dma source(%dma_start3A_403 : memref<32002048xf32, #tpu.memory_space<hbm>>) target(%dma_start3A_398 : memref<512xf32, #tpu.memory_space<vmem>>) offsets(%dma_start3A_401 : memref<512xi32, #tpu.memory_space<vmem>>) semaphore(%arg8 : memref<!tpu.dma_semaphore, #tpu.memory_space<semaphore_mem>>)
    }
    %scan3A_7 = arith.constant 32 : i32
    %scan3A_8 = arith.constant 0 : i32
    %scan3A_9 = arith.constant 0 : i32
    %scan3A_10 = arith.constant 32 : i32
    %scan3A_11 = arith.addi %scan3A_9, %scan3A_10 : i32
    %scan3A_12 = arith.constant 1 : i32
    scf.for %scan3A_14 = %scan3A_9 to %scan3A_11 step %scan3A_12  : i32 {
      %dma_wait3A = arith.constant 0 : i32
      %dma_wait3A_15 = tpu.memref_slice %arg7[%scan3A_14, %dma_wait3A] : memref<32x512xf32, #tpu.memory_space<vmem>> -> memref<1x512xf32, #tpu.memory_space<vmem>>
      %dma_wait3A_16 = tpu.memref_squeeze %dma_wait3A_15 : memref<1x512xf32, #tpu.memory_space<vmem>> -> memref<512xf32, #tpu.memory_space<vmem>>
      %dma_wait3A_17 = arith.constant 0 : i32
      %dma_wait3A_18 = tpu.memref_slice %arg6[%scan3A_14, %dma_wait3A_17] : memref<32x512xi32, #tpu.memory_space<vmem>> -> memref<1x512xi32, #tpu.memory_space<vmem>>
      %dma_wait3A_19 = tpu.memref_squeeze %dma_wait3A_18 : memref<1x512xi32, #tpu.memory_space<vmem>> -> memref<512xi32, #tpu.memory_space<vmem>>
      %dma_wait3A_20 = arith.constant 0 : i32
      %dma_wait3A_21 = tpu.memref_slice %arg3[%dma_wait3A_20] : memref<32002048xf32, #tpu.memory_space<hbm>> -> memref<32002048xf32, #tpu.memory_space<hbm>>
      tpu.wait_indirect_dma semaphore(%arg8 : memref<!tpu.dma_semaphore, #tpu.memory_space<semaphore_mem>>) src(%dma_wait3A_21 : memref<32002048xf32, #tpu.memory_space<hbm>>) dst(%dma_wait3A_16 : memref<512xf32, #tpu.memory_space<vmem>>)
    }
    %scan3A_13 = arith.constant 32 : i32
    "tpu.region"() ({
      %run_scoped3A = tpu.sem_alloc : memref<!tpu.dma_semaphore, #tpu.memory_space<semaphore_mem>>
      %dma_start3A = arith.constant 0 : i32
      %dma_start3A_14 = tpu.memref_slice %arg4[%dma_start3A, %mul3A_2] : memref<32x16384xf32, #tpu.memory_space<hbm>> -> memref<32x512xf32, #tpu.memory_space<hbm>>
      %dma_start3A_15 = arith.constant 0 : i32
      %dma_start3A_16 = tpu.memref_slice %arg4[%dma_start3A_15, %mul3A_2] : memref<32x16384xf32, #tpu.memory_space<hbm>> -> memref<32x512xf32, #tpu.memory_space<hbm>>
      tpu.enqueue_dma source(%arg7 : memref<32x512xf32, #tpu.memory_space<vmem>>) target(%dma_start3A_16 : memref<32x512xf32, #tpu.memory_space<hbm>>) target_semaphore(%run_scoped3A : memref<!tpu.dma_semaphore, #tpu.memory_space<semaphore_mem>>)
      %dma_wait3A = arith.constant 0 : i32
      %dma_wait3A_17 = tpu.memref_slice %arg4[%dma_wait3A, %mul3A_2] : memref<32x16384xf32, #tpu.memory_space<hbm>> -> memref<32x512xf32, #tpu.memory_space<hbm>>
      %dma_wait3A_18 = arith.constant 0 : i32
      %dma_wait3A_19 = tpu.memref_slice %arg4[%dma_wait3A_18, %mul3A_2] : memref<32x16384xf32, #tpu.memory_space<hbm>> -> memref<32x512xf32, #tpu.memory_space<hbm>>
      tpu.wait_dma2 semaphore(%run_scoped3A : memref<!tpu.dma_semaphore, #tpu.memory_space<semaphore_mem>>) src(%arg7 : memref<32x512xf32, #tpu.memory_space<vmem>>) dst(%dma_wait3A_19 : memref<32x512xf32, #tpu.memory_space<hbm>>)
      tpu.yield
    }) : () -> ()
    return
  }
}

</mosaic_0001>

<sc_bundles>
// kernel: kernel.4.cloned.1.call-start
scs
__scs_entry_jumppad:
0x0: {  	(pc) =	sbr.rel $0x88, $3  }
0x1: {  	(tag) =	ssettag $0x0;
	lr =	simm.s32 $0x1  }
0x2: {  	[smem:$0x3F9F] =	sst lr;
	_ =	strace $0xD0000000  }
0x3: {  	_ = 	snop  }
0x4: {  	_ = 	snop  }
0x5: {  	_ = 	snop  }
0x6: {  	_ = 	snop  }
0x7: {  	_ = 	snop  }
__scs_overlays_trampoline_lowered:
0x8: {  	[smem:$0x3FAE] =	sst s0  }
0x9: {  	[smem:$0x3FAF] =	sst s1  }
0xa: {  	[smem:$0x3FB0] =	sst s2  }
0xb: {  	[smem:$0x3FB1] =	sst s3  }
0xc: {  	[smem:$0x3FB2] =	sst s4  }
0xd: {  	[smem:$0x3FB3] =	sst s5  }
0xe: {  	[smem:$0x3FB4] =	sst s6  }
0xf: {  	[smem:$0x3FB5] =	sst s7  }
0x10: {  	[smem:$0x3FB6] =	sst s8  }
0x11: {  	[smem:$0x3FB7] =	sst s9;
	s0 =	simm.s32 @!p0 $0x0  }
0x12: {  	s1 =	sld [smem:$0x3F9D];
	s0 =	simm.s32 @p0 $0x1  }
0x13: {  	[smem:$0x3FB8] =	sst s0;
	s0 =	simm.s32 @!p1 $0x0  }
0x14: {  	s2 =	sld [smem:$0x3F9C];
	s0 =	simm.s32 @p1 $0x1  }
0x15: {  	[smem:$0x3FB9] =	sst s0;
	s0 =	simm.s32 @!p2 $0x0  }
0x16: {  	s3 =	sld [smem:$0x3FDB];
	s0 =	simm.s32 @p2 $0x1  }
0x17: {  	s4 =	simm.s32 $0x1BF5;
	[smem:$0x3FBB] =	sst s0  }
0x18: {  	s0 =	sld [smem:$0x3F9E];
	_ =	swait.ge [sflag:s4], $0x0  }
0x19: {  	s7 =	sld [smem:$0x3F9F]  }
0x1a: {  	s8 =	sadd.s32 $0xFFFFE003, lr  }
0x1b: {  	s9 =	sadd.s32 $0xFFFFFEF7, lr;
	s5 =	simm.s32 $0xFFFFFFFF;
	p2 =	slt.u32 s8, $0xFFFFF086  }
0x1c: {  	p1 =	slt.u32 s9, $0xF7A;
	s5 =	simm.s32 @!p2 $0x0  }
0x1d: {  	s5 =	simm.s32 @p1 $0x1;
	p0 =	seq.s32 s7, s2  }
0x1e: {  	s7 =	smul.u32 @!p0 $0xF7A, s2;
	p2 =	seq.s32 @!p0 s5, $0x0  }
0x1f: {  	s9 =	smul.u32 $0xF7A, s1;
	s8 =	simm.s32 @!p0 $0x1BF5;
	p2 =	por !p2, p0  }
0x20: {  	[sflag:s8] =	ssyncset.s32 @!p0 $0xFFFFF086;
	s6 =	sadd.s32 @!p0 s3, s7;
	s7 =	simm.s32 @!p0 $0x108  }
0x21: {  	s3 =	sadd.s32 s3, s9;
	s6 =	sadd.s32 @!p0 $0x88, s6;
	s7 =	simm.s32 @p2 $0x1082  }
0x22: {  	[simem:s7], [sflag:s8] =	dma.local @!p0 [hbm:s6], $0xF7A  }
0x23: {  	s9 =	sor.u32 $0xD0000000, s2;
	s6 =	simm.s32 $0x108;
	_ =	swait.ge @!p0 [sflag:s8], $0x0  }
0x24: {  	s3 =	sadd.s32 $0x88, s3;
	s6 =	simm.s32 @!p1 $0x1082;
	[sflag:s4] =	ssyncset.s32 $0xFFFFF086  }
0x25: {  	[simem:s6], [sflag:s4] =	dma.local [hbm:s3], $0xF7A  }
0x26: {  	[smem:$0x3F9F] =	sst s1;
	(tag) =	ssettag s2;
	_ =	strace s9  }
0x27: {  	s1 =	sld [smem:$0x3FAF]  }
0x28: {  	s2 =	sld [smem:$0x3FB0]  }
0x29: {  	s4 =	sld [smem:$0x3FB2]  }
0x2a: {  	p0 =	seq.s32 s5, $0x0;
	s5 =	sld [smem:$0x3FB3]  }
0x2b: {  	s6 =	sld [smem:$0x3FB4]  }
0x2c: {  	s7 =	sld [smem:$0x3FB5]  }
0x2d: {  	s3 =	simm.s32 $0x108;
	s8 =	sld [smem:$0x3FB6]  }
0x2e: {  	s3 =	simm.s32 @!p0 $0x1082;
	s9 =	sld [smem:$0x3FB7]  }
0x2f: {  	lr =	sadd.s32 s0, s3;
	s0 =	sld [smem:$0x3FAE]  }
0x30: {  	s3 =	sld [smem:$0x3FB1]  }
0x31: {  	[smem:$0x3FBA] =	sst s10  }
0x32: {  	s10 =	sld [smem:$0x3FB8];
	_ =	sdelay $0x3  }
0x33: {  	p0 =	seq.s32 s10, $0x1;
	s10 =	sld [smem:$0x3FBA];
	_ =	sdelay $0x3  }
0x34: {  	[smem:$0x3FBA] =	sst s10  }
0x35: {  	s10 =	sld [smem:$0x3FB9];
	_ =	sdelay $0x3  }
0x36: {  	p1 =	seq.s32 s10, $0x1;
	s10 =	sld [smem:$0x3FBA];
	_ =	sdelay $0x3  }
0x37: {  	[smem:$0x3FBA] =	sst s10  }
0x38: {  	s10 =	sld [smem:$0x3FBB]  }
0x39: {  	_ = 	snop;
	(pc) =	sbr.ind lr, $3  }
0x3a: {  	_ = 	snop  }
0x3b: {  	_ = 	snop  }
0x3c: {  	p2 =	seq.s32 s10, $0x1;
	s10 =	sld [smem:$0x3FBA]  }
0x3d: {  	_ =	shalt  }
0x3e: {  	_ =	shalt  }
0x3f: {  	_ =	shalt  }
0x40: {  	_ =	shalt  }
0x41: {  	_ =	shalt  }
0x42: {  	_ =	shalt  }
0x43: {  	_ =	shalt  }
0x44: {  	_ =	shalt  }
0x45: {  	_ =	shalt  }
0x46: {  	_ =	shalt  }
0x47: {  	_ =	shalt  }
0x48: {  	_ =	shalt  }
0x49: {  	_ =	shalt  }
0x4a: {  	_ =	shalt  }
0x4b: {  	_ =	shalt  }
0x4c: {  	_ =	shalt  }
0x4d: {  	_ =	shalt  }
0x4e: {  	_ =	shalt  }
0x4f: {  	_ =	shalt  }
0x50: {  	_ =	shalt  }
0x51: {  	_ =	shalt  }
0x52: {  	_ =	shalt  }
0x53: {  	_ =	shalt  }
0x54: {  	_ =	shalt  }
0x55: {  	_ =	shalt  }
0x56: {  	_ =	shalt  }
0x57: {  	_ =	shalt  }
0x58: {  	_ =	shalt  }
0x59: {  	_ =	shalt  }
0x5a: {  	_ =	shalt  }
0x5b: {  	_ =	shalt  }
0x5c: {  	_ =	shalt  }
0x5d: {  	_ =	shalt  }
0x5e: {  	_ =	shalt  }
0x5f: {  	_ =	shalt  }
0x60: {  	_ =	shalt  }
0x61: {  	_ =	shalt  }
0x62: {  	_ =	shalt  }
0x63: {  	_ =	shalt  }
0x64: {  	_ =	shalt  }
0x65: {  	_ =	shalt  }
0x66: {  	_ =	shalt  }
0x67: {  	_ =	shalt  }
0x68: {  	_ =	shalt  }
0x69: {  	_ =	shalt  }
0x6a: {  	_ =	shalt  }
0x6b: {  	_ =	shalt  }
0x6c: {  	_ =	shalt  }
0x6d: {  	_ =	shalt  }
0x6e: {  	_ =	shalt  }
0x6f: {  	_ =	shalt  }
0x70: {  	_ =	shalt  }
0x71: {  	_ =	shalt  }
0x72: {  	_ =	shalt  }
0x73: {  	_ =	shalt  }
0x74: {  	_ =	shalt  }
0x75: {  	_ =	shalt  }
0x76: {  	_ =	shalt  }
0x77: {  	_ =	shalt  }
0x78: {  	_ =	shalt  }
0x79: {  	_ =	shalt  }
0x7a: {  	_ =	shalt  }
0x7b: {  	_ =	shalt  }
0x7c: {  	_ =	shalt  }
0x7d: {  	_ =	shalt  }
0x7e: {  	_ =	shalt  }
0x7f: {  	_ =	shalt  }
0x80: {  	_ =	shalt  }
0x81: {  	_ =	shalt  }
0x82: {  	_ =	shalt  }
0x83: {  	_ =	shalt  }
0x84: {  	_ =	shalt  }
0x85: {  	_ =	shalt  }
0x86: {  	_ =	shalt  }
0x87: {  	_ =	shalt  }
.Lfunc_end0:
.L_simem_size_0:
called_computation_lowered:
.L_overlay_start_0:
0x88: {  	s2 =	sld [smem:$0x3FD9]  }
0x89: {  	s3 =	sld [smem:$0x3FFE];
	_ =	sdelay $0x1  }
0x8a: {  	s1 =	srdreg.scid  }
0x8b: {  	s0 =	sand.u32 $0x1, s1  }
0x8c: {  	s17 =	sshll.u32 s0, $0xA;
	s2 =	sadd.s32 s3, s2  }
0x8d: {  	s2 =	sadd.s32 s2, s17  }
0x8e: {  	[smem:$0x3FC6] =	sst s2  }
0x8f: {  	_ = 	snop  }
0x90: {  	s2 =	sld [smem:$0x3FC8]  }
0x91: {  	s18 =	sld [smem:$0x3FD0];
	(tm) =	ssettm $0x1  }
0x92: {  	s4 =	sld [smem:$0x3FFB];
	_ =	sdelay $0x3  }
0x93: {  	_ =	strace s4  }
0x94: {  	s4 =	sld [smem:$0x3FFC];
	_ =	sdelay $0x3  }
0x95: {  	_ =	strace s4  }
0x96: {  	s4 =	sld [smem:$0x3FFD];
	_ =	sdelay $0x3  }
0x97: {  	_ =	strace s4  }
0x98: {  	_ =	strace $0x8FFFFFFF  }
0x99: {  	s19 =	sld [smem:$0x3FDB];
	_ =	sdelay $0x1  }
0x9a: {  	s5 =	simm.s32 $_scs_section_size  }
0x9b: {  	s6 =	simm.s32 $_size__tile_overlayer_lowered;
	s7 =	simm.s32 $_tile_overlayer_lowered  }
0x9c: {  	s22 =	simm.s32 $0x1BFF;
	s21 =	sshll.u32 s7, $0x1;
	s4 =	sadd.s32 s5, s19  }
0x9d: {  	s8 =	simm.s32 $0x0;
	s20 =	sshll.u32 s6, $0x1;
	s6 =	sadd.s32 s21, s4  }
0x9e: {  	[timem:s8], [sflag:s22] =	dma.local [hbm:s6], s20  }
0x9f: {  	_ =	swait.ge [sflag:s22], s20  }
0xa0: {  	s5 =	ssub.s32 $0x0, s20;
	[sflag:s22] =	ssyncset.done $0x0  }
0xa1: {  	[sflag:s22] =	ssyncadd.s32 s5;
	_ =	sdelay $0x1  }
0xa2: {  	s23 =	simm.s32 $0x1B8B  }
0xa3: {  	_ =	swait.ge [sflag:s23], $0x1  }
0xa4: {  	[sflag:s23] =	ssyncset.done $0x0  }
0xa5: {  	s25 =	simm.s32 $0x1B8E;
	s24 =	sld [smem:$0x3FFE];
	[sflag:s23] =	ssyncadd.s32 $0xFFFFFFFF  }
0xa6: {  	s26 =	simm.s32 $execute0_lowered;
	[smem:$0x3FD2] =	sst s25  }
0xa7: {  	s6 =	sshll.u32 s26, $0x1;
	_ =	strace $0x80000046;
	[dreg:$0x1] =	wrdreg $0xFFFFFFFF  }
0xa8: {  	s28 =	simm.s32 $_size_execute0_lowered;
	s4 =	sadd.s32 s4, s6;
	[dreg:$0x0] =	wrdreg $0x0  }
0xa9: {  	s6 =	sshll.u32 s28, $0x1;
	[dreg:$0x2] =	wrdreg s4  }
0xaa: {  	[dreg:$0x3] =	wrdreg s6  }
0xab: {  	[dreg:$0x4] =	wrdreg $0xC0  }
0xac: {  	_ =	task [dreg:s8], $0x5FFFF  }
0xad: {  	[dreg:$0x1] =	wrdreg $0xFFFFFFFF  }
0xae: {  	[dreg:$0x0] =	wrdreg $0x60  }
0xaf: {  	[dreg:$0x2] =	wrdreg s2  }
0xb0: {  	[dreg:$0x3] =	wrdreg s18  }
0xb1: {  	[dreg:$0x4] =	wrdreg s24  }
0xb2: {  	[dreg:$0x5] =	wrdreg $0x9  }
0xb3: {  	_ =	task.clear_ibuf [dreg:s8], $0x6FFFF;
	_ =	strace $0x90000046  }
0xb4: {  	s29 =	simm.s32 $0x9;
	_ =	strace $0x80000048  }
0xb5: {  	_ =	swait.ge [sflag:s29], $0x1  }
0xb6: {  	[sflag:s29] =	ssyncadd.s32 $0xFFFFFFFF  }
0xb7: {  	_ =	strace $0x90000048  }
0xb8: {  	_ =	sfence  }
0xb9: {  	s30 =	sld [smem:$0x0];
	_ =	sdelay $0x2  }
0xba: {  	s31 =	sshll.u32 s1, $0xD;
	s1 =	sshrl.u32 s1, $0x2  }
0xbb: {  	s3 =	sand.u32 $0x4000, s31;
	s1 =	sadd.s32 s1, s30  }
0xbc: {  	s0 =	sor.u32 s3, s0;
	s1 =	sshll.u32 s1, $0x11  }
0xbd: {  	s0 =	sor.u32 s1, s0  }
0xbe: {  	s0 =	sadd.s32 $0x8F2B, s0  }
0xbf: {  	[sflag:s0] =	ssyncadd.remote.s32 $0x1  }
0xc0: {  	_ =	sfence.sel $0xFFFF  }
0xc1: {  	[dreg:$0x0] =	wrdreg $0xFFFFFFFF;
	(pc) =	sbr.abs _section_cstart, $3  }
0xc2: {  	[dreg:$0x1] =	wrdreg $0xFFFFFFFF  }
0xc3: {  	_ =	task.clear_ibuf [dreg:s8], $0x2FFFF;
	_ =	strace $0x9FFFFFFF  }
0xc4: {  	(tm) =	ssettm $0x7FFFFFFF  }
0xc5: {  	_ =	shalt  }
tec
execute0_lowered:
.L_overlay_start_1:
0x0: {  	(tag) =	ssettag $0x1  }
0x1: {  	s6 =	rddreg [dreg:$0x0]  }
0x2: {  	s1 =	srdreg.scid;
	s18 =	stileid.u32  }
0x3: {  	s10 =	sand.u32 $0x1, s1;
	s13 =	sshll.u32 s18, $0x1;
	s20 =	smul.u32 $0x7A000, s18  }
0x4: {  	s21 =	rddreg [dreg:$0x1];
	s1 =	sor.u32 s10, s13;
	s13 =	smul.u32 $0xF400, s18  }
0x5: {  	s0 =	rddreg [dreg:$0x2];
	s3 =	simm.s32 $0x0;
	s17 =	smul.u32 $0x7A00, s10  }
0x6: {  	[smem:$0x7FF] =	sst s3;
	s7 =	sadd.s32 $0x800, s0;
	s22 =	smul.u32 $0x3D000, s10  }
0x7: {  	_ =	strace $0x80000047;
	s4 =	ssub.s32 $0x2, s10;
	s2 =	smul.u32 $0x3D000, s1  }
0x8: {  	s8 =	sshll.u32 s1, $0x7;
	s5 =	sshrl.u32 s4, $0x1;
	s16 =	sshll.u32 s1, $0x4  }
0x9: {  	s9 =	sshrl.u32 s8, $0x3;
	s10 =	sadd.s32 s17, s13;
	s2 =	sshrl.u32 s2, $0x3  }
0xa: {  	s9 =	sadd.s32 s7, s9;
	s13 =	sshrl.u32 s10, $0x3;
	s26 =	sadd.s32 $0x1C9CB00, s10  }
0xb: {  	s17 =	sadd.s32 $0x1AB4600, s10;
	s11 =	sadd.s32 s6, s2;
	s14 =	sadd.s32 $0x3D050, s9  }
0xc: {  	s2 =	ssub.s32 s4, s5;
	s15 =	sadd.s32 $0x5B8A0, s9;
	[smem:$0x7BB] =	sst s14  }
0xd: {  	s12 =	sadd.s32 $0x7A0F0, s9;
	s13 =	sadd.s32 s13, s7;
	[smem:$0x7BC] =	sst s15  }
0xe: {  	s4 =	sadd.s32 $0x200, s11;
	s5 =	sadd.s32 $0x400, s11;
	[smem:$0x7BD] =	sst s12  }
0xf: {  	s12 =	sadd.s32 s16, s7;
	s16 =	sadd.s32 $0x1D90D80, s10;
	s11 =	sadd.s32 s22, s20  }
0x10: {  	s20 =	sshrl.u32 s17, $0x3;
	s17 =	sadd.s32 $0x16E3C00, s10;
	s14 =	sadd.s32 $0x98940, s12  }
0x11: {  	[dreg:$0x4] =	wrdreg s13;
	s19 =	sadd.s32 $0x112A80, s12;
	s15 =	sadd.s32 $0x18CBC0, s12  }
0x12: {  	s23 =	sadd.s32 $0x206D00, s12;
	[smem:$0x7BE] =	sst s14  }
0x13: {  	s24 =	sshrl.u32 s16, $0x3;
	s16 =	sadd.s32 $0x1BA8880, s10;
	[smem:$0x7BF] =	sst s19  }
0x14: {  	s22 =	sadd.s32 s20, s7;
	s20 =	sadd.s32 $0x15EF980, s10;
	[smem:$0x7C0] =	sst s15  }
0x15: {  	[smem:$0x7C1] =	sst s23;
	s25 =	sadd.s32 s24, s7;
	s15 =	sshrl.u32 s26, $0x3  }
0x16: {  	s14 =	sshrl.u32 s16, $0x3;
	s23 =	sadd.s32 $0x19C0380, s10;
	[dreg:$0x8] =	wrdreg s22  }
0x17: {  	s26 =	sadd.s32 $0x17D7E80, s10;
	s22 =	sadd.s32 $0x14FB700, s10;
	[dreg:$0x5] =	wrdreg s25  }
0x18: {  	s13 =	sadd.s32 s15, s7;
	s19 =	sadd.s32 s14, s7;
	s24 =	sshrl.u32 s23, $0x3  }
0x19: {  	s25 =	sadd.s32 $0x18CC100, s10;
	s15 =	sshrl.u32 s26, $0x3;
	[dreg:$0x6] =	wrdreg s13  }
0x1a: {  	s26 =	sadd.s32 $0x1407480, s10;
	[dreg:$0x7] =	wrdreg s19;
	s13 =	sadd.s32 s24, s7  }
0x1b: {  	s14 =	sshrl.u32 s25, $0x3;
	s16 =	sadd.s32 s15, s7;
	s19 =	sshrl.u32 s17, $0x3  }
0x1c: {  	s24 =	sshrl.u32 s22, $0x3;
	s15 =	sshrl.u32 s26, $0x3;
	[dreg:$0x9] =	wrdreg s13  }
0x1d: {  	s17 =	sadd.s32 $0x121EF80, s10;
	s14 =	sadd.s32 s14, s7;
	[dreg:$0xb] =	wrdreg s16  }
0x1e: {  	s26 =	sadd.s32 $0xF42800, s10;
	s13 =	sadd.s32 s19, s7;
	[dreg:$0xa] =	wrdreg s14  }
0x1f: {  	s25 =	sadd.s32 s24, s7;
	s16 =	sadd.s32 $0x1313200, s10;
	[dreg:$0xc] =	wrdreg s13  }
0x20: {  	s14 =	sshrl.u32 s20, $0x3;
	[dreg:$0xe] =	wrdreg s25;
	s13 =	sadd.s32 s15, s7  }
0x21: {  	s20 =	sshrl.u32 s17, $0x3;
	s25 =	sadd.s32 $0x1036A80, s10;
	s15 =	sshrl.u32 s26, $0x3  }
0x22: {  	s17 =	sadd.s32 $0xE4E580, s10;
	s26 =	sadd.s32 $0xB71E00, s10;
	s23 =	sadd.s32 s14, s7  }
0x23: {  	s14 =	sshrl.u32 s16, $0x3;
	[dreg:$0xf] =	wrdreg s13;
	s22 =	sadd.s32 s20, s7  }
0x24: {  	s16 =	sadd.s32 s15, s7;
	s20 =	sadd.s32 $0xD5A300, s10;
	[dreg:$0xd] =	wrdreg s23  }
0x25: {  	s15 =	sshrl.u32 s26, $0x3;
	s26 =	sadd.s32 $0x6AD180, s10;
	[dreg:$0x11] =	wrdreg s22  }
0x26: {  	s19 =	sadd.s32 s14, s7;
	s23 =	sadd.s32 $0x112AD00, s10;
	[dreg:$0x14] =	wrdreg s16  }
0x27: {  	s14 =	sshrl.u32 s25, $0x3;
	s22 =	sadd.s32 $0xC66080, s10;
	[dreg:$0x10] =	wrdreg s19  }
0x28: {  	s24 =	sshrl.u32 s23, $0x3;
	s14 =	sadd.s32 s14, s7;
	s19 =	sshrl.u32 s17, $0x3  }
0x29: {  	s17 =	sadd.s32 $0x989900, s10;
	s13 =	sadd.s32 s24, s7;
	[dreg:$0x13] =	wrdreg s14  }
0x2a: {  	s14 =	sshrl.u32 s20, $0x3;
	[dreg:$0x12] =	wrdreg s13;
	s13 =	sadd.s32 s19, s7  }
0x2b: {  	s24 =	sshrl.u32 s22, $0x3;
	s23 =	sadd.s32 s14, s7;
	[dreg:$0x15] =	wrdreg s13  }
0x2c: {  	s20 =	sshrl.u32 s17, $0x3;
	s25 =	sadd.s32 s24, s7;
	[dreg:$0x16] =	wrdreg s23  }
0x2d: {  	s16 =	sadd.s32 $0xA7DB80, s10;
	s22 =	sadd.s32 s20, s7;
	[dreg:$0x17] =	wrdreg s25  }
0x2e: {  	s14 =	sshrl.u32 s16, $0x3;
	s20 =	sadd.s32 $0x280E40, s12;
	[dreg:$0x1a] =	wrdreg s22  }
0x2f: {  	s16 =	sshrl.u32 s26, $0x3;
	s26 =	sadd.s32 $0xD59E0, s9;
	[smem:$0x7C2] =	sst s20  }
0x30: {  	s13 =	sadd.s32 s15, s7;
	[smem:$0x7C6] =	sst s26  }
0x31: {  	s19 =	sadd.s32 s14, s7;
	[dreg:$0x18] =	wrdreg s13  }
0x32: {  	s23 =	sadd.s32 $0x895680, s10;
	s17 =	sadd.s32 s16, s7;
	[dreg:$0x19] =	wrdreg s19  }
0x33: {  	s25 =	sadd.s32 $0x7A1400, s10;
	s15 =	sadd.s32 $0x1312D0, s9;
	[dreg:$0x1d] =	wrdreg s17  }
0x34: {  	s20 =	sadd.s32 $0x1AB410, s9;
	[smem:$0x7C8] =	sst s15  }
0x35: {  	s26 =	sadd.s32 $0x243DA0, s9;
	[smem:$0x7CB] =	sst s20  }
0x36: {  	s24 =	sshrl.u32 s23, $0x3;
	s23 =	sadd.s32 $0x2FAF80, s12;
	[smem:$0x7CF] =	sst s26  }
0x37: {  	s12 =	sadd.s32 $0x3750C0, s12;
	[smem:$0x7C3] =	sst s23  }
0x38: {  	s14 =	sshrl.u32 s25, $0x3;
	s25 =	sadd.s32 $0xB7190, s9;
	[smem:$0x7C4] =	sst s12  }
0x39: {  	s17 =	sadd.s32 $0x14FB20, s9;
	[smem:$0x7C5] =	sst s25  }
0x3a: {  	s15 =	sadd.s32 $0x29F690, s9;
	[smem:$0x7C9] =	sst s17  }
0x3b: {  	s20 =	sadd.s32 $0x3197D0, s9;
	[smem:$0x7D1] =	sst s15  }
0x3c: {  	s26 =	sadd.s32 $0x3B2160, s9;
	[smem:$0x7D5] =	sst s20  }
0x3d: {  	s16 =	sadd.s32 $0x4C4C80, s10;
	s13 =	sadd.s32 s24, s7;
	[smem:$0x7DA] =	sst s26  }
0x3e: {  	s19 =	sadd.s32 $0x5B8F00, s10;
	s14 =	sadd.s32 s14, s7;
	[dreg:$0x1b] =	wrdreg s13  }
0x3f: {  	s22 =	sshrl.u32 s19, $0x3;
	s19 =	sadd.s32 $0x16E370, s9;
	[dreg:$0x1c] =	wrdreg s14  }
0x40: {  	s23 =	sadd.s32 $0x1E84B0, s9;
	[smem:$0x7CA] =	sst s19  }
0x41: {  	s25 =	sadd.s32 $0x225550, s9;
	[smem:$0x7CD] =	sst s23  }
0x42: {  	s12 =	sshrl.u32 s16, $0x3;
	s16 =	sadd.s32 $0x2BDEE0, s9;
	[smem:$0x7CE] =	sst s25  }
0x43: {  	s15 =	sadd.s32 $0x1F040, s0;
	[smem:$0x7D3] =	sst s16  }
0x44: {  	s20 =	sadd.s32 $0x99180, s0;
	[smem:$0x7DC] =	sst s15  }
0x45: {  	s26 =	sadd.s32 $0x131B10, s0;
	[smem:$0x7E0] =	sst s20  }
0x46: {  	s14 =	sadd.s32 $0xF4230, s9;
	[smem:$0x7E6] =	sst s26  }
0x47: {  	s24 =	sadd.s32 s22, s7;
	[smem:$0x7C7] =	sst s14  }
0x48: {  	s22 =	sadd.s32 $0x1C9C60, s9;
	[dreg:$0x1e] =	wrdreg s24  }
0x49: {  	s12 =	sadd.s32 s12, s7;
	[smem:$0x7CC] =	sst s22  }
0x4a: {  	s19 =	sadd.s32 $0x2DC730, s9;
	[dreg:$0x1f] =	wrdreg s12  }
0x4b: {  	s23 =	sadd.s32 $0x356870, s9;
	[smem:$0x7D4] =	sst s19  }
0x4c: {  	s16 =	sadd.s32 $0x3D890, s0;
	[smem:$0x7D7] =	sst s23  }
0x4d: {  	s20 =	sadd.s32 $0x1CA4A0, s0;
	[smem:$0x7DD] =	sst s16  }
0x4e: {  	s11 =	sadd.s32 $0x3000, s11;
	s26 =	sadd.s32 $0x2445E0, s0;
	[smem:$0x7EB] =	sst s20  }
0x4f: {  	s15 =	sshrl.u32 s11, $0x3;
	s11 =	sadd.s32 $0x262E30, s0;
	[smem:$0x7EF] =	sst s26  }
0x50: {  	s14 =	sadd.s32 $0x2625F0, s9;
	[smem:$0x7F0] =	sst s11  }
0x51: {  	s22 =	sadd.s32 $0x338020, s9;
	[smem:$0x7D0] =	sst s14  }
0x52: {  	s25 =	sadd.s32 $0x1E8500, s10;
	s19 =	sadd.s32 $0x7A930, s0;
	[smem:$0x7D6] =	sst s22  }
0x53: {  	s24 =	sadd.s32 $0x3D0A00, s10;
	s23 =	sadd.s32 $0xD6220, s0;
	[smem:$0x7DF] =	sst s19  }
0x54: {  	s13 =	sshrl.u32 s25, $0x3;
	s25 =	sadd.s32 $0x1132C0, s0;
	[smem:$0x7E2] =	sst s23  }
0x55: {  	s16 =	sadd.s32 $0x18D400, s0;
	[smem:$0x7E5] =	sst s25  }
0x56: {  	s20 =	sadd.s32 $0x31A010, s0;
	[smem:$0x7E9] =	sst s16  }
0x57: {  	s26 =	sadd.s32 $0x3B29A0, s0;
	[smem:$0x7F7] =	sst s20  }
0x58: {  	s12 =	sshrl.u32 s24, $0x3;
	s24 =	sadd.s32 $0x393910, s9;
	[smem:$0x7FD] =	sst s26  }
0x59: {  	s29 =	simm.s32 $0x2000;
	s9 =	sadd.s32 $0x3D09B0, s9;
	[smem:$0x7D9] =	sst s24  }
0x5a: {  	s30 =	simm.s32 $0x3000;
	s22 =	sadd.s32 $0xB79D0, s0;
	[smem:$0x7DB] =	sst s9  }
0x5b: {  	s31 =	simm.s32 $0x3;
	s23 =	sadd.s32 $0x207540, s0;
	[smem:$0x7E1] =	sst s22  }
0x5c: {  	p1 =	sgt.u32 s18, $0x1;
	s16 =	sadd.s32 $0x2DCF70, s0;
	[smem:$0x7ED] =	sst s23  }
0x5d: {  	s18 =	sadd.s32 $0x80, s21;
	s12 =	sadd.s32 s12, s7;
	[smem:$0x7F5] =	sst s16  }
0x5e: {  	s17 =	sadd.s32 $0x2DC780, s10;
	s24 =	sadd.s32 $0xF4A70, s0;
	[smem:$0x7D2] =	sst s12  }
0x5f: {  	s9 =	sadd.s32 s13, s7;
	s13 =	sadd.s32 $0x150360, s0;
	[smem:$0x7E3] =	sst s24  }
0x60: {  	s8 =	sor.u32 $0xF4000, s8;
	s22 =	sadd.s32 $0x1E8CF0, s0;
	[smem:$0x7E4] =	sst s9  }
0x61: {  	s28 =	sadd.s32 s6, s8;
	s23 =	sadd.s32 $0x3570B0, s0;
	[smem:$0x7E7] =	sst s13  }
0x62: {  	s14 =	smul.u32 $0x7A00, s1;
	s16 =	sadd.s32 $0x3D11F0, s0;
	[smem:$0x7EC] =	sst s22  }
0x63: {  	s12 =	sshrl.u32 s17, $0x3;
	s17 =	sadd.s32 $0x5C0E0, s0;
	[smem:$0x7FA] =	sst s23  }
0x64: {  	s19 =	sadd.s32 s6, s14;
	s14 =	sadd.s32 $0x16EBB0, s0;
	[smem:$0x7DE] =	sst s17  }
0x65: {  	s25 =	sshrl.u32 s8, $0x3;
	s24 =	sadd.s32 $0x225D90, s0;
	[smem:$0x7E8] =	sst s14  }
0x66: {  	s9 =	sadd.s32 s15, s6;
	s6 =	sadd.s32 s7, s25;
	[smem:$0x7EE] =	sst s24  }
0x67: {  	p0 =	sne.s32 s1, $0x4;
	s13 =	sadd.s32 $0x29FED0, s0;
	[smem:$0x7F1] =	sst s6  }
0x68: {  	s10 =	sadd.s32 $0xF4280, s10;
	s15 =	sadd.s32 $0x2BE720, s0;
	[smem:$0x7F3] =	sst s13  }
0x69: {  	s20 =	sadd.s32 $0x100, s21;
	s22 =	sadd.s32 $0x338860, s0;
	[smem:$0x7F4] =	sst s15  }
0x6a: {  	s21 =	sadd.s32 $0x180, s21;
	s25 =	sadd.s32 $0x394150, s0;
	[smem:$0x7F9] =	sst s22  }
0x6b: {  	s23 =	simm.s32 $0x7A1400;
	s12 =	sadd.s32 s12, s7;
	[smem:$0x7FC] =	sst s25  }
0x6c: {  	s26 =	simm.s32 $0x2;
	s17 =	sadd.s32 $0x1ABC50, s0;
	[smem:$0x7D8] =	sst s12  }
.Ltmp0:
0x6d: {  	s24 =	sadd.s32 $0x375900, s0;
	[smem:$0x7EA] =	sst s17;
	(pc) =	sbr.rel .LBB2_1-.Ltmp0, $4  }
0x6e: {  	s1 =	simm.s32 $0x0;
	s12 =	sadd.s32 $0x281680, s0;
	[smem:$0x7FB] =	sst s24  }
0x6f: {  	s14 =	sshrl.u32 s10, $0x3;
	s17 =	sadd.s32 $0x2FB7C0, s0;
	[smem:$0x7F2] =	sst s12  }
0x70: {  	s22 =	simm.s32 $0x1000;
	s6 =	sadd.s32 s14, s7;
	[smem:$0x7F6] =	sst s17  }
0x71: {  	s25 =	simm.s32 $0x1;
	[smem:$0x7F8] =	sst s6;
	s17 =	smax.u32 s2, $0x1  }
.LBB2_7:
0x72: {  	s1 =	sadd.s32 $0x1, s1  }
0x73: {  	p2 =	sne.s32 s1, s17  }
.Ltmp1:
0x74: {  	_ = 	snop;
	(pc) =	sbr.rel @!p2 .LBB2_8-.Ltmp1, $1  }
0x75: {  	_ =	sdelay $0x3  }
.LBB2_1:
0x76: {  	[tilespmem:s3], [sflag:$0x1] =	stream.strided.gather [hbm4b:s19+s22], $0x4000, s23, s22, $0x38;
	[tilespmem:$0xC000] =	vst v63  }
0x77: {  	s0 =	simm.s32 $0x4000;
	s13 =	smul.u32 $0xAB, s3  }
0x78: {  	[tilespmem:s0], [sflag:$0x1] =	stream.strided.gather [hbm4b:s4+s22], $0x4000, s23, s22, $0x38;
	[tilespmem:$0xC000] =	vst v63  }
0x79: {  	s0 =	sshrl.u32 s13, $0x9  }
0x7a: {  	s0 =	sand.u32 $0x7F, s0  }
0x7b: {  	s2 =	simm.s32 $0x8000;
	s0 =	smul.u32 $0x3, s0  }
0x7c: {  	[tilespmem:s2], [sflag:$0x1] =	stream.strided.gather [hbm4b:s5+s22], $0x4000, s23, s22, $0x38;
	[tilespmem:$0xC000] =	vst v63  }
0x7d: {  	_ =	swait.ge [sflag:s25], $0x4000;
	s0 =	ssub.s32 $0x0, s0  }
0x7e: {  	s14 =	rddreg [dreg:$0x4];
	[sflag:s25] =	ssyncset.done $0x0;
	s0 =	sand.u32 $0xFF, s0  }
0x7f: {  	[sflag:s25] =	ssyncadd.s32 $0xFFFFC000;
	s2 =	sadd.s32 $0x0, s14;
	s0 =	sshll.u32 s0, $0xE  }
0x80: {  	[hbm4b:s2+s3] =	stream.linear.scatter [tilespmem:s0], [sflag:$0x2], $0x80, $0x38;
	[tilespmem:$0xC000] =	vst v63  }
0x81: {  	s7 =	sadd.s32 $0x10, s2;
	s6 =	sor.u32 $0x400, s0  }
0x82: {  	[hbm4b:s7+s3] =	stream.linear.scatter [tilespmem:s6], [sflag:$0x2], $0x80, $0x38;
	[tilespmem:$0xC000] =	vst v63  }
0x83: {  	s8 =	sld [smem:$0x7F8];
	s24 =	sadd.s32 $0x20, s2;
	s15 =	sor.u32 $0x800, s0  }
0x84: {  	[hbm4b:s24+s3] =	stream.linear.scatter [tilespmem:s15], [sflag:$0x2], $0x80, $0x38;
	[tilespmem:$0xC000] =	vst v63  }
0x85: {  	s2 =	sadd.s32 $0x30, s2;
	s7 =	sor.u32 $0xC00, s0  }
0x86: {  	[hbm4b:s2+s3] =	stream.linear.scatter [tilespmem:s7], [sflag:$0x2], $0x80, $0x38;
	[tilespmem:$0xC000] =	vst v63  }
0x87: {  	s10 =	sadd.s32 $0x0, s8;
	s11 =	sor.u32 $0x80, s0  }
0x88: {  	[hbm4b:s10+s3] =	stream.linear.scatter [tilespmem:s11], [sflag:$0x2], $0x80, $0x38;
	[tilespmem:$0xC000] =	vst v63  }
0x89: {  	s12 =	sor.u32 $0x480, s0;
	s13 =	sadd.s32 $0x10, s10  }
0x8a: {  	[hbm4b:s13+s3] =	stream.linear.scatter [tilespmem:s12], [sflag:$0x2], $0x80, $0x38;
	[tilespmem:$0xC000] =	vst v63  }
0x8b: {  	s14 =	sor.u32 $0x880, s0;
	s15 =	sadd.s32 $0x20, s10;
	s24 =	sld [smem:$0x7E4]  }
0x8c: {  	[hbm4b:s15+s3] =	stream.linear.scatter [tilespmem:s14], [sflag:$0x2], $0x80, $0x38;
	[tilespmem:$0xC000] =	vst v63  }
0x8d: {  	s7 =	sor.u32 $0xC80, s0;
	s2 =	sadd.s32 $0x30, s10  }
0x8e: {  	[hbm4b:s2+s3] =	stream.linear.scatter [tilespmem:s7], [sflag:$0x2], $0x80, $0x38;
	[tilespmem:$0xC000] =	vst v63  }
0x8f: {  	s10 =	sadd.s32 $0x0, s24;
	s11 =	sor.u32 $0x100, s0  }
0x90: {  	[hbm4b:s10+s3] =	stream.linear.scatter [tilespmem:s11], [sflag:$0x2], $0x80, $0x38;
	[tilespmem:$0xC000] =	vst v63  }
0x91: {  	s12 =	sor.u32 $0x500, s0;
	s13 =	sadd.s32 $0x10, s10  }
0x92: {  	[hbm4b:s13+s3] =	stream.linear.scatter [tilespmem:s12], [sflag:$0x2], $0x80, $0x38;
	[tilespmem:$0xC000] =	vst v63  }
0x93: {  	s24 =	sld [smem:$0x7D8];
	s14 =	sor.u32 $0x900, s0;
	s15 =	sadd.s32 $0x20, s10  }
0x94: {  	[hbm4b:s15+s3] =	stream.linear.scatter [tilespmem:s14], [sflag:$0x2], $0x80, $0x38;
	[tilespmem:$0xC000] =	vst v63  }
0x95: {  	s7 =	sor.u32 $0xD00, s0;
	s2 =	sadd.s32 $0x30, s10  }
0x96: {  	[hbm4b:s2+s3] =	stream.linear.scatter [tilespmem:s7], [sflag:$0x2], $0x80, $0x38;
	[tilespmem:$0xC000] =	vst v63  }
0x97: {  	s10 =	sadd.s32 $0x0, s24;
	s11 =	sor.u32 $0x180, s0  }
0x98: {  	[hbm4b:s10+s3] =	stream.linear.scatter [tilespmem:s11], [sflag:$0x2], $0x80, $0x38;
	[tilespmem:$0xC000] =	vst v63  }
0x99: {  	s12 =	sor.u32 $0x580, s0;
	s13 =	sadd.s32 $0x10, s10  }
0x9a: {  	[hbm4b:s13+s3] =	stream.linear.scatter [tilespmem:s12], [sflag:$0x2], $0x80, $0x38;
	[tilespmem:$0xC000] =	vst v63  }
0x9b: {  	s24 =	sld [smem:$0x7D2];
	s14 =	sor.u32 $0x980, s0;
	s15 =	sadd.s32 $0x20, s10  }
0x9c: {  	[hbm4b:s15+s3] =	stream.linear.scatter [tilespmem:s14], [sflag:$0x2], $0x80, $0x38;
	[tilespmem:$0xC000] =	vst v63  }
0x9d: {  	s7 =	sor.u32 $0xD80, s0;
	s2 =	sadd.s32 $0x30, s10  }
0x9e: {  	[hbm4b:s2+s3] =	stream.linear.scatter [tilespmem:s7], [sflag:$0x2], $0x80, $0x38;
	[tilespmem:$0xC000] =	vst v63  }
0x9f: {  	s10 =	sadd.s32 $0x0, s24;
	s11 =	sor.u32 $0x200, s0  }
0xa0: {  	[hbm4b:s10+s3] =	stream.linear.scatter [tilespmem:s11], [sflag:$0x2], $0x80, $0x38;
	[tilespmem:$0xC000] =	vst v63  }
0xa1: {  	s12 =	sor.u32 $0x600, s0;
	s13 =	sadd.s32 $0x10, s10  }
0xa2: {  	[hbm4b:s13+s3] =	stream.linear.scatter [tilespmem:s12], [sflag:$0x2], $0x80, $0x38;
	[tilespmem:$0xC000] =	vst v63  }
0xa3: {  	s14 =	sor.u32 $0xA00, s0;
	s15 =	sadd.s32 $0x20, s10  }
0xa4: {  	[hbm4b:s15+s3] =	stream.linear.scatter [tilespmem:s14], [sflag:$0x2], $0x80, $0x38;
	[tilespmem:$0xC000] =	vst v63  }
0xa5: {  	s24 =	rddreg [dreg:$0x1f];
	s7 =	sor.u32 $0xE00, s0;
	s2 =	sadd.s32 $0x30, s10  }
0xa6: {  	[hbm4b:s2+s3] =	stream.linear.scatter [tilespmem:s7], [sflag:$0x2], $0x80, $0x38;
	[tilespmem:$0xC000] =	vst v63  }
0xa7: {  	s10 =	sadd.s32 $0x0, s24;
	s11 =	sor.u32 $0x280, s0  }
0xa8: {  	[hbm4b:s10+s3] =	stream.linear.scatter [tilespmem:s11], [sflag:$0x2], $0x80, $0x38;
	[tilespmem:$0xC000] =	vst v63  }
0xa9: {  	s12 =	sor.u32 $0x680, s0;
	s13 =	sadd.s32 $0x10, s10  }
0xaa: {  	[hbm4b:s13+s3] =	stream.linear.scatter [tilespmem:s12], [sflag:$0x2], $0x80, $0x38;
	[tilespmem:$0xC000] =	vst v63  }
0xab: {  	s14 =	sor.u32 $0xA80, s0;
	s15 =	sadd.s32 $0x20, s10  }
0xac: {  	[hbm4b:s15+s3] =	stream.linear.scatter [tilespmem:s14], [sflag:$0x2], $0x80, $0x38;
	[tilespmem:$0xC000] =	vst v63  }
0xad: {  	s24 =	rddreg [dreg:$0x1e];
	s7 =	sor.u32 $0xE80, s0;
	s2 =	sadd.s32 $0x30, s10  }
0xae: {  	[hbm4b:s2+s3] =	stream.linear.scatter [tilespmem:s7], [sflag:$0x2], $0x80, $0x38;
	[tilespmem:$0xC000] =	vst v63  }
0xaf: {  	s10 =	sadd.s32 $0x0, s24;
	s11 =	sor.u32 $0x300, s0  }
0xb0: {  	[hbm4b:s10+s3] =	stream.linear.scatter [tilespmem:s11], [sflag:$0x2], $0x80, $0x38;
	[tilespmem:$0xC000] =	vst v63  }
0xb1: {  	s12 =	sor.u32 $0x700, s0;
	s13 =	sadd.s32 $0x10, s10  }
0xb2: {  	[hbm4b:s13+s3] =	stream.linear.scatter [tilespmem:s12], [sflag:$0x2], $0x80, $0x38;
	[tilespmem:$0xC000] =	vst v63  }
0xb3: {  	s14 =	sor.u32 $0xB00, s0;
	s15 =	sadd.s32 $0x20, s10  }
0xb4: {  	[hbm4b:s15+s3] =	stream.linear.scatter [tilespmem:s14], [sflag:$0x2], $0x80, $0x38;
	[tilespmem:$0xC000] =	vst v63  }
0xb5: {  	s24 =	rddreg [dreg:$0x1d];
	s7 =	sor.u32 $0xF00, s0;
	s2 =	sadd.s32 $0x30, s10  }
0xb6: {  	[hbm4b:s2+s3] =	stream.linear.scatter [tilespmem:s7], [sflag:$0x2], $0x80, $0x38;
	[tilespmem:$0xC000] =	vst v63  }
0xb7: {  	s10 =	sadd.s32 $0x0, s24;
	s11 =	sor.u32 $0x380, s0  }
0xb8: {  	[hbm4b:s10+s3] =	stream.linear.scatter [tilespmem:s11], [sflag:$0x2], $0x80, $0x38;
	[tilespmem:$0xC000] =	vst v63  }
0xb9: {  	s12 =	sor.u32 $0x780, s0;
	s13 =	sadd.s32 $0x10, s10  }
0xba: {  	[hbm4b:s13+s3] =	stream.linear.scatter [tilespmem:s12], [sflag:$0x2], $0x80, $0x38;
	[tilespmem:$0xC000] =	vst v63  }
0xbb: {  	s14 =	sor.u32 $0xB80, s0;
	s15 =	sadd.s32 $0x20, s10  }
0xbc: {  	[hbm4b:s15+s3] =	stream.linear.scatter [tilespmem:s14], [sflag:$0x2], $0x80, $0x38;
	[tilespmem:$0xC000] =	vst v63  }
0xbd: {  	s24 =	rddreg [dreg:$0x1c];
	s7 =	sor.u32 $0xF80, s0;
	s2 =	sadd.s32 $0x30, s10  }
0xbe: {  	[hbm4b:s2+s3] =	stream.linear.scatter [tilespmem:s7], [sflag:$0x2], $0x80, $0x38;
	[tilespmem:$0xC000] =	vst v63  }
0xbf: {  	s10 =	sadd.s32 $0x0, s24;
	s11 =	sor.u32 $0x1000, s0  }
0xc0: {  	[hbm4b:s10+s3] =	stream.linear.scatter [tilespmem:s11], [sflag:$0x2], $0x80, $0x38;
	[tilespmem:$0xC000] =	vst v63  }
0xc1: {  	s12 =	sor.u32 $0x1400, s0;
	s13 =	sadd.s32 $0x10, s10  }
0xc2: {  	[hbm4b:s13+s3] =	stream.linear.scatter [tilespmem:s12], [sflag:$0x2], $0x80, $0x38;
	[tilespmem:$0xC000] =	vst v63  }
0xc3: {  	s14 =	sor.u32 $0x1800, s0;
	s15 =	sadd.s32 $0x20, s10  }
0xc4: {  	[hbm4b:s15+s3] =	stream.linear.scatter [tilespmem:s14], [sflag:$0x2], $0x80, $0x38;
	[tilespmem:$0xC000] =	vst v63  }
0xc5: {  	s24 =	rddreg [dreg:$0x1b];
	s7 =	sor.u32 $0x1C00, s0;
	s2 =	sadd.s32 $0x30, s10  }
0xc6: {  	[hbm4b:s2+s3] =	stream.linear.scatter [tilespmem:s7], [sflag:$0x2], $0x80, $0x38;
	[tilespmem:$0xC000] =	vst v63  }
0xc7: {  	s10 =	sadd.s32 $0x0, s24;
	s11 =	sor.u32 $0x1080, s0  }
0xc8: {  	[hbm4b:s10+s3] =	stream.linear.scatter [tilespmem:s11], [sflag:$0x2], $0x80, $0x38;
	[tilespmem:$0xC000] =	vst v63  }
0xc9: {  	s12 =	sor.u32 $0x1480, s0;
	s13 =	sadd.s32 $0x10, s10  }
0xca: {  	[hbm4b:s13+s3] =	stream.linear.scatter [tilespmem:s12], [sflag:$0x2], $0x80, $0x38;
	[tilespmem:$0xC000] =	vst v63  }
0xcb: {  	s14 =	sor.u32 $0x1880, s0;
	s15 =	sadd.s32 $0x20, s10  }
0xcc: {  	[hbm4b:s15+s3] =	stream.linear.scatter [tilespmem:s14], [sflag:$0x2], $0x80, $0x38;
	[tilespmem:$0xC000] =	vst v63  }
0xcd: {  	s24 =	rddreg [dreg:$0x1a];
	s7 =	sor.u32 $0x1C80, s0;
	s2 =	sadd.s32 $0x30, s10  }
0xce: {  	[hbm4b:s2+s3] =	stream.linear.scatter [tilespmem:s7], [sflag:$0x2], $0x80, $0x38;
	[tilespmem:$0xC000] =	vst v63  }
0xcf: {  	s10 =	sadd.s32 $0x0, s24;
	s11 =	sor.u32 $0x1100, s0  }
0xd0: {  	[hbm4b:s10+s3] =	stream.linear.scatter [tilespmem:s11], [sflag:$0x2], $0x80, $0x38;
	[tilespmem:$0xC000] =	vst v63  }
0xd1: {  	s12 =	sor.u32 $0x1500, s0;
	s13 =	sadd.s32 $0x10, s10  }
0xd2: {  	[hbm4b:s13+s3] =	stream.linear.scatter [tilespmem:s12], [sflag:$0x2], $0x80, $0x38;
	[tilespmem:$0xC000] =	vst v63  }
0xd3: {  	s14 =	sor.u32 $0x1900, s0;
	s15 =	sadd.s32 $0x20, s10  }
0xd4: {  	[hbm4b:s15+s3] =	stream.linear.scatter [tilespmem:s14], [sflag:$0x2], $0x80, $0x38;
	[tilespmem:$0xC000] =	vst v63  }
0xd5: {  	s24 =	rddreg [dreg:$0x19];
	s7 =	sor.u32 $0x1D00, s0;
	s2 =	sadd.s32 $0x30, s10  }
0xd6: {  	[hbm4b:s2+s3] =	stream.linear.scatter [tilespmem:s7], [sflag:$0x2], $0x80, $0x38;
	[tilespmem:$0xC000] =	vst v63  }
0xd7: {  	s10 =	sadd.s32 $0x0, s24;
	s11 =	sor.u32 $0x1180, s0  }
0xd8: {  	[hbm4b:s10+s3] =	stream.linear.scatter [tilespmem:s11], [sflag:$0x2], $0x80, $0x38;
	[tilespmem:$0xC000] =	vst v63  }
0xd9: {  	s12 =	sor.u32 $0x1580, s0;
	s13 =	sadd.s32 $0x10, s10  }
0xda: {  	[hbm4b:s13+s3] =	stream.linear.scatter [tilespmem:s12], [sflag:$0x2], $0x80, $0x38;
	[tilespmem:$0xC000] =	vst v63  }
0xdb: {  	s14 =	sor.u32 $0x1980, s0;
	s15 =	sadd.s32 $0x20, s10  }
0xdc: {  	[hbm4b:s15+s3] =	stream.linear.scatter [tilespmem:s14], [sflag:$0x2], $0x80, $0x38;
	[tilespmem:$0xC000] =	vst v63  }
0xdd: {  	s24 =	rddreg [dreg:$0x18];
	s7 =	sor.u32 $0x1D80, s0;
	s2 =	sadd.s32 $0x30, s10  }
0xde: {  	[hbm4b:s2+s3] =	stream.linear.scatter [tilespmem:s7], [sflag:$0x2], $0x80, $0x38;
	[tilespmem:$0xC000] =	vst v63  }
0xdf: {  	s10 =	sadd.s32 $0x0, s24;
	s11 =	sor.u32 $0x1200, s0  }
0xe0: {  	[hbm4b:s10+s3] =	stream.linear.scatter [tilespmem:s11], [sflag:$0x2], $0x80, $0x38;
	[tilespmem:$0xC000] =	vst v63  }
0xe1: {  	s12 =	sor.u32 $0x1600, s0;
	s13 =	sadd.s32 $0x10, s10  }
0xe2: {  	[hbm4b:s13+s3] =	stream.linear.scatter [tilespmem:s12], [sflag:$0x2], $0x80, $0x38;
	[tilespmem:$0xC000] =	vst v63  }
0xe3: {  	s14 =	sor.u32 $0x1A00, s0;
	s15 =	sadd.s32 $0x20, s10  }
0xe4: {  	[hbm4b:s15+s3] =	stream.linear.scatter [tilespmem:s14], [sflag:$0x2], $0x80, $0x38;
	[tilespmem:$0xC000] =	vst v63  }
0xe5: {  	s24 =	rddreg [dreg:$0x17];
	s7 =	sor.u32 $0x1E00, s0;
	s2 =	sadd.s32 $0x30, s10  }
0xe6: {  	[hbm4b:s2+s3] =	stream.linear.scatter [tilespmem:s7], [sflag:$0x2], $0x80, $0x38;
	[tilespmem:$0xC000] =	vst v63  }
0xe7: {  	s10 =	sadd.s32 $0x0, s24;
	s11 =	sor.u32 $0x1280, s0  }
0xe8: {  	[hbm4b:s10+s3] =	stream.linear.scatter [tilespmem:s11], [sflag:$0x2], $0x80, $0x38;
	[tilespmem:$0xC000] =	vst v63  }
0xe9: {  	s12 =	sor.u32 $0x1680, s0;
	s13 =	sadd.s32 $0x10, s10  }
0xea: {  	[hbm4b:s13+s3] =	stream.linear.scatter [tilespmem:s12], [sflag:$0x2], $0x80, $0x38;
	[tilespmem:$0xC000] =	vst v63  }
0xeb: {  	s14 =	sor.u32 $0x1A80, s0;
	s15 =	sadd.s32 $0x20, s10  }
0xec: {  	[hbm4b:s15+s3] =	stream.linear.scatter [tilespmem:s14], [sflag:$0x2], $0x80, $0x38;
	[tilespmem:$0xC000] =	vst v63  }
0xed: {  	s24 =	rddreg [dreg:$0x16];
	s7 =	sor.u32 $0x1E80, s0;
	s2 =	sadd.s32 $0x30, s10  }
0xee: {  	[hbm4b:s2+s3] =	stream.linear.scatter [tilespmem:s7], [sflag:$0x2], $0x80, $0x38;
	[tilespmem:$0xC000] =	vst v63  }
0xef: {  	s10 =	sadd.s32 $0x0, s24;
	s11 =	sor.u32 $0x1300, s0  }
0xf0: {  	[hbm4b:s10+s3] =	stream.linear.scatter [tilespmem:s11], [sflag:$0x2], $0x80, $0x38;
	[tilespmem:$0xC000] =	vst v63  }
0xf1: {  	s12 =	sor.u32 $0x1700, s0;
	s13 =	sadd.s32 $0x10, s10  }
0xf2: {  	[hbm4b:s13+s3] =	stream.linear.scatter [tilespmem:s12], [sflag:$0x2], $0x80, $0x38;
	[tilespmem:$0xC000] =	vst v63  }
0xf3: {  	s14 =	sor.u32 $0x1B00, s0;
	s15 =	sadd.s32 $0x20, s10  }
0xf4: {  	[hbm4b:s15+s3] =	stream.linear.scatter [tilespmem:s14], [sflag:$0x2], $0x80, $0x38;
	[tilespmem:$0xC000] =	vst v63  }
0xf5: {  	s24 =	rddreg [dreg:$0x15];
	s7 =	sor.u32 $0x1F00, s0;
	s2 =	sadd.s32 $0x30, s10  }
0xf6: {  	[hbm4b:s2+s3] =	stream.linear.scatter [tilespmem:s7], [sflag:$0x2], $0x80, $0x38;
	[tilespmem:$0xC000] =	vst v63  }
0xf7: {  	s10 =	sadd.s32 $0x0, s24;
	s11 =	sor.u32 $0x1380, s0  }
0xf8: {  	[hbm4b:s10+s3] =	stream.linear.scatter [tilespmem:s11], [sflag:$0x2], $0x80, $0x38;
	[tilespmem:$0xC000] =	vst v63  }
0xf9: {  	s12 =	sor.u32 $0x1780, s0;
	s13 =	sadd.s32 $0x10, s10  }
0xfa: {  	[hbm4b:s13+s3] =	stream.linear.scatter [tilespmem:s12], [sflag:$0x2], $0x80, $0x38;
	[tilespmem:$0xC000] =	vst v63  }
0xfb: {  	s14 =	sor.u32 $0x1B80, s0;
	s15 =	sadd.s32 $0x20, s10  }
0xfc: {  	[hbm4b:s15+s3] =	stream.linear.scatter [tilespmem:s14], [sflag:$0x2], $0x80, $0x38;
	[tilespmem:$0xC000] =	vst v63  }
0xfd: {  	s24 =	rddreg [dreg:$0x14];
	s7 =	sor.u32 $0x1F80, s0;
	s2 =	sadd.s32 $0x30, s10  }
0xfe: {  	[hbm4b:s2+s3] =	stream.linear.scatter [tilespmem:s7], [sflag:$0x2], $0x80, $0x38;
	[tilespmem:$0xC000] =	vst v63  }
0xff: {  	s10 =	sadd.s32 $0x0, s24;
	s11 =	sor.u32 $0x2000, s0  }
0x100: {  	[hbm4b:s10+s3] =	stream.linear.scatter [tilespmem:s11], [sflag:$0x2], $0x80, $0x38;
	[tilespmem:$0xC000] =	vst v63  }
0x101: {  	s12 =	sor.u32 $0x2400, s0;
	s13 =	sadd.s32 $0x10, s10  }
0x102: {  	[hbm4b:s13+s3] =	stream.linear.scatter [tilespmem:s12], [sflag:$0x2], $0x80, $0x38;
	[tilespmem:$0xC000] =	vst v63  }
0x103: {  	s14 =	sor.u32 $0x2800, s0;
	s15 =	sadd.s32 $0x20, s10  }
0x104: {  	[hbm4b:s15+s3] =	stream.linear.scatter [tilespmem:s14], [sflag:$0x2], $0x80, $0x38;
	[tilespmem:$0xC000] =	vst v63  }
0x105: {  	s24 =	rddreg [dreg:$0x13];
	s7 =	sor.u32 $0x2C00, s0;
	s2 =	sadd.s32 $0x30, s10  }
0x106: {  	[hbm4b:s2+s3] =	stream.linear.scatter [tilespmem:s7], [sflag:$0x2], $0x80, $0x38;
	[tilespmem:$0xC000] =	vst v63  }
0x107: {  	s10 =	sadd.s32 $0x0, s24;
	s11 =	sor.u32 $0x2080, s0  }
0x108: {  	[hbm4b:s10+s3] =	stream.linear.scatter [tilespmem:s11], [sflag:$0x2], $0x80, $0x38;
	[tilespmem:$0xC000] =	vst v63  }
0x109: {  	s12 =	sor.u32 $0x2480, s0;
	s13 =	sadd.s32 $0x10, s10  }
0x10a: {  	[hbm4b:s13+s3] =	stream.linear.scatter [tilespmem:s12], [sflag:$0x2], $0x80, $0x38;
	[tilespmem:$0xC000] =	vst v63  }
0x10b: {  	s14 =	sor.u32 $0x2880, s0;
	s15 =	sadd.s32 $0x20, s10  }
0x10c: {  	[hbm4b:s15+s3] =	stream.linear.scatter [tilespmem:s14], [sflag:$0x2], $0x80, $0x38;
	[tilespmem:$0xC000] =	vst v63  }
0x10d: {  	s24 =	rddreg [dreg:$0x12];
	s7 =	sor.u32 $0x2C80, s0;
	s2 =	sadd.s32 $0x30, s10  }
0x10e: {  	[hbm4b:s2+s3] =	stream.linear.scatter [tilespmem:s7], [sflag:$0x2], $0x80, $0x38;
	[tilespmem:$0xC000] =	vst v63  }
0x10f: {  	s10 =	sadd.s32 $0x0, s24;
	s11 =	sor.u32 $0x2100, s0  }
0x110: {  	[hbm4b:s10+s3] =	stream.linear.scatter [tilespmem:s11], [sflag:$0x2], $0x80, $0x38;
	[tilespmem:$0xC000] =	vst v63  }
0x111: {  	s12 =	sor.u32 $0x2500, s0;
	s13 =	sadd.s32 $0x10, s10  }
0x112: {  	[hbm4b:s13+s3] =	stream.linear.scatter [tilespmem:s12], [sflag:$0x2], $0x80, $0x38;
	[tilespmem:$0xC000] =	vst v63  }
0x113: {  	s14 =	sor.u32 $0x2900, s0;
	s15 =	sadd.s32 $0x20, s10  }
0x114: {  	[hbm4b:s15+s3] =	stream.linear.scatter [tilespmem:s14], [sflag:$0x2], $0x80, $0x38;
	[tilespmem:$0xC000] =	vst v63  }
0x115: {  	s24 =	rddreg [dreg:$0x11];
	s7 =	sor.u32 $0x2D00, s0;
	s2 =	sadd.s32 $0x30, s10  }
0x116: {  	[hbm4b:s2+s3] =	stream.linear.scatter [tilespmem:s7], [sflag:$0x2], $0x80, $0x38;
	[tilespmem:$0xC000] =	vst v63  }
0x117: {  	s10 =	sadd.s32 $0x0, s24;
	s11 =	sor.u32 $0x2180, s0  }
0x118: {  	[hbm4b:s10+s3] =	stream.linear.scatter [tilespmem:s11], [sflag:$0x2], $0x80, $0x38;
	[tilespmem:$0xC000] =	vst v63  }
0x119: {  	s12 =	sor.u32 $0x2580, s0;
	s13 =	sadd.s32 $0x10, s10  }
0x11a: {  	[hbm4b:s13+s3] =	stream.linear.scatter [tilespmem:s12], [sflag:$0x2], $0x80, $0x38;
	[tilespmem:$0xC000] =	vst v63  }
0x11b: {  	s14 =	sor.u32 $0x2980, s0;
	s15 =	sadd.s32 $0x20, s10  }
0x11c: {  	[hbm4b:s15+s3] =	stream.linear.scatter [tilespmem:s14], [sflag:$0x2], $0x80, $0x38;
	[tilespmem:$0xC000] =	vst v63  }
0x11d: {  	s24 =	rddreg [dreg:$0x10];
	s7 =	sor.u32 $0x2D80, s0;
	s2 =	sadd.s32 $0x30, s10  }
0x11e: {  	[hbm4b:s2+s3] =	stream.linear.scatter [tilespmem:s7], [sflag:$0x2], $0x80, $0x38;
	[tilespmem:$0xC000] =	vst v63  }
0x11f: {  	s10 =	sadd.s32 $0x0, s24;
	s11 =	sor.u32 $0x2200, s0  }
0x120: {  	[hbm4b:s10+s3] =	stream.linear.scatter [tilespmem:s11], [sflag:$0x2], $0x80, $0x38;
	[tilespmem:$0xC000] =	vst v63  }
0x121: {  	s12 =	sor.u32 $0x2600, s0;
	s13 =	sadd.s32 $0x10, s10  }
0x122: {  	[hbm4b:s13+s3] =	stream.linear.scatter [tilespmem:s12], [sflag:$0x2], $0x80, $0x38;
	[tilespmem:$0xC000] =	vst v63  }
0x123: {  	s14 =	sor.u32 $0x2A00, s0;
	s15 =	sadd.s32 $0x20, s10  }
0x124: {  	[hbm4b:s15+s3] =	stream.linear.scatter [tilespmem:s14], [sflag:$0x2], $0x80, $0x38;
	[tilespmem:$0xC000] =	vst v63  }
0x125: {  	s24 =	rddreg [dreg:$0xf];
	s7 =	sor.u32 $0x2E00, s0;
	s2 =	sadd.s32 $0x30, s10  }
0x126: {  	[hbm4b:s2+s3] =	stream.linear.scatter [tilespmem:s7], [sflag:$0x2], $0x80, $0x38;
	[tilespmem:$0xC000] =	vst v63  }
0x127: {  	s10 =	sadd.s32 $0x0, s24;
	s11 =	sor.u32 $0x2280, s0  }
0x128: {  	[hbm4b:s10+s3] =	stream.linear.scatter [tilespmem:s11], [sflag:$0x2], $0x80, $0x38;
	[tilespmem:$0xC000] =	vst v63  }
0x129: {  	s12 =	sor.u32 $0x2680, s0;
	s13 =	sadd.s32 $0x10, s10  }
0x12a: {  	[hbm4b:s13+s3] =	stream.linear.scatter [tilespmem:s12], [sflag:$0x2], $0x80, $0x38;
	[tilespmem:$0xC000] =	vst v63  }
0x12b: {  	s14 =	sor.u32 $0x2A80, s0;
	s15 =	sadd.s32 $0x20, s10  }
0x12c: {  	[hbm4b:s15+s3] =	stream.linear.scatter [tilespmem:s14], [sflag:$0x2], $0x80, $0x38;
	[tilespmem:$0xC000] =	vst v63  }
0x12d: {  	s24 =	rddreg [dreg:$0xe];
	s7 =	sor.u32 $0x2E80, s0;
	s2 =	sadd.s32 $0x30, s10  }
0x12e: {  	[hbm4b:s2+s3] =	stream.linear.scatter [tilespmem:s7], [sflag:$0x2], $0x80, $0x38;
	[tilespmem:$0xC000] =	vst v63  }
0x12f: {  	s10 =	sadd.s32 $0x0, s24;
	s11 =	sor.u32 $0x2300, s0  }
0x130: {  	[hbm4b:s10+s3] =	stream.linear.scatter [tilespmem:s11], [sflag:$0x2], $0x80, $0x38;
	[tilespmem:$0xC000] =	vst v63  }
0x131: {  	s12 =	sor.u32 $0x2700, s0;
	s13 =	sadd.s32 $0x10, s10  }
0x132: {  	[hbm4b:s13+s3] =	stream.linear.scatter [tilespmem:s12], [sflag:$0x2], $0x80, $0x38;
	[tilespmem:$0xC000] =	vst v63  }
0x133: {  	s14 =	sor.u32 $0x2B00, s0;
	s15 =	sadd.s32 $0x20, s10  }
0x134: {  	[hbm4b:s15+s3] =	stream.linear.scatter [tilespmem:s14], [sflag:$0x2], $0x80, $0x38;
	[tilespmem:$0xC000] =	vst v63  }
0x135: {  	s24 =	rddreg [dreg:$0xd];
	s7 =	sor.u32 $0x2F00, s0;
	s2 =	sadd.s32 $0x30, s10  }
0x136: {  	[hbm4b:s2+s3] =	stream.linear.scatter [tilespmem:s7], [sflag:$0x2], $0x80, $0x38;
	[tilespmem:$0xC000] =	vst v63  }
0x137: {  	s10 =	sadd.s32 $0x0, s24;
	s11 =	sor.u32 $0x2380, s0  }
0x138: {  	[hbm4b:s10+s3] =	stream.linear.scatter [tilespmem:s11], [sflag:$0x2], $0x80, $0x38;
	[tilespmem:$0xC000] =	vst v63  }
0x139: {  	s12 =	sor.u32 $0x2780, s0;
	s13 =	sadd.s32 $0x10, s10  }
0x13a: {  	[hbm4b:s13+s3] =	stream.linear.scatter [tilespmem:s12], [sflag:$0x2], $0x80, $0x38;
	[tilespmem:$0xC000] =	vst v63  }
0x13b: {  	s14 =	sor.u32 $0x2B80, s0;
	s15 =	sadd.s32 $0x20, s10  }
0x13c: {  	[hbm4b:s15+s3] =	stream.linear.scatter [tilespmem:s14], [sflag:$0x2], $0x80, $0x38;
	[tilespmem:$0xC000] =	vst v63  }
0x13d: {  	s24 =	rddreg [dreg:$0xc];
	s7 =	sor.u32 $0x2F80, s0;
	s2 =	sadd.s32 $0x30, s10  }
0x13e: {  	[hbm4b:s2+s3] =	stream.linear.scatter [tilespmem:s7], [sflag:$0x2], $0x80, $0x38;
	[tilespmem:$0xC000] =	vst v63  }
0x13f: {  	s10 =	sadd.s32 $0x0, s24;
	s11 =	sor.u32 $0x3000, s0  }
0x140: {  	[hbm4b:s10+s3] =	stream.linear.scatter [tilespmem:s11], [sflag:$0x2], $0x80, $0x38;
	[tilespmem:$0xC000] =	vst v63  }
0x141: {  	s12 =	sor.u32 $0x3400, s0;
	s13 =	sadd.s32 $0x10, s10  }
0x142: {  	[hbm4b:s13+s3] =	stream.linear.scatter [tilespmem:s12], [sflag:$0x2], $0x80, $0x38;
	[tilespmem:$0xC000] =	vst v63  }
0x143: {  	s14 =	sor.u32 $0x3800, s0;
	s15 =	sadd.s32 $0x20, s10  }
0x144: {  	[hbm4b:s15+s3] =	stream.linear.scatter [tilespmem:s14], [sflag:$0x2], $0x80, $0x38;
	[tilespmem:$0xC000] =	vst v63  }
0x145: {  	s24 =	rddreg [dreg:$0xb];
	s7 =	sor.u32 $0x3C00, s0;
	s2 =	sadd.s32 $0x30, s10  }
0x146: {  	[hbm4b:s2+s3] =	stream.linear.scatter [tilespmem:s7], [sflag:$0x2], $0x80, $0x38;
	[tilespmem:$0xC000] =	vst v63  }
0x147: {  	s10 =	sadd.s32 $0x0, s24;
	s11 =	sor.u32 $0x3080, s0  }
0x148: {  	[hbm4b:s10+s3] =	stream.linear.scatter [tilespmem:s11], [sflag:$0x2], $0x80, $0x38;
	[tilespmem:$0xC000] =	vst v63  }
0x149: {  	s12 =	sor.u32 $0x3480, s0;
	s13 =	sadd.s32 $0x10, s10  }
0x14a: {  	[hbm4b:s13+s3] =	stream.linear.scatter [tilespmem:s12], [sflag:$0x2], $0x80, $0x38;
	[tilespmem:$0xC000] =	vst v63  }
0x14b: {  	s14 =	sor.u32 $0x3880, s0;
	s15 =	sadd.s32 $0x20, s10  }
0x14c: {  	[hbm4b:s15+s3] =	stream.linear.scatter [tilespmem:s14], [sflag:$0x2], $0x80, $0x38;
	[tilespmem:$0xC000] =	vst v63  }
0x14d: {  	s24 =	rddreg [dreg:$0xa];
	s7 =	sor.u32 $0x3C80, s0;
	s2 =	sadd.s32 $0x30, s10  }
0x14e: {  	[hbm4b:s2+s3] =	stream.linear.scatter [tilespmem:s7], [sflag:$0x2], $0x80, $0x38;
	[tilespmem:$0xC000] =	vst v63  }
0x14f: {  	s10 =	sadd.s32 $0x0, s24;
	s11 =	sor.u32 $0x3100, s0  }
0x150: {  	[hbm4b:s10+s3] =	stream.linear.scatter [tilespmem:s11], [sflag:$0x2], $0x80, $0x38;
	[tilespmem:$0xC000] =	vst v63  }
0x151: {  	s12 =	sor.u32 $0x3500, s0;
	s13 =	sadd.s32 $0x10, s10  }
0x152: {  	[hbm4b:s13+s3] =	stream.linear.scatter [tilespmem:s12], [sflag:$0x2], $0x80, $0x38;
	[tilespmem:$0xC000] =	vst v63  }
0x153: {  	s14 =	sor.u32 $0x3900, s0;
	s15 =	sadd.s32 $0x20, s10  }
0x154: {  	[hbm4b:s15+s3] =	stream.linear.scatter [tilespmem:s14], [sflag:$0x2], $0x80, $0x38;
	[tilespmem:$0xC000] =	vst v63  }
0x155: {  	s24 =	rddreg [dreg:$0x9];
	s7 =	sor.u32 $0x3D00, s0;
	s2 =	sadd.s32 $0x30, s10  }
0x156: {  	[hbm4b:s2+s3] =	stream.linear.scatter [tilespmem:s7], [sflag:$0x2], $0x80, $0x38;
	[tilespmem:$0xC000] =	vst v63  }
0x157: {  	s10 =	sadd.s32 $0x0, s24;
	s11 =	sor.u32 $0x3180, s0  }
0x158: {  	[hbm4b:s10+s3] =	stream.linear.scatter [tilespmem:s11], [sflag:$0x2], $0x80, $0x38;
	[tilespmem:$0xC000] =	vst v63  }
0x159: {  	s12 =	sor.u32 $0x3580, s0;
	s13 =	sadd.s32 $0x10, s10  }
0x15a: {  	[hbm4b:s13+s3] =	stream.linear.scatter [tilespmem:s12], [sflag:$0x2], $0x80, $0x38;
	[tilespmem:$0xC000] =	vst v63  }
0x15b: {  	s14 =	sor.u32 $0x3980, s0;
	s15 =	sadd.s32 $0x20, s10  }
0x15c: {  	[hbm4b:s15+s3] =	stream.linear.scatter [tilespmem:s14], [sflag:$0x2], $0x80, $0x38;
	[tilespmem:$0xC000] =	vst v63  }
0x15d: {  	s24 =	rddreg [dreg:$0x8];
	s7 =	sor.u32 $0x3D80, s0;
	s2 =	sadd.s32 $0x30, s10  }
0x15e: {  	[hbm4b:s2+s3] =	stream.linear.scatter [tilespmem:s7], [sflag:$0x2], $0x80, $0x38;
	[tilespmem:$0xC000] =	vst v63  }
0x15f: {  	s10 =	sadd.s32 $0x0, s24;
	s11 =	sor.u32 $0x3200, s0  }
0x160: {  	[hbm4b:s10+s3] =	stream.linear.scatter [tilespmem:s11], [sflag:$0x2], $0x80, $0x38;
	[tilespmem:$0xC000] =	vst v63  }
0x161: {  	s12 =	sor.u32 $0x3600, s0;
	s13 =	sadd.s32 $0x10, s10  }
0x162: {  	[hbm4b:s13+s3] =	stream.linear.scatter [tilespmem:s12], [sflag:$0x2], $0x80, $0x38;
	[tilespmem:$0xC000] =	vst v63  }
0x163: {  	s14 =	sor.u32 $0x3A00, s0;
	s15 =	sadd.s32 $0x20, s10  }
0x164: {  	[hbm4b:s15+s3] =	stream.linear.scatter [tilespmem:s14], [sflag:$0x2], $0x80, $0x38;
	[tilespmem:$0xC000] =	vst v63  }
0x165: {  	s24 =	rddreg [dreg:$0x7];
	s7 =	sor.u32 $0x3E00, s0;
	s2 =	sadd.s32 $0x30, s10  }
0x166: {  	[hbm4b:s2+s3] =	stream.linear.scatter [tilespmem:s7], [sflag:$0x2], $0x80, $0x38;
	[tilespmem:$0xC000] =	vst v63  }
0x167: {  	s10 =	sadd.s32 $0x0, s24;
	s11 =	sor.u32 $0x3280, s0  }
0x168: {  	[hbm4b:s10+s3] =	stream.linear.scatter [tilespmem:s11], [sflag:$0x2], $0x80, $0x38;
	[tilespmem:$0xC000] =	vst v63  }
0x169: {  	s12 =	sor.u32 $0x3680, s0;
	s13 =	sadd.s32 $0x10, s10  }
0x16a: {  	[hbm4b:s13+s3] =	stream.linear.scatter [tilespmem:s12], [sflag:$0x2], $0x80, $0x38;
	[tilespmem:$0xC000] =	vst v63  }
0x16b: {  	s14 =	sor.u32 $0x3A80, s0;
	s15 =	sadd.s32 $0x20, s10  }
0x16c: {  	[hbm4b:s15+s3] =	stream.linear.scatter [tilespmem:s14], [sflag:$0x2], $0x80, $0x38;
	[tilespmem:$0xC000] =	vst v63  }
0x16d: {  	s24 =	rddreg [dreg:$0x6];
	s7 =	sor.u32 $0x3E80, s0;
	s2 =	sadd.s32 $0x30, s10  }
0x16e: {  	[hbm4b:s2+s3] =	stream.linear.scatter [tilespmem:s7], [sflag:$0x2], $0x80, $0x38;
	[tilespmem:$0xC000] =	vst v63  }
0x16f: {  	s10 =	sadd.s32 $0x0, s24;
	s11 =	sor.u32 $0x3300, s0  }
0x170: {  	[hbm4b:s10+s3] =	stream.linear.scatter [tilespmem:s11], [sflag:$0x2], $0x80, $0x38;
	[tilespmem:$0xC000] =	vst v63  }
0x171: {  	p3 =	por $0x0, $0x0;
	s12 =	sor.u32 $0x3700, s0;
	s13 =	sadd.s32 $0x10, s10  }
0x172: {  	[hbm4b:s13+s3] =	stream.linear.scatter [tilespmem:s12], [sflag:$0x2], $0x80, $0x38;
	[tilespmem:$0xC000] =	vst v63  }
0x173: {  	s8 =	simm.s32 $0x40;
	s14 =	sor.u32 $0x3B00, s0;
	s15 =	sadd.s32 $0x20, s10  }
0x174: {  	[hbm4b:s15+s3] =	stream.linear.scatter [tilespmem:s14], [sflag:$0x2], $0x80, $0x38;
	[tilespmem:$0xC000] =	vst v63  }
0x175: {  	s24 =	rddreg [dreg:$0x5];
	s7 =	sor.u32 $0x3F00, s0;
	s2 =	sadd.s32 $0x30, s10  }
0x176: {  	[hbm4b:s2+s3] =	stream.linear.scatter [tilespmem:s7], [sflag:$0x2], $0x80, $0x38;
	[tilespmem:$0xC000] =	vst v63  }
0x177: {  	s6 =	simm.s32 $0x80;
	s10 =	sadd.s32 $0x0, s24;
	s11 =	sor.u32 $0x3380, s0  }
0x178: {  	[hbm4b:s10+s3] =	stream.linear.scatter [tilespmem:s11], [sflag:$0x2], $0x80, $0x38;
	[tilespmem:$0xC000] =	vst v63  }
0x179: {  	s24 =	sor.u32 $0x3F80, s0;
	s12 =	sor.u32 $0x3780, s0;
	s13 =	sadd.s32 $0x10, s10  }
0x17a: {  	[hbm4b:s13+s3] =	stream.linear.scatter [tilespmem:s12], [sflag:$0x2], $0x80, $0x38;
	[tilespmem:$0xC000] =	vst v63  }
0x17b: {  	s14 =	sor.u32 $0x3B80, s0;
	s15 =	sadd.s32 $0x20, s10;
	s7 =	simm.s32 $0x1  }
0x17c: {  	[hbm4b:s15+s3] =	stream.linear.scatter [tilespmem:s14], [sflag:$0x2], $0x80, $0x38;
	[tilespmem:$0xC000] =	vst v63  }
0x17d: {  	s2 =	sadd.s32 $0x30, s10;
	s11 =	simm.s32 @!p3 $0x2;
	s12 =	smul.u32 $0xAB, s7  }
0x17e: {  	[hbm4b:s2+s3] =	stream.linear.scatter [tilespmem:s24], [sflag:$0x2], $0x80, $0x38;
	[tilespmem:$0xC000] =	vst v63  }
0x17f: {  	s2 =	sadd.s32 $0x200, s9;
	s24 =	smov.u32 s9;
	_ =	swait.ge @!p3 [sflag:s11], $0x4000  }
.LBB2_2:
0x180: {  	_ = 	snop  }
0x181: {  	s10 =	sshrl.u32 s12, $0x9  }
0x182: {  	[sflag:s11] =	ssyncset.done @!p3 $0x0;
	s12 =	simm.s32 @!p3 $0x7A1400;
	s10 =	sand.u32 $0x7F, s10  }
0x183: {  	[sflag:s11] =	ssyncadd.s32 @!p3 $0xFFFFC000;
	s11 =	simm.s32 @!p3 $0x1000;
	s13 =	smul.u32 $0x3, s10  }
0x184: {  	[tilespmem:s0], [sflag:$0x1] =	stream.strided.gather @!p3 [hbm4b:s24+s11], $0x4000, s12, s11, $0x38;
	[tilespmem:$0xC000] =	vst v63  }
0x185: {  	_ =	swait.ge [sflag:s25], $0x4000;
	s13 =	ssub.s32 s7, s13  }
0x186: {  	s14 =	rddreg [dreg:$0x4];
	[sflag:s25] =	ssyncset.done $0x0;
	s0 =	sand.u32 $0xFF, s13  }
0x187: {  	[sflag:s25] =	ssyncadd.s32 $0xFFFFC000;
	s12 =	sadd.s32 s8, s14;
	s0 =	sshll.u32 s0, $0xE  }
0x188: {  	[hbm4b:s12+s3] =	stream.linear.scatter [tilespmem:s0], [sflag:$0x2], $0x80, $0x38;
	[tilespmem:$0xC000] =	vst v63  }
0x189: {  	s14 =	sadd.s32 $0x10, s12;
	s15 =	sor.u32 $0x400, s0  }
0x18a: {  	[hbm4b:s14+s3] =	stream.linear.scatter [tilespmem:s15], [sflag:$0x2], $0x80, $0x38;
	[tilespmem:$0xC000] =	vst v63  }
0x18b: {  	s13 =	sor.u32 $0x800, s0;
	s14 =	sadd.s32 $0x20, s12;
	s15 =	sld [smem:$0x7F8]  }
0x18c: {  	[hbm4b:s14+s3] =	stream.linear.scatter [tilespmem:s13], [sflag:$0x2], $0x80, $0x38;
	[tilespmem:$0xC000] =	vst v63  }
0x18d: {  	s12 =	sadd.s32 $0x30, s12;
	s14 =	sor.u32 $0xC00, s0  }
0x18e: {  	[hbm4b:s12+s3] =	stream.linear.scatter [tilespmem:s14], [sflag:$0x2], $0x80, $0x38;
	[tilespmem:$0xC000] =	vst v63  }
0x18f: {  	s12 =	sadd.s32 s8, s15;
	s15 =	sor.u32 $0x80, s0  }
0x190: {  	[hbm4b:s12+s3] =	stream.linear.scatter [tilespmem:s15], [sflag:$0x2], $0x80, $0x38;
	[tilespmem:$0xC000] =	vst v63  }
0x191: {  	s14 =	sor.u32 $0x480, s0;
	s15 =	sadd.s32 $0x10, s12  }
0x192: {  	[hbm4b:s15+s3] =	stream.linear.scatter [tilespmem:s14], [sflag:$0x2], $0x80, $0x38;
	[tilespmem:$0xC000] =	vst v63  }
0x193: {  	s13 =	sor.u32 $0x880, s0;
	s14 =	sadd.s32 $0x20, s12;
	s15 =	sld [smem:$0x7E4]  }
0x194: {  	[hbm4b:s14+s3] =	stream.linear.scatter [tilespmem:s13], [sflag:$0x2], $0x80, $0x38;
	[tilespmem:$0xC000] =	vst v63  }
0x195: {  	s12 =	sadd.s32 $0x30, s12;
	s14 =	sor.u32 $0xC80, s0  }
0x196: {  	[hbm4b:s12+s3] =	stream.linear.scatter [tilespmem:s14], [sflag:$0x2], $0x80, $0x38;
	[tilespmem:$0xC000] =	vst v63  }
0x197: {  	s12 =	sadd.s32 s8, s15;
	s15 =	sor.u32 $0x100, s0  }
0x198: {  	[hbm4b:s12+s3] =	stream.linear.scatter [tilespmem:s15], [sflag:$0x2], $0x80, $0x38;
	[tilespmem:$0xC000] =	vst v63  }
0x199: {  	s14 =	sor.u32 $0x500, s0;
	s15 =	sadd.s32 $0x10, s12  }
0x19a: {  	[hbm4b:s15+s3] =	stream.linear.scatter [tilespmem:s14], [sflag:$0x2], $0x80, $0x38;
	[tilespmem:$0xC000] =	vst v63  }
0x19b: {  	s13 =	sor.u32 $0x900, s0;
	s14 =	sadd.s32 $0x20, s12;
	s15 =	sld [smem:$0x7D8]  }
0x19c: {  	[hbm4b:s14+s3] =	stream.linear.scatter [tilespmem:s13], [sflag:$0x2], $0x80, $0x38;
	[tilespmem:$0xC000] =	vst v63  }
0x19d: {  	s12 =	sadd.s32 $0x30, s12;
	s14 =	sor.u32 $0xD00, s0  }
0x19e: {  	[hbm4b:s12+s3] =	stream.linear.scatter [tilespmem:s14], [sflag:$0x2], $0x80, $0x38;
	[tilespmem:$0xC000] =	vst v63  }
0x19f: {  	s12 =	sadd.s32 s8, s15;
	s15 =	sor.u32 $0x180, s0  }
0x1a0: {  	[hbm4b:s12+s3] =	stream.linear.scatter [tilespmem:s15], [sflag:$0x2], $0x80, $0x38;
	[tilespmem:$0xC000] =	vst v63  }
0x1a1: {  	s14 =	sor.u32 $0x580, s0;
	s15 =	sadd.s32 $0x10, s12  }
0x1a2: {  	[hbm4b:s15+s3] =	stream.linear.scatter [tilespmem:s14], [sflag:$0x2], $0x80, $0x38;
	[tilespmem:$0xC000] =	vst v63  }
0x1a3: {  	s13 =	sor.u32 $0x980, s0;
	s14 =	sadd.s32 $0x20, s12;
	s15 =	sld [smem:$0x7D2]  }
0x1a4: {  	[hbm4b:s14+s3] =	stream.linear.scatter [tilespmem:s13], [sflag:$0x2], $0x80, $0x38;
	[tilespmem:$0xC000] =	vst v63  }
0x1a5: {  	s12 =	sadd.s32 $0x30, s12;
	s14 =	sor.u32 $0xD80, s0  }
0x1a6: {  	[hbm4b:s12+s3] =	stream.linear.scatter [tilespmem:s14], [sflag:$0x2], $0x80, $0x38;
	[tilespmem:$0xC000] =	vst v63  }
0x1a7: {  	s12 =	sadd.s32 s8, s15;
	s15 =	sor.u32 $0x200, s0  }
0x1a8: {  	[hbm4b:s12+s3] =	stream.linear.scatter [tilespmem:s15], [sflag:$0x2], $0x80, $0x38;
	[tilespmem:$0xC000] =	vst v63  }
0x1a9: {  	s14 =	sor.u32 $0x600, s0;
	s15 =	sadd.s32 $0x10, s12  }
0x1aa: {  	[hbm4b:s15+s3] =	stream.linear.scatter [tilespmem:s14], [sflag:$0x2], $0x80, $0x38;
	[tilespmem:$0xC000] =	vst v63  }
0x1ab: {  	s13 =	sor.u32 $0xA00, s0;
	s14 =	sadd.s32 $0x20, s12  }
0x1ac: {  	[hbm4b:s14+s3] =	stream.linear.scatter [tilespmem:s13], [sflag:$0x2], $0x80, $0x38;
	[tilespmem:$0xC000] =	vst v63  }
0x1ad: {  	s15 =	rddreg [dreg:$0x1f];
	s12 =	sadd.s32 $0x30, s12;
	s14 =	sor.u32 $0xE00, s0  }
0x1ae: {  	[hbm4b:s12+s3] =	stream.linear.scatter [tilespmem:s14], [sflag:$0x2], $0x80, $0x38;
	[tilespmem:$0xC000] =	vst v63  }
0x1af: {  	s12 =	sadd.s32 s8, s15;
	s15 =	sor.u32 $0x280, s0  }
0x1b0: {  	[hbm4b:s12+s3] =	stream.linear.scatter [tilespmem:s15], [sflag:$0x2], $0x80, $0x38;
	[tilespmem:$0xC000] =	vst v63  }
0x1b1: {  	s14 =	sor.u32 $0x680, s0;
	s15 =	sadd.s32 $0x10, s12  }
0x1b2: {  	[hbm4b:s15+s3] =	stream.linear.scatter [tilespmem:s14], [sflag:$0x2], $0x80, $0x38;
	[tilespmem:$0xC000] =	vst v63  }
0x1b3: {  	s13 =	sor.u32 $0xA80, s0;
	s14 =	sadd.s32 $0x20, s12  }
0x1b4: {  	[hbm4b:s14+s3] =	stream.linear.scatter [tilespmem:s13], [sflag:$0x2], $0x80, $0x38;
	[tilespmem:$0xC000] =	vst v63  }
0x1b5: {  	s15 =	rddreg [dreg:$0x1e];
	s12 =	sadd.s32 $0x30, s12;
	s14 =	sor.u32 $0xE80, s0  }
0x1b6: {  	[hbm4b:s12+s3] =	stream.linear.scatter [tilespmem:s14], [sflag:$0x2], $0x80, $0x38;
	[tilespmem:$0xC000] =	vst v63  }
0x1b7: {  	s12 =	sadd.s32 s8, s15;
	s15 =	sor.u32 $0x300, s0  }
0x1b8: {  	[hbm4b:s12+s3] =	stream.linear.scatter [tilespmem:s15], [sflag:$0x2], $0x80, $0x38;
	[tilespmem:$0xC000] =	vst v63  }
0x1b9: {  	s14 =	sor.u32 $0x700, s0;
	s15 =	sadd.s32 $0x10, s12  }
0x1ba: {  	[hbm4b:s15+s3] =	stream.linear.scatter [tilespmem:s14], [sflag:$0x2], $0x80, $0x38;
	[tilespmem:$0xC000] =	vst v63  }
0x1bb: {  	s13 =	sor.u32 $0xB00, s0;
	s14 =	sadd.s32 $0x20, s12  }
0x1bc: {  	[hbm4b:s14+s3] =	stream.linear.scatter [tilespmem:s13], [sflag:$0x2], $0x80, $0x38;
	[tilespmem:$0xC000] =	vst v63  }
0x1bd: {  	s15 =	rddreg [dreg:$0x1d];
	s12 =	sadd.s32 $0x30, s12;
	s14 =	sor.u32 $0xF00, s0  }
0x1be: {  	[hbm4b:s12+s3] =	stream.linear.scatter [tilespmem:s14], [sflag:$0x2], $0x80, $0x38;
	[tilespmem:$0xC000] =	vst v63  }
0x1bf: {  	s12 =	sadd.s32 s8, s15;
	s15 =	sor.u32 $0x380, s0  }
0x1c0: {  	[hbm4b:s12+s3] =	stream.linear.scatter [tilespmem:s15], [sflag:$0x2], $0x80, $0x38;
	[tilespmem:$0xC000] =	vst v63  }
0x1c1: {  	s14 =	sor.u32 $0x780, s0;
	s15 =	sadd.s32 $0x10, s12  }
0x1c2: {  	[hbm4b:s15+s3] =	stream.linear.scatter [tilespmem:s14], [sflag:$0x2], $0x80, $0x38;
	[tilespmem:$0xC000] =	vst v63  }
0x1c3: {  	s13 =	sor.u32 $0xB80, s0;
	s14 =	sadd.s32 $0x20, s12  }
0x1c4: {  	[hbm4b:s14+s3] =	stream.linear.scatter [tilespmem:s13], [sflag:$0x2], $0x80, $0x38;
	[tilespmem:$0xC000] =	vst v63  }
0x1c5: {  	s15 =	rddreg [dreg:$0x1c];
	s12 =	sadd.s32 $0x30, s12;
	s14 =	sor.u32 $0xF80, s0  }
0x1c6: {  	[hbm4b:s12+s3] =	stream.linear.scatter [tilespmem:s14], [sflag:$0x2], $0x80, $0x38;
	[tilespmem:$0xC000] =	vst v63  }
0x1c7: {  	s12 =	sadd.s32 s8, s15;
	s15 =	sor.u32 $0x1000, s0  }
0x1c8: {  	[hbm4b:s12+s3] =	stream.linear.scatter [tilespmem:s15], [sflag:$0x2], $0x80, $0x38;
	[tilespmem:$0xC000] =	vst v63  }
0x1c9: {  	s14 =	sor.u32 $0x1400, s0;
	s15 =	sadd.s32 $0x10, s12  }
0x1ca: {  	[hbm4b:s15+s3] =	stream.linear.scatter [tilespmem:s14], [sflag:$0x2], $0x80, $0x38;
	[tilespmem:$0xC000] =	vst v63  }
0x1cb: {  	s13 =	sor.u32 $0x1800, s0;
	s14 =	sadd.s32 $0x20, s12  }
0x1cc: {  	[hbm4b:s14+s3] =	stream.linear.scatter [tilespmem:s13], [sflag:$0x2], $0x80, $0x38;
	[tilespmem:$0xC000] =	vst v63  }
0x1cd: {  	s15 =	rddreg [dreg:$0x1b];
	s12 =	sadd.s32 $0x30, s12;
	s14 =	sor.u32 $0x1C00, s0  }
0x1ce: {  	[hbm4b:s12+s3] =	stream.linear.scatter [tilespmem:s14], [sflag:$0x2], $0x80, $0x38;
	[tilespmem:$0xC000] =	vst v63  }
0x1cf: {  	s12 =	sadd.s32 s8, s15;
	s15 =	sor.u32 $0x1080, s0  }
0x1d0: {  	[hbm4b:s12+s3] =	stream.linear.scatter [tilespmem:s15], [sflag:$0x2], $0x80, $0x38;
	[tilespmem:$0xC000] =	vst v63  }
0x1d1: {  	s14 =	sor.u32 $0x1480, s0;
	s15 =	sadd.s32 $0x10, s12  }
0x1d2: {  	[hbm4b:s15+s3] =	stream.linear.scatter [tilespmem:s14], [sflag:$0x2], $0x80, $0x38;
	[tilespmem:$0xC000] =	vst v63  }
0x1d3: {  	s13 =	sor.u32 $0x1880, s0;
	s14 =	sadd.s32 $0x20, s12  }
0x1d4: {  	[hbm4b:s14+s3] =	stream.linear.scatter [tilespmem:s13], [sflag:$0x2], $0x80, $0x38;
	[tilespmem:$0xC000] =	vst v63  }
0x1d5: {  	s15 =	rddreg [dreg:$0x1a];
	s12 =	sadd.s32 $0x30, s12;
	s14 =	sor.u32 $0x1C80, s0  }
0x1d6: {  	[hbm4b:s12+s3] =	stream.linear.scatter [tilespmem:s14], [sflag:$0x2], $0x80, $0x38;
	[tilespmem:$0xC000] =	vst v63  }
0x1d7: {  	s12 =	sadd.s32 s8, s15;
	s15 =	sor.u32 $0x1100, s0  }
0x1d8: {  	[hbm4b:s12+s3] =	stream.linear.scatter [tilespmem:s15], [sflag:$0x2], $0x80, $0x38;
	[tilespmem:$0xC000] =	vst v63  }
0x1d9: {  	s14 =	sor.u32 $0x1500, s0;
	s15 =	sadd.s32 $0x10, s12  }
0x1da: {  	[hbm4b:s15+s3] =	stream.linear.scatter [tilespmem:s14], [sflag:$0x2], $0x80, $0x38;
	[tilespmem:$0xC000] =	vst v63  }
0x1db: {  	s13 =	sor.u32 $0x1900, s0;
	s14 =	sadd.s32 $0x20, s12  }
0x1dc: {  	[hbm4b:s14+s3] =	stream.linear.scatter [tilespmem:s13], [sflag:$0x2], $0x80, $0x38;
	[tilespmem:$0xC000] =	vst v63  }
0x1dd: {  	s15 =	rddreg [dreg:$0x19];
	s12 =	sadd.s32 $0x30, s12;
	s14 =	sor.u32 $0x1D00, s0  }
0x1de: {  	[hbm4b:s12+s3] =	stream.linear.scatter [tilespmem:s14], [sflag:$0x2], $0x80, $0x38;
	[tilespmem:$0xC000] =	vst v63  }
0x1df: {  	s12 =	sadd.s32 s8, s15;
	s15 =	sor.u32 $0x1180, s0  }
0x1e0: {  	[hbm4b:s12+s3] =	stream.linear.scatter [tilespmem:s15], [sflag:$0x2], $0x80, $0x38;
	[tilespmem:$0xC000] =	vst v63  }
0x1e1: {  	s14 =	sor.u32 $0x1580, s0;
	s15 =	sadd.s32 $0x10, s12  }
0x1e2: {  	[hbm4b:s15+s3] =	stream.linear.scatter [tilespmem:s14], [sflag:$0x2], $0x80, $0x38;
	[tilespmem:$0xC000] =	vst v63  }
0x1e3: {  	s13 =	sor.u32 $0x1980, s0;
	s14 =	sadd.s32 $0x20, s12  }
0x1e4: {  	[hbm4b:s14+s3] =	stream.linear.scatter [tilespmem:s13], [sflag:$0x2], $0x80, $0x38;
	[tilespmem:$0xC000] =	vst v63  }
0x1e5: {  	s15 =	rddreg [dreg:$0x18];
	s12 =	sadd.s32 $0x30, s12;
	s14 =	sor.u32 $0x1D80, s0  }
0x1e6: {  	[hbm4b:s12+s3] =	stream.linear.scatter [tilespmem:s14], [sflag:$0x2], $0x80, $0x38;
	[tilespmem:$0xC000] =	vst v63  }
0x1e7: {  	s12 =	sadd.s32 s8, s15;
	s15 =	sor.u32 $0x1200, s0  }
0x1e8: {  	[hbm4b:s12+s3] =	stream.linear.scatter [tilespmem:s15], [sflag:$0x2], $0x80, $0x38;
	[tilespmem:$0xC000] =	vst v63  }
0x1e9: {  	s14 =	sor.u32 $0x1600, s0;
	s15 =	sadd.s32 $0x10, s12  }
0x1ea: {  	[hbm4b:s15+s3] =	stream.linear.scatter [tilespmem:s14], [sflag:$0x2], $0x80, $0x38;
	[tilespmem:$0xC000] =	vst v63  }
0x1eb: {  	s13 =	sor.u32 $0x1A00, s0;
	s14 =	sadd.s32 $0x20, s12  }
0x1ec: {  	[hbm4b:s14+s3] =	stream.linear.scatter [tilespmem:s13], [sflag:$0x2], $0x80, $0x38;
	[tilespmem:$0xC000] =	vst v63  }
0x1ed: {  	s15 =	rddreg [dreg:$0x17];
	s12 =	sadd.s32 $0x30, s12;
	s14 =	sor.u32 $0x1E00, s0  }
0x1ee: {  	[hbm4b:s12+s3] =	stream.linear.scatter [tilespmem:s14], [sflag:$0x2], $0x80, $0x38;
	[tilespmem:$0xC000] =	vst v63  }
0x1ef: {  	s12 =	sadd.s32 s8, s15;
	s15 =	sor.u32 $0x1280, s0  }
0x1f0: {  	[hbm4b:s12+s3] =	stream.linear.scatter [tilespmem:s15], [sflag:$0x2], $0x80, $0x38;
	[tilespmem:$0xC000] =	vst v63  }
0x1f1: {  	s14 =	sor.u32 $0x1680, s0;
	s15 =	sadd.s32 $0x10, s12  }
0x1f2: {  	[hbm4b:s15+s3] =	stream.linear.scatter [tilespmem:s14], [sflag:$0x2], $0x80, $0x38;
	[tilespmem:$0xC000] =	vst v63  }
0x1f3: {  	s13 =	sor.u32 $0x1A80, s0;
	s14 =	sadd.s32 $0x20, s12  }
0x1f4: {  	[hbm4b:s14+s3] =	stream.linear.scatter [tilespmem:s13], [sflag:$0x2], $0x80, $0x38;
	[tilespmem:$0xC000] =	vst v63  }
0x1f5: {  	s15 =	rddreg [dreg:$0x16];
	s12 =	sadd.s32 $0x30, s12;
	s14 =	sor.u32 $0x1E80, s0  }
0x1f6: {  	[hbm4b:s12+s3] =	stream.linear.scatter [tilespmem:s14], [sflag:$0x2], $0x80, $0x38;
	[tilespmem:$0xC000] =	vst v63  }
0x1f7: {  	s12 =	sadd.s32 s8, s15;
	s15 =	sor.u32 $0x1300, s0  }
0x1f8: {  	[hbm4b:s12+s3] =	stream.linear.scatter [tilespmem:s15], [sflag:$0x2], $0x80, $0x38;
	[tilespmem:$0xC000] =	vst v63  }
0x1f9: {  	s14 =	sor.u32 $0x1700, s0;
	s15 =	sadd.s32 $0x10, s12  }
0x1fa: {  	[hbm4b:s15+s3] =	stream.linear.scatter [tilespmem:s14], [sflag:$0x2], $0x80, $0x38;
	[tilespmem:$0xC000] =	vst v63  }
0x1fb: {  	s13 =	sor.u32 $0x1B00, s0;
	s14 =	sadd.s32 $0x20, s12  }
0x1fc: {  	[hbm4b:s14+s3] =	stream.linear.scatter [tilespmem:s13], [sflag:$0x2], $0x80, $0x38;
	[tilespmem:$0xC000] =	vst v63  }
0x1fd: {  	s15 =	rddreg [dreg:$0x15];
	s12 =	sadd.s32 $0x30, s12;
	s14 =	sor.u32 $0x1F00, s0  }
0x1fe: {  	[hbm4b:s12+s3] =	stream.linear.scatter [tilespmem:s14], [sflag:$0x2], $0x80, $0x38;
	[tilespmem:$0xC000] =	vst v63  }
0x1ff: {  	s12 =	sadd.s32 s8, s15;
	s15 =	sor.u32 $0x1380, s0  }
0x200: {  	[hbm4b:s12+s3] =	stream.linear.scatter [tilespmem:s15], [sflag:$0x2], $0x80, $0x38;
	[tilespmem:$0xC000] =	vst v63  }
0x201: {  	s14 =	sor.u32 $0x1780, s0;
	s15 =	sadd.s32 $0x10, s12  }
0x202: {  	[hbm4b:s15+s3] =	stream.linear.scatter [tilespmem:s14], [sflag:$0x2], $0x80, $0x38;
	[tilespmem:$0xC000] =	vst v63  }
0x203: {  	s13 =	sor.u32 $0x1B80, s0;
	s14 =	sadd.s32 $0x20, s12  }
0x204: {  	[hbm4b:s14+s3] =	stream.linear.scatter [tilespmem:s13], [sflag:$0x2], $0x80, $0x38;
	[tilespmem:$0xC000] =	vst v63  }
0x205: {  	s15 =	rddreg [dreg:$0x14];
	s12 =	sadd.s32 $0x30, s12;
	s14 =	sor.u32 $0x1F80, s0  }
0x206: {  	[hbm4b:s12+s3] =	stream.linear.scatter [tilespmem:s14], [sflag:$0x2], $0x80, $0x38;
	[tilespmem:$0xC000] =	vst v63  }
0x207: {  	s12 =	sadd.s32 s8, s15;
	s15 =	sor.u32 $0x2000, s0  }
0x208: {  	[hbm4b:s12+s3] =	stream.linear.scatter [tilespmem:s15], [sflag:$0x2], $0x80, $0x38;
	[tilespmem:$0xC000] =	vst v63  }
0x209: {  	s14 =	sor.u32 $0x2400, s0;
	s15 =	sadd.s32 $0x10, s12  }
0x20a: {  	[hbm4b:s15+s3] =	stream.linear.scatter [tilespmem:s14], [sflag:$0x2], $0x80, $0x38;
	[tilespmem:$0xC000] =	vst v63  }
0x20b: {  	s13 =	sor.u32 $0x2800, s0;
	s14 =	sadd.s32 $0x20, s12  }
0x20c: {  	[hbm4b:s14+s3] =	stream.linear.scatter [tilespmem:s13], [sflag:$0x2], $0x80, $0x38;
	[tilespmem:$0xC000] =	vst v63  }
0x20d: {  	s15 =	rddreg [dreg:$0x13];
	s12 =	sadd.s32 $0x30, s12;
	s14 =	sor.u32 $0x2C00, s0  }
0x20e: {  	[hbm4b:s12+s3] =	stream.linear.scatter [tilespmem:s14], [sflag:$0x2], $0x80, $0x38;
	[tilespmem:$0xC000] =	vst v63  }
0x20f: {  	s12 =	sadd.s32 s8, s15;
	s15 =	sor.u32 $0x2080, s0  }
0x210: {  	[hbm4b:s12+s3] =	stream.linear.scatter [tilespmem:s15], [sflag:$0x2], $0x80, $0x38;
	[tilespmem:$0xC000] =	vst v63  }
0x211: {  	s14 =	sor.u32 $0x2480, s0;
	s15 =	sadd.s32 $0x10, s12  }
0x212: {  	[hbm4b:s15+s3] =	stream.linear.scatter [tilespmem:s14], [sflag:$0x2], $0x80, $0x38;
	[tilespmem:$0xC000] =	vst v63  }
0x213: {  	s13 =	sor.u32 $0x2880, s0;
	s14 =	sadd.s32 $0x20, s12  }
0x214: {  	[hbm4b:s14+s3] =	stream.linear.scatter [tilespmem:s13], [sflag:$0x2], $0x80, $0x38;
	[tilespmem:$0xC000] =	vst v63  }
0x215: {  	s15 =	rddreg [dreg:$0x12];
	s12 =	sadd.s32 $0x30, s12;
	s14 =	sor.u32 $0x2C80, s0  }
0x216: {  	[hbm4b:s12+s3] =	stream.linear.scatter [tilespmem:s14], [sflag:$0x2], $0x80, $0x38;
	[tilespmem:$0xC000] =	vst v63  }
0x217: {  	s12 =	sadd.s32 s8, s15;
	s15 =	sor.u32 $0x2100, s0  }
0x218: {  	[hbm4b:s12+s3] =	stream.linear.scatter [tilespmem:s15], [sflag:$0x2], $0x80, $0x38;
	[tilespmem:$0xC000] =	vst v63  }
0x219: {  	s14 =	sor.u32 $0x2500, s0;
	s15 =	sadd.s32 $0x10, s12  }
0x21a: {  	[hbm4b:s15+s3] =	stream.linear.scatter [tilespmem:s14], [sflag:$0x2], $0x80, $0x38;
	[tilespmem:$0xC000] =	vst v63  }
0x21b: {  	s13 =	sor.u32 $0x2900, s0;
	s14 =	sadd.s32 $0x20, s12  }
0x21c: {  	[hbm4b:s14+s3] =	stream.linear.scatter [tilespmem:s13], [sflag:$0x2], $0x80, $0x38;
	[tilespmem:$0xC000] =	vst v63  }
0x21d: {  	s15 =	rddreg [dreg:$0x11];
	s12 =	sadd.s32 $0x30, s12;
	s14 =	sor.u32 $0x2D00, s0  }
0x21e: {  	[hbm4b:s12+s3] =	stream.linear.scatter [tilespmem:s14], [sflag:$0x2], $0x80, $0x38;
	[tilespmem:$0xC000] =	vst v63  }
0x21f: {  	s12 =	sadd.s32 s8, s15;
	s15 =	sor.u32 $0x2180, s0  }
0x220: {  	[hbm4b:s12+s3] =	stream.linear.scatter [tilespmem:s15], [sflag:$0x2], $0x80, $0x38;
	[tilespmem:$0xC000] =	vst v63  }
0x221: {  	s14 =	sor.u32 $0x2580, s0;
	s15 =	sadd.s32 $0x10, s12  }
0x222: {  	[hbm4b:s15+s3] =	stream.linear.scatter [tilespmem:s14], [sflag:$0x2], $0x80, $0x38;
	[tilespmem:$0xC000] =	vst v63  }
0x223: {  	s13 =	sor.u32 $0x2980, s0;
	s14 =	sadd.s32 $0x20, s12  }
0x224: {  	[hbm4b:s14+s3] =	stream.linear.scatter [tilespmem:s13], [sflag:$0x2], $0x80, $0x38;
	[tilespmem:$0xC000] =	vst v63  }
0x225: {  	s15 =	rddreg [dreg:$0x10];
	s12 =	sadd.s32 $0x30, s12;
	s14 =	sor.u32 $0x2D80, s0  }
0x226: {  	[hbm4b:s12+s3] =	stream.linear.scatter [tilespmem:s14], [sflag:$0x2], $0x80, $0x38;
	[tilespmem:$0xC000] =	vst v63  }
0x227: {  	s12 =	sadd.s32 s8, s15;
	s15 =	sor.u32 $0x2200, s0  }
0x228: {  	[hbm4b:s12+s3] =	stream.linear.scatter [tilespmem:s15], [sflag:$0x2], $0x80, $0x38;
	[tilespmem:$0xC000] =	vst v63  }
0x229: {  	s14 =	sor.u32 $0x2600, s0;
	s15 =	sadd.s32 $0x10, s12  }
0x22a: {  	[hbm4b:s15+s3] =	stream.linear.scatter [tilespmem:s14], [sflag:$0x2], $0x80, $0x38;
	[tilespmem:$0xC000] =	vst v63  }
0x22b: {  	s13 =	sor.u32 $0x2A00, s0;
	s14 =	sadd.s32 $0x20, s12  }
0x22c: {  	[hbm4b:s14+s3] =	stream.linear.scatter [tilespmem:s13], [sflag:$0x2], $0x80, $0x38;
	[tilespmem:$0xC000] =	vst v63  }
0x22d: {  	s15 =	rddreg [dreg:$0xf];
	s12 =	sadd.s32 $0x30, s12;
	s14 =	sor.u32 $0x2E00, s0  }
0x22e: {  	[hbm4b:s12+s3] =	stream.linear.scatter [tilespmem:s14], [sflag:$0x2], $0x80, $0x38;
	[tilespmem:$0xC000] =	vst v63  }
0x22f: {  	s12 =	sadd.s32 s8, s15;
	s15 =	sor.u32 $0x2280, s0  }
0x230: {  	[hbm4b:s12+s3] =	stream.linear.scatter [tilespmem:s15], [sflag:$0x2], $0x80, $0x38;
	[tilespmem:$0xC000] =	vst v63  }
0x231: {  	s14 =	sor.u32 $0x2680, s0;
	s15 =	sadd.s32 $0x10, s12  }
0x232: {  	[hbm4b:s15+s3] =	stream.linear.scatter [tilespmem:s14], [sflag:$0x2], $0x80, $0x38;
	[tilespmem:$0xC000] =	vst v63  }
0x233: {  	s13 =	sor.u32 $0x2A80, s0;
	s14 =	sadd.s32 $0x20, s12  }
0x234: {  	[hbm4b:s14+s3] =	stream.linear.scatter [tilespmem:s13], [sflag:$0x2], $0x80, $0x38;
	[tilespmem:$0xC000] =	vst v63  }
0x235: {  	s15 =	rddreg [dreg:$0xe];
	s12 =	sadd.s32 $0x30, s12;
	s14 =	sor.u32 $0x2E80, s0  }
0x236: {  	[hbm4b:s12+s3] =	stream.linear.scatter [tilespmem:s14], [sflag:$0x2], $0x80, $0x38;
	[tilespmem:$0xC000] =	vst v63  }
0x237: {  	s12 =	sadd.s32 s8, s15;
	s15 =	sor.u32 $0x2300, s0  }
0x238: {  	[hbm4b:s12+s3] =	stream.linear.scatter [tilespmem:s15], [sflag:$0x2], $0x80, $0x38;
	[tilespmem:$0xC000] =	vst v63  }
0x239: {  	s14 =	sor.u32 $0x2700, s0;
	s15 =	sadd.s32 $0x10, s12  }
0x23a: {  	[hbm4b:s15+s3] =	stream.linear.scatter [tilespmem:s14], [sflag:$0x2], $0x80, $0x38;
	[tilespmem:$0xC000] =	vst v63  }
0x23b: {  	s13 =	sor.u32 $0x2B00, s0;
	s14 =	sadd.s32 $0x20, s12  }
0x23c: {  	[hbm4b:s14+s3] =	stream.linear.scatter [tilespmem:s13], [sflag:$0x2], $0x80, $0x38;
	[tilespmem:$0xC000] =	vst v63  }
0x23d: {  	s15 =	rddreg [dreg:$0xd];
	s12 =	sadd.s32 $0x30, s12;
	s14 =	sor.u32 $0x2F00, s0  }
0x23e: {  	[hbm4b:s12+s3] =	stream.linear.scatter [tilespmem:s14], [sflag:$0x2], $0x80, $0x38;
	[tilespmem:$0xC000] =	vst v63  }
0x23f: {  	s12 =	sadd.s32 s8, s15;
	s15 =	sor.u32 $0x2380, s0  }
0x240: {  	[hbm4b:s12+s3] =	stream.linear.scatter [tilespmem:s15], [sflag:$0x2], $0x80, $0x38;
	[tilespmem:$0xC000] =	vst v63  }
0x241: {  	s14 =	sor.u32 $0x2780, s0;
	s15 =	sadd.s32 $0x10, s12  }
0x242: {  	[hbm4b:s15+s3] =	stream.linear.scatter [tilespmem:s14], [sflag:$0x2], $0x80, $0x38;
	[tilespmem:$0xC000] =	vst v63  }
0x243: {  	s13 =	sor.u32 $0x2B80, s0;
	s14 =	sadd.s32 $0x20, s12  }
0x244: {  	[hbm4b:s14+s3] =	stream.linear.scatter [tilespmem:s13], [sflag:$0x2], $0x80, $0x38;
	[tilespmem:$0xC000] =	vst v63  }
0x245: {  	s15 =	rddreg [dreg:$0xc];
	s12 =	sadd.s32 $0x30, s12;
	s14 =	sor.u32 $0x2F80, s0  }
0x246: {  	[hbm4b:s12+s3] =	stream.linear.scatter [tilespmem:s14], [sflag:$0x2], $0x80, $0x38;
	[tilespmem:$0xC000] =	vst v63  }
0x247: {  	s12 =	sadd.s32 s8, s15;
	s15 =	sor.u32 $0x3000, s0  }
0x248: {  	[hbm4b:s12+s3] =	stream.linear.scatter [tilespmem:s15], [sflag:$0x2], $0x80, $0x38;
	[tilespmem:$0xC000] =	vst v63  }
0x249: {  	s14 =	sor.u32 $0x3400, s0;
	s15 =	sadd.s32 $0x10, s12  }
0x24a: {  	[hbm4b:s15+s3] =	stream.linear.scatter [tilespmem:s14], [sflag:$0x2], $0x80, $0x38;
	[tilespmem:$0xC000] =	vst v63  }
0x24b: {  	s13 =	sor.u32 $0x3800, s0;
	s14 =	sadd.s32 $0x20, s12  }
0x24c: {  	[hbm4b:s14+s3] =	stream.linear.scatter [tilespmem:s13], [sflag:$0x2], $0x80, $0x38;
	[tilespmem:$0xC000] =	vst v63  }
0x24d: {  	s15 =	rddreg [dreg:$0xb];
	s12 =	sadd.s32 $0x30, s12;
	s14 =	sor.u32 $0x3C00, s0  }
0x24e: {  	[hbm4b:s12+s3] =	stream.linear.scatter [tilespmem:s14], [sflag:$0x2], $0x80, $0x38;
	[tilespmem:$0xC000] =	vst v63  }
0x24f: {  	s12 =	sadd.s32 s8, s15;
	s15 =	sor.u32 $0x3080, s0  }
0x250: {  	[hbm4b:s12+s3] =	stream.linear.scatter [tilespmem:s15], [sflag:$0x2], $0x80, $0x38;
	[tilespmem:$0xC000] =	vst v63  }
0x251: {  	s14 =	sor.u32 $0x3480, s0;
	s15 =	sadd.s32 $0x10, s12  }
0x252: {  	[hbm4b:s15+s3] =	stream.linear.scatter [tilespmem:s14], [sflag:$0x2], $0x80, $0x38;
	[tilespmem:$0xC000] =	vst v63  }
0x253: {  	s13 =	sor.u32 $0x3880, s0;
	s14 =	sadd.s32 $0x20, s12  }
0x254: {  	[hbm4b:s14+s3] =	stream.linear.scatter [tilespmem:s13], [sflag:$0x2], $0x80, $0x38;
	[tilespmem:$0xC000] =	vst v63  }
0x255: {  	s15 =	rddreg [dreg:$0xa];
	s12 =	sadd.s32 $0x30, s12;
	s14 =	sor.u32 $0x3C80, s0  }
0x256: {  	[hbm4b:s12+s3] =	stream.linear.scatter [tilespmem:s14], [sflag:$0x2], $0x80, $0x38;
	[tilespmem:$0xC000] =	vst v63  }
0x257: {  	s12 =	sadd.s32 s8, s15;
	s15 =	sor.u32 $0x3100, s0  }
0x258: {  	[hbm4b:s12+s3] =	stream.linear.scatter [tilespmem:s15], [sflag:$0x2], $0x80, $0x38;
	[tilespmem:$0xC000] =	vst v63  }
0x259: {  	s14 =	sor.u32 $0x3500, s0;
	s15 =	sadd.s32 $0x10, s12  }
0x25a: {  	[hbm4b:s15+s3] =	stream.linear.scatter [tilespmem:s14], [sflag:$0x2], $0x80, $0x38;
	[tilespmem:$0xC000] =	vst v63  }
0x25b: {  	s13 =	sor.u32 $0x3900, s0;
	s14 =	sadd.s32 $0x20, s12  }
0x25c: {  	[hbm4b:s14+s3] =	stream.linear.scatter [tilespmem:s13], [sflag:$0x2], $0x80, $0x38;
	[tilespmem:$0xC000] =	vst v63  }
0x25d: {  	s15 =	rddreg [dreg:$0x9];
	s12 =	sadd.s32 $0x30, s12;
	s14 =	sor.u32 $0x3D00, s0  }
0x25e: {  	[hbm4b:s12+s3] =	stream.linear.scatter [tilespmem:s14], [sflag:$0x2], $0x80, $0x38;
	[tilespmem:$0xC000] =	vst v63  }
0x25f: {  	s12 =	sadd.s32 s8, s15;
	s15 =	sor.u32 $0x3180, s0  }
0x260: {  	[hbm4b:s12+s3] =	stream.linear.scatter [tilespmem:s15], [sflag:$0x2], $0x80, $0x38;
	[tilespmem:$0xC000] =	vst v63  }
0x261: {  	s14 =	sor.u32 $0x3580, s0;
	s15 =	sadd.s32 $0x10, s12  }
0x262: {  	[hbm4b:s15+s3] =	stream.linear.scatter [tilespmem:s14], [sflag:$0x2], $0x80, $0x38;
	[tilespmem:$0xC000] =	vst v63  }
0x263: {  	s13 =	sor.u32 $0x3980, s0;
	s14 =	sadd.s32 $0x20, s12  }
0x264: {  	[hbm4b:s14+s3] =	stream.linear.scatter [tilespmem:s13], [sflag:$0x2], $0x80, $0x38;
	[tilespmem:$0xC000] =	vst v63  }
0x265: {  	s15 =	rddreg [dreg:$0x8];
	s12 =	sadd.s32 $0x30, s12;
	s14 =	sor.u32 $0x3D80, s0  }
0x266: {  	[hbm4b:s12+s3] =	stream.linear.scatter [tilespmem:s14], [sflag:$0x2], $0x80, $0x38;
	[tilespmem:$0xC000] =	vst v63  }
0x267: {  	s12 =	sadd.s32 s8, s15;
	s15 =	sor.u32 $0x3200, s0  }
0x268: {  	[hbm4b:s12+s3] =	stream.linear.scatter [tilespmem:s15], [sflag:$0x2], $0x80, $0x38;
	[tilespmem:$0xC000] =	vst v63  }
0x269: {  	s14 =	sor.u32 $0x3600, s0;
	s15 =	sadd.s32 $0x10, s12  }
0x26a: {  	[hbm4b:s15+s3] =	stream.linear.scatter [tilespmem:s14], [sflag:$0x2], $0x80, $0x38;
	[tilespmem:$0xC000] =	vst v63  }
0x26b: {  	s13 =	sor.u32 $0x3A00, s0;
	s14 =	sadd.s32 $0x20, s12  }
0x26c: {  	[hbm4b:s14+s3] =	stream.linear.scatter [tilespmem:s13], [sflag:$0x2], $0x80, $0x38;
	[tilespmem:$0xC000] =	vst v63  }
0x26d: {  	s15 =	rddreg [dreg:$0x7];
	s12 =	sadd.s32 $0x30, s12;
	s14 =	sor.u32 $0x3E00, s0  }
0x26e: {  	[hbm4b:s12+s3] =	stream.linear.scatter [tilespmem:s14], [sflag:$0x2], $0x80, $0x38;
	[tilespmem:$0xC000] =	vst v63  }
0x26f: {  	s11 =	smov.u32 s7;
	s12 =	sadd.s32 s8, s15;
	s15 =	sor.u32 $0x3280, s0  }
0x270: {  	[hbm4b:s12+s3] =	stream.linear.scatter [tilespmem:s15], [sflag:$0x2], $0x80, $0x38;
	[tilespmem:$0xC000] =	vst v63  }
0x271: {  	s24 =	smov.u32 s2;
	s14 =	sor.u32 $0x3680, s0;
	s15 =	sadd.s32 $0x10, s12  }
0x272: {  	[hbm4b:s15+s3] =	stream.linear.scatter [tilespmem:s14], [sflag:$0x2], $0x80, $0x38;
	[tilespmem:$0xC000] =	vst v63  }
0x273: {  	s2 =	sadd.s32 $0x200, s2;
	s13 =	sor.u32 $0x3A80, s0;
	s14 =	sadd.s32 $0x20, s12  }
0x274: {  	[hbm4b:s14+s3] =	stream.linear.scatter [tilespmem:s13], [sflag:$0x2], $0x80, $0x38;
	[tilespmem:$0xC000] =	vst v63  }
0x275: {  	s15 =	rddreg [dreg:$0x6];
	s12 =	sadd.s32 $0x30, s12;
	s14 =	sor.u32 $0x3E80, s0  }
0x276: {  	[hbm4b:s12+s3] =	stream.linear.scatter [tilespmem:s14], [sflag:$0x2], $0x80, $0x38;
	[tilespmem:$0xC000] =	vst v63  }
0x277: {  	s10 =	smov.u32 s6;
	s12 =	sadd.s32 s8, s15;
	s15 =	sor.u32 $0x3300, s0  }
0x278: {  	[hbm4b:s12+s3] =	stream.linear.scatter [tilespmem:s15], [sflag:$0x2], $0x80, $0x38;
	[tilespmem:$0xC000] =	vst v63  }
0x279: {  	s6 =	sadd.s32 $0x40, s6;
	s14 =	sor.u32 $0x3700, s0;
	s15 =	sadd.s32 $0x10, s12  }
0x27a: {  	[hbm4b:s15+s3] =	stream.linear.scatter [tilespmem:s14], [sflag:$0x2], $0x80, $0x38;
	[tilespmem:$0xC000] =	vst v63  }
0x27b: {  	p3 =	sgt.u32 s11, $0x39;
	s13 =	sor.u32 $0x3B00, s0;
	s14 =	sadd.s32 $0x20, s12  }
0x27c: {  	[hbm4b:s14+s3] =	stream.linear.scatter [tilespmem:s13], [sflag:$0x2], $0x80, $0x38;
	[tilespmem:$0xC000] =	vst v63  }
0x27d: {  	s15 =	rddreg [dreg:$0x5];
	s12 =	sadd.s32 $0x30, s12;
	s14 =	sor.u32 $0x3F00, s0  }
0x27e: {  	[hbm4b:s12+s3] =	stream.linear.scatter [tilespmem:s14], [sflag:$0x2], $0x80, $0x38;
	[tilespmem:$0xC000] =	vst v63  }
0x27f: {  	p2 =	sne.s32 s6, $0xF40;
	s8 =	sadd.s32 s8, s15;
	s13 =	sor.u32 $0x3380, s0  }
0x280: {  	[hbm4b:s8+s3] =	stream.linear.scatter [tilespmem:s13], [sflag:$0x2], $0x80, $0x38;
	[tilespmem:$0xC000] =	vst v63  }
0x281: {  	s11 =	simm.s32 @!p3 $0x2;
	s15 =	sadd.s32 $0x10, s8;
	s14 =	sor.u32 $0x3780, s0  }
0x282: {  	[hbm4b:s15+s3] =	stream.linear.scatter [tilespmem:s14], [sflag:$0x2], $0x80, $0x38;
	[tilespmem:$0xC000] =	vst v63  }
.Ltmp2:
0x283: {  	s13 =	sor.u32 $0x3B80, s0;
	s14 =	sadd.s32 $0x20, s8;
	(pc) =	sbr.rel @p2 .LBB2_2-.Ltmp2, $4  }
0x284: {  	[hbm4b:s14+s3] =	stream.linear.scatter [tilespmem:s13], [sflag:$0x2], $0x80, $0x38;
	[tilespmem:$0xC000] =	vst v63  }
0x285: {  	s7 =	sadd.s32 $0x1, s7;
	s15 =	sor.u32 $0x3F80, s0;
	s8 =	sadd.s32 $0x30, s8  }
0x286: {  	[hbm4b:s8+s3] =	stream.linear.scatter [tilespmem:s15], [sflag:$0x2], $0x80, $0x38;
	[tilespmem:$0xC000] =	vst v63  }
0x287: {  	s12 =	smul.u32 $0xAB, s7;
	s8 =	smov.u32 s10;
	_ =	swait.ge @!p3 [sflag:s11], $0x4000  }
0x288: {  	_ = 	snop  }
0x289: {  	s6 =	sshrl.u32 s12, $0x9  }
0x28a: {  	[sflag:s11] =	ssyncset.done @!p3 $0x0;
	s10 =	simm.s32 @!p3 $0x7A1400;
	s6 =	sand.u32 $0x7F, s6  }
0x28b: {  	[sflag:s11] =	ssyncadd.s32 @!p3 $0xFFFFC000;
	s11 =	simm.s32 @!p3 $0x1000;
	s6 =	smul.u32 $0x3, s6  }
0x28c: {  	[tilespmem:s0], [sflag:$0x1] =	stream.strided.gather @!p3 [hbm4b:s24+s11], $0x4000, s10, s11, $0x38;
	[tilespmem:$0xC000] =	vst v63  }
0x28d: {  	_ =	swait.ge [sflag:s25], $0x4000;
	s0 =	ssub.s32 s7, s6  }
0x28e: {  	s10 =	rddreg [dreg:$0x4];
	[sflag:s25] =	ssyncset.done $0x0;
	s0 =	sand.u32 $0xFF, s0  }
0x28f: {  	[sflag:s25] =	ssyncadd.s32 $0xFFFFC000;
	s6 =	sadd.s32 s8, s10;
	s0 =	sshll.u32 s0, $0xE  }
0x290: {  	[hbm4b:s6+s3] =	stream.linear.scatter [tilespmem:s0], [sflag:$0x2], $0x80, $0x38;
	[tilespmem:$0xC000] =	vst v63  }
0x291: {  	s12 =	sadd.s32 $0x10, s6;
	s11 =	sor.u32 $0x400, s0  }
0x292: {  	[hbm4b:s12+s3] =	stream.linear.scatter [tilespmem:s11], [sflag:$0x2], $0x80, $0x38;
	[tilespmem:$0xC000] =	vst v63  }
0x293: {  	s15 =	sld [smem:$0x7F8];
	s14 =	sadd.s32 $0x20, s6;
	s13 =	sor.u32 $0x800, s0  }
0x294: {  	[hbm4b:s14+s3] =	stream.linear.scatter [tilespmem:s13], [sflag:$0x2], $0x80, $0x38;
	[tilespmem:$0xC000] =	vst v63  }
0x295: {  	s24 =	sor.u32 $0xC00, s0;
	s6 =	sadd.s32 $0x30, s6  }
0x296: {  	[hbm4b:s6+s3] =	stream.linear.scatter [tilespmem:s24], [sflag:$0x2], $0x80, $0x38;
	[tilespmem:$0xC000] =	vst v63  }
0x297: {  	s11 =	sor.u32 $0x80, s0;
	s6 =	sadd.s32 s8, s15  }
0x298: {  	[hbm4b:s6+s3] =	stream.linear.scatter [tilespmem:s11], [sflag:$0x2], $0x80, $0x38;
	[tilespmem:$0xC000] =	vst v63  }
0x299: {  	s12 =	sor.u32 $0x480, s0;
	s13 =	sadd.s32 $0x10, s6  }
0x29a: {  	[hbm4b:s13+s3] =	stream.linear.scatter [tilespmem:s12], [sflag:$0x2], $0x80, $0x38;
	[tilespmem:$0xC000] =	vst v63  }
0x29b: {  	s14 =	sor.u32 $0x880, s0;
	s24 =	sld [smem:$0x7E4];
	s15 =	sadd.s32 $0x20, s6  }
0x29c: {  	[hbm4b:s15+s3] =	stream.linear.scatter [tilespmem:s14], [sflag:$0x2], $0x80, $0x38;
	[tilespmem:$0xC000] =	vst v63  }
0x29d: {  	s6 =	sadd.s32 $0x30, s6;
	s13 =	sor.u32 $0xC80, s0  }
0x29e: {  	[hbm4b:s6+s3] =	stream.linear.scatter [tilespmem:s13], [sflag:$0x2], $0x80, $0x38;
	[tilespmem:$0xC000] =	vst v63  }
0x29f: {  	s14 =	sor.u32 $0x100, s0;
	s6 =	sadd.s32 s8, s24  }
0x2a0: {  	[hbm4b:s6+s3] =	stream.linear.scatter [tilespmem:s14], [sflag:$0x2], $0x80, $0x38;
	[tilespmem:$0xC000] =	vst v63  }
0x2a1: {  	s15 =	sor.u32 $0x500, s0;
	s24 =	sadd.s32 $0x10, s6  }
0x2a2: {  	[hbm4b:s24+s3] =	stream.linear.scatter [tilespmem:s15], [sflag:$0x2], $0x80, $0x38;
	[tilespmem:$0xC000] =	vst v63  }
0x2a3: {  	s12 =	sor.u32 $0x900, s0;
	s13 =	sadd.s32 $0x20, s6;
	s14 =	sld [smem:$0x7D8]  }
0x2a4: {  	[hbm4b:s13+s3] =	stream.linear.scatter [tilespmem:s12], [sflag:$0x2], $0x80, $0x38;
	[tilespmem:$0xC000] =	vst v63  }
0x2a5: {  	s6 =	sadd.s32 $0x30, s6;
	s15 =	sor.u32 $0xD00, s0  }
0x2a6: {  	[hbm4b:s6+s3] =	stream.linear.scatter [tilespmem:s15], [sflag:$0x2], $0x80, $0x38;
	[tilespmem:$0xC000] =	vst v63  }
0x2a7: {  	s24 =	sor.u32 $0x180, s0;
	s6 =	sadd.s32 s8, s14  }
0x2a8: {  	[hbm4b:s6+s3] =	stream.linear.scatter [tilespmem:s24], [sflag:$0x2], $0x80, $0x38;
	[tilespmem:$0xC000] =	vst v63  }
0x2a9: {  	s11 =	sor.u32 $0x580, s0;
	s12 =	sadd.s32 $0x10, s6  }
0x2aa: {  	[hbm4b:s12+s3] =	stream.linear.scatter [tilespmem:s11], [sflag:$0x2], $0x80, $0x38;
	[tilespmem:$0xC000] =	vst v63  }
0x2ab: {  	s13 =	sor.u32 $0x980, s0;
	s15 =	sld [smem:$0x7D2];
	s14 =	sadd.s32 $0x20, s6  }
0x2ac: {  	[hbm4b:s14+s3] =	stream.linear.scatter [tilespmem:s13], [sflag:$0x2], $0x80, $0x38;
	[tilespmem:$0xC000] =	vst v63  }
0x2ad: {  	s24 =	sor.u32 $0xD80, s0;
	s6 =	sadd.s32 $0x30, s6  }
0x2ae: {  	[hbm4b:s6+s3] =	stream.linear.scatter [tilespmem:s24], [sflag:$0x2], $0x80, $0x38;
	[tilespmem:$0xC000] =	vst v63  }
0x2af: {  	s11 =	sor.u32 $0x200, s0;
	s6 =	sadd.s32 s8, s15  }
0x2b0: {  	[hbm4b:s6+s3] =	stream.linear.scatter [tilespmem:s11], [sflag:$0x2], $0x80, $0x38;
	[tilespmem:$0xC000] =	vst v63  }
0x2b1: {  	s12 =	sor.u32 $0x600, s0;
	s13 =	sadd.s32 $0x10, s6  }
0x2b2: {  	[hbm4b:s13+s3] =	stream.linear.scatter [tilespmem:s12], [sflag:$0x2], $0x80, $0x38;
	[tilespmem:$0xC000] =	vst v63  }
0x2b3: {  	s14 =	sor.u32 $0xA00, s0;
	s15 =	sadd.s32 $0x20, s6  }
0x2b4: {  	[hbm4b:s15+s3] =	stream.linear.scatter [tilespmem:s14], [sflag:$0x2], $0x80, $0x38;
	[tilespmem:$0xC000] =	vst v63  }
0x2b5: {  	s24 =	rddreg [dreg:$0x1f];
	s6 =	sadd.s32 $0x30, s6;
	s13 =	sor.u32 $0xE00, s0  }
0x2b6: {  	[hbm4b:s6+s3] =	stream.linear.scatter [tilespmem:s13], [sflag:$0x2], $0x80, $0x38;
	[tilespmem:$0xC000] =	vst v63  }
0x2b7: {  	s14 =	sor.u32 $0x280, s0;
	s6 =	sadd.s32 s8, s24  }
0x2b8: {  	[hbm4b:s6+s3] =	stream.linear.scatter [tilespmem:s14], [sflag:$0x2], $0x80, $0x38;
	[tilespmem:$0xC000] =	vst v63  }
0x2b9: {  	s15 =	sor.u32 $0x680, s0;
	s24 =	sadd.s32 $0x10, s6  }
0x2ba: {  	[hbm4b:s24+s3] =	stream.linear.scatter [tilespmem:s15], [sflag:$0x2], $0x80, $0x38;
	[tilespmem:$0xC000] =	vst v63  }
0x2bb: {  	s12 =	sor.u32 $0xA80, s0;
	s13 =	sadd.s32 $0x20, s6  }
0x2bc: {  	[hbm4b:s13+s3] =	stream.linear.scatter [tilespmem:s12], [sflag:$0x2], $0x80, $0x38;
	[tilespmem:$0xC000] =	vst v63  }
0x2bd: {  	s14 =	rddreg [dreg:$0x1e];
	s6 =	sadd.s32 $0x30, s6;
	s15 =	sor.u32 $0xE80, s0  }
0x2be: {  	[hbm4b:s6+s3] =	stream.linear.scatter [tilespmem:s15], [sflag:$0x2], $0x80, $0x38;
	[tilespmem:$0xC000] =	vst v63  }
0x2bf: {  	s24 =	sor.u32 $0x300, s0;
	s6 =	sadd.s32 s8, s14  }
0x2c0: {  	[hbm4b:s6+s3] =	stream.linear.scatter [tilespmem:s24], [sflag:$0x2], $0x80, $0x38;
	[tilespmem:$0xC000] =	vst v63  }
0x2c1: {  	s11 =	sor.u32 $0x700, s0;
	s12 =	sadd.s32 $0x10, s6  }
0x2c2: {  	[hbm4b:s12+s3] =	stream.linear.scatter [tilespmem:s11], [sflag:$0x2], $0x80, $0x38;
	[tilespmem:$0xC000] =	vst v63  }
0x2c3: {  	s13 =	sor.u32 $0xB00, s0;
	s14 =	sadd.s32 $0x20, s6  }
0x2c4: {  	[hbm4b:s14+s3] =	stream.linear.scatter [tilespmem:s13], [sflag:$0x2], $0x80, $0x38;
	[tilespmem:$0xC000] =	vst v63  }
0x2c5: {  	s15 =	rddreg [dreg:$0x1d];
	s24 =	sor.u32 $0xF00, s0;
	s6 =	sadd.s32 $0x30, s6  }
0x2c6: {  	[hbm4b:s6+s3] =	stream.linear.scatter [tilespmem:s24], [sflag:$0x2], $0x80, $0x38;
	[tilespmem:$0xC000] =	vst v63  }
0x2c7: {  	s11 =	sor.u32 $0x380, s0;
	s6 =	sadd.s32 s8, s15  }
0x2c8: {  	[hbm4b:s6+s3] =	stream.linear.scatter [tilespmem:s11], [sflag:$0x2], $0x80, $0x38;
	[tilespmem:$0xC000] =	vst v63  }
0x2c9: {  	s12 =	sor.u32 $0x780, s0;
	s13 =	sadd.s32 $0x10, s6  }
0x2ca: {  	[hbm4b:s13+s3] =	stream.linear.scatter [tilespmem:s12], [sflag:$0x2], $0x80, $0x38;
	[tilespmem:$0xC000] =	vst v63  }
0x2cb: {  	s14 =	sor.u32 $0xB80, s0;
	s15 =	sadd.s32 $0x20, s6  }
0x2cc: {  	[hbm4b:s15+s3] =	stream.linear.scatter [tilespmem:s14], [sflag:$0x2], $0x80, $0x38;
	[tilespmem:$0xC000] =	vst v63  }
0x2cd: {  	s24 =	rddreg [dreg:$0x1c];
	s6 =	sadd.s32 $0x30, s6;
	s13 =	sor.u32 $0xF80, s0  }
0x2ce: {  	[hbm4b:s6+s3] =	stream.linear.scatter [tilespmem:s13], [sflag:$0x2], $0x80, $0x38;
	[tilespmem:$0xC000] =	vst v63  }
0x2cf: {  	s14 =	sor.u32 $0x1000, s0;
	s6 =	sadd.s32 s8, s24  }
0x2d0: {  	[hbm4b:s6+s3] =	stream.linear.scatter [tilespmem:s14], [sflag:$0x2], $0x80, $0x38;
	[tilespmem:$0xC000] =	vst v63  }
0x2d1: {  	s15 =	sor.u32 $0x1400, s0;
	s24 =	sadd.s32 $0x10, s6  }
0x2d2: {  	[hbm4b:s24+s3] =	stream.linear.scatter [tilespmem:s15], [sflag:$0x2], $0x80, $0x38;
	[tilespmem:$0xC000] =	vst v63  }
0x2d3: {  	s12 =	sor.u32 $0x1800, s0;
	s13 =	sadd.s32 $0x20, s6  }
0x2d4: {  	[hbm4b:s13+s3] =	stream.linear.scatter [tilespmem:s12], [sflag:$0x2], $0x80, $0x38;
	[tilespmem:$0xC000] =	vst v63  }
0x2d5: {  	s14 =	rddreg [dreg:$0x1b];
	s6 =	sadd.s32 $0x30, s6;
	s15 =	sor.u32 $0x1C00, s0  }
0x2d6: {  	[hbm4b:s6+s3] =	stream.linear.scatter [tilespmem:s15], [sflag:$0x2], $0x80, $0x38;
	[tilespmem:$0xC000] =	vst v63  }
0x2d7: {  	s24 =	sor.u32 $0x1080, s0;
	s6 =	sadd.s32 s8, s14  }
0x2d8: {  	[hbm4b:s6+s3] =	stream.linear.scatter [tilespmem:s24], [sflag:$0x2], $0x80, $0x38;
	[tilespmem:$0xC000] =	vst v63  }
0x2d9: {  	s11 =	sor.u32 $0x1480, s0;
	s12 =	sadd.s32 $0x10, s6  }
0x2da: {  	[hbm4b:s12+s3] =	stream.linear.scatter [tilespmem:s11], [sflag:$0x2], $0x80, $0x38;
	[tilespmem:$0xC000] =	vst v63  }
0x2db: {  	s13 =	sor.u32 $0x1880, s0;
	s14 =	sadd.s32 $0x20, s6  }
0x2dc: {  	[hbm4b:s14+s3] =	stream.linear.scatter [tilespmem:s13], [sflag:$0x2], $0x80, $0x38;
	[tilespmem:$0xC000] =	vst v63  }
0x2dd: {  	s15 =	rddreg [dreg:$0x1a];
	s24 =	sor.u32 $0x1C80, s0;
	s6 =	sadd.s32 $0x30, s6  }
0x2de: {  	[hbm4b:s6+s3] =	stream.linear.scatter [tilespmem:s24], [sflag:$0x2], $0x80, $0x38;
	[tilespmem:$0xC000] =	vst v63  }
0x2df: {  	s11 =	sor.u32 $0x1100, s0;
	s6 =	sadd.s32 s8, s15  }
0x2e0: {  	[hbm4b:s6+s3] =	stream.linear.scatter [tilespmem:s11], [sflag:$0x2], $0x80, $0x38;
	[tilespmem:$0xC000] =	vst v63  }
0x2e1: {  	s12 =	sor.u32 $0x1500, s0;
	s13 =	sadd.s32 $0x10, s6  }
0x2e2: {  	[hbm4b:s13+s3] =	stream.linear.scatter [tilespmem:s12], [sflag:$0x2], $0x80, $0x38;
	[tilespmem:$0xC000] =	vst v63  }
0x2e3: {  	s14 =	sor.u32 $0x1900, s0;
	s15 =	sadd.s32 $0x20, s6  }
0x2e4: {  	[hbm4b:s15+s3] =	stream.linear.scatter [tilespmem:s14], [sflag:$0x2], $0x80, $0x38;
	[tilespmem:$0xC000] =	vst v63  }
0x2e5: {  	s24 =	rddreg [dreg:$0x19];
	s6 =	sadd.s32 $0x30, s6;
	s13 =	sor.u32 $0x1D00, s0  }
0x2e6: {  	[hbm4b:s6+s3] =	stream.linear.scatter [tilespmem:s13], [sflag:$0x2], $0x80, $0x38;
	[tilespmem:$0xC000] =	vst v63  }
0x2e7: {  	s14 =	sor.u32 $0x1180, s0;
	s6 =	sadd.s32 s8, s24  }
0x2e8: {  	[hbm4b:s6+s3] =	stream.linear.scatter [tilespmem:s14], [sflag:$0x2], $0x80, $0x38;
	[tilespmem:$0xC000] =	vst v63  }
0x2e9: {  	s15 =	sor.u32 $0x1580, s0;
	s24 =	sadd.s32 $0x10, s6  }
0x2ea: {  	[hbm4b:s24+s3] =	stream.linear.scatter [tilespmem:s15], [sflag:$0x2], $0x80, $0x38;
	[tilespmem:$0xC000] =	vst v63  }
0x2eb: {  	s12 =	sor.u32 $0x1980, s0;
	s13 =	sadd.s32 $0x20, s6  }
0x2ec: {  	[hbm4b:s13+s3] =	stream.linear.scatter [tilespmem:s12], [sflag:$0x2], $0x80, $0x38;
	[tilespmem:$0xC000] =	vst v63  }
0x2ed: {  	s14 =	rddreg [dreg:$0x18];
	s6 =	sadd.s32 $0x30, s6;
	s15 =	sor.u32 $0x1D80, s0  }
0x2ee: {  	[hbm4b:s6+s3] =	stream.linear.scatter [tilespmem:s15], [sflag:$0x2], $0x80, $0x38;
	[tilespmem:$0xC000] =	vst v63  }
0x2ef: {  	s24 =	sor.u32 $0x1200, s0;
	s6 =	sadd.s32 s8, s14  }
0x2f0: {  	[hbm4b:s6+s3] =	stream.linear.scatter [tilespmem:s24], [sflag:$0x2], $0x80, $0x38;
	[tilespmem:$0xC000] =	vst v63  }
0x2f1: {  	s11 =	sor.u32 $0x1600, s0;
	s12 =	sadd.s32 $0x10, s6  }
0x2f2: {  	[hbm4b:s12+s3] =	stream.linear.scatter [tilespmem:s11], [sflag:$0x2], $0x80, $0x38;
	[tilespmem:$0xC000] =	vst v63  }
0x2f3: {  	s13 =	sor.u32 $0x1A00, s0;
	s14 =	sadd.s32 $0x20, s6  }
0x2f4: {  	[hbm4b:s14+s3] =	stream.linear.scatter [tilespmem:s13], [sflag:$0x2], $0x80, $0x38;
	[tilespmem:$0xC000] =	vst v63  }
0x2f5: {  	s15 =	rddreg [dreg:$0x17];
	s24 =	sor.u32 $0x1E00, s0;
	s6 =	sadd.s32 $0x30, s6  }
0x2f6: {  	[hbm4b:s6+s3] =	stream.linear.scatter [tilespmem:s24], [sflag:$0x2], $0x80, $0x38;
	[tilespmem:$0xC000] =	vst v63  }
0x2f7: {  	s11 =	sor.u32 $0x1280, s0;
	s6 =	sadd.s32 s8, s15  }
0x2f8: {  	[hbm4b:s6+s3] =	stream.linear.scatter [tilespmem:s11], [sflag:$0x2], $0x80, $0x38;
	[tilespmem:$0xC000] =	vst v63  }
0x2f9: {  	s12 =	sor.u32 $0x1680, s0;
	s13 =	sadd.s32 $0x10, s6  }
0x2fa: {  	[hbm4b:s13+s3] =	stream.linear.scatter [tilespmem:s12], [sflag:$0x2], $0x80, $0x38;
	[tilespmem:$0xC000] =	vst v63  }
0x2fb: {  	s14 =	sor.u32 $0x1A80, s0;
	s15 =	sadd.s32 $0x20, s6  }
0x2fc: {  	[hbm4b:s15+s3] =	stream.linear.scatter [tilespmem:s14], [sflag:$0x2], $0x80, $0x38;
	[tilespmem:$0xC000] =	vst v63  }
0x2fd: {  	s24 =	rddreg [dreg:$0x16];
	s6 =	sadd.s32 $0x30, s6;
	s13 =	sor.u32 $0x1E80, s0  }
0x2fe: {  	[hbm4b:s6+s3] =	stream.linear.scatter [tilespmem:s13], [sflag:$0x2], $0x80, $0x38;
	[tilespmem:$0xC000] =	vst v63  }
0x2ff: {  	s14 =	sor.u32 $0x1300, s0;
	s6 =	sadd.s32 s8, s24  }
0x300: {  	[hbm4b:s6+s3] =	stream.linear.scatter [tilespmem:s14], [sflag:$0x2], $0x80, $0x38;
	[tilespmem:$0xC000] =	vst v63  }
0x301: {  	s15 =	sor.u32 $0x1700, s0;
	s24 =	sadd.s32 $0x10, s6  }
0x302: {  	[hbm4b:s24+s3] =	stream.linear.scatter [tilespmem:s15], [sflag:$0x2], $0x80, $0x38;
	[tilespmem:$0xC000] =	vst v63  }
0x303: {  	s12 =	sor.u32 $0x1B00, s0;
	s13 =	sadd.s32 $0x20, s6  }
0x304: {  	[hbm4b:s13+s3] =	stream.linear.scatter [tilespmem:s12], [sflag:$0x2], $0x80, $0x38;
	[tilespmem:$0xC000] =	vst v63  }
0x305: {  	s14 =	rddreg [dreg:$0x15];
	s6 =	sadd.s32 $0x30, s6;
	s15 =	sor.u32 $0x1F00, s0  }
0x306: {  	[hbm4b:s6+s3] =	stream.linear.scatter [tilespmem:s15], [sflag:$0x2], $0x80, $0x38;
	[tilespmem:$0xC000] =	vst v63  }
0x307: {  	s24 =	sor.u32 $0x1380, s0;
	s6 =	sadd.s32 s8, s14  }
0x308: {  	[hbm4b:s6+s3] =	stream.linear.scatter [tilespmem:s24], [sflag:$0x2], $0x80, $0x38;
	[tilespmem:$0xC000] =	vst v63  }
0x309: {  	s11 =	sor.u32 $0x1780, s0;
	s12 =	sadd.s32 $0x10, s6  }
0x30a: {  	[hbm4b:s12+s3] =	stream.linear.scatter [tilespmem:s11], [sflag:$0x2], $0x80, $0x38;
	[tilespmem:$0xC000] =	vst v63  }
0x30b: {  	s13 =	sor.u32 $0x1B80, s0;
	s14 =	sadd.s32 $0x20, s6  }
0x30c: {  	[hbm4b:s14+s3] =	stream.linear.scatter [tilespmem:s13], [sflag:$0x2], $0x80, $0x38;
	[tilespmem:$0xC000] =	vst v63  }
0x30d: {  	s15 =	rddreg [dreg:$0x14];
	s24 =	sor.u32 $0x1F80, s0;
	s6 =	sadd.s32 $0x30, s6  }
0x30e: {  	[hbm4b:s6+s3] =	stream.linear.scatter [tilespmem:s24], [sflag:$0x2], $0x80, $0x38;
	[tilespmem:$0xC000] =	vst v63  }
0x30f: {  	s11 =	sor.u32 $0x2000, s0;
	s6 =	sadd.s32 s8, s15  }
0x310: {  	[hbm4b:s6+s3] =	stream.linear.scatter [tilespmem:s11], [sflag:$0x2], $0x80, $0x38;
	[tilespmem:$0xC000] =	vst v63  }
0x311: {  	s12 =	sor.u32 $0x2400, s0;
	s13 =	sadd.s32 $0x10, s6  }
0x312: {  	[hbm4b:s13+s3] =	stream.linear.scatter [tilespmem:s12], [sflag:$0x2], $0x80, $0x38;
	[tilespmem:$0xC000] =	vst v63  }
0x313: {  	s14 =	sor.u32 $0x2800, s0;
	s15 =	sadd.s32 $0x20, s6  }
0x314: {  	[hbm4b:s15+s3] =	stream.linear.scatter [tilespmem:s14], [sflag:$0x2], $0x80, $0x38;
	[tilespmem:$0xC000] =	vst v63  }
0x315: {  	s24 =	rddreg [dreg:$0x13];
	s6 =	sadd.s32 $0x30, s6;
	s13 =	sor.u32 $0x2C00, s0  }
0x316: {  	[hbm4b:s6+s3] =	stream.linear.scatter [tilespmem:s13], [sflag:$0x2], $0x80, $0x38;
	[tilespmem:$0xC000] =	vst v63  }
0x317: {  	s14 =	sor.u32 $0x2080, s0;
	s6 =	sadd.s32 s8, s24  }
0x318: {  	[hbm4b:s6+s3] =	stream.linear.scatter [tilespmem:s14], [sflag:$0x2], $0x80, $0x38;
	[tilespmem:$0xC000] =	vst v63  }
0x319: {  	s15 =	sor.u32 $0x2480, s0;
	s24 =	sadd.s32 $0x10, s6  }
0x31a: {  	[hbm4b:s24+s3] =	stream.linear.scatter [tilespmem:s15], [sflag:$0x2], $0x80, $0x38;
	[tilespmem:$0xC000] =	vst v63  }
0x31b: {  	s12 =	sor.u32 $0x2880, s0;
	s13 =	sadd.s32 $0x20, s6  }
0x31c: {  	[hbm4b:s13+s3] =	stream.linear.scatter [tilespmem:s12], [sflag:$0x2], $0x80, $0x38;
	[tilespmem:$0xC000] =	vst v63  }
0x31d: {  	s14 =	rddreg [dreg:$0x12];
	s6 =	sadd.s32 $0x30, s6;
	s15 =	sor.u32 $0x2C80, s0  }
0x31e: {  	[hbm4b:s6+s3] =	stream.linear.scatter [tilespmem:s15], [sflag:$0x2], $0x80, $0x38;
	[tilespmem:$0xC000] =	vst v63  }
0x31f: {  	s24 =	sor.u32 $0x2100, s0;
	s6 =	sadd.s32 s8, s14  }
0x320: {  	[hbm4b:s6+s3] =	stream.linear.scatter [tilespmem:s24], [sflag:$0x2], $0x80, $0x38;
	[tilespmem:$0xC000] =	vst v63  }
0x321: {  	s11 =	sor.u32 $0x2500, s0;
	s12 =	sadd.s32 $0x10, s6  }
0x322: {  	[hbm4b:s12+s3] =	stream.linear.scatter [tilespmem:s11], [sflag:$0x2], $0x80, $0x38;
	[tilespmem:$0xC000] =	vst v63  }
0x323: {  	s13 =	sor.u32 $0x2900, s0;
	s14 =	sadd.s32 $0x20, s6  }
0x324: {  	[hbm4b:s14+s3] =	stream.linear.scatter [tilespmem:s13], [sflag:$0x2], $0x80, $0x38;
	[tilespmem:$0xC000] =	vst v63  }
0x325: {  	s15 =	rddreg [dreg:$0x11];
	s24 =	sor.u32 $0x2D00, s0;
	s6 =	sadd.s32 $0x30, s6  }
0x326: {  	[hbm4b:s6+s3] =	stream.linear.scatter [tilespmem:s24], [sflag:$0x2], $0x80, $0x38;
	[tilespmem:$0xC000] =	vst v63  }
0x327: {  	s11 =	sor.u32 $0x2180, s0;
	s6 =	sadd.s32 s8, s15  }
0x328: {  	[hbm4b:s6+s3] =	stream.linear.scatter [tilespmem:s11], [sflag:$0x2], $0x80, $0x38;
	[tilespmem:$0xC000] =	vst v63  }
0x329: {  	s12 =	sor.u32 $0x2580, s0;
	s13 =	sadd.s32 $0x10, s6  }
0x32a: {  	[hbm4b:s13+s3] =	stream.linear.scatter [tilespmem:s12], [sflag:$0x2], $0x80, $0x38;
	[tilespmem:$0xC000] =	vst v63  }
0x32b: {  	s14 =	sor.u32 $0x2980, s0;
	s15 =	sadd.s32 $0x20, s6  }
0x32c: {  	[hbm4b:s15+s3] =	stream.linear.scatter [tilespmem:s14], [sflag:$0x2], $0x80, $0x38;
	[tilespmem:$0xC000] =	vst v63  }
0x32d: {  	s24 =	rddreg [dreg:$0x10];
	s6 =	sadd.s32 $0x30, s6;
	s13 =	sor.u32 $0x2D80, s0  }
0x32e: {  	[hbm4b:s6+s3] =	stream.linear.scatter [tilespmem:s13], [sflag:$0x2], $0x80, $0x38;
	[tilespmem:$0xC000] =	vst v63  }
0x32f: {  	s14 =	sor.u32 $0x2200, s0;
	s6 =	sadd.s32 s8, s24  }
0x330: {  	[hbm4b:s6+s3] =	stream.linear.scatter [tilespmem:s14], [sflag:$0x2], $0x80, $0x38;
	[tilespmem:$0xC000] =	vst v63  }
0x331: {  	s15 =	sor.u32 $0x2600, s0;
	s24 =	sadd.s32 $0x10, s6  }
0x332: {  	[hbm4b:s24+s3] =	stream.linear.scatter [tilespmem:s15], [sflag:$0x2], $0x80, $0x38;
	[tilespmem:$0xC000] =	vst v63  }
0x333: {  	s12 =	sor.u32 $0x2A00, s0;
	s13 =	sadd.s32 $0x20, s6  }
0x334: {  	[hbm4b:s13+s3] =	stream.linear.scatter [tilespmem:s12], [sflag:$0x2], $0x80, $0x38;
	[tilespmem:$0xC000] =	vst v63  }
0x335: {  	s14 =	rddreg [dreg:$0xf];
	s6 =	sadd.s32 $0x30, s6;
	s15 =	sor.u32 $0x2E00, s0  }
0x336: {  	[hbm4b:s6+s3] =	stream.linear.scatter [tilespmem:s15], [sflag:$0x2], $0x80, $0x38;
	[tilespmem:$0xC000] =	vst v63  }
0x337: {  	s24 =	sor.u32 $0x2280, s0;
	s6 =	sadd.s32 s8, s14  }
0x338: {  	[hbm4b:s6+s3] =	stream.linear.scatter [tilespmem:s24], [sflag:$0x2], $0x80, $0x38;
	[tilespmem:$0xC000] =	vst v63  }
0x339: {  	s11 =	sor.u32 $0x2680, s0;
	s12 =	sadd.s32 $0x10, s6  }
0x33a: {  	[hbm4b:s12+s3] =	stream.linear.scatter [tilespmem:s11], [sflag:$0x2], $0x80, $0x38;
	[tilespmem:$0xC000] =	vst v63  }
0x33b: {  	s13 =	sor.u32 $0x2A80, s0;
	s14 =	sadd.s32 $0x20, s6  }
0x33c: {  	[hbm4b:s14+s3] =	stream.linear.scatter [tilespmem:s13], [sflag:$0x2], $0x80, $0x38;
	[tilespmem:$0xC000] =	vst v63  }
0x33d: {  	s15 =	rddreg [dreg:$0xe];
	s24 =	sor.u32 $0x2E80, s0;
	s6 =	sadd.s32 $0x30, s6  }
0x33e: {  	[hbm4b:s6+s3] =	stream.linear.scatter [tilespmem:s24], [sflag:$0x2], $0x80, $0x38;
	[tilespmem:$0xC000] =	vst v63  }
0x33f: {  	s11 =	sor.u32 $0x2300, s0;
	s6 =	sadd.s32 s8, s15  }
0x340: {  	[hbm4b:s6+s3] =	stream.linear.scatter [tilespmem:s11], [sflag:$0x2], $0x80, $0x38;
	[tilespmem:$0xC000] =	vst v63  }
0x341: {  	s12 =	sor.u32 $0x2700, s0;
	s13 =	sadd.s32 $0x10, s6  }
0x342: {  	[hbm4b:s13+s3] =	stream.linear.scatter [tilespmem:s12], [sflag:$0x2], $0x80, $0x38;
	[tilespmem:$0xC000] =	vst v63  }
0x343: {  	s14 =	sor.u32 $0x2B00, s0;
	s15 =	sadd.s32 $0x20, s6  }
0x344: {  	[hbm4b:s15+s3] =	stream.linear.scatter [tilespmem:s14], [sflag:$0x2], $0x80, $0x38;
	[tilespmem:$0xC000] =	vst v63  }
0x345: {  	s24 =	rddreg [dreg:$0xd];
	s6 =	sadd.s32 $0x30, s6;
	s13 =	sor.u32 $0x2F00, s0  }
0x346: {  	[hbm4b:s6+s3] =	stream.linear.scatter [tilespmem:s13], [sflag:$0x2], $0x80, $0x38;
	[tilespmem:$0xC000] =	vst v63  }
0x347: {  	s14 =	sor.u32 $0x2380, s0;
	s6 =	sadd.s32 s8, s24  }
0x348: {  	[hbm4b:s6+s3] =	stream.linear.scatter [tilespmem:s14], [sflag:$0x2], $0x80, $0x38;
	[tilespmem:$0xC000] =	vst v63  }
0x349: {  	s15 =	sor.u32 $0x2780, s0;
	s24 =	sadd.s32 $0x10, s6  }
0x34a: {  	[hbm4b:s24+s3] =	stream.linear.scatter [tilespmem:s15], [sflag:$0x2], $0x80, $0x38;
	[tilespmem:$0xC000] =	vst v63  }
0x34b: {  	s12 =	sor.u32 $0x2B80, s0;
	s13 =	sadd.s32 $0x20, s6  }
0x34c: {  	[hbm4b:s13+s3] =	stream.linear.scatter [tilespmem:s12], [sflag:$0x2], $0x80, $0x38;
	[tilespmem:$0xC000] =	vst v63  }
0x34d: {  	s14 =	rddreg [dreg:$0xc];
	s6 =	sadd.s32 $0x30, s6;
	s15 =	sor.u32 $0x2F80, s0  }
0x34e: {  	[hbm4b:s6+s3] =	stream.linear.scatter [tilespmem:s15], [sflag:$0x2], $0x80, $0x38;
	[tilespmem:$0xC000] =	vst v63  }
0x34f: {  	s24 =	sor.u32 $0x3000, s0;
	s6 =	sadd.s32 s8, s14  }
0x350: {  	[hbm4b:s6+s3] =	stream.linear.scatter [tilespmem:s24], [sflag:$0x2], $0x80, $0x38;
	[tilespmem:$0xC000] =	vst v63  }
0x351: {  	s11 =	sor.u32 $0x3400, s0;
	s12 =	sadd.s32 $0x10, s6  }
0x352: {  	[hbm4b:s12+s3] =	stream.linear.scatter [tilespmem:s11], [sflag:$0x2], $0x80, $0x38;
	[tilespmem:$0xC000] =	vst v63  }
0x353: {  	s13 =	sor.u32 $0x3800, s0;
	s14 =	sadd.s32 $0x20, s6  }
0x354: {  	[hbm4b:s14+s3] =	stream.linear.scatter [tilespmem:s13], [sflag:$0x2], $0x80, $0x38;
	[tilespmem:$0xC000] =	vst v63  }
0x355: {  	s15 =	rddreg [dreg:$0xb];
	s24 =	sor.u32 $0x3C00, s0;
	s6 =	sadd.s32 $0x30, s6  }
0x356: {  	[hbm4b:s6+s3] =	stream.linear.scatter [tilespmem:s24], [sflag:$0x2], $0x80, $0x38;
	[tilespmem:$0xC000] =	vst v63  }
0x357: {  	s11 =	sor.u32 $0x3080, s0;
	s6 =	sadd.s32 s8, s15  }
0x358: {  	[hbm4b:s6+s3] =	stream.linear.scatter [tilespmem:s11], [sflag:$0x2], $0x80, $0x38;
	[tilespmem:$0xC000] =	vst v63  }
0x359: {  	s12 =	sor.u32 $0x3480, s0;
	s13 =	sadd.s32 $0x10, s6  }
0x35a: {  	[hbm4b:s13+s3] =	stream.linear.scatter [tilespmem:s12], [sflag:$0x2], $0x80, $0x38;
	[tilespmem:$0xC000] =	vst v63  }
0x35b: {  	s14 =	sor.u32 $0x3880, s0;
	s15 =	sadd.s32 $0x20, s6  }
0x35c: {  	[hbm4b:s15+s3] =	stream.linear.scatter [tilespmem:s14], [sflag:$0x2], $0x80, $0x38;
	[tilespmem:$0xC000] =	vst v63  }
0x35d: {  	s24 =	rddreg [dreg:$0xa];
	s6 =	sadd.s32 $0x30, s6;
	s13 =	sor.u32 $0x3C80, s0  }
0x35e: {  	[hbm4b:s6+s3] =	stream.linear.scatter [tilespmem:s13], [sflag:$0x2], $0x80, $0x38;
	[tilespmem:$0xC000] =	vst v63  }
0x35f: {  	s14 =	sor.u32 $0x3100, s0;
	s6 =	sadd.s32 s8, s24  }
0x360: {  	[hbm4b:s6+s3] =	stream.linear.scatter [tilespmem:s14], [sflag:$0x2], $0x80, $0x38;
	[tilespmem:$0xC000] =	vst v63  }
0x361: {  	s15 =	sor.u32 $0x3500, s0;
	s24 =	sadd.s32 $0x10, s6  }
0x362: {  	[hbm4b:s24+s3] =	stream.linear.scatter [tilespmem:s15], [sflag:$0x2], $0x80, $0x38;
	[tilespmem:$0xC000] =	vst v63  }
0x363: {  	s12 =	sor.u32 $0x3900, s0;
	s13 =	sadd.s32 $0x20, s6  }
0x364: {  	[hbm4b:s13+s3] =	stream.linear.scatter [tilespmem:s12], [sflag:$0x2], $0x80, $0x38;
	[tilespmem:$0xC000] =	vst v63  }
0x365: {  	s14 =	rddreg [dreg:$0x9];
	s6 =	sadd.s32 $0x30, s6;
	s15 =	sor.u32 $0x3D00, s0  }
0x366: {  	[hbm4b:s6+s3] =	stream.linear.scatter [tilespmem:s15], [sflag:$0x2], $0x80, $0x38;
	[tilespmem:$0xC000] =	vst v63  }
0x367: {  	s24 =	sor.u32 $0x3180, s0;
	s6 =	sadd.s32 s8, s14  }
0x368: {  	[hbm4b:s6+s3] =	stream.linear.scatter [tilespmem:s24], [sflag:$0x2], $0x80, $0x38;
	[tilespmem:$0xC000] =	vst v63  }
0x369: {  	s11 =	sor.u32 $0x3580, s0;
	s12 =	sadd.s32 $0x10, s6  }
0x36a: {  	[hbm4b:s12+s3] =	stream.linear.scatter [tilespmem:s11], [sflag:$0x2], $0x80, $0x38;
	[tilespmem:$0xC000] =	vst v63  }
0x36b: {  	s13 =	sor.u32 $0x3980, s0;
	s14 =	sadd.s32 $0x20, s6  }
0x36c: {  	[hbm4b:s14+s3] =	stream.linear.scatter [tilespmem:s13], [sflag:$0x2], $0x80, $0x38;
	[tilespmem:$0xC000] =	vst v63  }
0x36d: {  	s15 =	rddreg [dreg:$0x8];
	s24 =	sor.u32 $0x3D80, s0;
	s6 =	sadd.s32 $0x30, s6  }
0x36e: {  	[hbm4b:s6+s3] =	stream.linear.scatter [tilespmem:s24], [sflag:$0x2], $0x80, $0x38;
	[tilespmem:$0xC000] =	vst v63  }
0x36f: {  	s11 =	sor.u32 $0x3200, s0;
	s6 =	sadd.s32 s8, s15  }
0x370: {  	[hbm4b:s6+s3] =	stream.linear.scatter [tilespmem:s11], [sflag:$0x2], $0x80, $0x38;
	[tilespmem:$0xC000] =	vst v63  }
0x371: {  	s12 =	sor.u32 $0x3600, s0;
	s13 =	sadd.s32 $0x10, s6  }
0x372: {  	[hbm4b:s13+s3] =	stream.linear.scatter [tilespmem:s12], [sflag:$0x2], $0x80, $0x38;
	[tilespmem:$0xC000] =	vst v63  }
0x373: {  	s14 =	sor.u32 $0x3A00, s0;
	s15 =	sadd.s32 $0x20, s6  }
0x374: {  	[hbm4b:s15+s3] =	stream.linear.scatter [tilespmem:s14], [sflag:$0x2], $0x80, $0x38;
	[tilespmem:$0xC000] =	vst v63  }
0x375: {  	s24 =	rddreg [dreg:$0x7];
	s6 =	sadd.s32 $0x30, s6;
	s13 =	sor.u32 $0x3E00, s0  }
0x376: {  	[hbm4b:s6+s3] =	stream.linear.scatter [tilespmem:s13], [sflag:$0x2], $0x80, $0x38;
	[tilespmem:$0xC000] =	vst v63  }
0x377: {  	s14 =	sor.u32 $0x3280, s0;
	s6 =	sadd.s32 s8, s24  }
0x378: {  	[hbm4b:s6+s3] =	stream.linear.scatter [tilespmem:s14], [sflag:$0x2], $0x80, $0x38;
	[tilespmem:$0xC000] =	vst v63  }
0x379: {  	s15 =	sor.u32 $0x3680, s0;
	s24 =	sadd.s32 $0x10, s6  }
0x37a: {  	[hbm4b:s24+s3] =	stream.linear.scatter [tilespmem:s15], [sflag:$0x2], $0x80, $0x38;
	[tilespmem:$0xC000] =	vst v63  }
0x37b: {  	s12 =	sor.u32 $0x3A80, s0;
	s13 =	sadd.s32 $0x20, s6  }
0x37c: {  	[hbm4b:s13+s3] =	stream.linear.scatter [tilespmem:s12], [sflag:$0x2], $0x80, $0x38;
	[tilespmem:$0xC000] =	vst v63  }
0x37d: {  	s14 =	rddreg [dreg:$0x6];
	s6 =	sadd.s32 $0x30, s6;
	s15 =	sor.u32 $0x3E80, s0  }
0x37e: {  	[hbm4b:s6+s3] =	stream.linear.scatter [tilespmem:s15], [sflag:$0x2], $0x80, $0x38;
	[tilespmem:$0xC000] =	vst v63  }
0x37f: {  	s24 =	sor.u32 $0x3300, s0;
	s6 =	sadd.s32 s8, s14  }
0x380: {  	[hbm4b:s6+s3] =	stream.linear.scatter [tilespmem:s24], [sflag:$0x2], $0x80, $0x38;
	[tilespmem:$0xC000] =	vst v63  }
0x381: {  	s11 =	sor.u32 $0x3700, s0;
	s12 =	sadd.s32 $0x10, s6  }
0x382: {  	[hbm4b:s12+s3] =	stream.linear.scatter [tilespmem:s11], [sflag:$0x2], $0x80, $0x38;
	[tilespmem:$0xC000] =	vst v63  }
0x383: {  	s13 =	sor.u32 $0x3B00, s0;
	s14 =	sadd.s32 $0x20, s6  }
0x384: {  	[hbm4b:s14+s3] =	stream.linear.scatter [tilespmem:s13], [sflag:$0x2], $0x80, $0x38;
	[tilespmem:$0xC000] =	vst v63  }
0x385: {  	s15 =	rddreg [dreg:$0x5];
	s24 =	sor.u32 $0x3F00, s0;
	s6 =	sadd.s32 $0x30, s6  }
0x386: {  	[hbm4b:s6+s3] =	stream.linear.scatter [tilespmem:s24], [sflag:$0x2], $0x80, $0x38;
	[tilespmem:$0xC000] =	vst v63  }
0x387: {  	s11 =	sor.u32 $0x3380, s0;
	s6 =	sadd.s32 s8, s15  }
0x388: {  	[hbm4b:s6+s3] =	stream.linear.scatter [tilespmem:s11], [sflag:$0x2], $0x80, $0x38;
	[tilespmem:$0xC000] =	vst v63  }
0x389: {  	s12 =	sor.u32 $0x3780, s0;
	s13 =	sadd.s32 $0x10, s6  }
0x38a: {  	[hbm4b:s13+s3] =	stream.linear.scatter [tilespmem:s12], [sflag:$0x2], $0x80, $0x38;
	[tilespmem:$0xC000] =	vst v63  }
0x38b: {  	p2 =	sgt.u32 s7, $0x39;
	s14 =	sor.u32 $0x3B80, s0;
	s15 =	sadd.s32 $0x20, s6  }
0x38c: {  	[hbm4b:s15+s3] =	stream.linear.scatter [tilespmem:s14], [sflag:$0x2], $0x80, $0x38;
	[tilespmem:$0xC000] =	vst v63  }
0x38d: {  	s7 =	simm.s32 @!p2 $0x2;
	s24 =	sor.u32 $0x3F80, s0;
	s6 =	sadd.s32 $0x30, s6  }
0x38e: {  	[hbm4b:s6+s3] =	stream.linear.scatter [tilespmem:s24], [sflag:$0x2], $0x80, $0x38;
	[tilespmem:$0xC000] =	vst v63  }
0x38f: {  	_ =	swait.ge @!p2 [sflag:s7], $0x4000  }
0x390: {  	[sflag:s7] =	ssyncset.done @!p2 $0x0  }
0x391: {  	s6 =	simm.s32 @!p2 $0x7A1400;
	[sflag:s7] =	ssyncadd.s32 @!p2 $0xFFFFC000;
	s7 =	simm.s32 @!p2 $0x1000  }
0x392: {  	[tilespmem:s0], [sflag:$0x1] =	stream.strided.gather @!p2 [hbm4b:s2+s7], $0x4000, s6, s7, $0x38;
	[tilespmem:$0xC000] =	vst v63  }
0x393: {  	_ =	swait.ge [sflag:s26], $0x4000  }
0x394: {  	[sflag:s26] =	ssyncset.done $0x0  }
0x395: {  	[sflag:s26] =	ssyncadd.s32 $0xFFFFC000  }
0x396: {  	_ =	swait.ge [sflag:s26], $0x4000  }
.Ltmp3:
0x397: {  	[sflag:s26] =	ssyncset.done $0x0;
	(pc) =	sbr.rel @p1 .LBB2_5-.Ltmp3, $4  }
0x398: {  	[sflag:s26] =	ssyncadd.s32 $0xFFFFC000  }
0x399: {  	_ =	swait.ge [sflag:s26], $0x4000  }
0x39a: {  	[sflag:s26] =	ssyncset.done $0x0  }
0x39b: {  	[sflag:s26] =	ssyncadd.s32 $0xFFFFC000  }
0x39c: {  	[tilespmem:s3], [sflag:$0x3] =	stream.linear.gather [hbm4b:s28+s3], $0x400, $0x38;
	[tilespmem:$0xC000] =	vst v63  }
0x39d: {  	s0 =	sadd.s32 $0xF4280, s28  }
0x39e: {  	[tilespmem:s22], [sflag:$0x3] =	stream.linear.gather [hbm4b:s0+s3], $0x400, $0x38;
	[tilespmem:$0xC000] =	vst v63  }
0x39f: {  	s8 =	sadd.s32 $0x1E8500, s28  }
0x3a0: {  	[tilespmem:s29], [sflag:$0x3] =	stream.linear.gather [hbm4b:s8+s3], $0x400, $0x38;
	[tilespmem:$0xC000] =	vst v63  }
0x3a1: {  	s10 =	sadd.s32 $0x2DC780, s28  }
0x3a2: {  	[tilespmem:s30], [sflag:$0x3] =	stream.linear.gather [hbm4b:s10+s3], $0x400, $0x38;
	[tilespmem:$0xC000] =	vst v63  }
0x3a3: {  	_ =	swait.ge [sflag:s31], $0x1000  }
0x3a4: {  	s11 =	sld [smem:$0x7F1]  }
0x3a5: {  	[sflag:s31] =	ssyncset.done $0x0  }
0x3a6: {  	s12 =	sld [smem:$0x7BB];
	[sflag:s31] =	ssyncadd.s32 $0xFFFFF000  }
0x3a7: {  	[hbm4b:s11+s3] =	stream.linear.scatter [tilespmem:s3], [sflag:$0x2], $0x80, $0x38;
	[tilespmem:$0xC000] =	vst v63  }
0x3a8: {  	s2 =	simm.s32 $0x80;
	s13 =	sld [smem:$0x7BC]  }
0x3a9: {  	[hbm4b:s12+s3] =	stream.linear.scatter [tilespmem:s2], [sflag:$0x2], $0x80, $0x38;
	[tilespmem:$0xC000] =	vst v63  }
0x3aa: {  	s14 =	simm.s32 $0x100;
	s15 =	sld [smem:$0x7BD]  }
0x3ab: {  	[hbm4b:s13+s3] =	stream.linear.scatter [tilespmem:s14], [sflag:$0x2], $0x80, $0x38;
	[tilespmem:$0xC000] =	vst v63  }
0x3ac: {  	s24 =	simm.s32 $0x180;
	s2 =	sld [smem:$0x7BE]  }
0x3ad: {  	[hbm4b:s15+s3] =	stream.linear.scatter [tilespmem:s24], [sflag:$0x2], $0x80, $0x38;
	[tilespmem:$0xC000] =	vst v63  }
0x3ae: {  	s6 =	simm.s32 $0x200;
	s7 =	sld [smem:$0x7C5]  }
0x3af: {  	[hbm4b:s2+s3] =	stream.linear.scatter [tilespmem:s6], [sflag:$0x2], $0x80, $0x38;
	[tilespmem:$0xC000] =	vst v63  }
0x3b0: {  	s8 =	simm.s32 $0x280;
	s10 =	sld [smem:$0x7C6]  }
0x3b1: {  	[hbm4b:s7+s3] =	stream.linear.scatter [tilespmem:s8], [sflag:$0x2], $0x80, $0x38;
	[tilespmem:$0xC000] =	vst v63  }
0x3b2: {  	s11 =	simm.s32 $0x300;
	s12 =	sld [smem:$0x7C7]  }
0x3b3: {  	[hbm4b:s10+s3] =	stream.linear.scatter [tilespmem:s11], [sflag:$0x2], $0x80, $0x38;
	[tilespmem:$0xC000] =	vst v63  }
0x3b4: {  	s13 =	simm.s32 $0x380;
	s14 =	sld [smem:$0x7BF]  }
0x3b5: {  	[hbm4b:s12+s3] =	stream.linear.scatter [tilespmem:s13], [sflag:$0x2], $0x80, $0x38;
	[tilespmem:$0xC000] =	vst v63  }
0x3b6: {  	s15 =	sld [smem:$0x7C8]  }
0x3b7: {  	[hbm4b:s14+s3] =	stream.linear.scatter [tilespmem:s22], [sflag:$0x2], $0x80, $0x38;
	[tilespmem:$0xC000] =	vst v63  }
0x3b8: {  	s24 =	simm.s32 $0x1080;
	s6 =	sld [smem:$0x7C9]  }
0x3b9: {  	[hbm4b:s15+s3] =	stream.linear.scatter [tilespmem:s24], [sflag:$0x2], $0x80, $0x38;
	[tilespmem:$0xC000] =	vst v63  }
0x3ba: {  	s7 =	simm.s32 $0x1100;
	s8 =	sld [smem:$0x7CA]  }
0x3bb: {  	[hbm4b:s6+s3] =	stream.linear.scatter [tilespmem:s7], [sflag:$0x2], $0x80, $0x38;
	[tilespmem:$0xC000] =	vst v63  }
0x3bc: {  	s10 =	simm.s32 $0x1180;
	s11 =	sld [smem:$0x7C0]  }
0x3bd: {  	[hbm4b:s8+s3] =	stream.linear.scatter [tilespmem:s10], [sflag:$0x2], $0x80, $0x38;
	[tilespmem:$0xC000] =	vst v63  }
0x3be: {  	s12 =	simm.s32 $0x1200;
	s13 =	sld [smem:$0x7CB]  }
0x3bf: {  	[hbm4b:s11+s3] =	stream.linear.scatter [tilespmem:s12], [sflag:$0x2], $0x80, $0x38;
	[tilespmem:$0xC000] =	vst v63  }
0x3c0: {  	s14 =	simm.s32 $0x1280;
	s15 =	sld [smem:$0x7CC]  }
0x3c1: {  	[hbm4b:s13+s3] =	stream.linear.scatter [tilespmem:s14], [sflag:$0x2], $0x80, $0x38;
	[tilespmem:$0xC000] =	vst v63  }
0x3c2: {  	s2 =	sld [smem:$0x7CD];
	s24 =	simm.s32 $0x1300  }
0x3c3: {  	[hbm4b:s15+s3] =	stream.linear.scatter [tilespmem:s24], [sflag:$0x2], $0x80, $0x38;
	[tilespmem:$0xC000] =	vst v63  }
0x3c4: {  	s6 =	simm.s32 $0x1380;
	s7 =	sld [smem:$0x7C1]  }
0x3c5: {  	[hbm4b:s2+s3] =	stream.linear.scatter [tilespmem:s6], [sflag:$0x2], $0x80, $0x38;
	[tilespmem:$0xC000] =	vst v63  }
0x3c6: {  	s8 =	sld [smem:$0x7CE]  }
0x3c7: {  	[hbm4b:s7+s3] =	stream.linear.scatter [tilespmem:s29], [sflag:$0x2], $0x80, $0x38;
	[tilespmem:$0xC000] =	vst v63  }
0x3c8: {  	s10 =	simm.s32 $0x2080;
	s11 =	sld [smem:$0x7CF]  }
0x3c9: {  	[hbm4b:s8+s3] =	stream.linear.scatter [tilespmem:s10], [sflag:$0x2], $0x80, $0x38;
	[tilespmem:$0xC000] =	vst v63  }
0x3ca: {  	s12 =	simm.s32 $0x2100;
	s13 =	sld [smem:$0x7D0]  }
0x3cb: {  	[hbm4b:s11+s3] =	stream.linear.scatter [tilespmem:s12], [sflag:$0x2], $0x80, $0x38;
	[tilespmem:$0xC000] =	vst v63  }
0x3cc: {  	s14 =	simm.s32 $0x2180;
	s15 =	sld [smem:$0x7C2]  }
0x3cd: {  	[hbm4b:s13+s3] =	stream.linear.scatter [tilespmem:s14], [sflag:$0x2], $0x80, $0x38;
	[tilespmem:$0xC000] =	vst v63  }
0x3ce: {  	s24 =	simm.s32 $0x2200;
	s2 =	sld [smem:$0x7D1]  }
0x3cf: {  	[hbm4b:s15+s3] =	stream.linear.scatter [tilespmem:s24], [sflag:$0x2], $0x80, $0x38;
	[tilespmem:$0xC000] =	vst v63  }
0x3d0: {  	s6 =	simm.s32 $0x2280;
	s7 =	sld [smem:$0x7D3]  }
0x3d1: {  	[hbm4b:s2+s3] =	stream.linear.scatter [tilespmem:s6], [sflag:$0x2], $0x80, $0x38;
	[tilespmem:$0xC000] =	vst v63  }
0x3d2: {  	s8 =	simm.s32 $0x2300;
	s10 =	sld [smem:$0x7D4]  }
0x3d3: {  	[hbm4b:s7+s3] =	stream.linear.scatter [tilespmem:s8], [sflag:$0x2], $0x80, $0x38;
	[tilespmem:$0xC000] =	vst v63  }
0x3d4: {  	s11 =	simm.s32 $0x2380;
	s12 =	sld [smem:$0x7C3]  }
0x3d5: {  	[hbm4b:s10+s3] =	stream.linear.scatter [tilespmem:s11], [sflag:$0x2], $0x80, $0x38;
	[tilespmem:$0xC000] =	vst v63  }
0x3d6: {  	s13 =	sld [smem:$0x7D5]  }
0x3d7: {  	[hbm4b:s12+s3] =	stream.linear.scatter [tilespmem:s30], [sflag:$0x2], $0x80, $0x38;
	[tilespmem:$0xC000] =	vst v63  }
0x3d8: {  	s14 =	simm.s32 $0x3080;
	s15 =	sld [smem:$0x7D6]  }
0x3d9: {  	[hbm4b:s13+s3] =	stream.linear.scatter [tilespmem:s14], [sflag:$0x2], $0x80, $0x38;
	[tilespmem:$0xC000] =	vst v63  }
0x3da: {  	s24 =	simm.s32 $0x3100;
	s6 =	sld [smem:$0x7D7]  }
0x3db: {  	[hbm4b:s15+s3] =	stream.linear.scatter [tilespmem:s24], [sflag:$0x2], $0x80, $0x38;
	[tilespmem:$0xC000] =	vst v63  }
0x3dc: {  	s7 =	simm.s32 $0x3180;
	s8 =	sld [smem:$0x7C4]  }
0x3dd: {  	[hbm4b:s6+s3] =	stream.linear.scatter [tilespmem:s7], [sflag:$0x2], $0x80, $0x38;
	[tilespmem:$0xC000] =	vst v63  }
0x3de: {  	s10 =	simm.s32 $0x3200;
	s11 =	sld [smem:$0x7D9]  }
0x3df: {  	[hbm4b:s8+s3] =	stream.linear.scatter [tilespmem:s10], [sflag:$0x2], $0x80, $0x38;
	[tilespmem:$0xC000] =	vst v63  }
0x3e0: {  	s12 =	simm.s32 $0x3280;
	s13 =	sld [smem:$0x7DA]  }
0x3e1: {  	[hbm4b:s11+s3] =	stream.linear.scatter [tilespmem:s12], [sflag:$0x2], $0x80, $0x38;
	[tilespmem:$0xC000] =	vst v63  }
0x3e2: {  	s14 =	simm.s32 $0x3300;
	s15 =	sld [smem:$0x7DB]  }
0x3e3: {  	[hbm4b:s13+s3] =	stream.linear.scatter [tilespmem:s14], [sflag:$0x2], $0x80, $0x38;
	[tilespmem:$0xC000] =	vst v63  }
0x3e4: {  	s24 =	simm.s32 $0x3380  }
0x3e5: {  	[hbm4b:s15+s3] =	stream.linear.scatter [tilespmem:s24], [sflag:$0x2], $0x80, $0x38;
	[tilespmem:$0xC000] =	vst v63  }
0x3e6: {  	_ =	swait.ge [sflag:s26], $0x1000  }
0x3e7: {  	[sflag:s26] =	ssyncset.done $0x0  }
0x3e8: {  	[sflag:s26] =	ssyncadd.s32 $0xFFFFF000  }
.LBB2_5:
.Ltmp4:
0x3e9: {  	(pc) =	sbr.rel @p0 .LBB2_7-.Ltmp4, $1  }
0x3ea: {  	_ =	sdelay $0x3  }
0x3eb: {  	s0 =	rddreg [dreg:$0x1]  }
0x3ec: {  	[tilespmem:s3], [sflag:$0x3] =	stream.linear.gather [hbm4b:s0+s3], $0x400, $0x38;
	[tilespmem:$0xC000] =	vst v63  }
0x3ed: {  	_ = 	snop  }
0x3ee: {  	[tilespmem:s22], [sflag:$0x3] =	stream.linear.gather [hbm4b:s18+s3], $0x400, $0x38;
	[tilespmem:$0xC000] =	vst v63  }
0x3ef: {  	_ = 	snop  }
0x3f0: {  	[tilespmem:s29], [sflag:$0x3] =	stream.linear.gather [hbm4b:s20+s3], $0x400, $0x38;
	[tilespmem:$0xC000] =	vst v63  }
0x3f1: {  	_ = 	snop  }
0x3f2: {  	[tilespmem:s30], [sflag:$0x3] =	stream.linear.gather [hbm4b:s21+s3], $0x400, $0x38;
	[tilespmem:$0xC000] =	vst v63  }
0x3f3: {  	_ =	swait.ge [sflag:s31], $0x1000  }
0x3f4: {  	s13 =	sld [smem:$0x7DC]  }
0x3f5: {  	[sflag:s31] =	ssyncset.done $0x0  }
0x3f6: {  	s14 =	sld [smem:$0x7DD];
	[sflag:s31] =	ssyncadd.s32 $0xFFFFF000  }
0x3f7: {  	[hbm4b:s13+s3] =	stream.linear.scatter [tilespmem:s3], [sflag:$0x2], $0x80, $0x38;
	[tilespmem:$0xC000] =	vst v63  }
0x3f8: {  	s2 =	simm.s32 $0x80;
	s15 =	sld [smem:$0x7DE]  }
0x3f9: {  	[hbm4b:s14+s3] =	stream.linear.scatter [tilespmem:s2], [sflag:$0x2], $0x80, $0x38;
	[tilespmem:$0xC000] =	vst v63  }
0x3fa: {  	s24 =	simm.s32 $0x100;
	s6 =	sld [smem:$0x7DF]  }
0x3fb: {  	[hbm4b:s15+s3] =	stream.linear.scatter [tilespmem:s24], [sflag:$0x2], $0x80, $0x38;
	[tilespmem:$0xC000] =	vst v63  }
0x3fc: {  	s7 =	simm.s32 $0x180;
	s8 =	sld [smem:$0x7E0]  }
0x3fd: {  	[hbm4b:s6+s3] =	stream.linear.scatter [tilespmem:s7], [sflag:$0x2], $0x80, $0x38;
	[tilespmem:$0xC000] =	vst v63  }
0x3fe: {  	s10 =	simm.s32 $0x200;
	s11 =	sld [smem:$0x7E1]  }
0x3ff: {  	[hbm4b:s8+s3] =	stream.linear.scatter [tilespmem:s10], [sflag:$0x2], $0x80, $0x38;
	[tilespmem:$0xC000] =	vst v63  }
0x400: {  	s12 =	simm.s32 $0x280;
	s13 =	sld [smem:$0x7E2]  }
0x401: {  	[hbm4b:s11+s3] =	stream.linear.scatter [tilespmem:s12], [sflag:$0x2], $0x80, $0x38;
	[tilespmem:$0xC000] =	vst v63  }
0x402: {  	s14 =	simm.s32 $0x300;
	s15 =	sld [smem:$0x7E3]  }
0x403: {  	[hbm4b:s13+s3] =	stream.linear.scatter [tilespmem:s14], [sflag:$0x2], $0x80, $0x38;
	[tilespmem:$0xC000] =	vst v63  }
0x404: {  	s2 =	sld [smem:$0x7E5];
	s24 =	simm.s32 $0x380  }
0x405: {  	[hbm4b:s15+s3] =	stream.linear.scatter [tilespmem:s24], [sflag:$0x2], $0x80, $0x38;
	[tilespmem:$0xC000] =	vst v63  }
0x406: {  	s6 =	sld [smem:$0x7E6]  }
0x407: {  	[hbm4b:s2+s3] =	stream.linear.scatter [tilespmem:s22], [sflag:$0x2], $0x80, $0x38;
	[tilespmem:$0xC000] =	vst v63  }
0x408: {  	s7 =	simm.s32 $0x1080;
	s8 =	sld [smem:$0x7E7]  }
0x409: {  	[hbm4b:s6+s3] =	stream.linear.scatter [tilespmem:s7], [sflag:$0x2], $0x80, $0x38;
	[tilespmem:$0xC000] =	vst v63  }
0x40a: {  	s10 =	simm.s32 $0x1100;
	s11 =	sld [smem:$0x7E8]  }
0x40b: {  	[hbm4b:s8+s3] =	stream.linear.scatter [tilespmem:s10], [sflag:$0x2], $0x80, $0x38;
	[tilespmem:$0xC000] =	vst v63  }
0x40c: {  	s12 =	simm.s32 $0x1180;
	s13 =	sld [smem:$0x7E9]  }
0x40d: {  	[hbm4b:s11+s3] =	stream.linear.scatter [tilespmem:s12], [sflag:$0x2], $0x80, $0x38;
	[tilespmem:$0xC000] =	vst v63  }
0x40e: {  	s14 =	simm.s32 $0x1200;
	s15 =	sld [smem:$0x7EA]  }
0x40f: {  	[hbm4b:s13+s3] =	stream.linear.scatter [tilespmem:s14], [sflag:$0x2], $0x80, $0x38;
	[tilespmem:$0xC000] =	vst v63  }
0x410: {  	s24 =	simm.s32 $0x1280;
	s2 =	sld [smem:$0x7EB]  }
0x411: {  	[hbm4b:s15+s3] =	stream.linear.scatter [tilespmem:s24], [sflag:$0x2], $0x80, $0x38;
	[tilespmem:$0xC000] =	vst v63  }
0x412: {  	s6 =	simm.s32 $0x1300;
	s7 =	sld [smem:$0x7EC]  }
0x413: {  	[hbm4b:s2+s3] =	stream.linear.scatter [tilespmem:s6], [sflag:$0x2], $0x80, $0x38;
	[tilespmem:$0xC000] =	vst v63  }
0x414: {  	s8 =	simm.s32 $0x1380;
	s10 =	sld [smem:$0x7ED]  }
0x415: {  	[hbm4b:s7+s3] =	stream.linear.scatter [tilespmem:s8], [sflag:$0x2], $0x80, $0x38;
	[tilespmem:$0xC000] =	vst v63  }
0x416: {  	s11 =	sld [smem:$0x7EE]  }
0x417: {  	[hbm4b:s10+s3] =	stream.linear.scatter [tilespmem:s29], [sflag:$0x2], $0x80, $0x38;
	[tilespmem:$0xC000] =	vst v63  }
0x418: {  	s12 =	simm.s32 $0x2080;
	s13 =	sld [smem:$0x7EF]  }
0x419: {  	[hbm4b:s11+s3] =	stream.linear.scatter [tilespmem:s12], [sflag:$0x2], $0x80, $0x38;
	[tilespmem:$0xC000] =	vst v63  }
0x41a: {  	s14 =	simm.s32 $0x2100;
	s15 =	sld [smem:$0x7F0]  }
0x41b: {  	[hbm4b:s13+s3] =	stream.linear.scatter [tilespmem:s14], [sflag:$0x2], $0x80, $0x38;
	[tilespmem:$0xC000] =	vst v63  }
0x41c: {  	s24 =	simm.s32 $0x2180;
	s2 =	sld [smem:$0x7F2]  }
0x41d: {  	[hbm4b:s15+s3] =	stream.linear.scatter [tilespmem:s24], [sflag:$0x2], $0x80, $0x38;
	[tilespmem:$0xC000] =	vst v63  }
0x41e: {  	s6 =	simm.s32 $0x2200;
	s7 =	sld [smem:$0x7F3]  }
0x41f: {  	[hbm4b:s2+s3] =	stream.linear.scatter [tilespmem:s6], [sflag:$0x2], $0x80, $0x38;
	[tilespmem:$0xC000] =	vst v63  }
0x420: {  	s8 =	simm.s32 $0x2280;
	s10 =	sld [smem:$0x7F4]  }
0x421: {  	[hbm4b:s7+s3] =	stream.linear.scatter [tilespmem:s8], [sflag:$0x2], $0x80, $0x38;
	[tilespmem:$0xC000] =	vst v63  }
0x422: {  	s11 =	simm.s32 $0x2300;
	s12 =	sld [smem:$0x7F5]  }
0x423: {  	[hbm4b:s10+s3] =	stream.linear.scatter [tilespmem:s11], [sflag:$0x2], $0x80, $0x38;
	[tilespmem:$0xC000] =	vst v63  }
0x424: {  	s13 =	simm.s32 $0x2380;
	s14 =	sld [smem:$0x7F6]  }
0x425: {  	[hbm4b:s12+s3] =	stream.linear.scatter [tilespmem:s13], [sflag:$0x2], $0x80, $0x38;
	[tilespmem:$0xC000] =	vst v63  }
0x426: {  	s15 =	sld [smem:$0x7F7]  }
0x427: {  	[hbm4b:s14+s3] =	stream.linear.scatter [tilespmem:s30], [sflag:$0x2], $0x80, $0x38;
	[tilespmem:$0xC000] =	vst v63  }
0x428: {  	s24 =	simm.s32 $0x3080;
	s2 =	sld [smem:$0x7F9]  }
0x429: {  	[hbm4b:s15+s3] =	stream.linear.scatter [tilespmem:s24], [sflag:$0x2], $0x80, $0x38;
	[tilespmem:$0xC000] =	vst v63  }
0x42a: {  	s6 =	simm.s32 $0x3100;
	s7 =	sld [smem:$0x7FA]  }
0x42b: {  	[hbm4b:s2+s3] =	stream.linear.scatter [tilespmem:s6], [sflag:$0x2], $0x80, $0x38;
	[tilespmem:$0xC000] =	vst v63  }
0x42c: {  	s8 =	simm.s32 $0x3180;
	s10 =	sld [smem:$0x7FB]  }
0x42d: {  	[hbm4b:s7+s3] =	stream.linear.scatter [tilespmem:s8], [sflag:$0x2], $0x80, $0x38;
	[tilespmem:$0xC000] =	vst v63  }
0x42e: {  	s11 =	simm.s32 $0x3200;
	s12 =	sld [smem:$0x7FC]  }
0x42f: {  	[hbm4b:s10+s3] =	stream.linear.scatter [tilespmem:s11], [sflag:$0x2], $0x80, $0x38;
	[tilespmem:$0xC000] =	vst v63  }
0x430: {  	s13 =	simm.s32 $0x3280;
	s14 =	sld [smem:$0x7FD]  }
0x431: {  	[hbm4b:s12+s3] =	stream.linear.scatter [tilespmem:s13], [sflag:$0x2], $0x80, $0x38;
	[tilespmem:$0xC000] =	vst v63  }
0x432: {  	s15 =	simm.s32 $0x3300  }
0x433: {  	[hbm4b:s14+s3] =	stream.linear.scatter [tilespmem:s15], [sflag:$0x2], $0x80, $0x38;
	[tilespmem:$0xC000] =	vst v63  }
.Ltmp5:
0x434: {  	s24 =	simm.s32 $0x3380;
	(pc) =	sbr.rel .LBB2_7-.Ltmp5, $4  }
0x435: {  	[hbm4b:s16+s3] =	stream.linear.scatter [tilespmem:s24], [sflag:$0x2], $0x80, $0x38;
	[tilespmem:$0xC000] =	vst v63  }
0x436: {  	_ =	swait.ge [sflag:s26], $0x1000  }
0x437: {  	[sflag:s26] =	ssyncset.done $0x0  }
0x438: {  	[sflag:s26] =	ssyncadd.s32 $0xFFFFF000  }
.LBB2_8:
0x439: {  	_ =	sfence.sel $0x180000  }
0x43a: {  	[bflag:$0x0] =	sbarrier.arrive $0xFFFF  }
0x43b: {  	_ =	strace $0x90000047  }
0x43c: {  	s0 =	stileid.u32;
	[bflag:$0x2] =	sbarrier.arrive $0xFFFF  }
0x43d: {  	p0 =	sne.s32 s0, $0x0;
	s0 =	rddreg [dreg:$0x3]  }
0x43e: {  	s0 =	sadd.s32 @!p0 $0x100000, s0  }
0x43f: {  	[sflag:s0] =	ssyncadd.tile.s32 @!p0 $0x1;
	_ =	shalt  }
.Lfunc_end2:
_tile_overlayer_lowered:
.L_overlay_start_2:
0x440: {  	(tag) =	ssettag $0x2  }
0x441: {  	s0 =	rddreg [dreg:$0x0];
	s2 =	stileid.u32  }
0x442: {  	s1 =	rddreg [dreg:$0x1];
	p0 =	sne.s32 s2, $0x0  }
0x443: {  	s3 =	rddreg [dreg:$0x2];
	[bflag:$0x3] =	sbarrier.arrive $0xFFFF;
	s2 =	simm.s32 @!p0 $0x1C03  }
0x444: {  	[timem:s3], [sflag:s2] =	dma.local @!p0 [hbm:s0], s1  }
0x445: {  	s0 =	simm.s32 @!p0 $0x3  }
0x446: {  	_ =	swait.ge @!p0 [sflag:s0], s1  }
0x447: {  	s1 =	ssub.s32 @!p0 $0x0, s1;
	[sflag:s0] =	ssyncset.done @!p0 $0x0  }
0x448: {  	[sflag:s0] =	ssyncadd.s32 @!p0 s1  }
0x449: {  	[bflag:$0x3] =	sbarrier.arrive $0xFFFF  }
0x44a: {  	_ =	shalt  }

// kernel: kernel.7.cloned.1.call-start
scs
__scs_entry_jumppad:
0x0: {  	(pc) =	sbr.rel $0x88, $3  }
0x1: {  	(tag) =	ssettag $0x0;
	lr =	simm.s32 $0x1  }
0x2: {  	[smem:$0x3F9F] =	sst lr;
	_ =	strace $0xD0000000  }
0x3: {  	_ = 	snop  }
0x4: {  	_ = 	snop  }
0x5: {  	_ = 	snop  }
0x6: {  	_ = 	snop  }
0x7: {  	_ = 	snop  }
__scs_overlays_trampoline_lowered:
0x8: {  	[smem:$0x3FAE] =	sst s0  }
0x9: {  	[smem:$0x3FAF] =	sst s1  }
0xa: {  	[smem:$0x3FB0] =	sst s2  }
0xb: {  	[smem:$0x3FB1] =	sst s3  }
0xc: {  	[smem:$0x3FB2] =	sst s4  }
0xd: {  	[smem:$0x3FB3] =	sst s5  }
0xe: {  	[smem:$0x3FB4] =	sst s6  }
0xf: {  	[smem:$0x3FB5] =	sst s7  }
0x10: {  	[smem:$0x3FB6] =	sst s8  }
0x11: {  	[smem:$0x3FB7] =	sst s9;
	s0 =	simm.s32 @!p0 $0x0  }
0x12: {  	s1 =	sld [smem:$0x3F9D];
	s0 =	simm.s32 @p0 $0x1  }
0x13: {  	[smem:$0x3FB8] =	sst s0;
	s0 =	simm.s32 @!p1 $0x0  }
0x14: {  	s2 =	sld [smem:$0x3F9C];
	s0 =	simm.s32 @p1 $0x1  }
0x15: {  	[smem:$0x3FB9] =	sst s0;
	s0 =	simm.s32 @!p2 $0x0  }
0x16: {  	s3 =	sld [smem:$0x3FDB];
	s0 =	simm.s32 @p2 $0x1  }
0x17: {  	s4 =	simm.s32 $0x1BF5;
	[smem:$0x3FBB] =	sst s0  }
0x18: {  	s0 =	sld [smem:$0x3F9E];
	_ =	swait.ge [sflag:s4], $0x0  }
0x19: {  	s7 =	sld [smem:$0x3F9F]  }
0x1a: {  	s8 =	sadd.s32 $0xFFFFE003, lr  }
0x1b: {  	s9 =	sadd.s32 $0xFFFFFEF7, lr;
	s5 =	simm.s32 $0xFFFFFFFF;
	p2 =	slt.u32 s8, $0xFFFFF086  }
0x1c: {  	p1 =	slt.u32 s9, $0xF7A;
	s5 =	simm.s32 @!p2 $0x0  }
0x1d: {  	s5 =	simm.s32 @p1 $0x1;
	p0 =	seq.s32 s7, s2  }
0x1e: {  	s7 =	smul.u32 @!p0 $0xF7A, s2;
	p2 =	seq.s32 @!p0 s5, $0x0  }
0x1f: {  	s9 =	smul.u32 $0xF7A, s1;
	s8 =	simm.s32 @!p0 $0x1BF5;
	p2 =	por !p2, p0  }
0x20: {  	[sflag:s8] =	ssyncset.s32 @!p0 $0xFFFFF086;
	s6 =	sadd.s32 @!p0 s3, s7;
	s7 =	simm.s32 @!p0 $0x108  }
0x21: {  	s3 =	sadd.s32 s3, s9;
	s6 =	sadd.s32 @!p0 $0x88, s6;
	s7 =	simm.s32 @p2 $0x1082  }
0x22: {  	[simem:s7], [sflag:s8] =	dma.local @!p0 [hbm:s6], $0xF7A  }
0x23: {  	s9 =	sor.u32 $0xD0000000, s2;
	s6 =	simm.s32 $0x108;
	_ =	swait.ge @!p0 [sflag:s8], $0x0  }
0x24: {  	s3 =	sadd.s32 $0x88, s3;
	s6 =	simm.s32 @!p1 $0x1082;
	[sflag:s4] =	ssyncset.s32 $0xFFFFF086  }
0x25: {  	[simem:s6], [sflag:s4] =	dma.local [hbm:s3], $0xF7A  }
0x26: {  	[smem:$0x3F9F] =	sst s1;
	(tag) =	ssettag s2;
	_ =	strace s9  }
0x27: {  	s1 =	sld [smem:$0x3FAF]  }
0x28: {  	s2 =	sld [smem:$0x3FB0]  }
0x29: {  	s4 =	sld [smem:$0x3FB2]  }
0x2a: {  	p0 =	seq.s32 s5, $0x0;
	s5 =	sld [smem:$0x3FB3]  }
0x2b: {  	s6 =	sld [smem:$0x3FB4]  }
0x2c: {  	s7 =	sld [smem:$0x3FB5]  }
0x2d: {  	s3 =	simm.s32 $0x108;
	s8 =	sld [smem:$0x3FB6]  }
0x2e: {  	s3 =	simm.s32 @!p0 $0x1082;
	s9 =	sld [smem:$0x3FB7]  }
0x2f: {  	lr =	sadd.s32 s0, s3;
	s0 =	sld [smem:$0x3FAE]  }
0x30: {  	s3 =	sld [smem:$0x3FB1]  }
0x31: {  	[smem:$0x3FBA] =	sst s10  }
0x32: {  	s10 =	sld [smem:$0x3FB8];
	_ =	sdelay $0x3  }
0x33: {  	p0 =	seq.s32 s10, $0x1;
	s10 =	sld [smem:$0x3FBA];
	_ =	sdelay $0x3  }
0x34: {  	[smem:$0x3FBA] =	sst s10  }
0x35: {  	s10 =	sld [smem:$0x3FB9];
	_ =	sdelay $0x3  }
0x36: {  	p1 =	seq.s32 s10, $0x1;
	s10 =	sld [smem:$0x3FBA];
	_ =	sdelay $0x3  }
0x37: {  	[smem:$0x3FBA] =	sst s10  }
0x38: {  	s10 =	sld [smem:$0x3FBB]  }
0x39: {  	_ = 	snop;
	(pc) =	sbr.ind lr, $3  }
0x3a: {  	_ = 	snop  }
0x3b: {  	_ = 	snop  }
0x3c: {  	p2 =	seq.s32 s10, $0x1;
	s10 =	sld [smem:$0x3FBA]  }
0x3d: {  	_ =	shalt  }
0x3e: {  	_ =	shalt  }
0x3f: {  	_ =	shalt  }
0x40: {  	_ =	shalt  }
0x41: {  	_ =	shalt  }
0x42: {  	_ =	shalt  }
0x43: {  	_ =	shalt  }
0x44: {  	_ =	shalt  }
0x45: {  	_ =	shalt  }
0x46: {  	_ =	shalt  }
0x47: {  	_ =	shalt  }
0x48: {  	_ =	shalt  }
0x49: {  	_ =	shalt  }
0x4a: {  	_ =	shalt  }
0x4b: {  	_ =	shalt  }
0x4c: {  	_ =	shalt  }
0x4d: {  	_ =	shalt  }
0x4e: {  	_ =	shalt  }
0x4f: {  	_ =	shalt  }
0x50: {  	_ =	shalt  }
0x51: {  	_ =	shalt  }
0x52: {  	_ =	shalt  }
0x53: {  	_ =	shalt  }
0x54: {  	_ =	shalt  }
0x55: {  	_ =	shalt  }
0x56: {  	_ =	shalt  }
0x57: {  	_ =	shalt  }
0x58: {  	_ =	shalt  }
0x59: {  	_ =	shalt  }
0x5a: {  	_ =	shalt  }
0x5b: {  	_ =	shalt  }
0x5c: {  	_ =	shalt  }
0x5d: {  	_ =	shalt  }
0x5e: {  	_ =	shalt  }
0x5f: {  	_ =	shalt  }
0x60: {  	_ =	shalt  }
0x61: {  	_ =	shalt  }
0x62: {  	_ =	shalt  }
0x63: {  	_ =	shalt  }
0x64: {  	_ =	shalt  }
0x65: {  	_ =	shalt  }
0x66: {  	_ =	shalt  }
0x67: {  	_ =	shalt  }
0x68: {  	_ =	shalt  }
0x69: {  	_ =	shalt  }
0x6a: {  	_ =	shalt  }
0x6b: {  	_ =	shalt  }
0x6c: {  	_ =	shalt  }
0x6d: {  	_ =	shalt  }
0x6e: {  	_ =	shalt  }
0x6f: {  	_ =	shalt  }
0x70: {  	_ =	shalt  }
0x71: {  	_ =	shalt  }
0x72: {  	_ =	shalt  }
0x73: {  	_ =	shalt  }
0x74: {  	_ =	shalt  }
0x75: {  	_ =	shalt  }
0x76: {  	_ =	shalt  }
0x77: {  	_ =	shalt  }
0x78: {  	_ =	shalt  }
0x79: {  	_ =	shalt  }
0x7a: {  	_ =	shalt  }
0x7b: {  	_ =	shalt  }
0x7c: {  	_ =	shalt  }
0x7d: {  	_ =	shalt  }
0x7e: {  	_ =	shalt  }
0x7f: {  	_ =	shalt  }
0x80: {  	_ =	shalt  }
0x81: {  	_ =	shalt  }
0x82: {  	_ =	shalt  }
0x83: {  	_ =	shalt  }
0x84: {  	_ =	shalt  }
0x85: {  	_ =	shalt  }
0x86: {  	_ =	shalt  }
0x87: {  	_ =	shalt  }
.Lfunc_end0:
.L_simem_size_0:
called_computation.1_lowered:
.L_overlay_start_0:
0x88: {  	s2 =	sld [smem:$0x3FD9]  }
0x89: {  	s3 =	sld [smem:$0x3FFE];
	_ =	sdelay $0x1  }
0x8a: {  	s1 =	srdreg.scid  }
0x8b: {  	s0 =	sand.u32 $0x1, s1  }
0x8c: {  	s17 =	sshll.u32 s0, $0xA;
	s2 =	sadd.s32 s3, s2  }
0x8d: {  	s2 =	sadd.s32 s2, s17  }
0x8e: {  	[smem:$0x3FC6] =	sst s2  }
0x8f: {  	_ = 	snop  }
0x90: {  	s2 =	sld [smem:$0x3FC9];
	(tm) =	ssettm $0x1  }
0x91: {  	s18 =	sld [smem:$0x3FFB];
	_ =	sdelay $0x3  }
0x92: {  	_ =	strace s18  }
0x93: {  	s3 =	sld [smem:$0x3FFC];
	_ =	sdelay $0x3  }
0x94: {  	_ =	strace s3  }
0x95: {  	s3 =	sld [smem:$0x3FFD];
	_ =	sdelay $0x3  }
0x96: {  	_ =	strace s3  }
0x97: {  	_ =	strace $0x8FFFFFFF  }
0x98: {  	s19 =	sld [smem:$0x3FDB];
	_ =	sdelay $0x1  }
0x99: {  	s4 =	simm.s32 $_scs_section_size  }
0x9a: {  	s5 =	simm.s32 $_size__tile_overlayer_lowered;
	s6 =	simm.s32 $_tile_overlayer_lowered  }
0x9b: {  	s22 =	simm.s32 $0x1BFF;
	s21 =	sshll.u32 s6, $0x1;
	s3 =	sadd.s32 s4, s19  }
0x9c: {  	s7 =	simm.s32 $0x0;
	s20 =	sshll.u32 s5, $0x1;
	s5 =	sadd.s32 s21, s3  }
0x9d: {  	[timem:s7], [sflag:s22] =	dma.local [hbm:s5], s20  }
0x9e: {  	_ =	swait.ge [sflag:s22], s20  }
0x9f: {  	s4 =	ssub.s32 $0x0, s20;
	[sflag:s22] =	ssyncset.done $0x0  }
0xa0: {  	[sflag:s22] =	ssyncadd.s32 s4;
	_ =	sdelay $0x1  }
0xa1: {  	s23 =	simm.s32 $0x1B8B  }
0xa2: {  	_ =	swait.ge [sflag:s23], $0x1  }
0xa3: {  	[sflag:s23] =	ssyncset.done $0x0  }
0xa4: {  	s25 =	simm.s32 $0x1B8E;
	s24 =	sld [smem:$0x3FFE];
	[sflag:s23] =	ssyncadd.s32 $0xFFFFFFFF  }
0xa5: {  	s26 =	simm.s32 $execute0_lowered;
	[smem:$0x3FD2] =	sst s25  }
0xa6: {  	s5 =	sshll.u32 s26, $0x1;
	_ =	strace $0x80000049;
	[dreg:$0x1] =	wrdreg $0xFFFFFFFF  }
0xa7: {  	s28 =	simm.s32 $_size_execute0_lowered;
	s3 =	sadd.s32 s3, s5;
	[dreg:$0x0] =	wrdreg $0x0  }
0xa8: {  	s5 =	sshll.u32 s28, $0x1;
	[dreg:$0x2] =	wrdreg s3  }
0xa9: {  	[dreg:$0x3] =	wrdreg s5  }
0xaa: {  	[dreg:$0x4] =	wrdreg $0xC0  }
0xab: {  	_ =	task [dreg:s7], $0x5FFFF  }
0xac: {  	[dreg:$0x1] =	wrdreg $0xFFFFFFFF  }
0xad: {  	[dreg:$0x0] =	wrdreg $0x60  }
0xae: {  	[dreg:$0x2] =	wrdreg s2  }
0xaf: {  	[dreg:$0x3] =	wrdreg s24  }
0xb0: {  	[dreg:$0x4] =	wrdreg $0x9  }
0xb1: {  	_ =	task.clear_ibuf [dreg:s7], $0x5FFFF;
	_ =	strace $0x90000049  }
0xb2: {  	s29 =	simm.s32 $0x9;
	_ =	strace $0x8000004B  }
0xb3: {  	_ =	swait.ge [sflag:s29], $0x1  }
0xb4: {  	[sflag:s29] =	ssyncadd.s32 $0xFFFFFFFF  }
0xb5: {  	_ =	strace $0x9000004B  }
0xb6: {  	_ =	sfence  }
0xb7: {  	s30 =	sld [smem:$0x0];
	_ =	sdelay $0x2  }
0xb8: {  	s31 =	sshll.u32 s1, $0xD;
	s1 =	sshrl.u32 s1, $0x2  }
0xb9: {  	s3 =	sand.u32 $0x4000, s31;
	s1 =	sadd.s32 s1, s30  }
0xba: {  	s0 =	sor.u32 s3, s0;
	s1 =	sshll.u32 s1, $0x11  }
0xbb: {  	s0 =	sor.u32 s1, s0  }
0xbc: {  	s0 =	sadd.s32 $0x8F2B, s0  }
0xbd: {  	[sflag:s0] =	ssyncadd.remote.s32 $0x1  }
0xbe: {  	_ =	sfence.sel $0xFFFF  }
0xbf: {  	[dreg:$0x0] =	wrdreg $0xFFFFFFFF;
	(pc) =	sbr.abs _section_cstart, $3  }
0xc0: {  	[dreg:$0x1] =	wrdreg $0xFFFFFFFF  }
0xc1: {  	_ =	task.clear_ibuf [dreg:s7], $0x2FFFF;
	_ =	strace $0x9FFFFFFF  }
0xc2: {  	(tm) =	ssettm $0x7FFFFFFF  }
0xc3: {  	_ =	shalt  }
tec
execute0_lowered:
.L_overlay_start_1:
0x0: {  	(tag) =	ssettag $0x1  }
0x1: {  	s4 =	rddreg [dreg:$0x0]  }
0x2: {  	s5 =	rddreg [dreg:$0x1]  }
0x3: {  	s0 =	rddreg [dreg:$0x2];
	s2 =	simm.s32 $0x0;
	s3 =	srdreg.scid  }
0x4: {  	s1 =	stileid.u32;
	s9 =	simm.s32 $0x1;
	s10 =	simm.s32 $0x4000  }
0x5: {  	s11 =	simm.s32 $0x4200;
	s12 =	simm.s32 $0x0;
	s3 =	sand.u32 $0x1, s3  }
0x6: {  	[smem:$0x7FF] =	sst s2;
	s6 =	sshll.u32 s1, $0x7;
	s7 =	sshll.u32 s3, $0x6  }
0x7: {  	s8 =	ssub.s32 $0x2, s3;
	_ =	strace $0x8000004A;
	s6 =	sor.u32 s7, s6  }
0x8: {  	s3 =	sadd.s32 $0x800, s5;
	s31 =	sshrl.u32 s8, $0x1;
	s5 =	sadd.s32 s6, s5  }
0x9: {  	s7 =	ssub.s32 s8, s31;
	s4 =	sadd.s32 s4, s6;
	s8 =	simm.s32 $0x200  }
0xa: {  	s5 =	sadd.s32 $0x3D1200, s5;
	s6 =	smax.u32 s7, $0x1;
	s7 =	simm.s32 $0x2  }
.LBB2_1:
0xb: {  	[tilespmem:s2], [sflag:$0x2] =	stream.linear.gather [hbm4b:s4+s2], $0x200, $0x38;
	[tilespmem:$0x8200] =	vst v63  }
0xc: {  	_ =	swait.ge [sflag:s7], $0x200  }
0xd: {  	[sflag:s7] =	ssyncset.done $0x0  }
0xe: {  	[sflag:s7] =	ssyncadd.s32 $0xFFFFFE00  }
0xf: {  	v0 =	vld [tilespmem:$0x0];
	_ =	sdelay $0x4  }
0x10: {  	v0 =	vadd.s32 s2, v0  }
0x11: {  	[tilespmem:s8+$0x0] =	vst v0  }
0x12: {  	v0 =	vld [tilespmem:$0x10];
	_ =	sdelay $0x4  }
0x13: {  	v0 =	vadd.s32 s2, v0  }
0x14: {  	[tilespmem:s8+$0x10] =	vst v0  }
0x15: {  	v0 =	vld [tilespmem:$0x20];
	_ =	sdelay $0x4  }
0x16: {  	v0 =	vadd.s32 s2, v0  }
0x17: {  	[tilespmem:s8+$0x20] =	vst v0  }
0x18: {  	v0 =	vld [tilespmem:$0x30];
	_ =	sdelay $0x4  }
0x19: {  	v0 =	vadd.s32 s2, v0  }
0x1a: {  	[tilespmem:s8+$0x30] =	vst v0  }
0x1b: {  	v0 =	vld [tilespmem:$0x40];
	_ =	sdelay $0x4  }
0x1c: {  	v0 =	vadd.s32 s2, v0  }
0x1d: {  	[tilespmem:s8+$0x40] =	vst v0  }
0x1e: {  	v0 =	vld [tilespmem:$0x50];
	_ =	sdelay $0x4  }
0x1f: {  	v0 =	vadd.s32 s2, v0  }
0x20: {  	[tilespmem:s8+$0x50] =	vst v0  }
0x21: {  	v0 =	vld [tilespmem:$0x60];
	_ =	sdelay $0x4  }
0x22: {  	v0 =	vadd.s32 s2, v0  }
0x23: {  	[tilespmem:s8+$0x60] =	vst v0  }
0x24: {  	v0 =	vld [tilespmem:$0x70];
	_ =	sdelay $0x4  }
0x25: {  	v0 =	vadd.s32 s2, v0  }
0x26: {  	[tilespmem:s8+$0x70] =	vst v0  }
0x27: {  	v0 =	vld [tilespmem:$0x80];
	_ =	sdelay $0x4  }
0x28: {  	v0 =	vadd.s32 s2, v0  }
0x29: {  	[tilespmem:s8+$0x80] =	vst v0  }
0x2a: {  	v0 =	vld [tilespmem:$0x90];
	_ =	sdelay $0x4  }
0x2b: {  	v0 =	vadd.s32 s2, v0  }
0x2c: {  	[tilespmem:s8+$0x90] =	vst v0  }
0x2d: {  	v0 =	vld [tilespmem:$0xA0];
	_ =	sdelay $0x4  }
0x2e: {  	v0 =	vadd.s32 s2, v0  }
0x2f: {  	[tilespmem:s8+$0xA0] =	vst v0  }
0x30: {  	v0 =	vld [tilespmem:$0xB0];
	_ =	sdelay $0x4  }
0x31: {  	v0 =	vadd.s32 s2, v0  }
0x32: {  	[tilespmem:s8+$0xB0] =	vst v0  }
0x33: {  	v0 =	vld [tilespmem:$0xC0];
	_ =	sdelay $0x4  }
0x34: {  	v0 =	vadd.s32 s2, v0  }
0x35: {  	[tilespmem:s8+$0xC0] =	vst v0  }
0x36: {  	v0 =	vld [tilespmem:$0xD0];
	_ =	sdelay $0x4  }
0x37: {  	v0 =	vadd.s32 s2, v0  }
0x38: {  	[tilespmem:s8+$0xD0] =	vst v0  }
0x39: {  	v0 =	vld [tilespmem:$0xE0];
	_ =	sdelay $0x4  }
0x3a: {  	v0 =	vadd.s32 s2, v0  }
0x3b: {  	[tilespmem:s8+$0xE0] =	vst v0  }
0x3c: {  	v0 =	vld [tilespmem:$0xF0];
	_ =	sdelay $0x4  }
0x3d: {  	v0 =	vadd.s32 s2, v0  }
0x3e: {  	[tilespmem:s8+$0xF0] =	vst v0  }
0x3f: {  	v0 =	vld [tilespmem:$0x100];
	_ =	sdelay $0x4  }
0x40: {  	v0 =	vadd.s32 s2, v0  }
0x41: {  	[tilespmem:s8+$0x100] =	vst v0  }
0x42: {  	v0 =	vld [tilespmem:$0x110];
	_ =	sdelay $0x4  }
0x43: {  	v0 =	vadd.s32 s2, v0  }
0x44: {  	[tilespmem:s8+$0x110] =	vst v0  }
0x45: {  	v0 =	vld [tilespmem:$0x120];
	_ =	sdelay $0x4  }
0x46: {  	v0 =	vadd.s32 s2, v0  }
0x47: {  	[tilespmem:s8+$0x120] =	vst v0  }
0x48: {  	v0 =	vld [tilespmem:$0x130];
	_ =	sdelay $0x4  }
0x49: {  	v0 =	vadd.s32 s2, v0  }
0x4a: {  	[tilespmem:s8+$0x130] =	vst v0  }
0x4b: {  	v0 =	vld [tilespmem:$0x140];
	_ =	sdelay $0x4  }
0x4c: {  	v0 =	vadd.s32 s2, v0  }
0x4d: {  	[tilespmem:s8+$0x140] =	vst v0  }
0x4e: {  	v0 =	vld [tilespmem:$0x150];
	_ =	sdelay $0x4  }
0x4f: {  	v0 =	vadd.s32 s2, v0  }
0x50: {  	[tilespmem:s8+$0x150] =	vst v0  }
0x51: {  	v0 =	vld [tilespmem:$0x160];
	_ =	sdelay $0x4  }
0x52: {  	v0 =	vadd.s32 s2, v0  }
0x53: {  	[tilespmem:s8+$0x160] =	vst v0  }
0x54: {  	v0 =	vld [tilespmem:$0x170];
	_ =	sdelay $0x4  }
0x55: {  	v0 =	vadd.s32 s2, v0  }
0x56: {  	[tilespmem:s8+$0x170] =	vst v0  }
0x57: {  	v0 =	vld [tilespmem:$0x180];
	_ =	sdelay $0x4  }
0x58: {  	v0 =	vadd.s32 s2, v0  }
0x59: {  	[tilespmem:s8+$0x180] =	vst v0  }
0x5a: {  	v0 =	vld [tilespmem:$0x190];
	_ =	sdelay $0x4  }
0x5b: {  	v0 =	vadd.s32 s2, v0  }
0x5c: {  	[tilespmem:s8+$0x190] =	vst v0  }
0x5d: {  	v0 =	vld [tilespmem:$0x1A0];
	_ =	sdelay $0x4  }
0x5e: {  	v0 =	vadd.s32 s2, v0  }
0x5f: {  	[tilespmem:s8+$0x1A0] =	vst v0  }
0x60: {  	v0 =	vld [tilespmem:$0x1B0];
	_ =	sdelay $0x4  }
0x61: {  	v0 =	vadd.s32 s2, v0  }
0x62: {  	[tilespmem:s8+$0x1B0] =	vst v0  }
0x63: {  	v0 =	vld [tilespmem:$0x1C0];
	_ =	sdelay $0x4  }
0x64: {  	v0 =	vadd.s32 s2, v0  }
0x65: {  	[tilespmem:s8+$0x1C0] =	vst v0  }
0x66: {  	v0 =	vld [tilespmem:$0x1D0];
	_ =	sdelay $0x4  }
0x67: {  	v0 =	vadd.s32 s2, v0  }
0x68: {  	[tilespmem:s8+$0x1D0] =	vst v0  }
0x69: {  	v0 =	vld [tilespmem:$0x1E0];
	_ =	sdelay $0x4  }
0x6a: {  	v0 =	vadd.s32 s2, v0  }
0x6b: {  	[tilespmem:s8+$0x1E0] =	vst v0  }
0x6c: {  	v0 =	vld [tilespmem:$0x1F0];
	_ =	sdelay $0x4  }
0x6d: {  	s13 =	simm.s32 $0xF4280;
	s14 =	simm.s32 $0x4400;
	v0 =	vadd.s32 s2, v0  }
0x6e: {  	s15 =	simm.s32 $0x400;
	s16 =	simm.s32 $0x4200;
	s17 =	simm.s32 $0x200;
	[tilespmem:s8+$0x1F0] =	vst v0  }
.LBB2_2:
0x6f: {  	[tilespmem:s16], [sflag:$0x1] =	stream.indirect.gather [hbm4b:s3+s8], $0x1, s17, s8, $0xb8;
	[tilespmem:$0x8200] =	vst v63  }
0x70: {  	p0 =	sne.s32 s13, $0x1D90D80;
	s18 =	smov.u32 s13;
	s13 =	sadd.s32 $0xF4280, s13;
	v0 =	vld [tilespmem:$0x0]  }
0x71: {  	s16 =	smov.u32 s14;
	s17 =	smov.u32 s15;
	_ =	sdelay $0x3  }
0x72: {  	v0 =	vadd.s32 s18, v0  }
0x73: {  	[tilespmem:s15+$0x0] =	vst v0  }
0x74: {  	v0 =	vld [tilespmem:$0x10];
	_ =	sdelay $0x4  }
0x75: {  	v0 =	vadd.s32 s18, v0  }
0x76: {  	[tilespmem:s15+$0x10] =	vst v0  }
0x77: {  	v0 =	vld [tilespmem:$0x20];
	_ =	sdelay $0x4  }
0x78: {  	v0 =	vadd.s32 s18, v0  }
0x79: {  	[tilespmem:s15+$0x20] =	vst v0  }
0x7a: {  	v0 =	vld [tilespmem:$0x30];
	_ =	sdelay $0x4  }
0x7b: {  	v0 =	vadd.s32 s18, v0  }
0x7c: {  	[tilespmem:s15+$0x30] =	vst v0  }
0x7d: {  	v0 =	vld [tilespmem:$0x40];
	_ =	sdelay $0x4  }
0x7e: {  	v0 =	vadd.s32 s18, v0  }
0x7f: {  	[tilespmem:s15+$0x40] =	vst v0  }
0x80: {  	v0 =	vld [tilespmem:$0x50];
	_ =	sdelay $0x4  }
0x81: {  	v0 =	vadd.s32 s18, v0  }
0x82: {  	[tilespmem:s15+$0x50] =	vst v0  }
0x83: {  	v0 =	vld [tilespmem:$0x60];
	_ =	sdelay $0x4  }
0x84: {  	v0 =	vadd.s32 s18, v0  }
0x85: {  	[tilespmem:s15+$0x60] =	vst v0  }
0x86: {  	v0 =	vld [tilespmem:$0x70];
	_ =	sdelay $0x4  }
0x87: {  	v0 =	vadd.s32 s18, v0  }
0x88: {  	[tilespmem:s15+$0x70] =	vst v0  }
0x89: {  	v0 =	vld [tilespmem:$0x80];
	_ =	sdelay $0x4  }
0x8a: {  	v0 =	vadd.s32 s18, v0  }
0x8b: {  	[tilespmem:s15+$0x80] =	vst v0  }
0x8c: {  	v0 =	vld [tilespmem:$0x90];
	_ =	sdelay $0x4  }
0x8d: {  	v0 =	vadd.s32 s18, v0  }
0x8e: {  	[tilespmem:s15+$0x90] =	vst v0  }
0x8f: {  	v0 =	vld [tilespmem:$0xA0];
	_ =	sdelay $0x4  }
0x90: {  	v0 =	vadd.s32 s18, v0  }
0x91: {  	[tilespmem:s15+$0xA0] =	vst v0  }
0x92: {  	v0 =	vld [tilespmem:$0xB0];
	_ =	sdelay $0x4  }
0x93: {  	v0 =	vadd.s32 s18, v0  }
0x94: {  	[tilespmem:s15+$0xB0] =	vst v0  }
0x95: {  	v0 =	vld [tilespmem:$0xC0];
	_ =	sdelay $0x4  }
0x96: {  	v0 =	vadd.s32 s18, v0  }
0x97: {  	[tilespmem:s15+$0xC0] =	vst v0  }
0x98: {  	v0 =	vld [tilespmem:$0xD0];
	_ =	sdelay $0x4  }
0x99: {  	v0 =	vadd.s32 s18, v0  }
0x9a: {  	[tilespmem:s15+$0xD0] =	vst v0  }
0x9b: {  	v0 =	vld [tilespmem:$0xE0];
	_ =	sdelay $0x4  }
0x9c: {  	v0 =	vadd.s32 s18, v0  }
0x9d: {  	[tilespmem:s15+$0xE0] =	vst v0  }
0x9e: {  	v0 =	vld [tilespmem:$0xF0];
	_ =	sdelay $0x4  }
0x9f: {  	v0 =	vadd.s32 s18, v0  }
0xa0: {  	[tilespmem:s15+$0xF0] =	vst v0  }
0xa1: {  	v0 =	vld [tilespmem:$0x100];
	_ =	sdelay $0x4  }
0xa2: {  	v0 =	vadd.s32 s18, v0  }
0xa3: {  	[tilespmem:s15+$0x100] =	vst v0  }
0xa4: {  	v0 =	vld [tilespmem:$0x110];
	_ =	sdelay $0x4  }
0xa5: {  	v0 =	vadd.s32 s18, v0  }
0xa6: {  	[tilespmem:s15+$0x110] =	vst v0  }
0xa7: {  	v0 =	vld [tilespmem:$0x120];
	_ =	sdelay $0x4  }
0xa8: {  	v0 =	vadd.s32 s18, v0  }
0xa9: {  	[tilespmem:s15+$0x120] =	vst v0  }
0xaa: {  	v0 =	vld [tilespmem:$0x130];
	_ =	sdelay $0x4  }
0xab: {  	v0 =	vadd.s32 s18, v0  }
0xac: {  	[tilespmem:s15+$0x130] =	vst v0  }
0xad: {  	v0 =	vld [tilespmem:$0x140];
	_ =	sdelay $0x4  }
0xae: {  	v0 =	vadd.s32 s18, v0  }
0xaf: {  	[tilespmem:s15+$0x140] =	vst v0  }
0xb0: {  	v0 =	vld [tilespmem:$0x150];
	_ =	sdelay $0x4  }
0xb1: {  	v0 =	vadd.s32 s18, v0  }
0xb2: {  	[tilespmem:s15+$0x150] =	vst v0  }
0xb3: {  	v0 =	vld [tilespmem:$0x160];
	_ =	sdelay $0x4  }
0xb4: {  	v0 =	vadd.s32 s18, v0  }
0xb5: {  	[tilespmem:s15+$0x160] =	vst v0  }
0xb6: {  	v0 =	vld [tilespmem:$0x170];
	_ =	sdelay $0x4  }
0xb7: {  	v0 =	vadd.s32 s18, v0  }
0xb8: {  	[tilespmem:s15+$0x170] =	vst v0  }
0xb9: {  	v0 =	vld [tilespmem:$0x180];
	_ =	sdelay $0x4  }
0xba: {  	v0 =	vadd.s32 s18, v0  }
0xbb: {  	[tilespmem:s15+$0x180] =	vst v0  }
0xbc: {  	v0 =	vld [tilespmem:$0x190];
	_ =	sdelay $0x4  }
0xbd: {  	v0 =	vadd.s32 s18, v0  }
0xbe: {  	[tilespmem:s15+$0x190] =	vst v0  }
0xbf: {  	v0 =	vld [tilespmem:$0x1A0];
	_ =	sdelay $0x4  }
0xc0: {  	v0 =	vadd.s32 s18, v0  }
0xc1: {  	[tilespmem:s15+$0x1A0] =	vst v0  }
0xc2: {  	v0 =	vld [tilespmem:$0x1B0];
	_ =	sdelay $0x4  }
0xc3: {  	v0 =	vadd.s32 s18, v0  }
0xc4: {  	[tilespmem:s15+$0x1B0] =	vst v0  }
0xc5: {  	v0 =	vld [tilespmem:$0x1C0];
	_ =	sdelay $0x4  }
0xc6: {  	v0 =	vadd.s32 s18, v0  }
0xc7: {  	[tilespmem:s15+$0x1C0] =	vst v0  }
0xc8: {  	v0 =	vld [tilespmem:$0x1D0];
	_ =	sdelay $0x4  }
0xc9: {  	v0 =	vadd.s32 s18, v0  }
0xca: {  	[tilespmem:s15+$0x1D0] =	vst v0  }
0xcb: {  	v0 =	vld [tilespmem:$0x1E0];
	_ =	sdelay $0x4  }
0xcc: {  	v0 =	vadd.s32 s18, v0  }
0xcd: {  	[tilespmem:s15+$0x1E0] =	vst v0  }
0xce: {  	v0 =	vld [tilespmem:$0x1F0];
	_ =	sdelay $0x1  }
.Ltmp0:
0xcf: {  	(pc) =	sbr.rel @p0 .LBB2_2-.Ltmp0, $3  }
0xd0: {  	_ =	sdelay $0x1  }
0xd1: {  	v0 =	vadd.s32 s18, v0  }
0xd2: {  	s14 =	sadd.s32 $0x200, s14;
	s15 =	sadd.s32 $0x200, s15;
	[tilespmem:s17+$0x1F0] =	vst v0  }
0xd3: {  	[tilespmem:s16], [sflag:$0x1] =	stream.indirect.gather [hbm4b:s3+s8], $0x1, s17, s8, $0xb8;
	[tilespmem:$0x8200] =	vst v63  }
0xd4: {  	_ =	swait.ge [sflag:s9], $0x200  }
0xd5: {  	[sflag:s9] =	ssyncset.done $0x0  }
0xd6: {  	[sflag:s9] =	ssyncadd.s32 $0xFFFFFE00  }
0xd7: {  	_ =	swait.ge [sflag:s9], $0x200  }
0xd8: {  	[sflag:s9] =	ssyncset.done $0x0  }
0xd9: {  	[sflag:s9] =	ssyncadd.s32 $0xFFFFFE00  }
0xda: {  	_ =	swait.ge [sflag:s9], $0x200  }
0xdb: {  	[sflag:s9] =	ssyncset.done $0x0  }
0xdc: {  	[sflag:s9] =	ssyncadd.s32 $0xFFFFFE00  }
0xdd: {  	_ =	swait.ge [sflag:s9], $0x200  }
0xde: {  	[sflag:s9] =	ssyncset.done $0x0  }
0xdf: {  	[sflag:s9] =	ssyncadd.s32 $0xFFFFFE00  }
0xe0: {  	_ =	swait.ge [sflag:s9], $0x200  }
0xe1: {  	[sflag:s9] =	ssyncset.done $0x0  }
0xe2: {  	[sflag:s9] =	ssyncadd.s32 $0xFFFFFE00  }
0xe3: {  	_ =	swait.ge [sflag:s9], $0x200  }
0xe4: {  	[sflag:s9] =	ssyncset.done $0x0  }
0xe5: {  	[sflag:s9] =	ssyncadd.s32 $0xFFFFFE00  }
0xe6: {  	_ =	swait.ge [sflag:s9], $0x200  }
0xe7: {  	[sflag:s9] =	ssyncset.done $0x0  }
0xe8: {  	[sflag:s9] =	ssyncadd.s32 $0xFFFFFE00  }
0xe9: {  	_ =	swait.ge [sflag:s9], $0x200  }
0xea: {  	[sflag:s9] =	ssyncset.done $0x0  }
0xeb: {  	[sflag:s9] =	ssyncadd.s32 $0xFFFFFE00  }
0xec: {  	_ =	swait.ge [sflag:s9], $0x200  }
0xed: {  	[sflag:s9] =	ssyncset.done $0x0  }
0xee: {  	[sflag:s9] =	ssyncadd.s32 $0xFFFFFE00  }
0xef: {  	_ =	swait.ge [sflag:s9], $0x200  }
0xf0: {  	[sflag:s9] =	ssyncset.done $0x0  }
0xf1: {  	[sflag:s9] =	ssyncadd.s32 $0xFFFFFE00  }
0xf2: {  	_ =	swait.ge [sflag:s9], $0x200  }
0xf3: {  	[sflag:s9] =	ssyncset.done $0x0  }
0xf4: {  	[sflag:s9] =	ssyncadd.s32 $0xFFFFFE00  }
0xf5: {  	_ =	swait.ge [sflag:s9], $0x200  }
0xf6: {  	[sflag:s9] =	ssyncset.done $0x0  }
0xf7: {  	[sflag:s9] =	ssyncadd.s32 $0xFFFFFE00  }
0xf8: {  	_ =	swait.ge [sflag:s9], $0x200  }
0xf9: {  	[sflag:s9] =	ssyncset.done $0x0  }
0xfa: {  	[sflag:s9] =	ssyncadd.s32 $0xFFFFFE00  }
0xfb: {  	_ =	swait.ge [sflag:s9], $0x200  }
0xfc: {  	[sflag:s9] =	ssyncset.done $0x0  }
0xfd: {  	[sflag:s9] =	ssyncadd.s32 $0xFFFFFE00  }
0xfe: {  	_ =	swait.ge [sflag:s9], $0x200  }
0xff: {  	[sflag:s9] =	ssyncset.done $0x0  }
0x100: {  	[sflag:s9] =	ssyncadd.s32 $0xFFFFFE00  }
0x101: {  	_ =	swait.ge [sflag:s9], $0x200  }
0x102: {  	[sflag:s9] =	ssyncset.done $0x0  }
0x103: {  	[sflag:s9] =	ssyncadd.s32 $0xFFFFFE00  }
0x104: {  	_ =	swait.ge [sflag:s9], $0x200  }
0x105: {  	[sflag:s9] =	ssyncset.done $0x0  }
0x106: {  	[sflag:s9] =	ssyncadd.s32 $0xFFFFFE00  }
0x107: {  	_ =	swait.ge [sflag:s9], $0x200  }
0x108: {  	[sflag:s9] =	ssyncset.done $0x0  }
0x109: {  	[sflag:s9] =	ssyncadd.s32 $0xFFFFFE00  }
0x10a: {  	_ =	swait.ge [sflag:s9], $0x200  }
0x10b: {  	[sflag:s9] =	ssyncset.done $0x0  }
0x10c: {  	[sflag:s9] =	ssyncadd.s32 $0xFFFFFE00  }
0x10d: {  	_ =	swait.ge [sflag:s9], $0x200  }
0x10e: {  	[sflag:s9] =	ssyncset.done $0x0  }
0x10f: {  	[sflag:s9] =	ssyncadd.s32 $0xFFFFFE00  }
0x110: {  	_ =	swait.ge [sflag:s9], $0x200  }
0x111: {  	[sflag:s9] =	ssyncset.done $0x0  }
0x112: {  	[sflag:s9] =	ssyncadd.s32 $0xFFFFFE00  }
0x113: {  	_ =	swait.ge [sflag:s9], $0x200  }
0x114: {  	[sflag:s9] =	ssyncset.done $0x0  }
0x115: {  	[sflag:s9] =	ssyncadd.s32 $0xFFFFFE00  }
0x116: {  	_ =	swait.ge [sflag:s9], $0x200  }
0x117: {  	[sflag:s9] =	ssyncset.done $0x0  }
0x118: {  	[sflag:s9] =	ssyncadd.s32 $0xFFFFFE00  }
0x119: {  	_ =	swait.ge [sflag:s9], $0x200  }
0x11a: {  	[sflag:s9] =	ssyncset.done $0x0  }
0x11b: {  	[sflag:s9] =	ssyncadd.s32 $0xFFFFFE00  }
0x11c: {  	_ =	swait.ge [sflag:s9], $0x200  }
0x11d: {  	[sflag:s9] =	ssyncset.done $0x0  }
0x11e: {  	[sflag:s9] =	ssyncadd.s32 $0xFFFFFE00  }
0x11f: {  	_ =	swait.ge [sflag:s9], $0x200  }
0x120: {  	[sflag:s9] =	ssyncset.done $0x0  }
0x121: {  	[sflag:s9] =	ssyncadd.s32 $0xFFFFFE00  }
0x122: {  	_ =	swait.ge [sflag:s9], $0x200  }
0x123: {  	[sflag:s9] =	ssyncset.done $0x0  }
0x124: {  	[sflag:s9] =	ssyncadd.s32 $0xFFFFFE00  }
0x125: {  	_ =	swait.ge [sflag:s9], $0x200  }
0x126: {  	[sflag:s9] =	ssyncset.done $0x0  }
0x127: {  	[sflag:s9] =	ssyncadd.s32 $0xFFFFFE00  }
0x128: {  	_ =	swait.ge [sflag:s9], $0x200  }
0x129: {  	[sflag:s9] =	ssyncset.done $0x0  }
0x12a: {  	[sflag:s9] =	ssyncadd.s32 $0xFFFFFE00  }
0x12b: {  	_ =	swait.ge [sflag:s9], $0x200  }
0x12c: {  	[sflag:s9] =	ssyncset.done $0x0  }
0x12d: {  	[sflag:s9] =	ssyncadd.s32 $0xFFFFFE00  }
0x12e: {  	_ =	swait.ge [sflag:s9], $0x200  }
0x12f: {  	[sflag:s9] =	ssyncset.done $0x0  }
0x130: {  	[sflag:s9] =	ssyncadd.s32 $0xFFFFFE00  }
0x131: {  	s12 =	sadd.s32 $0x1, s12;
	_ =	swait.ge [sflag:s9], $0x200  }
0x132: {  	p0 =	sne.s32 s12, s6;
	[sflag:s9] =	ssyncset.done $0x0  }
.Ltmp1:
0x133: {  	[sflag:s9] =	ssyncadd.s32 $0xFFFFFE00;
	(pc) =	sbr.rel @p0 .LBB2_1-.Ltmp1, $4  }
0x134: {  	[hbm4b:s5+s8] =	stream.strided.scatter [tilespmem:s11], [sflag:$0x2], $0x4000, s10, s8, $0x38;
	[tilespmem:$0x8200] =	vst v63  }
0x135: {  	_ =	swait.ge [sflag:s7], $0x4000  }
0x136: {  	[sflag:s7] =	ssyncset.done $0x0  }
0x137: {  	[sflag:s7] =	ssyncadd.s32 $0xFFFFC000  }
0x138: {  	_ =	sfence.sel $0x180000  }
0x139: {  	[bflag:$0x0] =	sbarrier.arrive $0xFFFF  }
0x13a: {  	p0 =	sne.s32 s1, $0x0;
	_ =	strace $0x9000004A  }
0x13b: {  	s0 =	sadd.s32 @!p0 $0x100000, s0;
	[bflag:$0x2] =	sbarrier.arrive $0xFFFF  }
0x13c: {  	[sflag:s0] =	ssyncadd.tile.s32 @!p0 $0x1;
	_ =	shalt  }
.Lfunc_end2:
_tile_overlayer_lowered:
.L_overlay_start_2:
0x13d: {  	(tag) =	ssettag $0x2  }
0x13e: {  	s0 =	rddreg [dreg:$0x0];
	s2 =	stileid.u32  }
0x13f: {  	s1 =	rddreg [dreg:$0x1];
	p0 =	sne.s32 s2, $0x0  }
0x140: {  	s3 =	rddreg [dreg:$0x2];
	[bflag:$0x3] =	sbarrier.arrive $0xFFFF;
	s2 =	simm.s32 @!p0 $0x1C02  }
0x141: {  	[timem:s3], [sflag:s2] =	dma.local @!p0 [hbm:s0], s1  }
0x142: {  	s0 =	simm.s32 @!p0 $0x2  }
0x143: {  	_ =	swait.ge @!p0 [sflag:s0], s1  }
0x144: {  	s1 =	ssub.s32 @!p0 $0x0, s1;
	[sflag:s0] =	ssyncset.done @!p0 $0x0  }
0x145: {  	[sflag:s0] =	ssyncadd.s32 @!p0 s1  }
0x146: {  	[bflag:$0x3] =	sbarrier.arrive $0xFFFF  }
0x147: {  	_ =	shalt  }

</sc_bundles>
